<compile_context>
chip_gen: v7x
topology: tpu7x:2x2x1
jax: 0.10.2.dev20260603
libtpu: 0.0.44.dev20260713+nightly
codegen_flags: <defaults>
</compile_context>

<pallas_src>
import functools

import jax
import jax.numpy as jnp
from jax import lax
from jax.experimental import pallas as pl
from jax.experimental.pallas import tpu as pltpu
from jax.experimental.pallas import tpu_sc as plsc

N = 10000
E = 160000
GENE = 256
HID = 512
OUT = 32
NLAYERS = 4

NC = 2
NS = 16
CW = 128
NCH = HID // CW
EB = 128
NB = 79
E_PAD = NS * EB * NB
N_SP = 10112
TPT = N_SP // NS
NPT = N // NS

BN = 400
NBLK = N // BN


def _sc_mesh():
    return plsc.VectorSubcoreMesh(core_axis_name="c", subcore_axis_name="s",
                                  num_cores=NC, num_subcores=NS)


def _segsum_body(hT, srcoff, dstb, out, src_v, dst_v, rows_v, zbuf, acc, sem0):
    core = lax.axis_index("c")
    tile = lax.axis_index("s")

    def _z(i, _):
        zbuf[i // 8, pl.ds((i % 8) * 16, 16)] = jnp.zeros((16,), jnp.float32)
        return 0
    lax.fori_loop(0, NB * 8, _z, 0)

    pltpu.sync_copy(dstb.at[tile], dst_v)
    start = jnp.minimum(tile * TPT, N - TPT)

    for j in range(2):
        def _zc(r, _):
            pltpu.sync_copy(zbuf, acc.at[pl.ds(tile * TPT + r * NB, NB)])
            return 0
        lax.fori_loop(0, 8, _zc, 0)
        pltpu.sync_copy(srcoff.at[core, j, tile], src_v)
        plsc.subcore_barrier()

        def _eb(b, _):
            pltpu.async_copy(hT.at[src_v.at[b]], rows_v, sem0).wait()
            pltpu.sync_copy(rows_v, acc.at[dst_v.at[b]], add=True)
            return 0
        lax.fori_loop(0, NB, _eb, 0)
        plsc.subcore_barrier()

        chunk = core * 2 + j
        pltpu.sync_copy(acc.at[pl.ds(start, TPT)],
                        out.at[pl.ds(chunk * N + start, TPT)])
        plsc.subcore_barrier()


def _degree_body(dstb, ones_hbm, out, dst_v, ones_v, zbuf, acc):
    core = lax.axis_index("c")
    tile = lax.axis_index("s")

    def _z(i, _):
        zbuf[i // 8, pl.ds((i % 8) * 16, 16)] = jnp.zeros((16,), jnp.float32)
        return 0
    lax.fori_loop(0, 8 * 8, _z, 0)
    pltpu.sync_copy(ones_hbm, ones_v)

    def _zc(r, _):
        pltpu.sync_copy(zbuf, acc.at[pl.ds(tile * TPT + r * 8, 8)])
        return 0
    lax.fori_loop(0, TPT // 8, _zc, 0)
    pltpu.sync_copy(dstb.at[tile], dst_v)
    plsc.subcore_barrier()

    def _eb(b, _):
        pltpu.sync_copy(ones_v, acc.at[dst_v.at[b]], add=True)
        return 0

    @pl.when(core == 0)
    def _():
        lax.fori_loop(0, NB, _eb, 0)
    plsc.subcore_barrier()

    start = jnp.minimum(tile * TPT, N - TPT)

    @pl.when(core == 0)
    def _():
        pltpu.sync_copy(acc.at[pl.ds(start, TPT)], out.at[pl.ds(start, TPT)])


@functools.cache
def _sc_kernels():
    segsum = pl.kernel(
        _segsum_body,
        out_type=jax.ShapeDtypeStruct((NCH * N, CW), jnp.float32),
        mesh=_sc_mesh(),
        scratch_types=[
            pltpu.VMEM((NB, EB), jnp.int32),
            pltpu.VMEM((NB, EB), jnp.int32),
            pltpu.VMEM((EB, CW), jnp.float32),
            pltpu.VMEM((NB, CW), jnp.float32),
            pltpu.VMEM_SHARED((N_SP, CW), jnp.float32),
            pltpu.SemaphoreType.DMA,
        ],
    )
    degree = pl.kernel(
        _degree_body,
        out_type=jax.ShapeDtypeStruct((N, CW), jnp.float32),
        mesh=_sc_mesh(),
        scratch_types=[
            pltpu.VMEM((NB, EB), jnp.int32),
            pltpu.VMEM((EB, CW), jnp.float32),
            pltpu.VMEM((8, CW), jnp.float32),
            pltpu.VMEM_SHARED((N_SP, CW), jnp.float32),
        ],
    )
    return segsum, degree


def _segsum(hT_flat, srcoff, dstp):
    return _sc_kernels()[0](hT_flat, srcoff, dstp)


def _degree(dstp):
    return _sc_kernels()[1](dstp, jnp.ones((EB, CW), jnp.float32))



def _mask_from_logits(logits):
    m = jnp.max(logits, axis=1, keepdims=True)
    it = lax.broadcasted_iota(jnp.int32, (64, GENE), 1)
    first = jnp.min(jnp.where(logits == m, it, GENE), axis=1, keepdims=True)
    return jnp.max(jnp.where(it == first, 1.0, 0.0), axis=0, keepdims=True)


def _prelude_body(x_ref, logits_ref, w_ref, b_ref, out_ref):
    mask = _mask_from_logits(logits_ref[...])
    xm = x_ref[...] * mask
    out_ref[0] = jnp.dot(xm, w_ref[...], preferred_element_type=jnp.float32) + b_ref[0]


def _prelude_call(x, logits, w, b4):
    b4 = b4.reshape(NCH, 1, CW)
    return pl.pallas_call(
        _prelude_body,
        grid=(NBLK, NCH),
        in_specs=[
            pl.BlockSpec((BN, GENE), lambda i, c: (i, 0)),
            pl.BlockSpec((64, GENE), lambda i, c: (0, 0)),
            pl.BlockSpec((GENE, CW), lambda i, c: (0, c)),
            pl.BlockSpec((1, 1, CW), lambda i, c: (c, 0, 0)),
        ],
        out_specs=pl.BlockSpec((1, BN, CW), lambda i, c: (c, i, 0)),
        out_shape=jax.ShapeDtypeStruct((NCH, N, CW), jnp.float32),
    )(x, logits, w, b4)


def _base_body(x_ref, logits_ref, xyz_ref, w0, b0, w1, b1, w2, b2, wx, bx, out_ref):
    mask = _mask_from_logits(logits_ref[...])
    xm = x_ref[...] * mask
    h = jnp.maximum(jnp.dot(xm, w0[...], preferred_element_type=jnp.float32) + b0[...], 0.0)
    h = jnp.maximum(jnp.dot(h, w1[...], preferred_element_type=jnp.float32) + b1[...], 0.0)
    r = jnp.dot(h, w2[...], preferred_element_type=jnp.float32) + b2[...]
    xo = jnp.dot(xyz_ref[...], wx[...], preferred_element_type=jnp.float32) + bx[...]
    out_ref[...] = r + xo


def _base_call(x, logits, xyz, w0, b0, w1, b1, w2, b2, wx, bx):
    full = lambda a, b: pl.BlockSpec((a, b), lambda i: (0, 0))
    return pl.pallas_call(
        _base_body,
        grid=(NBLK,),
        in_specs=[
            pl.BlockSpec((BN, GENE), lambda i: (i, 0)),
            full(64, GENE),
            pl.BlockSpec((BN, 3), lambda i: (i, 0)),
            full(GENE, 128), full(1, 128),
            full(128, 128), full(1, 128),
            full(128, OUT), full(1, OUT),
            full(3, OUT), full(1, OUT),
        ],
        out_specs=pl.BlockSpec((BN, OUT), lambda i: (i, 0)),
        out_shape=jax.ShapeDtypeStruct((N, OUT), jnp.float32),
    )(x, logits, xyz, w0, b0.reshape(1, 128), w1, b1.reshape(1, 128),
      w2, b2.reshape(1, OUT), wx, bx.reshape(1, OUT))


def _layer_a_body(h_ref, wc_ref, bc_ref, out_ref):
    h = jnp.concatenate([h_ref[c] for c in range(NCH)], axis=1)
    out_ref[...] = (jnp.dot(h, wc_ref[...], preferred_element_type=jnp.float32)
                    + bc_ref[...])


def _layer_a_call(h, wc, bc):
    full = lambda a, bb: pl.BlockSpec((a, bb), lambda i: (0, 0))
    return pl.pallas_call(
        _layer_a_body,
        grid=(NBLK,),
        in_specs=[
            pl.BlockSpec((NCH, BN, CW), lambda i: (0, i, 0)),
            full(HID, HID), full(1, HID),
        ],
        out_specs=pl.BlockSpec((BN, HID), lambda i: (i, 0)),
        out_shape=jax.ShapeDtypeStruct((N, HID), jnp.float32),
    )(h, wc, bc)


def _layer_body(aggr_ref, hwc_ref, xf_ref, deg_ref, wl_ref,
                g_ref, b_ref, hout_ref, xfout_ref):
    inv = 1.0 / jnp.maximum(deg_ref[:, 0:1], 1.0)
    aggr = jnp.concatenate([aggr_ref[c] for c in range(NCH)], axis=1) * inv
    z = (jnp.dot(aggr, wl_ref[...], preferred_element_type=jnp.float32)
         + hwc_ref[...])
    mu = jnp.mean(z, axis=1, keepdims=True)
    d = z - mu
    var = jnp.mean(d * d, axis=1, keepdims=True)
    hn = jnp.maximum(d * lax.rsqrt(var + 1e-5) * g_ref[...] + b_ref[...], 0.0)
    for c in range(NCH):
        hc = hn[:, c * CW:(c + 1) * CW]
        hout_ref[c] = hc
        xfout_ref[c] = xf_ref[c] + hc


def _layer_call(aggr, hwc, xf, degp, wl, g, b):
    blk3 = pl.BlockSpec((NCH, BN, CW), lambda i: (0, i, 0))
    full = lambda a, bb: pl.BlockSpec((a, bb), lambda i: (0, 0))
    return pl.pallas_call(
        _layer_body,
        grid=(NBLK,),
        in_specs=[
            blk3,
            pl.BlockSpec((BN, HID), lambda i: (i, 0)),
            blk3,
            pl.BlockSpec((BN, CW), lambda i: (i, 0)),
            full(HID, HID),
            full(1, HID), full(1, HID),
        ],
        out_specs=[blk3, blk3],
        out_shape=[jax.ShapeDtypeStruct((NCH, N, CW), jnp.float32),
                   jax.ShapeDtypeStruct((NCH, N, CW), jnp.float32)],
    )(aggr, hwc, xf, degp, wl, g, b)


def _final_body(xf_ref, base_ref, w_ref, b_ref, out_ref):
    acc = base_ref[...] + b_ref[...]
    for c in range(NCH):
        acc = acc + jnp.dot(xf_ref[c], w_ref[pl.ds(c * CW, CW), :],
                            preferred_element_type=jnp.float32)
    out_ref[...] = acc


def _final_call(xf, base, w, b):
    return pl.pallas_call(
        _final_body,
        grid=(NBLK,),
        in_specs=[
            pl.BlockSpec((NCH, BN, CW), lambda i: (0, i, 0)),
            pl.BlockSpec((BN, OUT), lambda i: (i, 0)),
            pl.BlockSpec((HID, OUT), lambda i: (0, 0)),
            pl.BlockSpec((1, OUT), lambda i: (0, 0)),
        ],
        out_specs=pl.BlockSpec((BN, OUT), lambda i: (i, 0)),
        out_shape=jax.ShapeDtypeStruct((N, OUT), jnp.float32),
    )(xf, base, w, b.reshape(1, OUT))



def kernel(x, edge_index, xyz, subgraph_id, tau, hard_, logits,
           lin_in_W, lin_in_b, sage_Wl, sage_bl, sage_Wr, lins_W, lins_b,
           ln_g, ln_b, pred_W, pred_b, mlp_W0, mlp_b0, mlp_W1, mlp_b1,
           mlp_W2, mlp_b2, xyz_W, xyz_b):
    src = edge_index[0].astype(jnp.int32)
    dst = edge_index[1].astype(jnp.int32)
    pad = E_PAD - E
    srcp = jnp.concatenate([src, jnp.zeros((pad,), jnp.int32)]).reshape(NS, NB, EB)
    dstp = jnp.concatenate([dst, jnp.full((pad,), N, jnp.int32)]).reshape(NS, NB, EB)
    srcoff = (srcp[None] + (jnp.arange(NCH, dtype=jnp.int32) * N)[:, None, None, None])
    srcoff = srcoff.reshape(NC, 2, NS, NB, EB)

    degp = _degree(dstp)
    h = _prelude_call(x, logits, lin_in_W, lin_in_b.reshape(NCH, CW))
    base = _base_call(x, logits, xyz, mlp_W0, mlp_b0, mlp_W1, mlp_b1,
                      mlp_W2, mlp_b2, xyz_W, xyz_b)

    xf = jnp.zeros((NCH, N, CW), jnp.float32)
    for i in range(NLAYERS):
        aggr = _segsum(h.reshape(NCH * N, CW), srcoff, dstp).reshape(NCH, N, CW)
        wc = sage_Wr[i] + lins_W[i]
        bc = (sage_bl[i] + lins_b[i]).reshape(1, HID)
        hwc = _layer_a_call(h, wc, bc)
        h, xf = _layer_call(aggr, hwc, xf, degp, sage_Wl[i],
                            ln_g[i].reshape(1, HID), ln_b[i].reshape(1, HID))

    return _final_call(xf, base, pred_W, pred_b)

# --- scband reference (transcript-rebuilt; emitter-appended) ---
"""Pipeline reference for scband-gnn-fs-82102594830602 (READ-ONLY COPY).

The authoritative reference and input builder live on the scoring server;
editing this copy changes nothing except your own understanding.
"""

import jax, jax.numpy as jnp
import numpy as np

N = 10000
E = 160000
GENE = 256
SPATIAL = 3
HID = 512
OUT = 32
NSEL = 64
LAYERS = 4


def _lin(key, din, dout, bias=True):
    k1, k2 = jax.random.split(key)
    lim = float(1.0 / np.sqrt(din))
    W = jax.random.uniform(k1, (din, dout), minval=-lim, maxval=lim, dtype=jnp.float32)
    if bias:
        b = jax.random.uniform(k2, (dout,), minval=-lim, maxval=lim, dtype=jnp.float32)
        return W, b
    return W, None


def setup_inputs(seed: int = 0) -> dict:
    key = jax.random.key(seed)
    ks = jax.random.split(key, 32)
    inp = {}
    inp["x"] = jax.random.normal(ks[0], (N, GENE), dtype=jnp.float32)
    inp["edge_index"] = jax.random.randint(ks[1], (2, E), 0, N)
    inp["xyz"] = jax.random.normal(ks[2], (N, SPATIAL), dtype=jnp.float32)
    inp["subgraph_id"] = jnp.sort(jax.random.randint(ks[3], (N,), 0, 8))
    inp["tau"] = 1
    inp["hard_"] = 1
    inp["logits"] = jax.random.normal(ks[4], (NSEL, GENE), dtype=jnp.float32)
    W, b = _lin(ks[5], GENE, HID)
    inp["lin_in_W"] = W
    inp["lin_in_b"] = b
    sWl, sbl, sWr, lW, lb, g, beta = [], [], [], [], [], [], []
    for i in range(LAYERS):
        W1, b1 = _lin(ks[6 + i], HID, HID)
        W2, _ = _lin(ks[10 + i], HID, HID, bias=False)
        W3, b3 = _lin(ks[14 + i], HID, HID)
        sWl.append(W1); sbl.append(b1); sWr.append(W2)
        lW.append(W3); lb.append(b3)
        g.append(jnp.ones((HID,), jnp.float32))
        beta.append(jnp.zeros((HID,), jnp.float32))
    inp["sage_Wl"] = jnp.stack(sWl)
    inp["sage_bl"] = jnp.stack(sbl)
    inp["sage_Wr"] = jnp.stack(sWr)
    inp["lins_W"] = jnp.stack(lW)
    inp["lins_b"] = jnp.stack(lb)
    inp["ln_g"] = jnp.stack(g)
    inp["ln_b"] = jnp.stack(beta)
    W, b = _lin(ks[18], HID, OUT)
    inp["pred_W"] = W
    inp["pred_b"] = b
    W, b = _lin(ks[19], GENE, 128)
    inp["mlp_W0"] = W
    inp["mlp_b0"] = b
    W, b = _lin(ks[20], 128, 128)
    inp["mlp_W1"] = W
    inp["mlp_b1"] = b
    W, b = _lin(ks[21], 128, OUT)
    inp["mlp_W2"] = W
    inp["mlp_b2"] = b
    W, b = _lin(ks[22], SPATIAL, OUT)
    inp["xyz_W"] = W
    inp["xyz_b"] = b
    return inp


def reference(x, edge_index, xyz, subgraph_id, tau, hard_, logits, lin_in_W, lin_in_b,
              sage_Wl, sage_bl, sage_Wr, lins_W, lins_b, ln_g, ln_b,
              pred_W, pred_b, mlp_W0, mlp_b0, mlp_W1, mlp_b1, mlp_W2, mlp_b2,
              xyz_W, xyz_b):
    # eval-mode mask: hard one-hot union over selected features
    k_hot_ind = jnp.argmax(logits, axis=1)
    mask = jnp.zeros((1, GENE), jnp.float32).at[0, k_hot_ind].set(1.0)
    x = mask * x
    # x residual MLP (gene_ch -> 128 -> 128 -> out_ch)
    h_res = jax.nn.relu(x @ mlp_W0 + mlp_b0)
    h_res = jax.nn.relu(h_res @ mlp_W1 + mlp_b1)
    x_to_add = h_res @ mlp_W2 + mlp_b2
    # xyz linear
    xyz_o = xyz @ xyz_W + xyz_b
    # pre-linear (dropout is identity in eval)
    h = x @ lin_in_W + lin_in_b
    src = edge_index[0]
    dst = edge_index[1]
    deg = jax.ops.segment_sum(jnp.ones((E,), jnp.float32), dst, num_segments=N)
    deg = jnp.clip(deg, 1.0, None)[:, None]
    x_final = jnp.zeros((N, HID), jnp.float32)
    for i in range(LAYERS):
        # SAGEConv(mean aggr): lin_l(mean_j x_j) + lin_r(x_i)
        aggr = jax.ops.segment_sum(h[src], dst, num_segments=N) / deg
        sage = aggr @ sage_Wl[i] + sage_bl[i] + h @ sage_Wr[i]
        # residual linear branch
        h2 = sage + (h @ lins_W[i] + lins_b[i])
        # LayerNorm
        mu = jnp.mean(h2, axis=-1, keepdims=True)
        var = jnp.var(h2, axis=-1, keepdims=True)
        h2 = (h2 - mu) / jnp.sqrt(var + 1e-5) * ln_g[i] + ln_b[i]
        h = jax.nn.relu(h2)
        # jk: accumulate
        x_final = x_final + h
    out = x_final @ pred_W + pred_b
    out = out + x_to_add + xyz_o
    return out

if __name__ == "__main__":
    import jax
    _d = setup_inputs()
    print(jax.jit(kernel)(*tuple(_d.values())))

</pallas_src>

<mosaic_0001>
#map = affine_map<(d0, d1) -> (0, 0)>
#map1 = affine_map<(d0, d1) -> (0, 0, 0, 0, 0)>
#map2 = affine_map<(d0, d1) -> (0, 0, 0)>
module attributes {stable_mosaic.version = 14 : i64} {
  func.func @_segsum_body(%arg0: i32, %arg1: i32, %arg2: memref<40000x128xf32, #tpu.memory_space<hbm>>, %arg3: memref<2x2x16x79x128xi32, #tpu.memory_space<hbm>>, %arg4: memref<16x79x128xi32, #tpu.memory_space<hbm>>, %arg5: memref<40000x128xf32, #tpu.memory_space<hbm>>, %arg6: memref<79x128xi32, #tpu.memory_space<vmem>>, %arg7: memref<79x128xi32, #tpu.memory_space<vmem>>, %arg8: memref<128x128xf32, #tpu.memory_space<vmem>>, %arg9: memref<79x128xf32, #tpu.memory_space<vmem>>, %arg10: memref<10112x128xf32, #tpu.memory_space<vmem_shared>>, %arg11: memref<!tpu.dma_semaphore, #tpu.memory_space<semaphore_mem>>) attributes {dimension_semantics = [#tpu.dimension_semantics<core_parallel>, #tpu.dimension_semantics<subcore_parallel>], iteration_bounds = array<i64: 2, 16>, scalar_prefetch = 0 : i64, scratch_operands = 6 : i64, tpu.core_type = #tpu.core_type<sc_vector_subcore>, window_params = [{transform_indices = #map}, {transform_indices = #map1}, {transform_indices = #map2}, {transform_indices = #map}]} {
    %scan3A = arith.constant 0 : i32
    %scan3A_0 = arith.constant 0 : i32
    %scan3A_1 = arith.constant 632 : i32
    %scan3A_2 = arith.addi %scan3A_0, %scan3A_1 : i32
    %scan3A_3 = arith.constant 1 : i32
    %scan3A_4 = scf.for %scan3A_55 = %scan3A_0 to %scan3A_2 step %scan3A_3 iter_args(%scan3A_56 = %scan3A) -> (i32)  : i32 {
      %broadcast_in_dim3A = arith.constant 0.000000e+00 : f32
      %broadcast_in_dim3A_57 = vector.broadcast %broadcast_in_dim3A : f32 to vector<16xf32>
      %jit3A = arith.constant 8 : i32
      %div3A = arith.divsi %scan3A_55, %jit3A : i32
      %sign3A = arith.constant 0 : i32
      %sign3A_58 = arith.cmpi sgt, %scan3A_55, %sign3A : i32
      %sign3A_59 = arith.extui %sign3A_58 : i1 to i32
      %sign3A_60 = arith.constant 0 : i32
      %sign3A_61 = arith.cmpi slt, %scan3A_55, %sign3A_60 : i32
      %sign3A_62 = arith.extui %sign3A_61 : i1 to i32
      %sign3A_63 = arith.subi %sign3A_59, %sign3A_62 : i32
      %sign3A_64 = arith.constant 0 : i32
      %sign3A_65 = arith.cmpi sgt, %jit3A, %sign3A_64 : i32
      %sign3A_66 = arith.extui %sign3A_65 : i1 to i32
      %sign3A_67 = arith.constant 0 : i32
      %sign3A_68 = arith.cmpi slt, %jit3A, %sign3A_67 : i32
      %sign3A_69 = arith.extui %sign3A_68 : i1 to i32
      %sign3A_70 = arith.subi %sign3A_66, %sign3A_69 : i32
      %ne3A = arith.cmpi ne, %sign3A_63, %sign3A_70 : i32
      %rem3A = arith.remsi %scan3A_55, %jit3A : i32
      %ne3A_71 = arith.constant 0 : i32
      %ne3A_72 = arith.cmpi ne, %rem3A, %ne3A_71 : i32
      %and3A = arith.andi %ne3A, %ne3A_72 : i1
      %sub3A = arith.constant 1 : i32
      %sub3A_73 = arith.subi %div3A, %sub3A : i32
      %select_n3A = arith.select %and3A, %sub3A_73, %div3A : i32
      %jit3A_74 = arith.constant 8 : i32
      %eq3A = arith.constant 0 : i32
      %eq3A_75 = arith.cmpi eq, %jit3A_74, %eq3A : i32
      %jit3A_76 = arith.constant 1 : i32
      %select_n3A_77 = arith.select %eq3A_75, %jit3A_76, %jit3A_74 : i32
      %rem3A_78 = arith.remsi %scan3A_55, %select_n3A_77 : i32
      %ne3A_79 = arith.constant 0 : i32
      %ne3A_80 = arith.cmpi ne, %rem3A_78, %ne3A_79 : i32
      %lt3A = arith.constant 0 : i32
      %lt3A_81 = arith.cmpi slt, %rem3A_78, %lt3A : i32
      %lt3A_82 = arith.constant 0 : i32
      %lt3A_83 = arith.cmpi slt, %select_n3A_77, %lt3A_82 : i32
      %ne3A_84 = arith.xori %lt3A_81, %lt3A_83 : i1
      %and3A_85 = arith.andi %ne3A_84, %ne3A_80 : i1
      %add3A_86 = arith.addi %rem3A_78, %select_n3A_77 : i32
      %select_n3A_87 = arith.select %and3A_85, %add3A_86, %rem3A_78 : i32
      %mul3A_88 = arith.constant 16 : i32
      %mul3A_89 = arith.muli %select_n3A_87, %mul3A_88 : i32
      %swap3A = arith.index_cast %select_n3A : i32 to index
      %swap3A_90 = arith.index_cast %mul3A_89 : i32 to index
      %swap3A_91 = tpu.vector_load %arg9[%swap3A, %swap3A_90] {strides = array<i32>} : memref<79x128xf32, #tpu.memory_space<vmem>>, vector<1x16xf32>,
      %swap3A_92 = vector.shape_cast %swap3A_91 : vector<1x16xf32> to vector<16xf32>
      %swap3A_93 = vector.shape_cast %broadcast_in_dim3A_57 : vector<16xf32> to vector<1x16xf32>
      tpu.vector_store %arg9[%swap3A, %swap3A_90], %swap3A_93 {strides = array<i32>} : memref<79x128xf32, #tpu.memory_space<vmem>>, vector<1x16xf32>,
      %scan3A_94 = arith.constant 0 : i32
      scf.yield %scan3A_94 : i32
    }
    %scan3A_5 = arith.constant 632 : i32
    "tpu.region"() ({
      %run_scoped3A_55 = tpu.sem_alloc : memref<!tpu.dma_semaphore, #tpu.memory_space<semaphore_mem>>
      %dma_start3A = arith.constant 0 : i32
      %dma_start3A_56 = arith.constant 0 : i32
      %dma_start3A_57 = tpu.memref_slice %arg4[%arg1, %dma_start3A, %dma_start3A_56] : memref<16x79x128xi32, #tpu.memory_space<hbm>> -> memref<1x79x128xi32, #tpu.memory_space<hbm>>
      %dma_start3A_58 = tpu.memref_squeeze %dma_start3A_57 : memref<1x79x128xi32, #tpu.memory_space<hbm>> -> memref<79x128xi32, #tpu.memory_space<hbm>>
      %dma_start3A_59 = arith.constant 0 : i32
      %dma_start3A_60 = arith.constant 0 : i32
      %dma_start3A_61 = tpu.memref_slice %arg4[%arg1, %dma_start3A_59, %dma_start3A_60] : memref<16x79x128xi32, #tpu.memory_space<hbm>> -> memref<1x79x128xi32, #tpu.memory_space<hbm>>
      %dma_start3A_62 = tpu.memref_squeeze %dma_start3A_61 : memref<1x79x128xi32, #tpu.memory_space<hbm>> -> memref<79x128xi32, #tpu.memory_space<hbm>>
      tpu.enqueue_dma source(%dma_start3A_62 : memref<79x128xi32, #tpu.memory_space<hbm>>) target(%arg7 : memref<79x128xi32, #tpu.memory_space<vmem>>) target_semaphore(%run_scoped3A_55 : memref<!tpu.dma_semaphore, #tpu.memory_space<semaphore_mem>>)
      %dma_wait3A = arith.constant 0 : i32
      %dma_wait3A_63 = arith.constant 0 : i32
      %dma_wait3A_64 = tpu.memref_slice %arg4[%arg1, %dma_wait3A, %dma_wait3A_63] : memref<16x79x128xi32, #tpu.memory_space<hbm>> -> memref<1x79x128xi32, #tpu.memory_space<hbm>>
      %dma_wait3A_65 = tpu.memref_squeeze %dma_wait3A_64 : memref<1x79x128xi32, #tpu.memory_space<hbm>> -> memref<79x128xi32, #tpu.memory_space<hbm>>
      %dma_wait3A_66 = arith.constant 0 : i32
      %dma_wait3A_67 = arith.constant 0 : i32
      %dma_wait3A_68 = tpu.memref_slice %arg4[%arg1, %dma_wait3A_66, %dma_wait3A_67] : memref<16x79x128xi32, #tpu.memory_space<hbm>> -> memref<1x79x128xi32, #tpu.memory_space<hbm>>
      %dma_wait3A_69 = tpu.memref_squeeze %dma_wait3A_68 : memref<1x79x128xi32, #tpu.memory_space<hbm>> -> memref<79x128xi32, #tpu.memory_space<hbm>>
      tpu.wait_dma2 semaphore(%run_scoped3A_55 : memref<!tpu.dma_semaphore, #tpu.memory_space<semaphore_mem>>) src(%dma_wait3A_69 : memref<79x128xi32, #tpu.memory_space<hbm>>) dst(%arg7 : memref<79x128xi32, #tpu.memory_space<vmem>>)
      tpu.yield
    }) : () -> ()
    %mul3A = arith.constant 632 : i32
    %mul3A_6 = arith.muli %arg1, %mul3A : i32
    %min3A = arith.constant 9368 : i32
    %min3A_7 = arith.minsi %mul3A_6, %min3A : i32
    %scan3A_8 = arith.constant 0 : i32
    %scan3A_9 = arith.constant 0 : i32
    %scan3A_10 = arith.constant 8 : i32
    %scan3A_11 = arith.addi %scan3A_9, %scan3A_10 : i32
    %scan3A_12 = arith.constant 1 : i32
    %scan3A_13 = scf.for %scan3A_55 = %scan3A_9 to %scan3A_11 step %scan3A_12 iter_args(%scan3A_56 = %scan3A_8) -> (i32)  : i32 {
      %mul3A_57 = arith.constant 632 : i32
      %mul3A_58 = arith.muli %arg1, %mul3A_57 : i32
      %mul3A_59 = arith.constant 79 : i32
      %mul3A_60 = arith.muli %scan3A_55, %mul3A_59 : i32
      %add3A_61 = arith.addi %mul3A_58, %mul3A_60 : i32
      "tpu.region"() ({
        %run_scoped3A_63 = tpu.sem_alloc : memref<!tpu.dma_semaphore, #tpu.memory_space<semaphore_mem>>
        %dma_start3A = arith.constant 0 : i32
        %dma_start3A_64 = tpu.memref_slice %arg10[%add3A_61, %dma_start3A] : memref<10112x128xf32, #tpu.memory_space<vmem_shared>> -> memref<79x128xf32, #tpu.memory_space<vmem_shared>>
        %dma_start3A_65 = arith.constant 0 : i32
        %dma_start3A_66 = tpu.memref_slice %arg10[%add3A_61, %dma_start3A_65] : memref<10112x128xf32, #tpu.memory_space<vmem_shared>> -> memref<79x128xf32, #tpu.memory_space<vmem_shared>>
        tpu.enqueue_dma source(%arg9 : memref<79x128xf32, #tpu.memory_space<vmem>>) target(%dma_start3A_66 : memref<79x128xf32, #tpu.memory_space<vmem_shared>>) target_semaphore(%run_scoped3A_63 : memref<!tpu.dma_semaphore, #tpu.memory_space<semaphore_mem>>)
        %dma_wait3A = arith.constant 0 : i32
        %dma_wait3A_67 = tpu.memref_slice %arg10[%add3A_61, %dma_wait3A] : memref<10112x128xf32, #tpu.memory_space<vmem_shared>> -> memref<79x128xf32, #tpu.memory_space<vmem_shared>>
        %dma_wait3A_68 = arith.constant 0 : i32
        %dma_wait3A_69 = tpu.memref_slice %arg10[%add3A_61, %dma_wait3A_68] : memref<10112x128xf32, #tpu.memory_space<vmem_shared>> -> memref<79x128xf32, #tpu.memory_space<vmem_shared>>
        tpu.wait_dma2 semaphore(%run_scoped3A_63 : memref<!tpu.dma_semaphore, #tpu.memory_space<semaphore_mem>>) src(%arg9 : memref<79x128xf32, #tpu.memory_space<vmem>>) dst(%dma_wait3A_69 : memref<79x128xf32, #tpu.memory_space<vmem_shared>>)
        tpu.yield
      }) : () -> ()
      %scan3A_62 = arith.constant 0 : i32
      scf.yield %scan3A_62 : i32
    }
    %scan3A_14 = arith.constant 8 : i32
    %run_scoped3A = arith.constant 0 : i32
    "tpu.region"() ({
      %run_scoped3A_55 = tpu.sem_alloc : memref<!tpu.dma_semaphore, #tpu.memory_space<semaphore_mem>>
      %dma_start3A = arith.constant 0 : i32
      %dma_start3A_56 = arith.constant 0 : i32
      %dma_start3A_57 = tpu.memref_slice %arg3[%arg0, %run_scoped3A, %arg1, %dma_start3A, %dma_start3A_56] : memref<2x2x16x79x128xi32, #tpu.memory_space<hbm>> -> memref<1x1x1x79x128xi32, #tpu.memory_space<hbm>>
      %dma_start3A_58 = tpu.memref_squeeze %dma_start3A_57 : memref<1x1x1x79x128xi32, #tpu.memory_space<hbm>> -> memref<79x128xi32, #tpu.memory_space<hbm>>
      %dma_start3A_59 = arith.constant 0 : i32
      %dma_start3A_60 = arith.constant 0 : i32
      %dma_start3A_61 = tpu.memref_slice %arg3[%arg0, %run_scoped3A, %arg1, %dma_start3A_59, %dma_start3A_60] : memref<2x2x16x79x128xi32, #tpu.memory_space<hbm>> -> memref<1x1x1x79x128xi32, #tpu.memory_space<hbm>>
      %dma_start3A_62 = tpu.memref_squeeze %dma_start3A_61 : memref<1x1x1x79x128xi32, #tpu.memory_space<hbm>> -> memref<79x128xi32, #tpu.memory_space<hbm>>
      tpu.enqueue_dma source(%dma_start3A_62 : memref<79x128xi32, #tpu.memory_space<hbm>>) target(%arg6 : memref<79x128xi32, #tpu.memory_space<vmem>>) target_semaphore(%run_scoped3A_55 : memref<!tpu.dma_semaphore, #tpu.memory_space<semaphore_mem>>)
      %dma_wait3A = arith.constant 0 : i32
      %dma_wait3A_63 = arith.constant 0 : i32
      %dma_wait3A_64 = tpu.memref_slice %arg3[%arg0, %run_scoped3A, %arg1, %dma_wait3A, %dma_wait3A_63] : memref<2x2x16x79x128xi32, #tpu.memory_space<hbm>> -> memref<1x1x1x79x128xi32, #tpu.memory_space<hbm>>
      %dma_wait3A_65 = tpu.memref_squeeze %dma_wait3A_64 : memref<1x1x1x79x128xi32, #tpu.memory_space<hbm>> -> memref<79x128xi32, #tpu.memory_space<hbm>>
      %dma_wait3A_66 = arith.constant 0 : i32
      %dma_wait3A_67 = arith.constant 0 : i32
      %dma_wait3A_68 = tpu.memref_slice %arg3[%arg0, %run_scoped3A, %arg1, %dma_wait3A_66, %dma_wait3A_67] : memref<2x2x16x79x128xi32, #tpu.memory_space<hbm>> -> memref<1x1x1x79x128xi32, #tpu.memory_space<hbm>>
      %dma_wait3A_69 = tpu.memref_squeeze %dma_wait3A_68 : memref<1x1x1x79x128xi32, #tpu.memory_space<hbm>> -> memref<79x128xi32, #tpu.memory_space<hbm>>
      tpu.wait_dma2 semaphore(%run_scoped3A_55 : memref<!tpu.dma_semaphore, #tpu.memory_space<semaphore_mem>>) src(%dma_wait3A_69 : memref<79x128xi32, #tpu.memory_space<hbm>>) dst(%arg6 : memref<79x128xi32, #tpu.memory_space<vmem>>)
      tpu.yield
    }) : () -> ()
    %barrier3A = arith.constant 0 : index
    tpu.barrier barrier_id(%barrier3A)
    %scan3A_15 = arith.constant 0 : i32
    %scan3A_16 = arith.constant 0 : i32
    %scan3A_17 = arith.constant 79 : i32
    %scan3A_18 = arith.addi %scan3A_16, %scan3A_17 : i32
    %scan3A_19 = arith.constant 1 : i32
    %scan3A_20 = scf.for %scan3A_55 = %scan3A_16 to %scan3A_18 step %scan3A_19 iter_args(%scan3A_56 = %scan3A_15) -> (i32)  : i32 {
      %dma_start3A = arith.constant 0 : i32
      %dma_start3A_57 = tpu.memref_slice %arg6[%scan3A_55, %dma_start3A] : memref<79x128xi32, #tpu.memory_space<vmem>> -> memref<1x128xi32, #tpu.memory_space<vmem>>
      %dma_start3A_58 = tpu.memref_squeeze %dma_start3A_57 : memref<1x128xi32, #tpu.memory_space<vmem>> -> memref<128xi32, #tpu.memory_space<vmem>>
      %dma_start3A_59 = arith.constant 0 : i32
      %dma_start3A_60 = arith.constant 0 : i32
      %dma_start3A_61 = tpu.memref_slice %arg2[%dma_start3A_59, %dma_start3A_60] : memref<40000x128xf32, #tpu.memory_space<hbm>> -> memref<40000x128xf32, #tpu.memory_space<hbm>>
      tpu.enqueue_indirect_dma source(%dma_start3A_61 : memref<40000x128xf32, #tpu.memory_space<hbm>>) target(%arg8 : memref<128x128xf32, #tpu.memory_space<vmem>>) offsets(%dma_start3A_58 : memref<128xi32, #tpu.memory_space<vmem>>) semaphore(%arg11 : memref<!tpu.dma_semaphore, #tpu.memory_space<semaphore_mem>>)
      %dma_wait3A = arith.constant 0 : i32
      %dma_wait3A_62 = tpu.memref_slice %arg6[%scan3A_55, %dma_wait3A] : memref<79x128xi32, #tpu.memory_space<vmem>> -> memref<1x128xi32, #tpu.memory_space<vmem>>
      %dma_wait3A_63 = tpu.memref_squeeze %dma_wait3A_62 : memref<1x128xi32, #tpu.memory_space<vmem>> -> memref<128xi32, #tpu.memory_space<vmem>>
      %dma_wait3A_64 = arith.constant 0 : i32
      %dma_wait3A_65 = arith.constant 0 : i32
      %dma_wait3A_66 = tpu.memref_slice %arg2[%dma_wait3A_64, %dma_wait3A_65] : memref<40000x128xf32, #tpu.memory_space<hbm>> -> memref<40000x128xf32, #tpu.memory_space<hbm>>
      tpu.wait_indirect_dma semaphore(%arg11 : memref<!tpu.dma_semaphore, #tpu.memory_space<semaphore_mem>>) src(%dma_wait3A_66 : memref<40000x128xf32, #tpu.memory_space<hbm>>) dst(%arg8 : memref<128x128xf32, #tpu.memory_space<vmem>>)
      "tpu.region"() ({
        %run_scoped3A_68 = tpu.sem_alloc : memref<!tpu.dma_semaphore, #tpu.memory_space<semaphore_mem>>
        %dma_start3A_69 = arith.constant 0 : i32
        %dma_start3A_70 = tpu.memref_slice %arg7[%scan3A_55, %dma_start3A_69] : memref<79x128xi32, #tpu.memory_space<vmem>> -> memref<1x128xi32, #tpu.memory_space<vmem>>
        %dma_start3A_71 = tpu.memref_squeeze %dma_start3A_70 : memref<1x128xi32, #tpu.memory_space<vmem>> -> memref<128xi32, #tpu.memory_space<vmem>>
        %dma_start3A_72 = arith.constant 0 : i32
        %dma_start3A_73 = arith.constant 0 : i32
        %dma_start3A_74 = tpu.memref_slice %arg10[%dma_start3A_72, %dma_start3A_73] : memref<10112x128xf32, #tpu.memory_space<vmem_shared>> -> memref<10112x128xf32, #tpu.memory_space<vmem_shared>>
        tpu.enqueue_indirect_dma source(%arg8 : memref<128x128xf32, #tpu.memory_space<vmem>>) target(%dma_start3A_74 : memref<10112x128xf32, #tpu.memory_space<vmem_shared>>) offsets(%dma_start3A_71 : memref<128xi32, #tpu.memory_space<vmem>>) semaphore(%run_scoped3A_68 : memref<!tpu.dma_semaphore, #tpu.memory_space<semaphore_mem>>) {add = true}
        %dma_wait3A_75 = arith.constant 0 : i32
        %dma_wait3A_76 = tpu.memref_slice %arg7[%scan3A_55, %dma_wait3A_75] : memref<79x128xi32, #tpu.memory_space<vmem>> -> memref<1x128xi32, #tpu.memory_space<vmem>>
        %dma_wait3A_77 = tpu.memref_squeeze %dma_wait3A_76 : memref<1x128xi32, #tpu.memory_space<vmem>> -> memref<128xi32, #tpu.memory_space<vmem>>
        %dma_wait3A_78 = arith.constant 0 : i32
        %dma_wait3A_79 = arith.constant 0 : i32
        %dma_wait3A_80 = tpu.memref_slice %arg10[%dma_wait3A_78, %dma_wait3A_79] : memref<10112x128xf32, #tpu.memory_space<vmem_shared>> -> memref<10112x128xf32, #tpu.memory_space<vmem_shared>>
        tpu.wait_indirect_dma semaphore(%run_scoped3A_68 : memref<!tpu.dma_semaphore, #tpu.memory_space<semaphore_mem>>) src(%arg8 : memref<128x128xf32, #tpu.memory_space<vmem>>) dst(%dma_wait3A_80 : memref<10112x128xf32, #tpu.memory_space<vmem_shared>>)
        tpu.yield
      }) : () -> ()
      %scan3A_67 = arith.constant 0 : i32
      scf.yield %scan3A_67 : i32
    }
    %scan3A_21 = arith.constant 79 : i32
    %barrier3A_22 = arith.constant 0 : index
    tpu.barrier barrier_id(%barrier3A_22)
    %mul3A_23 = arith.constant 2 : i32
    %mul3A_24 = arith.muli %arg0, %mul3A_23 : i32
    %add3A = arith.constant 0 : i32
    %add3A_25 = arith.addi %mul3A_24, %add3A : i32
    %mul3A_26 = arith.constant 10000 : i32
    %mul3A_27 = arith.muli %add3A_25, %mul3A_26 : i32
    %add3A_28 = arith.addi %mul3A_27, %min3A_7 : i32
    "tpu.region"() ({
      %run_scoped3A_55 = tpu.sem_alloc : memref<!tpu.dma_semaphore, #tpu.memory_space<semaphore_mem>>
      %dma_start3A = arith.constant 0 : i32
      %dma_start3A_56 = tpu.memref_slice %arg5[%add3A_28, %dma_start3A] : memref<40000x128xf32, #tpu.memory_space<hbm>> -> memref<632x128xf32, #tpu.memory_space<hbm>>
      %dma_start3A_57 = arith.constant 0 : i32
      %dma_start3A_58 = tpu.memref_slice %arg10[%min3A_7, %dma_start3A_57] : memref<10112x128xf32, #tpu.memory_space<vmem_shared>> -> memref<632x128xf32, #tpu.memory_space<vmem_shared>>
      tpu.enqueue_dma source(%dma_start3A_58 : memref<632x128xf32, #tpu.memory_space<vmem_shared>>) target(%dma_start3A_56 : memref<632x128xf32, #tpu.memory_space<hbm>>) target_semaphore(%run_scoped3A_55 : memref<!tpu.dma_semaphore, #tpu.memory_space<semaphore_mem>>)
      %dma_wait3A = arith.constant 0 : i32
      %dma_wait3A_59 = tpu.memref_slice %arg5[%add3A_28, %dma_wait3A] : memref<40000x128xf32, #tpu.memory_space<hbm>> -> memref<632x128xf32, #tpu.memory_space<hbm>>
      %dma_wait3A_60 = arith.constant 0 : i32
      %dma_wait3A_61 = tpu.memref_slice %arg10[%min3A_7, %dma_wait3A_60] : memref<10112x128xf32, #tpu.memory_space<vmem_shared>> -> memref<632x128xf32, #tpu.memory_space<vmem_shared>>
      tpu.wait_dma2 semaphore(%run_scoped3A_55 : memref<!tpu.dma_semaphore, #tpu.memory_space<semaphore_mem>>) src(%dma_wait3A_61 : memref<632x128xf32, #tpu.memory_space<vmem_shared>>) dst(%dma_wait3A_59 : memref<632x128xf32, #tpu.memory_space<hbm>>)
      tpu.yield
    }) : () -> ()
    %barrier3A_29 = arith.constant 0 : index
    tpu.barrier barrier_id(%barrier3A_29)
    %scan3A_30 = arith.constant 0 : i32
    %scan3A_31 = arith.constant 0 : i32
    %scan3A_32 = arith.constant 8 : i32
    %scan3A_33 = arith.addi %scan3A_31, %scan3A_32 : i32
    %scan3A_34 = arith.constant 1 : i32
    %scan3A_35 = scf.for %scan3A_55 = %scan3A_31 to %scan3A_33 step %scan3A_34 iter_args(%scan3A_56 = %scan3A_30) -> (i32)  : i32 {
      %mul3A_57 = arith.constant 632 : i32
      %mul3A_58 = arith.muli %arg1, %mul3A_57 : i32
      %mul3A_59 = arith.constant 79 : i32
      %mul3A_60 = arith.muli %scan3A_55, %mul3A_59 : i32
      %add3A_61 = arith.addi %mul3A_58, %mul3A_60 : i32
      "tpu.region"() ({
        %run_scoped3A_63 = tpu.sem_alloc : memref<!tpu.dma_semaphore, #tpu.memory_space<semaphore_mem>>
        %dma_start3A = arith.constant 0 : i32
        %dma_start3A_64 = tpu.memref_slice %arg10[%add3A_61, %dma_start3A] : memref<10112x128xf32, #tpu.memory_space<vmem_shared>> -> memref<79x128xf32, #tpu.memory_space<vmem_shared>>
        %dma_start3A_65 = arith.constant 0 : i32
        %dma_start3A_66 = tpu.memref_slice %arg10[%add3A_61, %dma_start3A_65] : memref<10112x128xf32, #tpu.memory_space<vmem_shared>> -> memref<79x128xf32, #tpu.memory_space<vmem_shared>>
        tpu.enqueue_dma source(%arg9 : memref<79x128xf32, #tpu.memory_space<vmem>>) target(%dma_start3A_66 : memref<79x128xf32, #tpu.memory_space<vmem_shared>>) target_semaphore(%run_scoped3A_63 : memref<!tpu.dma_semaphore, #tpu.memory_space<semaphore_mem>>)
        %dma_wait3A = arith.constant 0 : i32
        %dma_wait3A_67 = tpu.memref_slice %arg10[%add3A_61, %dma_wait3A] : memref<10112x128xf32, #tpu.memory_space<vmem_shared>> -> memref<79x128xf32, #tpu.memory_space<vmem_shared>>
        %dma_wait3A_68 = arith.constant 0 : i32
        %dma_wait3A_69 = tpu.memref_slice %arg10[%add3A_61, %dma_wait3A_68] : memref<10112x128xf32, #tpu.memory_space<vmem_shared>> -> memref<79x128xf32, #tpu.memory_space<vmem_shared>>
        tpu.wait_dma2 semaphore(%run_scoped3A_63 : memref<!tpu.dma_semaphore, #tpu.memory_space<semaphore_mem>>) src(%arg9 : memref<79x128xf32, #tpu.memory_space<vmem>>) dst(%dma_wait3A_69 : memref<79x128xf32, #tpu.memory_space<vmem_shared>>)
        tpu.yield
      }) : () -> ()
      %scan3A_62 = arith.constant 0 : i32
      scf.yield %scan3A_62 : i32
    }
    %scan3A_36 = arith.constant 8 : i32
    %run_scoped3A_37 = arith.constant 1 : i32
    "tpu.region"() ({
      %run_scoped3A_55 = tpu.sem_alloc : memref<!tpu.dma_semaphore, #tpu.memory_space<semaphore_mem>>
      %dma_start3A = arith.constant 0 : i32
      %dma_start3A_56 = arith.constant 0 : i32
      %dma_start3A_57 = tpu.memref_slice %arg3[%arg0, %run_scoped3A_37, %arg1, %dma_start3A, %dma_start3A_56] : memref<2x2x16x79x128xi32, #tpu.memory_space<hbm>> -> memref<1x1x1x79x128xi32, #tpu.memory_space<hbm>>
      %dma_start3A_58 = tpu.memref_squeeze %dma_start3A_57 : memref<1x1x1x79x128xi32, #tpu.memory_space<hbm>> -> memref<79x128xi32, #tpu.memory_space<hbm>>
      %dma_start3A_59 = arith.constant 0 : i32
      %dma_start3A_60 = arith.constant 0 : i32
      %dma_start3A_61 = tpu.memref_slice %arg3[%arg0, %run_scoped3A_37, %arg1, %dma_start3A_59, %dma_start3A_60] : memref<2x2x16x79x128xi32, #tpu.memory_space<hbm>> -> memref<1x1x1x79x128xi32, #tpu.memory_space<hbm>>
      %dma_start3A_62 = tpu.memref_squeeze %dma_start3A_61 : memref<1x1x1x79x128xi32, #tpu.memory_space<hbm>> -> memref<79x128xi32, #tpu.memory_space<hbm>>
      tpu.enqueue_dma source(%dma_start3A_62 : memref<79x128xi32, #tpu.memory_space<hbm>>) target(%arg6 : memref<79x128xi32, #tpu.memory_space<vmem>>) target_semaphore(%run_scoped3A_55 : memref<!tpu.dma_semaphore, #tpu.memory_space<semaphore_mem>>)
      %dma_wait3A = arith.constant 0 : i32
      %dma_wait3A_63 = arith.constant 0 : i32
      %dma_wait3A_64 = tpu.memref_slice %arg3[%arg0, %run_scoped3A_37, %arg1, %dma_wait3A, %dma_wait3A_63] : memref<2x2x16x79x128xi32, #tpu.memory_space<hbm>> -> memref<1x1x1x79x128xi32, #tpu.memory_space<hbm>>
      %dma_wait3A_65 = tpu.memref_squeeze %dma_wait3A_64 : memref<1x1x1x79x128xi32, #tpu.memory_space<hbm>> -> memref<79x128xi32, #tpu.memory_space<hbm>>
      %dma_wait3A_66 = arith.constant 0 : i32
      %dma_wait3A_67 = arith.constant 0 : i32
      %dma_wait3A_68 = tpu.memref_slice %arg3[%arg0, %run_scoped3A_37, %arg1, %dma_wait3A_66, %dma_wait3A_67] : memref<2x2x16x79x128xi32, #tpu.memory_space<hbm>> -> memref<1x1x1x79x128xi32, #tpu.memory_space<hbm>>
      %dma_wait3A_69 = tpu.memref_squeeze %dma_wait3A_68 : memref<1x1x1x79x128xi32, #tpu.memory_space<hbm>> -> memref<79x128xi32, #tpu.memory_space<hbm>>
      tpu.wait_dma2 semaphore(%run_scoped3A_55 : memref<!tpu.dma_semaphore, #tpu.memory_space<semaphore_mem>>) src(%dma_wait3A_69 : memref<79x128xi32, #tpu.memory_space<hbm>>) dst(%arg6 : memref<79x128xi32, #tpu.memory_space<vmem>>)
      tpu.yield
    }) : () -> ()
    %barrier3A_38 = arith.constant 0 : index
    tpu.barrier barrier_id(%barrier3A_38)
    %scan3A_39 = arith.constant 0 : i32
    %scan3A_40 = arith.constant 0 : i32
    %scan3A_41 = arith.constant 79 : i32
    %scan3A_42 = arith.addi %scan3A_40, %scan3A_41 : i32
    %scan3A_43 = arith.constant 1 : i32
    %scan3A_44 = scf.for %scan3A_55 = %scan3A_40 to %scan3A_42 step %scan3A_43 iter_args(%scan3A_56 = %scan3A_39) -> (i32)  : i32 {
      %dma_start3A = arith.constant 0 : i32
      %dma_start3A_57 = tpu.memref_slice %arg6[%scan3A_55, %dma_start3A] : memref<79x128xi32, #tpu.memory_space<vmem>> -> memref<1x128xi32, #tpu.memory_space<vmem>>
      %dma_start3A_58 = tpu.memref_squeeze %dma_start3A_57 : memref<1x128xi32, #tpu.memory_space<vmem>> -> memref<128xi32, #tpu.memory_space<vmem>>
      %dma_start3A_59 = arith.constant 0 : i32
      %dma_start3A_60 = arith.constant 0 : i32
      %dma_start3A_61 = tpu.memref_slice %arg2[%dma_start3A_59, %dma_start3A_60] : memref<40000x128xf32, #tpu.memory_space<hbm>> -> memref<40000x128xf32, #tpu.memory_space<hbm>>
      tpu.enqueue_indirect_dma source(%dma_start3A_61 : memref<40000x128xf32, #tpu.memory_space<hbm>>) target(%arg8 : memref<128x128xf32, #tpu.memory_space<vmem>>) offsets(%dma_start3A_58 : memref<128xi32, #tpu.memory_space<vmem>>) semaphore(%arg11 : memref<!tpu.dma_semaphore, #tpu.memory_space<semaphore_mem>>)
      %dma_wait3A = arith.constant 0 : i32
      %dma_wait3A_62 = tpu.memref_slice %arg6[%scan3A_55, %dma_wait3A] : memref<79x128xi32, #tpu.memory_space<vmem>> -> memref<1x128xi32, #tpu.memory_space<vmem>>
      %dma_wait3A_63 = tpu.memref_squeeze %dma_wait3A_62 : memref<1x128xi32, #tpu.memory_space<vmem>> -> memref<128xi32, #tpu.memory_space<vmem>>
      %dma_wait3A_64 = arith.constant 0 : i32
      %dma_wait3A_65 = arith.constant 0 : i32
      %dma_wait3A_66 = tpu.memref_slice %arg2[%dma_wait3A_64, %dma_wait3A_65] : memref<40000x128xf32, #tpu.memory_space<hbm>> -> memref<40000x128xf32, #tpu.memory_space<hbm>>
      tpu.wait_indirect_dma semaphore(%arg11 : memref<!tpu.dma_semaphore, #tpu.memory_space<semaphore_mem>>) src(%dma_wait3A_66 : memref<40000x128xf32, #tpu.memory_space<hbm>>) dst(%arg8 : memref<128x128xf32, #tpu.memory_space<vmem>>)
      "tpu.region"() ({
        %run_scoped3A_68 = tpu.sem_alloc : memref<!tpu.dma_semaphore, #tpu.memory_space<semaphore_mem>>
        %dma_start3A_69 = arith.constant 0 : i32
        %dma_start3A_70 = tpu.memref_slice %arg7[%scan3A_55, %dma_start3A_69] : memref<79x128xi32, #tpu.memory_space<vmem>> -> memref<1x128xi32, #tpu.memory_space<vmem>>
        %dma_start3A_71 = tpu.memref_squeeze %dma_start3A_70 : memref<1x128xi32, #tpu.memory_space<vmem>> -> memref<128xi32, #tpu.memory_space<vmem>>
        %dma_start3A_72 = arith.constant 0 : i32
        %dma_start3A_73 = arith.constant 0 : i32
        %dma_start3A_74 = tpu.memref_slice %arg10[%dma_start3A_72, %dma_start3A_73] : memref<10112x128xf32, #tpu.memory_space<vmem_shared>> -> memref<10112x128xf32, #tpu.memory_space<vmem_shared>>
        tpu.enqueue_indirect_dma source(%arg8 : memref<128x128xf32, #tpu.memory_space<vmem>>) target(%dma_start3A_74 : memref<10112x128xf32, #tpu.memory_space<vmem_shared>>) offsets(%dma_start3A_71 : memref<128xi32, #tpu.memory_space<vmem>>) semaphore(%run_scoped3A_68 : memref<!tpu.dma_semaphore, #tpu.memory_space<semaphore_mem>>) {add = true}
        %dma_wait3A_75 = arith.constant 0 : i32
        %dma_wait3A_76 = tpu.memref_slice %arg7[%scan3A_55, %dma_wait3A_75] : memref<79x128xi32, #tpu.memory_space<vmem>> -> memref<1x128xi32, #tpu.memory_space<vmem>>
        %dma_wait3A_77 = tpu.memref_squeeze %dma_wait3A_76 : memref<1x128xi32, #tpu.memory_space<vmem>> -> memref<128xi32, #tpu.memory_space<vmem>>
        %dma_wait3A_78 = arith.constant 0 : i32
        %dma_wait3A_79 = arith.constant 0 : i32
        %dma_wait3A_80 = tpu.memref_slice %arg10[%dma_wait3A_78, %dma_wait3A_79] : memref<10112x128xf32, #tpu.memory_space<vmem_shared>> -> memref<10112x128xf32, #tpu.memory_space<vmem_shared>>
        tpu.wait_indirect_dma semaphore(%run_scoped3A_68 : memref<!tpu.dma_semaphore, #tpu.memory_space<semaphore_mem>>) src(%arg8 : memref<128x128xf32, #tpu.memory_space<vmem>>) dst(%dma_wait3A_80 : memref<10112x128xf32, #tpu.memory_space<vmem_shared>>)
        tpu.yield
      }) : () -> ()
      %scan3A_67 = arith.constant 0 : i32
      scf.yield %scan3A_67 : i32
    }
    %scan3A_45 = arith.constant 79 : i32
    %barrier3A_46 = arith.constant 0 : index
    tpu.barrier barrier_id(%barrier3A_46)
    %mul3A_47 = arith.constant 2 : i32
    %mul3A_48 = arith.muli %arg0, %mul3A_47 : i32
    %add3A_49 = arith.constant 1 : i32
    %add3A_50 = arith.addi %mul3A_48, %add3A_49 : i32
    %mul3A_51 = arith.constant 10000 : i32
    %mul3A_52 = arith.muli %add3A_50, %mul3A_51 : i32
    %add3A_53 = arith.addi %mul3A_52, %min3A_7 : i32
    "tpu.region"() ({
      %run_scoped3A_55 = tpu.sem_alloc : memref<!tpu.dma_semaphore, #tpu.memory_space<semaphore_mem>>
      %dma_start3A = arith.constant 0 : i32
      %dma_start3A_56 = tpu.memref_slice %arg5[%add3A_53, %dma_start3A] : memref<40000x128xf32, #tpu.memory_space<hbm>> -> memref<632x128xf32, #tpu.memory_space<hbm>>
      %dma_start3A_57 = arith.constant 0 : i32
      %dma_start3A_58 = tpu.memref_slice %arg10[%min3A_7, %dma_start3A_57] : memref<10112x128xf32, #tpu.memory_space<vmem_shared>> -> memref<632x128xf32, #tpu.memory_space<vmem_shared>>
      tpu.enqueue_dma source(%dma_start3A_58 : memref<632x128xf32, #tpu.memory_space<vmem_shared>>) target(%dma_start3A_56 : memref<632x128xf32, #tpu.memory_space<hbm>>) target_semaphore(%run_scoped3A_55 : memref<!tpu.dma_semaphore, #tpu.memory_space<semaphore_mem>>)
      %dma_wait3A = arith.constant 0 : i32
      %dma_wait3A_59 = tpu.memref_slice %arg5[%add3A_53, %dma_wait3A] : memref<40000x128xf32, #tpu.memory_space<hbm>> -> memref<632x128xf32, #tpu.memory_space<hbm>>
      %dma_wait3A_60 = arith.constant 0 : i32
      %dma_wait3A_61 = tpu.memref_slice %arg10[%min3A_7, %dma_wait3A_60] : memref<10112x128xf32, #tpu.memory_space<vmem_shared>> -> memref<632x128xf32, #tpu.memory_space<vmem_shared>>
      tpu.wait_dma2 semaphore(%run_scoped3A_55 : memref<!tpu.dma_semaphore, #tpu.memory_space<semaphore_mem>>) src(%dma_wait3A_61 : memref<632x128xf32, #tpu.memory_space<vmem_shared>>) dst(%dma_wait3A_59 : memref<632x128xf32, #tpu.memory_space<hbm>>)
      tpu.yield
    }) : () -> ()
    %barrier3A_54 = arith.constant 0 : index
    tpu.barrier barrier_id(%barrier3A_54)
    return
  }
}

#map = affine_map<(d0, d1) -> (0, 0)>
#map1 = affine_map<(d0, d1) -> (0, 0, 0, 0, 0)>
#map2 = affine_map<(d0, d1) -> (0, 0, 0)>
module attributes {stable_mosaic.version = 14 : i64} {
  func.func @_segsum_body(%arg0: i32, %arg1: i32, %arg2: memref<40000x128xf32, #tpu.memory_space<hbm>>, %arg3: memref<2x2x16x79x128xi32, #tpu.memory_space<hbm>>, %arg4: memref<16x79x128xi32, #tpu.memory_space<hbm>>, %arg5: memref<40000x128xf32, #tpu.memory_space<hbm>>, %arg6: memref<79x128xi32, #tpu.memory_space<vmem>>, %arg7: memref<79x128xi32, #tpu.memory_space<vmem>>, %arg8: memref<128x128xf32, #tpu.memory_space<vmem>>, %arg9: memref<79x128xf32, #tpu.memory_space<vmem>>, %arg10: memref<10112x128xf32, #tpu.memory_space<vmem_shared>>, %arg11: memref<!tpu.dma_semaphore, #tpu.memory_space<semaphore_mem>>) attributes {dimension_semantics = [#tpu.dimension_semantics<core_parallel>, #tpu.dimension_semantics<subcore_parallel>], iteration_bounds = array<i64: 2, 16>, scalar_prefetch = 0 : i64, scratch_operands = 6 : i64, tpu.core_type = #tpu.core_type<sc_vector_subcore>, window_params = [{transform_indices = #map}, {transform_indices = #map1}, {transform_indices = #map2}, {transform_indices = #map}]} {
    %scan3A = arith.constant 0 : i32
    %scan3A_0 = arith.constant 0 : i32
    %scan3A_1 = arith.constant 632 : i32
    %scan3A_2 = arith.addi %scan3A_0, %scan3A_1 : i32
    %scan3A_3 = arith.constant 1 : i32
    %scan3A_4 = scf.for %scan3A_55 = %scan3A_0 to %scan3A_2 step %scan3A_3 iter_args(%scan3A_56 = %scan3A) -> (i32)  : i32 {
      %broadcast_in_dim3A = arith.constant 0.000000e+00 : f32
      %broadcast_in_dim3A_57 = vector.broadcast %broadcast_in_dim3A : f32 to vector<16xf32>
      %jit3A = arith.constant 8 : i32
      %div3A = arith.divsi %scan3A_55, %jit3A : i32
      %sign3A = arith.constant 0 : i32
      %sign3A_58 = arith.cmpi sgt, %scan3A_55, %sign3A : i32
      %sign3A_59 = arith.extui %sign3A_58 : i1 to i32
      %sign3A_60 = arith.constant 0 : i32
      %sign3A_61 = arith.cmpi slt, %scan3A_55, %sign3A_60 : i32
      %sign3A_62 = arith.extui %sign3A_61 : i1 to i32
      %sign3A_63 = arith.subi %sign3A_59, %sign3A_62 : i32
      %sign3A_64 = arith.constant 0 : i32
      %sign3A_65 = arith.cmpi sgt, %jit3A, %sign3A_64 : i32
      %sign3A_66 = arith.extui %sign3A_65 : i1 to i32
      %sign3A_67 = arith.constant 0 : i32
      %sign3A_68 = arith.cmpi slt, %jit3A, %sign3A_67 : i32
      %sign3A_69 = arith.extui %sign3A_68 : i1 to i32
      %sign3A_70 = arith.subi %sign3A_66, %sign3A_69 : i32
      %ne3A = arith.cmpi ne, %sign3A_63, %sign3A_70 : i32
      %rem3A = arith.remsi %scan3A_55, %jit3A : i32
      %ne3A_71 = arith.constant 0 : i32
      %ne3A_72 = arith.cmpi ne, %rem3A, %ne3A_71 : i32
      %and3A = arith.andi %ne3A, %ne3A_72 : i1
      %sub3A = arith.constant 1 : i32
      %sub3A_73 = arith.subi %div3A, %sub3A : i32
      %select_n3A = arith.select %and3A, %sub3A_73, %div3A : i32
      %jit3A_74 = arith.constant 8 : i32
      %eq3A = arith.constant 0 : i32
      %eq3A_75 = arith.cmpi eq, %jit3A_74, %eq3A : i32
      %jit3A_76 = arith.constant 1 : i32
      %select_n3A_77 = arith.select %eq3A_75, %jit3A_76, %jit3A_74 : i32
      %rem3A_78 = arith.remsi %scan3A_55, %select_n3A_77 : i32
      %ne3A_79 = arith.constant 0 : i32
      %ne3A_80 = arith.cmpi ne, %rem3A_78, %ne3A_79 : i32
      %lt3A = arith.constant 0 : i32
      %lt3A_81 = arith.cmpi slt, %rem3A_78, %lt3A : i32
      %lt3A_82 = arith.constant 0 : i32
      %lt3A_83 = arith.cmpi slt, %select_n3A_77, %lt3A_82 : i32
      %ne3A_84 = arith.xori %lt3A_81, %lt3A_83 : i1
      %and3A_85 = arith.andi %ne3A_84, %ne3A_80 : i1
      %add3A_86 = arith.addi %rem3A_78, %select_n3A_77 : i32
      %select_n3A_87 = arith.select %and3A_85, %add3A_86, %rem3A_78 : i32
      %mul3A_88 = arith.constant 16 : i32
      %mul3A_89 = arith.muli %select_n3A_87, %mul3A_88 : i32
      %swap3A = arith.index_cast %select_n3A : i32 to index
      %swap3A_90 = arith.index_cast %mul3A_89 : i32 to index
      %swap3A_91 = tpu.vector_load %arg9[%swap3A, %swap3A_90] {strides = array<i32>} : memref<79x128xf32, #tpu.memory_space<vmem>>, vector<1x16xf32>,
      %swap3A_92 = vector.shape_cast %swap3A_91 : vector<1x16xf32> to vector<16xf32>
      %swap3A_93 = vector.shape_cast %broadcast_in_dim3A_57 : vector<16xf32> to vector<1x16xf32>
      tpu.vector_store %arg9[%swap3A, %swap3A_90], %swap3A_93 {strides = array<i32>} : memref<79x128xf32, #tpu.memory_space<vmem>>, vector<1x16xf32>,
      %scan3A_94 = arith.constant 0 : i32
      scf.yield %scan3A_94 : i32
    }
    %scan3A_5 = arith.constant 632 : i32
    "tpu.region"() ({
      %run_scoped3A_55 = tpu.sem_alloc : memref<!tpu.dma_semaphore, #tpu.memory_space<semaphore_mem>>
      %dma_start3A = arith.constant 0 : i32
      %dma_start3A_56 = arith.constant 0 : i32
      %dma_start3A_57 = tpu.memref_slice %arg4[%arg1, %dma_start3A, %dma_start3A_56] : memref<16x79x128xi32, #tpu.memory_space<hbm>> -> memref<1x79x128xi32, #tpu.memory_space<hbm>>
      %dma_start3A_58 = tpu.memref_squeeze %dma_start3A_57 : memref<1x79x128xi32, #tpu.memory_space<hbm>> -> memref<79x128xi32, #tpu.memory_space<hbm>>
      %dma_start3A_59 = arith.constant 0 : i32
      %dma_start3A_60 = arith.constant 0 : i32
      %dma_start3A_61 = tpu.memref_slice %arg4[%arg1, %dma_start3A_59, %dma_start3A_60] : memref<16x79x128xi32, #tpu.memory_space<hbm>> -> memref<1x79x128xi32, #tpu.memory_space<hbm>>
      %dma_start3A_62 = tpu.memref_squeeze %dma_start3A_61 : memref<1x79x128xi32, #tpu.memory_space<hbm>> -> memref<79x128xi32, #tpu.memory_space<hbm>>
      tpu.enqueue_dma source(%dma_start3A_62 : memref<79x128xi32, #tpu.memory_space<hbm>>) target(%arg7 : memref<79x128xi32, #tpu.memory_space<vmem>>) target_semaphore(%run_scoped3A_55 : memref<!tpu.dma_semaphore, #tpu.memory_space<semaphore_mem>>)
      %dma_wait3A = arith.constant 0 : i32
      %dma_wait3A_63 = arith.constant 0 : i32
      %dma_wait3A_64 = tpu.memref_slice %arg4[%arg1, %dma_wait3A, %dma_wait3A_63] : memref<16x79x128xi32, #tpu.memory_space<hbm>> -> memref<1x79x128xi32, #tpu.memory_space<hbm>>
      %dma_wait3A_65 = tpu.memref_squeeze %dma_wait3A_64 : memref<1x79x128xi32, #tpu.memory_space<hbm>> -> memref<79x128xi32, #tpu.memory_space<hbm>>
      %dma_wait3A_66 = arith.constant 0 : i32
      %dma_wait3A_67 = arith.constant 0 : i32
      %dma_wait3A_68 = tpu.memref_slice %arg4[%arg1, %dma_wait3A_66, %dma_wait3A_67] : memref<16x79x128xi32, #tpu.memory_space<hbm>> -> memref<1x79x128xi32, #tpu.memory_space<hbm>>
      %dma_wait3A_69 = tpu.memref_squeeze %dma_wait3A_68 : memref<1x79x128xi32, #tpu.memory_space<hbm>> -> memref<79x128xi32, #tpu.memory_space<hbm>>
      tpu.wait_dma2 semaphore(%run_scoped3A_55 : memref<!tpu.dma_semaphore, #tpu.memory_space<semaphore_mem>>) src(%dma_wait3A_69 : memref<79x128xi32, #tpu.memory_space<hbm>>) dst(%arg7 : memref<79x128xi32, #tpu.memory_space<vmem>>)
      tpu.yield
    }) : () -> ()
    %mul3A = arith.constant 632 : i32
    %mul3A_6 = arith.muli %arg1, %mul3A : i32
    %min3A = arith.constant 9368 : i32
    %min3A_7 = arith.minsi %mul3A_6, %min3A : i32
    %scan3A_8 = arith.constant 0 : i32
    %scan3A_9 = arith.constant 0 : i32
    %scan3A_10 = arith.constant 8 : i32
    %scan3A_11 = arith.addi %scan3A_9, %scan3A_10 : i32
    %scan3A_12 = arith.constant 1 : i32
    %scan3A_13 = scf.for %scan3A_55 = %scan3A_9 to %scan3A_11 step %scan3A_12 iter_args(%scan3A_56 = %scan3A_8) -> (i32)  : i32 {
      %mul3A_57 = arith.constant 632 : i32
      %mul3A_58 = arith.muli %arg1, %mul3A_57 : i32
      %mul3A_59 = arith.constant 79 : i32
      %mul3A_60 = arith.muli %scan3A_55, %mul3A_59 : i32
      %add3A_61 = arith.addi %mul3A_58, %mul3A_60 : i32
      "tpu.region"() ({
        %run_scoped3A_63 = tpu.sem_alloc : memref<!tpu.dma_semaphore, #tpu.memory_space<semaphore_mem>>
        %dma_start3A = arith.constant 0 : i32
        %dma_start3A_64 = tpu.memref_slice %arg10[%add3A_61, %dma_start3A] : memref<10112x128xf32, #tpu.memory_space<vmem_shared>> -> memref<79x128xf32, #tpu.memory_space<vmem_shared>>
        %dma_start3A_65 = arith.constant 0 : i32
        %dma_start3A_66 = tpu.memref_slice %arg10[%add3A_61, %dma_start3A_65] : memref<10112x128xf32, #tpu.memory_space<vmem_shared>> -> memref<79x128xf32, #tpu.memory_space<vmem_shared>>
        tpu.enqueue_dma source(%arg9 : memref<79x128xf32, #tpu.memory_space<vmem>>) target(%dma_start3A_66 : memref<79x128xf32, #tpu.memory_space<vmem_shared>>) target_semaphore(%run_scoped3A_63 : memref<!tpu.dma_semaphore, #tpu.memory_space<semaphore_mem>>)
        %dma_wait3A = arith.constant 0 : i32
        %dma_wait3A_67 = tpu.memref_slice %arg10[%add3A_61, %dma_wait3A] : memref<10112x128xf32, #tpu.memory_space<vmem_shared>> -> memref<79x128xf32, #tpu.memory_space<vmem_shared>>
        %dma_wait3A_68 = arith.constant 0 : i32
        %dma_wait3A_69 = tpu.memref_slice %arg10[%add3A_61, %dma_wait3A_68] : memref<10112x128xf32, #tpu.memory_space<vmem_shared>> -> memref<79x128xf32, #tpu.memory_space<vmem_shared>>
        tpu.wait_dma2 semaphore(%run_scoped3A_63 : memref<!tpu.dma_semaphore, #tpu.memory_space<semaphore_mem>>) src(%arg9 : memref<79x128xf32, #tpu.memory_space<vmem>>) dst(%dma_wait3A_69 : memref<79x128xf32, #tpu.memory_space<vmem_shared>>)
        tpu.yield
      }) : () -> ()
      %scan3A_62 = arith.constant 0 : i32
      scf.yield %scan3A_62 : i32
    }
    %scan3A_14 = arith.constant 8 : i32
    %run_scoped3A = arith.constant 0 : i32
    "tpu.region"() ({
      %run_scoped3A_55 = tpu.sem_alloc : memref<!tpu.dma_semaphore, #tpu.memory_space<semaphore_mem>>
      %dma_start3A = arith.constant 0 : i32
      %dma_start3A_56 = arith.constant 0 : i32
      %dma_start3A_57 = tpu.memref_slice %arg3[%arg0, %run_scoped3A, %arg1, %dma_start3A, %dma_start3A_56] : memref<2x2x16x79x128xi32, #tpu.memory_space<hbm>> -> memref<1x1x1x79x128xi32, #tpu.memory_space<hbm>>
      %dma_start3A_58 = tpu.memref_squeeze %dma_start3A_57 : memref<1x1x1x79x128xi32, #tpu.memory_space<hbm>> -> memref<79x128xi32, #tpu.memory_space<hbm>>
      %dma_start3A_59 = arith.constant 0 : i32
      %dma_start3A_60 = arith.constant 0 : i32
      %dma_start3A_61 = tpu.memref_slice %arg3[%arg0, %run_scoped3A, %arg1, %dma_start3A_59, %dma_start3A_60] : memref<2x2x16x79x128xi32, #tpu.memory_space<hbm>> -> memref<1x1x1x79x128xi32, #tpu.memory_space<hbm>>
      %dma_start3A_62 = tpu.memref_squeeze %dma_start3A_61 : memref<1x1x1x79x128xi32, #tpu.memory_space<hbm>> -> memref<79x128xi32, #tpu.memory_space<hbm>>
      tpu.enqueue_dma source(%dma_start3A_62 : memref<79x128xi32, #tpu.memory_space<hbm>>) target(%arg6 : memref<79x128xi32, #tpu.memory_space<vmem>>) target_semaphore(%run_scoped3A_55 : memref<!tpu.dma_semaphore, #tpu.memory_space<semaphore_mem>>)
      %dma_wait3A = arith.constant 0 : i32
      %dma_wait3A_63 = arith.constant 0 : i32
      %dma_wait3A_64 = tpu.memref_slice %arg3[%arg0, %run_scoped3A, %arg1, %dma_wait3A, %dma_wait3A_63] : memref<2x2x16x79x128xi32, #tpu.memory_space<hbm>> -> memref<1x1x1x79x128xi32, #tpu.memory_space<hbm>>
      %dma_wait3A_65 = tpu.memref_squeeze %dma_wait3A_64 : memref<1x1x1x79x128xi32, #tpu.memory_space<hbm>> -> memref<79x128xi32, #tpu.memory_space<hbm>>
      %dma_wait3A_66 = arith.constant 0 : i32
      %dma_wait3A_67 = arith.constant 0 : i32
      %dma_wait3A_68 = tpu.memref_slice %arg3[%arg0, %run_scoped3A, %arg1, %dma_wait3A_66, %dma_wait3A_67] : memref<2x2x16x79x128xi32, #tpu.memory_space<hbm>> -> memref<1x1x1x79x128xi32, #tpu.memory_space<hbm>>
      %dma_wait3A_69 = tpu.memref_squeeze %dma_wait3A_68 : memref<1x1x1x79x128xi32, #tpu.memory_space<hbm>> -> memref<79x128xi32, #tpu.memory_space<hbm>>
      tpu.wait_dma2 semaphore(%run_scoped3A_55 : memref<!tpu.dma_semaphore, #tpu.memory_space<semaphore_mem>>) src(%dma_wait3A_69 : memref<79x128xi32, #tpu.memory_space<hbm>>) dst(%arg6 : memref<79x128xi32, #tpu.memory_space<vmem>>)
      tpu.yield
    }) : () -> ()
    %barrier3A = arith.constant 0 : index
    tpu.barrier barrier_id(%barrier3A)
    %scan3A_15 = arith.constant 0 : i32
    %scan3A_16 = arith.constant 0 : i32
    %scan3A_17 = arith.constant 79 : i32
    %scan3A_18 = arith.addi %scan3A_16, %scan3A_17 : i32
    %scan3A_19 = arith.constant 1 : i32
    %scan3A_20 = scf.for %scan3A_55 = %scan3A_16 to %scan3A_18 step %scan3A_19 iter_args(%scan3A_56 = %scan3A_15) -> (i32)  : i32 {
      %dma_start3A = arith.constant 0 : i32
      %dma_start3A_57 = tpu.memref_slice %arg6[%scan3A_55, %dma_start3A] : memref<79x128xi32, #tpu.memory_space<vmem>> -> memref<1x128xi32, #tpu.memory_space<vmem>>
      %dma_start3A_58 = tpu.memref_squeeze %dma_start3A_57 : memref<1x128xi32, #tpu.memory_space<vmem>> -> memref<128xi32, #tpu.memory_space<vmem>>
      %dma_start3A_59 = arith.constant 0 : i32
      %dma_start3A_60 = arith.constant 0 : i32
      %dma_start3A_61 = tpu.memref_slice %arg2[%dma_start3A_59, %dma_start3A_60] : memref<40000x128xf32, #tpu.memory_space<hbm>> -> memref<40000x128xf32, #tpu.memory_space<hbm>>
      tpu.enqueue_indirect_dma source(%dma_start3A_61 : memref<40000x128xf32, #tpu.memory_space<hbm>>) target(%arg8 : memref<128x128xf32, #tpu.memory_space<vmem>>) offsets(%dma_start3A_58 : memref<128xi32, #tpu.memory_space<vmem>>) semaphore(%arg11 : memref<!tpu.dma_semaphore, #tpu.memory_space<semaphore_mem>>)
      %dma_wait3A = arith.constant 0 : i32
      %dma_wait3A_62 = tpu.memref_slice %arg6[%scan3A_55, %dma_wait3A] : memref<79x128xi32, #tpu.memory_space<vmem>> -> memref<1x128xi32, #tpu.memory_space<vmem>>
      %dma_wait3A_63 = tpu.memref_squeeze %dma_wait3A_62 : memref<1x128xi32, #tpu.memory_space<vmem>> -> memref<128xi32, #tpu.memory_space<vmem>>
      %dma_wait3A_64 = arith.constant 0 : i32
      %dma_wait3A_65 = arith.constant 0 : i32
      %dma_wait3A_66 = tpu.memref_slice %arg2[%dma_wait3A_64, %dma_wait3A_65] : memref<40000x128xf32, #tpu.memory_space<hbm>> -> memref<40000x128xf32, #tpu.memory_space<hbm>>
      tpu.wait_indirect_dma semaphore(%arg11 : memref<!tpu.dma_semaphore, #tpu.memory_space<semaphore_mem>>) src(%dma_wait3A_66 : memref<40000x128xf32, #tpu.memory_space<hbm>>) dst(%arg8 : memref<128x128xf32, #tpu.memory_space<vmem>>)
      "tpu.region"() ({
        %run_scoped3A_68 = tpu.sem_alloc : memref<!tpu.dma_semaphore, #tpu.memory_space<semaphore_mem>>
        %dma_start3A_69 = arith.constant 0 : i32
        %dma_start3A_70 = tpu.memref_slice %arg7[%scan3A_55, %dma_start3A_69] : memref<79x128xi32, #tpu.memory_space<vmem>> -> memref<1x128xi32, #tpu.memory_space<vmem>>
        %dma_start3A_71 = tpu.memref_squeeze %dma_start3A_70 : memref<1x128xi32, #tpu.memory_space<vmem>> -> memref<128xi32, #tpu.memory_space<vmem>>
        %dma_start3A_72 = arith.constant 0 : i32
        %dma_start3A_73 = arith.constant 0 : i32
        %dma_start3A_74 = tpu.memref_slice %arg10[%dma_start3A_72, %dma_start3A_73] : memref<10112x128xf32, #tpu.memory_space<vmem_shared>> -> memref<10112x128xf32, #tpu.memory_space<vmem_shared>>
        tpu.enqueue_indirect_dma source(%arg8 : memref<128x128xf32, #tpu.memory_space<vmem>>) target(%dma_start3A_74 : memref<10112x128xf32, #tpu.memory_space<vmem_shared>>) offsets(%dma_start3A_71 : memref<128xi32, #tpu.memory_space<vmem>>) semaphore(%run_scoped3A_68 : memref<!tpu.dma_semaphore, #tpu.memory_space<semaphore_mem>>) {add = true}
        %dma_wait3A_75 = arith.constant 0 : i32
        %dma_wait3A_76 = tpu.memref_slice %arg7[%scan3A_55, %dma_wait3A_75] : memref<79x128xi32, #tpu.memory_space<vmem>> -> memref<1x128xi32, #tpu.memory_space<vmem>>
        %dma_wait3A_77 = tpu.memref_squeeze %dma_wait3A_76 : memref<1x128xi32, #tpu.memory_space<vmem>> -> memref<128xi32, #tpu.memory_space<vmem>>
        %dma_wait3A_78 = arith.constant 0 : i32
        %dma_wait3A_79 = arith.constant 0 : i32
        %dma_wait3A_80 = tpu.memref_slice %arg10[%dma_wait3A_78, %dma_wait3A_79] : memref<10112x128xf32, #tpu.memory_space<vmem_shared>> -> memref<10112x128xf32, #tpu.memory_space<vmem_shared>>
        tpu.wait_indirect_dma semaphore(%run_scoped3A_68 : memref<!tpu.dma_semaphore, #tpu.memory_space<semaphore_mem>>) src(%arg8 : memref<128x128xf32, #tpu.memory_space<vmem>>) dst(%dma_wait3A_80 : memref<10112x128xf32, #tpu.memory_space<vmem_shared>>)
        tpu.yield
      }) : () -> ()
      %scan3A_67 = arith.constant 0 : i32
      scf.yield %scan3A_67 : i32
    }
    %scan3A_21 = arith.constant 79 : i32
    %barrier3A_22 = arith.constant 0 : index
    tpu.barrier barrier_id(%barrier3A_22)
    %mul3A_23 = arith.constant 2 : i32
    %mul3A_24 = arith.muli %arg0, %mul3A_23 : i32
    %add3A = arith.constant 0 : i32
    %add3A_25 = arith.addi %mul3A_24, %add3A : i32
    %mul3A_26 = arith.constant 10000 : i32
    %mul3A_27 = arith.muli %add3A_25, %mul3A_26 : i32
    %add3A_28 = arith.addi %mul3A_27, %min3A_7 : i32
    "tpu.region"() ({
      %run_scoped3A_55 = tpu.sem_alloc : memref<!tpu.dma_semaphore, #tpu.memory_space<semaphore_mem>>
      %dma_start3A = arith.constant 0 : i32
      %dma_start3A_56 = tpu.memref_slice %arg5[%add3A_28, %dma_start3A] : memref<40000x128xf32, #tpu.memory_space<hbm>> -> memref<632x128xf32, #tpu.memory_space<hbm>>
      %dma_start3A_57 = arith.constant 0 : i32
      %dma_start3A_58 = tpu.memref_slice %arg10[%min3A_7, %dma_start3A_57] : memref<10112x128xf32, #tpu.memory_space<vmem_shared>> -> memref<632x128xf32, #tpu.memory_space<vmem_shared>>
      tpu.enqueue_dma source(%dma_start3A_58 : memref<632x128xf32, #tpu.memory_space<vmem_shared>>) target(%dma_start3A_56 : memref<632x128xf32, #tpu.memory_space<hbm>>) target_semaphore(%run_scoped3A_55 : memref<!tpu.dma_semaphore, #tpu.memory_space<semaphore_mem>>)
      %dma_wait3A = arith.constant 0 : i32
      %dma_wait3A_59 = tpu.memref_slice %arg5[%add3A_28, %dma_wait3A] : memref<40000x128xf32, #tpu.memory_space<hbm>> -> memref<632x128xf32, #tpu.memory_space<hbm>>
      %dma_wait3A_60 = arith.constant 0 : i32
      %dma_wait3A_61 = tpu.memref_slice %arg10[%min3A_7, %dma_wait3A_60] : memref<10112x128xf32, #tpu.memory_space<vmem_shared>> -> memref<632x128xf32, #tpu.memory_space<vmem_shared>>
      tpu.wait_dma2 semaphore(%run_scoped3A_55 : memref<!tpu.dma_semaphore, #tpu.memory_space<semaphore_mem>>) src(%dma_wait3A_61 : memref<632x128xf32, #tpu.memory_space<vmem_shared>>) dst(%dma_wait3A_59 : memref<632x128xf32, #tpu.memory_space<hbm>>)
      tpu.yield
    }) : () -> ()
    %barrier3A_29 = arith.constant 0 : index
    tpu.barrier barrier_id(%barrier3A_29)
    %scan3A_30 = arith.constant 0 : i32
    %scan3A_31 = arith.constant 0 : i32
    %scan3A_32 = arith.constant 8 : i32
    %scan3A_33 = arith.addi %scan3A_31, %scan3A_32 : i32
    %scan3A_34 = arith.constant 1 : i32
    %scan3A_35 = scf.for %scan3A_55 = %scan3A_31 to %scan3A_33 step %scan3A_34 iter_args(%scan3A_56 = %scan3A_30) -> (i32)  : i32 {
      %mul3A_57 = arith.constant 632 : i32
      %mul3A_58 = arith.muli %arg1, %mul3A_57 : i32
      %mul3A_59 = arith.constant 79 : i32
      %mul3A_60 = arith.muli %scan3A_55, %mul3A_59 : i32
      %add3A_61 = arith.addi %mul3A_58, %mul3A_60 : i32
      "tpu.region"() ({
        %run_scoped3A_63 = tpu.sem_alloc : memref<!tpu.dma_semaphore, #tpu.memory_space<semaphore_mem>>
        %dma_start3A = arith.constant 0 : i32
        %dma_start3A_64 = tpu.memref_slice %arg10[%add3A_61, %dma_start3A] : memref<10112x128xf32, #tpu.memory_space<vmem_shared>> -> memref<79x128xf32, #tpu.memory_space<vmem_shared>>
        %dma_start3A_65 = arith.constant 0 : i32
        %dma_start3A_66 = tpu.memref_slice %arg10[%add3A_61, %dma_start3A_65] : memref<10112x128xf32, #tpu.memory_space<vmem_shared>> -> memref<79x128xf32, #tpu.memory_space<vmem_shared>>
        tpu.enqueue_dma source(%arg9 : memref<79x128xf32, #tpu.memory_space<vmem>>) target(%dma_start3A_66 : memref<79x128xf32, #tpu.memory_space<vmem_shared>>) target_semaphore(%run_scoped3A_63 : memref<!tpu.dma_semaphore, #tpu.memory_space<semaphore_mem>>)
        %dma_wait3A = arith.constant 0 : i32
        %dma_wait3A_67 = tpu.memref_slice %arg10[%add3A_61, %dma_wait3A] : memref<10112x128xf32, #tpu.memory_space<vmem_shared>> -> memref<79x128xf32, #tpu.memory_space<vmem_shared>>
        %dma_wait3A_68 = arith.constant 0 : i32
        %dma_wait3A_69 = tpu.memref_slice %arg10[%add3A_61, %dma_wait3A_68] : memref<10112x128xf32, #tpu.memory_space<vmem_shared>> -> memref<79x128xf32, #tpu.memory_space<vmem_shared>>
        tpu.wait_dma2 semaphore(%run_scoped3A_63 : memref<!tpu.dma_semaphore, #tpu.memory_space<semaphore_mem>>) src(%arg9 : memref<79x128xf32, #tpu.memory_space<vmem>>) dst(%dma_wait3A_69 : memref<79x128xf32, #tpu.memory_space<vmem_shared>>)
        tpu.yield
      }) : () -> ()
      %scan3A_62 = arith.constant 0 : i32
      scf.yield %scan3A_62 : i32
    }
    %scan3A_36 = arith.constant 8 : i32
    %run_scoped3A_37 = arith.constant 1 : i32
    "tpu.region"() ({
      %run_scoped3A_55 = tpu.sem_alloc : memref<!tpu.dma_semaphore, #tpu.memory_space<semaphore_mem>>
      %dma_start3A = arith.constant 0 : i32
      %dma_start3A_56 = arith.constant 0 : i32
      %dma_start3A_57 = tpu.memref_slice %arg3[%arg0, %run_scoped3A_37, %arg1, %dma_start3A, %dma_start3A_56] : memref<2x2x16x79x128xi32, #tpu.memory_space<hbm>> -> memref<1x1x1x79x128xi32, #tpu.memory_space<hbm>>
      %dma_start3A_58 = tpu.memref_squeeze %dma_start3A_57 : memref<1x1x1x79x128xi32, #tpu.memory_space<hbm>> -> memref<79x128xi32, #tpu.memory_space<hbm>>
      %dma_start3A_59 = arith.constant 0 : i32
      %dma_start3A_60 = arith.constant 0 : i32
      %dma_start3A_61 = tpu.memref_slice %arg3[%arg0, %run_scoped3A_37, %arg1, %dma_start3A_59, %dma_start3A_60] : memref<2x2x16x79x128xi32, #tpu.memory_space<hbm>> -> memref<1x1x1x79x128xi32, #tpu.memory_space<hbm>>
      %dma_start3A_62 = tpu.memref_squeeze %dma_start3A_61 : memref<1x1x1x79x128xi32, #tpu.memory_space<hbm>> -> memref<79x128xi32, #tpu.memory_space<hbm>>
      tpu.enqueue_dma source(%dma_start3A_62 : memref<79x128xi32, #tpu.memory_space<hbm>>) target(%arg6 : memref<79x128xi32, #tpu.memory_space<vmem>>) target_semaphore(%run_scoped3A_55 : memref<!tpu.dma_semaphore, #tpu.memory_space<semaphore_mem>>)
      %dma_wait3A = arith.constant 0 : i32
      %dma_wait3A_63 = arith.constant 0 : i32
      %dma_wait3A_64 = tpu.memref_slice %arg3[%arg0, %run_scoped3A_37, %arg1, %dma_wait3A, %dma_wait3A_63] : memref<2x2x16x79x128xi32, #tpu.memory_space<hbm>> -> memref<1x1x1x79x128xi32, #tpu.memory_space<hbm>>
      %dma_wait3A_65 = tpu.memref_squeeze %dma_wait3A_64 : memref<1x1x1x79x128xi32, #tpu.memory_space<hbm>> -> memref<79x128xi32, #tpu.memory_space<hbm>>
      %dma_wait3A_66 = arith.constant 0 : i32
      %dma_wait3A_67 = arith.constant 0 : i32
      %dma_wait3A_68 = tpu.memref_slice %arg3[%arg0, %run_scoped3A_37, %arg1, %dma_wait3A_66, %dma_wait3A_67] : memref<2x2x16x79x128xi32, #tpu.memory_space<hbm>> -> memref<1x1x1x79x128xi32, #tpu.memory_space<hbm>>
      %dma_wait3A_69 = tpu.memref_squeeze %dma_wait3A_68 : memref<1x1x1x79x128xi32, #tpu.memory_space<hbm>> -> memref<79x128xi32, #tpu.memory_space<hbm>>
      tpu.wait_dma2 semaphore(%run_scoped3A_55 : memref<!tpu.dma_semaphore, #tpu.memory_space<semaphore_mem>>) src(%dma_wait3A_69 : memref<79x128xi32, #tpu.memory_space<hbm>>) dst(%arg6 : memref<79x128xi32, #tpu.memory_space<vmem>>)
      tpu.yield
    }) : () -> ()
    %barrier3A_38 = arith.constant 0 : index
    tpu.barrier barrier_id(%barrier3A_38)
    %scan3A_39 = arith.constant 0 : i32
    %scan3A_40 = arith.constant 0 : i32
    %scan3A_41 = arith.constant 79 : i32
    %scan3A_42 = arith.addi %scan3A_40, %scan3A_41 : i32
    %scan3A_43 = arith.constant 1 : i32
    %scan3A_44 = scf.for %scan3A_55 = %scan3A_40 to %scan3A_42 step %scan3A_43 iter_args(%scan3A_56 = %scan3A_39) -> (i32)  : i32 {
      %dma_start3A = arith.constant 0 : i32
      %dma_start3A_57 = tpu.memref_slice %arg6[%scan3A_55, %dma_start3A] : memref<79x128xi32, #tpu.memory_space<vmem>> -> memref<1x128xi32, #tpu.memory_space<vmem>>
      %dma_start3A_58 = tpu.memref_squeeze %dma_start3A_57 : memref<1x128xi32, #tpu.memory_space<vmem>> -> memref<128xi32, #tpu.memory_space<vmem>>
      %dma_start3A_59 = arith.constant 0 : i32
      %dma_start3A_60 = arith.constant 0 : i32
      %dma_start3A_61 = tpu.memref_slice %arg2[%dma_start3A_59, %dma_start3A_60] : memref<40000x128xf32, #tpu.memory_space<hbm>> -> memref<40000x128xf32, #tpu.memory_space<hbm>>
      tpu.enqueue_indirect_dma source(%dma_start3A_61 : memref<40000x128xf32, #tpu.memory_space<hbm>>) target(%arg8 : memref<128x128xf32, #tpu.memory_space<vmem>>) offsets(%dma_start3A_58 : memref<128xi32, #tpu.memory_space<vmem>>) semaphore(%arg11 : memref<!tpu.dma_semaphore, #tpu.memory_space<semaphore_mem>>)
      %dma_wait3A = arith.constant 0 : i32
      %dma_wait3A_62 = tpu.memref_slice %arg6[%scan3A_55, %dma_wait3A] : memref<79x128xi32, #tpu.memory_space<vmem>> -> memref<1x128xi32, #tpu.memory_space<vmem>>
      %dma_wait3A_63 = tpu.memref_squeeze %dma_wait3A_62 : memref<1x128xi32, #tpu.memory_space<vmem>> -> memref<128xi32, #tpu.memory_space<vmem>>
      %dma_wait3A_64 = arith.constant 0 : i32
      %dma_wait3A_65 = arith.constant 0 : i32
      %dma_wait3A_66 = tpu.memref_slice %arg2[%dma_wait3A_64, %dma_wait3A_65] : memref<40000x128xf32, #tpu.memory_space<hbm>> -> memref<40000x128xf32, #tpu.memory_space<hbm>>
      tpu.wait_indirect_dma semaphore(%arg11 : memref<!tpu.dma_semaphore, #tpu.memory_space<semaphore_mem>>) src(%dma_wait3A_66 : memref<40000x128xf32, #tpu.memory_space<hbm>>) dst(%arg8 : memref<128x128xf32, #tpu.memory_space<vmem>>)
      "tpu.region"() ({
        %run_scoped3A_68 = tpu.sem_alloc : memref<!tpu.dma_semaphore, #tpu.memory_space<semaphore_mem>>
        %dma_start3A_69 = arith.constant 0 : i32
        %dma_start3A_70 = tpu.memref_slice %arg7[%scan3A_55, %dma_start3A_69] : memref<79x128xi32, #tpu.memory_space<vmem>> -> memref<1x128xi32, #tpu.memory_space<vmem>>
        %dma_start3A_71 = tpu.memref_squeeze %dma_start3A_70 : memref<1x128xi32, #tpu.memory_space<vmem>> -> memref<128xi32, #tpu.memory_space<vmem>>
        %dma_start3A_72 = arith.constant 0 : i32
        %dma_start3A_73 = arith.constant 0 : i32
        %dma_start3A_74 = tpu.memref_slice %arg10[%dma_start3A_72, %dma_start3A_73] : memref<10112x128xf32, #tpu.memory_space<vmem_shared>> -> memref<10112x128xf32, #tpu.memory_space<vmem_shared>>
        tpu.enqueue_indirect_dma source(%arg8 : memref<128x128xf32, #tpu.memory_space<vmem>>) target(%dma_start3A_74 : memref<10112x128xf32, #tpu.memory_space<vmem_shared>>) offsets(%dma_start3A_71 : memref<128xi32, #tpu.memory_space<vmem>>) semaphore(%run_scoped3A_68 : memref<!tpu.dma_semaphore, #tpu.memory_space<semaphore_mem>>) {add = true}
        %dma_wait3A_75 = arith.constant 0 : i32
        %dma_wait3A_76 = tpu.memref_slice %arg7[%scan3A_55, %dma_wait3A_75] : memref<79x128xi32, #tpu.memory_space<vmem>> -> memref<1x128xi32, #tpu.memory_space<vmem>>
        %dma_wait3A_77 = tpu.memref_squeeze %dma_wait3A_76 : memref<1x128xi32, #tpu.memory_space<vmem>> -> memref<128xi32, #tpu.memory_space<vmem>>
        %dma_wait3A_78 = arith.constant 0 : i32
        %dma_wait3A_79 = arith.constant 0 : i32
        %dma_wait3A_80 = tpu.memref_slice %arg10[%dma_wait3A_78, %dma_wait3A_79] : memref<10112x128xf32, #tpu.memory_space<vmem_shared>> -> memref<10112x128xf32, #tpu.memory_space<vmem_shared>>
        tpu.wait_indirect_dma semaphore(%run_scoped3A_68 : memref<!tpu.dma_semaphore, #tpu.memory_space<semaphore_mem>>) src(%arg8 : memref<128x128xf32, #tpu.memory_space<vmem>>) dst(%dma_wait3A_80 : memref<10112x128xf32, #tpu.memory_space<vmem_shared>>)
        tpu.yield
      }) : () -> ()
      %scan3A_67 = arith.constant 0 : i32
      scf.yield %scan3A_67 : i32
    }
    %scan3A_45 = arith.constant 79 : i32
    %barrier3A_46 = arith.constant 0 : index
    tpu.barrier barrier_id(%barrier3A_46)
    %mul3A_47 = arith.constant 2 : i32
    %mul3A_48 = arith.muli %arg0, %mul3A_47 : i32
    %add3A_49 = arith.constant 1 : i32
    %add3A_50 = arith.addi %mul3A_48, %add3A_49 : i32
    %mul3A_51 = arith.constant 10000 : i32
    %mul3A_52 = arith.muli %add3A_50, %mul3A_51 : i32
    %add3A_53 = arith.addi %mul3A_52, %min3A_7 : i32
    "tpu.region"() ({
      %run_scoped3A_55 = tpu.sem_alloc : memref<!tpu.dma_semaphore, #tpu.memory_space<semaphore_mem>>
      %dma_start3A = arith.constant 0 : i32
      %dma_start3A_56 = tpu.memref_slice %arg5[%add3A_53, %dma_start3A] : memref<40000x128xf32, #tpu.memory_space<hbm>> -> memref<632x128xf32, #tpu.memory_space<hbm>>
      %dma_start3A_57 = arith.constant 0 : i32
      %dma_start3A_58 = tpu.memref_slice %arg10[%min3A_7, %dma_start3A_57] : memref<10112x128xf32, #tpu.memory_space<vmem_shared>> -> memref<632x128xf32, #tpu.memory_space<vmem_shared>>
      tpu.enqueue_dma source(%dma_start3A_58 : memref<632x128xf32, #tpu.memory_space<vmem_shared>>) target(%dma_start3A_56 : memref<632x128xf32, #tpu.memory_space<hbm>>) target_semaphore(%run_scoped3A_55 : memref<!tpu.dma_semaphore, #tpu.memory_space<semaphore_mem>>)
      %dma_wait3A = arith.constant 0 : i32
      %dma_wait3A_59 = tpu.memref_slice %arg5[%add3A_53, %dma_wait3A] : memref<40000x128xf32, #tpu.memory_space<hbm>> -> memref<632x128xf32, #tpu.memory_space<hbm>>
      %dma_wait3A_60 = arith.constant 0 : i32
      %dma_wait3A_61 = tpu.memref_slice %arg10[%min3A_7, %dma_wait3A_60] : memref<10112x128xf32, #tpu.memory_space<vmem_shared>> -> memref<632x128xf32, #tpu.memory_space<vmem_shared>>
      tpu.wait_dma2 semaphore(%run_scoped3A_55 : memref<!tpu.dma_semaphore, #tpu.memory_space<semaphore_mem>>) src(%dma_wait3A_61 : memref<632x128xf32, #tpu.memory_space<vmem_shared>>) dst(%dma_wait3A_59 : memref<632x128xf32, #tpu.memory_space<hbm>>)
      tpu.yield
    }) : () -> ()
    %barrier3A_54 = arith.constant 0 : index
    tpu.barrier barrier_id(%barrier3A_54)
    return
  }
}

#map = affine_map<(d0, d1) -> (0, 0)>
#map1 = affine_map<(d0, d1) -> (0, 0, 0, 0, 0)>
#map2 = affine_map<(d0, d1) -> (0, 0, 0)>
module attributes {stable_mosaic.version = 14 : i64} {
  func.func @_segsum_body(%arg0: i32, %arg1: i32, %arg2: memref<40000x128xf32, #tpu.memory_space<hbm>>, %arg3: memref<2x2x16x79x128xi32, #tpu.memory_space<hbm>>, %arg4: memref<16x79x128xi32, #tpu.memory_space<hbm>>, %arg5: memref<40000x128xf32, #tpu.memory_space<hbm>>, %arg6: memref<79x128xi32, #tpu.memory_space<vmem>>, %arg7: memref<79x128xi32, #tpu.memory_space<vmem>>, %arg8: memref<128x128xf32, #tpu.memory_space<vmem>>, %arg9: memref<79x128xf32, #tpu.memory_space<vmem>>, %arg10: memref<10112x128xf32, #tpu.memory_space<vmem_shared>>, %arg11: memref<!tpu.dma_semaphore, #tpu.memory_space<semaphore_mem>>) attributes {dimension_semantics = [#tpu.dimension_semantics<core_parallel>, #tpu.dimension_semantics<subcore_parallel>], iteration_bounds = array<i64: 2, 16>, scalar_prefetch = 0 : i64, scratch_operands = 6 : i64, tpu.core_type = #tpu.core_type<sc_vector_subcore>, window_params = [{transform_indices = #map}, {transform_indices = #map1}, {transform_indices = #map2}, {transform_indices = #map}]} {
    %scan3A = arith.constant 0 : i32
    %scan3A_0 = arith.constant 0 : i32
    %scan3A_1 = arith.constant 632 : i32
    %scan3A_2 = arith.addi %scan3A_0, %scan3A_1 : i32
    %scan3A_3 = arith.constant 1 : i32
    %scan3A_4 = scf.for %scan3A_55 = %scan3A_0 to %scan3A_2 step %scan3A_3 iter_args(%scan3A_56 = %scan3A) -> (i32)  : i32 {
      %broadcast_in_dim3A = arith.constant 0.000000e+00 : f32
      %broadcast_in_dim3A_57 = vector.broadcast %broadcast_in_dim3A : f32 to vector<16xf32>
      %jit3A = arith.constant 8 : i32
      %div3A = arith.divsi %scan3A_55, %jit3A : i32
      %sign3A = arith.constant 0 : i32
      %sign3A_58 = arith.cmpi sgt, %scan3A_55, %sign3A : i32
      %sign3A_59 = arith.extui %sign3A_58 : i1 to i32
      %sign3A_60 = arith.constant 0 : i32
      %sign3A_61 = arith.cmpi slt, %scan3A_55, %sign3A_60 : i32
      %sign3A_62 = arith.extui %sign3A_61 : i1 to i32
      %sign3A_63 = arith.subi %sign3A_59, %sign3A_62 : i32
      %sign3A_64 = arith.constant 0 : i32
      %sign3A_65 = arith.cmpi sgt, %jit3A, %sign3A_64 : i32
      %sign3A_66 = arith.extui %sign3A_65 : i1 to i32
      %sign3A_67 = arith.constant 0 : i32
      %sign3A_68 = arith.cmpi slt, %jit3A, %sign3A_67 : i32
      %sign3A_69 = arith.extui %sign3A_68 : i1 to i32
      %sign3A_70 = arith.subi %sign3A_66, %sign3A_69 : i32
      %ne3A = arith.cmpi ne, %sign3A_63, %sign3A_70 : i32
      %rem3A = arith.remsi %scan3A_55, %jit3A : i32
      %ne3A_71 = arith.constant 0 : i32
      %ne3A_72 = arith.cmpi ne, %rem3A, %ne3A_71 : i32
      %and3A = arith.andi %ne3A, %ne3A_72 : i1
      %sub3A = arith.constant 1 : i32
      %sub3A_73 = arith.subi %div3A, %sub3A : i32
      %select_n3A = arith.select %and3A, %sub3A_73, %div3A : i32
      %jit3A_74 = arith.constant 8 : i32
      %eq3A = arith.constant 0 : i32
      %eq3A_75 = arith.cmpi eq, %jit3A_74, %eq3A : i32
      %jit3A_76 = arith.constant 1 : i32
      %select_n3A_77 = arith.select %eq3A_75, %jit3A_76, %jit3A_74 : i32
      %rem3A_78 = arith.remsi %scan3A_55, %select_n3A_77 : i32
      %ne3A_79 = arith.constant 0 : i32
      %ne3A_80 = arith.cmpi ne, %rem3A_78, %ne3A_79 : i32
      %lt3A = arith.constant 0 : i32
      %lt3A_81 = arith.cmpi slt, %rem3A_78, %lt3A : i32
      %lt3A_82 = arith.constant 0 : i32
      %lt3A_83 = arith.cmpi slt, %select_n3A_77, %lt3A_82 : i32
      %ne3A_84 = arith.xori %lt3A_81, %lt3A_83 : i1
      %and3A_85 = arith.andi %ne3A_84, %ne3A_80 : i1
      %add3A_86 = arith.addi %rem3A_78, %select_n3A_77 : i32
      %select_n3A_87 = arith.select %and3A_85, %add3A_86, %rem3A_78 : i32
      %mul3A_88 = arith.constant 16 : i32
      %mul3A_89 = arith.muli %select_n3A_87, %mul3A_88 : i32
      %swap3A = arith.index_cast %select_n3A : i32 to index
      %swap3A_90 = arith.index_cast %mul3A_89 : i32 to index
      %swap3A_91 = tpu.vector_load %arg9[%swap3A, %swap3A_90] {strides = array<i32>} : memref<79x128xf32, #tpu.memory_space<vmem>>, vector<1x16xf32>,
      %swap3A_92 = vector.shape_cast %swap3A_91 : vector<1x16xf32> to vector<16xf32>
      %swap3A_93 = vector.shape_cast %broadcast_in_dim3A_57 : vector<16xf32> to vector<1x16xf32>
      tpu.vector_store %arg9[%swap3A, %swap3A_90], %swap3A_93 {strides = array<i32>} : memref<79x128xf32, #tpu.memory_space<vmem>>, vector<1x16xf32>,
      %scan3A_94 = arith.constant 0 : i32
      scf.yield %scan3A_94 : i32
    }
    %scan3A_5 = arith.constant 632 : i32
    "tpu.region"() ({
      %run_scoped3A_55 = tpu.sem_alloc : memref<!tpu.dma_semaphore, #tpu.memory_space<semaphore_mem>>
      %dma_start3A = arith.constant 0 : i32
      %dma_start3A_56 = arith.constant 0 : i32
      %dma_start3A_57 = tpu.memref_slice %arg4[%arg1, %dma_start3A, %dma_start3A_56] : memref<16x79x128xi32, #tpu.memory_space<hbm>> -> memref<1x79x128xi32, #tpu.memory_space<hbm>>
      %dma_start3A_58 = tpu.memref_squeeze %dma_start3A_57 : memref<1x79x128xi32, #tpu.memory_space<hbm>> -> memref<79x128xi32, #tpu.memory_space<hbm>>
      %dma_start3A_59 = arith.constant 0 : i32
      %dma_start3A_60 = arith.constant 0 : i32
      %dma_start3A_61 = tpu.memref_slice %arg4[%arg1, %dma_start3A_59, %dma_start3A_60] : memref<16x79x128xi32, #tpu.memory_space<hbm>> -> memref<1x79x128xi32, #tpu.memory_space<hbm>>
      %dma_start3A_62 = tpu.memref_squeeze %dma_start3A_61 : memref<1x79x128xi32, #tpu.memory_space<hbm>> -> memref<79x128xi32, #tpu.memory_space<hbm>>
      tpu.enqueue_dma source(%dma_start3A_62 : memref<79x128xi32, #tpu.memory_space<hbm>>) target(%arg7 : memref<79x128xi32, #tpu.memory_space<vmem>>) target_semaphore(%run_scoped3A_55 : memref<!tpu.dma_semaphore, #tpu.memory_space<semaphore_mem>>)
      %dma_wait3A = arith.constant 0 : i32
      %dma_wait3A_63 = arith.constant 0 : i32
      %dma_wait3A_64 = tpu.memref_slice %arg4[%arg1, %dma_wait3A, %dma_wait3A_63] : memref<16x79x128xi32, #tpu.memory_space<hbm>> -> memref<1x79x128xi32, #tpu.memory_space<hbm>>
      %dma_wait3A_65 = tpu.memref_squeeze %dma_wait3A_64 : memref<1x79x128xi32, #tpu.memory_space<hbm>> -> memref<79x128xi32, #tpu.memory_space<hbm>>
      %dma_wait3A_66 = arith.constant 0 : i32
      %dma_wait3A_67 = arith.constant 0 : i32
      %dma_wait3A_68 = tpu.memref_slice %arg4[%arg1, %dma_wait3A_66, %dma_wait3A_67] : memref<16x79x128xi32, #tpu.memory_space<hbm>> -> memref<1x79x128xi32, #tpu.memory_space<hbm>>
      %dma_wait3A_69 = tpu.memref_squeeze %dma_wait3A_68 : memref<1x79x128xi32, #tpu.memory_space<hbm>> -> memref<79x128xi32, #tpu.memory_space<hbm>>
      tpu.wait_dma2 semaphore(%run_scoped3A_55 : memref<!tpu.dma_semaphore, #tpu.memory_space<semaphore_mem>>) src(%dma_wait3A_69 : memref<79x128xi32, #tpu.memory_space<hbm>>) dst(%arg7 : memref<79x128xi32, #tpu.memory_space<vmem>>)
      tpu.yield
    }) : () -> ()
    %mul3A = arith.constant 632 : i32
    %mul3A_6 = arith.muli %arg1, %mul3A : i32
    %min3A = arith.constant 9368 : i32
    %min3A_7 = arith.minsi %mul3A_6, %min3A : i32
    %scan3A_8 = arith.constant 0 : i32
    %scan3A_9 = arith.constant 0 : i32
    %scan3A_10 = arith.constant 8 : i32
    %scan3A_11 = arith.addi %scan3A_9, %scan3A_10 : i32
    %scan3A_12 = arith.constant 1 : i32
    %scan3A_13 = scf.for %scan3A_55 = %scan3A_9 to %scan3A_11 step %scan3A_12 iter_args(%scan3A_56 = %scan3A_8) -> (i32)  : i32 {
      %mul3A_57 = arith.constant 632 : i32
      %mul3A_58 = arith.muli %arg1, %mul3A_57 : i32
      %mul3A_59 = arith.constant 79 : i32
      %mul3A_60 = arith.muli %scan3A_55, %mul3A_59 : i32
      %add3A_61 = arith.addi %mul3A_58, %mul3A_60 : i32
      "tpu.region"() ({
        %run_scoped3A_63 = tpu.sem_alloc : memref<!tpu.dma_semaphore, #tpu.memory_space<semaphore_mem>>
        %dma_start3A = arith.constant 0 : i32
        %dma_start3A_64 = tpu.memref_slice %arg10[%add3A_61, %dma_start3A] : memref<10112x128xf32, #tpu.memory_space<vmem_shared>> -> memref<79x128xf32, #tpu.memory_space<vmem_shared>>
        %dma_start3A_65 = arith.constant 0 : i32
        %dma_start3A_66 = tpu.memref_slice %arg10[%add3A_61, %dma_start3A_65] : memref<10112x128xf32, #tpu.memory_space<vmem_shared>> -> memref<79x128xf32, #tpu.memory_space<vmem_shared>>
        tpu.enqueue_dma source(%arg9 : memref<79x128xf32, #tpu.memory_space<vmem>>) target(%dma_start3A_66 : memref<79x128xf32, #tpu.memory_space<vmem_shared>>) target_semaphore(%run_scoped3A_63 : memref<!tpu.dma_semaphore, #tpu.memory_space<semaphore_mem>>)
        %dma_wait3A = arith.constant 0 : i32
        %dma_wait3A_67 = tpu.memref_slice %arg10[%add3A_61, %dma_wait3A] : memref<10112x128xf32, #tpu.memory_space<vmem_shared>> -> memref<79x128xf32, #tpu.memory_space<vmem_shared>>
        %dma_wait3A_68 = arith.constant 0 : i32
        %dma_wait3A_69 = tpu.memref_slice %arg10[%add3A_61, %dma_wait3A_68] : memref<10112x128xf32, #tpu.memory_space<vmem_shared>> -> memref<79x128xf32, #tpu.memory_space<vmem_shared>>
        tpu.wait_dma2 semaphore(%run_scoped3A_63 : memref<!tpu.dma_semaphore, #tpu.memory_space<semaphore_mem>>) src(%arg9 : memref<79x128xf32, #tpu.memory_space<vmem>>) dst(%dma_wait3A_69 : memref<79x128xf32, #tpu.memory_space<vmem_shared>>)
        tpu.yield
      }) : () -> ()
      %scan3A_62 = arith.constant 0 : i32
      scf.yield %scan3A_62 : i32
    }
    %scan3A_14 = arith.constant 8 : i32
    %run_scoped3A = arith.constant 0 : i32
    "tpu.region"() ({
      %run_scoped3A_55 = tpu.sem_alloc : memref<!tpu.dma_semaphore, #tpu.memory_space<semaphore_mem>>
      %dma_start3A = arith.constant 0 : i32
      %dma_start3A_56 = arith.constant 0 : i32
      %dma_start3A_57 = tpu.memref_slice %arg3[%arg0, %run_scoped3A, %arg1, %dma_start3A, %dma_start3A_56] : memref<2x2x16x79x128xi32, #tpu.memory_space<hbm>> -> memref<1x1x1x79x128xi32, #tpu.memory_space<hbm>>
      %dma_start3A_58 = tpu.memref_squeeze %dma_start3A_57 : memref<1x1x1x79x128xi32, #tpu.memory_space<hbm>> -> memref<79x128xi32, #tpu.memory_space<hbm>>
      %dma_start3A_59 = arith.constant 0 : i32
      %dma_start3A_60 = arith.constant 0 : i32
      %dma_start3A_61 = tpu.memref_slice %arg3[%arg0, %run_scoped3A, %arg1, %dma_start3A_59, %dma_start3A_60] : memref<2x2x16x79x128xi32, #tpu.memory_space<hbm>> -> memref<1x1x1x79x128xi32, #tpu.memory_space<hbm>>
      %dma_start3A_62 = tpu.memref_squeeze %dma_start3A_61 : memref<1x1x1x79x128xi32, #tpu.memory_space<hbm>> -> memref<79x128xi32, #tpu.memory_space<hbm>>
      tpu.enqueue_dma source(%dma_start3A_62 : memref<79x128xi32, #tpu.memory_space<hbm>>) target(%arg6 : memref<79x128xi32, #tpu.memory_space<vmem>>) target_semaphore(%run_scoped3A_55 : memref<!tpu.dma_semaphore, #tpu.memory_space<semaphore_mem>>)
      %dma_wait3A = arith.constant 0 : i32
      %dma_wait3A_63 = arith.constant 0 : i32
      %dma_wait3A_64 = tpu.memref_slice %arg3[%arg0, %run_scoped3A, %arg1, %dma_wait3A, %dma_wait3A_63] : memref<2x2x16x79x128xi32, #tpu.memory_space<hbm>> -> memref<1x1x1x79x128xi32, #tpu.memory_space<hbm>>
      %dma_wait3A_65 = tpu.memref_squeeze %dma_wait3A_64 : memref<1x1x1x79x128xi32, #tpu.memory_space<hbm>> -> memref<79x128xi32, #tpu.memory_space<hbm>>
      %dma_wait3A_66 = arith.constant 0 : i32
      %dma_wait3A_67 = arith.constant 0 : i32
      %dma_wait3A_68 = tpu.memref_slice %arg3[%arg0, %run_scoped3A, %arg1, %dma_wait3A_66, %dma_wait3A_67] : memref<2x2x16x79x128xi32, #tpu.memory_space<hbm>> -> memref<1x1x1x79x128xi32, #tpu.memory_space<hbm>>
      %dma_wait3A_69 = tpu.memref_squeeze %dma_wait3A_68 : memref<1x1x1x79x128xi32, #tpu.memory_space<hbm>> -> memref<79x128xi32, #tpu.memory_space<hbm>>
      tpu.wait_dma2 semaphore(%run_scoped3A_55 : memref<!tpu.dma_semaphore, #tpu.memory_space<semaphore_mem>>) src(%dma_wait3A_69 : memref<79x128xi32, #tpu.memory_space<hbm>>) dst(%arg6 : memref<79x128xi32, #tpu.memory_space<vmem>>)
      tpu.yield
    }) : () -> ()
    %barrier3A = arith.constant 0 : index
    tpu.barrier barrier_id(%barrier3A)
    %scan3A_15 = arith.constant 0 : i32
    %scan3A_16 = arith.constant 0 : i32
    %scan3A_17 = arith.constant 79 : i32
    %scan3A_18 = arith.addi %scan3A_16, %scan3A_17 : i32
    %scan3A_19 = arith.constant 1 : i32
    %scan3A_20 = scf.for %scan3A_55 = %scan3A_16 to %scan3A_18 step %scan3A_19 iter_args(%scan3A_56 = %scan3A_15) -> (i32)  : i32 {
      %dma_start3A = arith.constant 0 : i32
      %dma_start3A_57 = tpu.memref_slice %arg6[%scan3A_55, %dma_start3A] : memref<79x128xi32, #tpu.memory_space<vmem>> -> memref<1x128xi32, #tpu.memory_space<vmem>>
      %dma_start3A_58 = tpu.memref_squeeze %dma_start3A_57 : memref<1x128xi32, #tpu.memory_space<vmem>> -> memref<128xi32, #tpu.memory_space<vmem>>
      %dma_start3A_59 = arith.constant 0 : i32
      %dma_start3A_60 = arith.constant 0 : i32
      %dma_start3A_61 = tpu.memref_slice %arg2[%dma_start3A_59, %dma_start3A_60] : memref<40000x128xf32, #tpu.memory_space<hbm>> -> memref<40000x128xf32, #tpu.memory_space<hbm>>
      tpu.enqueue_indirect_dma source(%dma_start3A_61 : memref<40000x128xf32, #tpu.memory_space<hbm>>) target(%arg8 : memref<128x128xf32, #tpu.memory_space<vmem>>) offsets(%dma_start3A_58 : memref<128xi32, #tpu.memory_space<vmem>>) semaphore(%arg11 : memref<!tpu.dma_semaphore, #tpu.memory_space<semaphore_mem>>)
      %dma_wait3A = arith.constant 0 : i32
      %dma_wait3A_62 = tpu.memref_slice %arg6[%scan3A_55, %dma_wait3A] : memref<79x128xi32, #tpu.memory_space<vmem>> -> memref<1x128xi32, #tpu.memory_space<vmem>>
      %dma_wait3A_63 = tpu.memref_squeeze %dma_wait3A_62 : memref<1x128xi32, #tpu.memory_space<vmem>> -> memref<128xi32, #tpu.memory_space<vmem>>
      %dma_wait3A_64 = arith.constant 0 : i32
      %dma_wait3A_65 = arith.constant 0 : i32
      %dma_wait3A_66 = tpu.memref_slice %arg2[%dma_wait3A_64, %dma_wait3A_65] : memref<40000x128xf32, #tpu.memory_space<hbm>> -> memref<40000x128xf32, #tpu.memory_space<hbm>>
      tpu.wait_indirect_dma semaphore(%arg11 : memref<!tpu.dma_semaphore, #tpu.memory_space<semaphore_mem>>) src(%dma_wait3A_66 : memref<40000x128xf32, #tpu.memory_space<hbm>>) dst(%arg8 : memref<128x128xf32, #tpu.memory_space<vmem>>)
      "tpu.region"() ({
        %run_scoped3A_68 = tpu.sem_alloc : memref<!tpu.dma_semaphore, #tpu.memory_space<semaphore_mem>>
        %dma_start3A_69 = arith.constant 0 : i32
        %dma_start3A_70 = tpu.memref_slice %arg7[%scan3A_55, %dma_start3A_69] : memref<79x128xi32, #tpu.memory_space<vmem>> -> memref<1x128xi32, #tpu.memory_space<vmem>>
        %dma_start3A_71 = tpu.memref_squeeze %dma_start3A_70 : memref<1x128xi32, #tpu.memory_space<vmem>> -> memref<128xi32, #tpu.memory_space<vmem>>
        %dma_start3A_72 = arith.constant 0 : i32
        %dma_start3A_73 = arith.constant 0 : i32
        %dma_start3A_74 = tpu.memref_slice %arg10[%dma_start3A_72, %dma_start3A_73] : memref<10112x128xf32, #tpu.memory_space<vmem_shared>> -> memref<10112x128xf32, #tpu.memory_space<vmem_shared>>
        tpu.enqueue_indirect_dma source(%arg8 : memref<128x128xf32, #tpu.memory_space<vmem>>) target(%dma_start3A_74 : memref<10112x128xf32, #tpu.memory_space<vmem_shared>>) offsets(%dma_start3A_71 : memref<128xi32, #tpu.memory_space<vmem>>) semaphore(%run_scoped3A_68 : memref<!tpu.dma_semaphore, #tpu.memory_space<semaphore_mem>>) {add = true}
        %dma_wait3A_75 = arith.constant 0 : i32
        %dma_wait3A_76 = tpu.memref_slice %arg7[%scan3A_55, %dma_wait3A_75] : memref<79x128xi32, #tpu.memory_space<vmem>> -> memref<1x128xi32, #tpu.memory_space<vmem>>
        %dma_wait3A_77 = tpu.memref_squeeze %dma_wait3A_76 : memref<1x128xi32, #tpu.memory_space<vmem>> -> memref<128xi32, #tpu.memory_space<vmem>>
        %dma_wait3A_78 = arith.constant 0 : i32
        %dma_wait3A_79 = arith.constant 0 : i32
        %dma_wait3A_80 = tpu.memref_slice %arg10[%dma_wait3A_78, %dma_wait3A_79] : memref<10112x128xf32, #tpu.memory_space<vmem_shared>> -> memref<10112x128xf32, #tpu.memory_space<vmem_shared>>
        tpu.wait_indirect_dma semaphore(%run_scoped3A_68 : memref<!tpu.dma_semaphore, #tpu.memory_space<semaphore_mem>>) src(%arg8 : memref<128x128xf32, #tpu.memory_space<vmem>>) dst(%dma_wait3A_80 : memref<10112x128xf32, #tpu.memory_space<vmem_shared>>)
        tpu.yield
      }) : () -> ()
      %scan3A_67 = arith.constant 0 : i32
      scf.yield %scan3A_67 : i32
    }
    %scan3A_21 = arith.constant 79 : i32
    %barrier3A_22 = arith.constant 0 : index
    tpu.barrier barrier_id(%barrier3A_22)
    %mul3A_23 = arith.constant 2 : i32
    %mul3A_24 = arith.muli %arg0, %mul3A_23 : i32
    %add3A = arith.constant 0 : i32
    %add3A_25 = arith.addi %mul3A_24, %add3A : i32
    %mul3A_26 = arith.constant 10000 : i32
    %mul3A_27 = arith.muli %add3A_25, %mul3A_26 : i32
    %add3A_28 = arith.addi %mul3A_27, %min3A_7 : i32
    "tpu.region"() ({
      %run_scoped3A_55 = tpu.sem_alloc : memref<!tpu.dma_semaphore, #tpu.memory_space<semaphore_mem>>
      %dma_start3A = arith.constant 0 : i32
      %dma_start3A_56 = tpu.memref_slice %arg5[%add3A_28, %dma_start3A] : memref<40000x128xf32, #tpu.memory_space<hbm>> -> memref<632x128xf32, #tpu.memory_space<hbm>>
      %dma_start3A_57 = arith.constant 0 : i32
      %dma_start3A_58 = tpu.memref_slice %arg10[%min3A_7, %dma_start3A_57] : memref<10112x128xf32, #tpu.memory_space<vmem_shared>> -> memref<632x128xf32, #tpu.memory_space<vmem_shared>>
      tpu.enqueue_dma source(%dma_start3A_58 : memref<632x128xf32, #tpu.memory_space<vmem_shared>>) target(%dma_start3A_56 : memref<632x128xf32, #tpu.memory_space<hbm>>) target_semaphore(%run_scoped3A_55 : memref<!tpu.dma_semaphore, #tpu.memory_space<semaphore_mem>>)
      %dma_wait3A = arith.constant 0 : i32
      %dma_wait3A_59 = tpu.memref_slice %arg5[%add3A_28, %dma_wait3A] : memref<40000x128xf32, #tpu.memory_space<hbm>> -> memref<632x128xf32, #tpu.memory_space<hbm>>
      %dma_wait3A_60 = arith.constant 0 : i32
      %dma_wait3A_61 = tpu.memref_slice %arg10[%min3A_7, %dma_wait3A_60] : memref<10112x128xf32, #tpu.memory_space<vmem_shared>> -> memref<632x128xf32, #tpu.memory_space<vmem_shared>>
      tpu.wait_dma2 semaphore(%run_scoped3A_55 : memref<!tpu.dma_semaphore, #tpu.memory_space<semaphore_mem>>) src(%dma_wait3A_61 : memref<632x128xf32, #tpu.memory_space<vmem_shared>>) dst(%dma_wait3A_59 : memref<632x128xf32, #tpu.memory_space<hbm>>)
      tpu.yield
    }) : () -> ()
    %barrier3A_29 = arith.constant 0 : index
    tpu.barrier barrier_id(%barrier3A_29)
    %scan3A_30 = arith.constant 0 : i32
    %scan3A_31 = arith.constant 0 : i32
    %scan3A_32 = arith.constant 8 : i32
    %scan3A_33 = arith.addi %scan3A_31, %scan3A_32 : i32
    %scan3A_34 = arith.constant 1 : i32
    %scan3A_35 = scf.for %scan3A_55 = %scan3A_31 to %scan3A_33 step %scan3A_34 iter_args(%scan3A_56 = %scan3A_30) -> (i32)  : i32 {
      %mul3A_57 = arith.constant 632 : i32
      %mul3A_58 = arith.muli %arg1, %mul3A_57 : i32
      %mul3A_59 = arith.constant 79 : i32
      %mul3A_60 = arith.muli %scan3A_55, %mul3A_59 : i32
      %add3A_61 = arith.addi %mul3A_58, %mul3A_60 : i32
      "tpu.region"() ({
        %run_scoped3A_63 = tpu.sem_alloc : memref<!tpu.dma_semaphore, #tpu.memory_space<semaphore_mem>>
        %dma_start3A = arith.constant 0 : i32
        %dma_start3A_64 = tpu.memref_slice %arg10[%add3A_61, %dma_start3A] : memref<10112x128xf32, #tpu.memory_space<vmem_shared>> -> memref<79x128xf32, #tpu.memory_space<vmem_shared>>
        %dma_start3A_65 = arith.constant 0 : i32
        %dma_start3A_66 = tpu.memref_slice %arg10[%add3A_61, %dma_start3A_65] : memref<10112x128xf32, #tpu.memory_space<vmem_shared>> -> memref<79x128xf32, #tpu.memory_space<vmem_shared>>
        tpu.enqueue_dma source(%arg9 : memref<79x128xf32, #tpu.memory_space<vmem>>) target(%dma_start3A_66 : memref<79x128xf32, #tpu.memory_space<vmem_shared>>) target_semaphore(%run_scoped3A_63 : memref<!tpu.dma_semaphore, #tpu.memory_space<semaphore_mem>>)
        %dma_wait3A = arith.constant 0 : i32
        %dma_wait3A_67 = tpu.memref_slice %arg10[%add3A_61, %dma_wait3A] : memref<10112x128xf32, #tpu.memory_space<vmem_shared>> -> memref<79x128xf32, #tpu.memory_space<vmem_shared>>
        %dma_wait3A_68 = arith.constant 0 : i32
        %dma_wait3A_69 = tpu.memref_slice %arg10[%add3A_61, %dma_wait3A_68] : memref<10112x128xf32, #tpu.memory_space<vmem_shared>> -> memref<79x128xf32, #tpu.memory_space<vmem_shared>>
        tpu.wait_dma2 semaphore(%run_scoped3A_63 : memref<!tpu.dma_semaphore, #tpu.memory_space<semaphore_mem>>) src(%arg9 : memref<79x128xf32, #tpu.memory_space<vmem>>) dst(%dma_wait3A_69 : memref<79x128xf32, #tpu.memory_space<vmem_shared>>)
        tpu.yield
      }) : () -> ()
      %scan3A_62 = arith.constant 0 : i32
      scf.yield %scan3A_62 : i32
    }
    %scan3A_36 = arith.constant 8 : i32
    %run_scoped3A_37 = arith.constant 1 : i32
    "tpu.region"() ({
      %run_scoped3A_55 = tpu.sem_alloc : memref<!tpu.dma_semaphore, #tpu.memory_space<semaphore_mem>>
      %dma_start3A = arith.constant 0 : i32
      %dma_start3A_56 = arith.constant 0 : i32
      %dma_start3A_57 = tpu.memref_slice %arg3[%arg0, %run_scoped3A_37, %arg1, %dma_start3A, %dma_start3A_56] : memref<2x2x16x79x128xi32, #tpu.memory_space<hbm>> -> memref<1x1x1x79x128xi32, #tpu.memory_space<hbm>>
      %dma_start3A_58 = tpu.memref_squeeze %dma_start3A_57 : memref<1x1x1x79x128xi32, #tpu.memory_space<hbm>> -> memref<79x128xi32, #tpu.memory_space<hbm>>
      %dma_start3A_59 = arith.constant 0 : i32
      %dma_start3A_60 = arith.constant 0 : i32
      %dma_start3A_61 = tpu.memref_slice %arg3[%arg0, %run_scoped3A_37, %arg1, %dma_start3A_59, %dma_start3A_60] : memref<2x2x16x79x128xi32, #tpu.memory_space<hbm>> -> memref<1x1x1x79x128xi32, #tpu.memory_space<hbm>>
      %dma_start3A_62 = tpu.memref_squeeze %dma_start3A_61 : memref<1x1x1x79x128xi32, #tpu.memory_space<hbm>> -> memref<79x128xi32, #tpu.memory_space<hbm>>
      tpu.enqueue_dma source(%dma_start3A_62 : memref<79x128xi32, #tpu.memory_space<hbm>>) target(%arg6 : memref<79x128xi32, #tpu.memory_space<vmem>>) target_semaphore(%run_scoped3A_55 : memref<!tpu.dma_semaphore, #tpu.memory_space<semaphore_mem>>)
      %dma_wait3A = arith.constant 0 : i32
      %dma_wait3A_63 = arith.constant 0 : i32
      %dma_wait3A_64 = tpu.memref_slice %arg3[%arg0, %run_scoped3A_37, %arg1, %dma_wait3A, %dma_wait3A_63] : memref<2x2x16x79x128xi32, #tpu.memory_space<hbm>> -> memref<1x1x1x79x128xi32, #tpu.memory_space<hbm>>
      %dma_wait3A_65 = tpu.memref_squeeze %dma_wait3A_64 : memref<1x1x1x79x128xi32, #tpu.memory_space<hbm>> -> memref<79x128xi32, #tpu.memory_space<hbm>>
      %dma_wait3A_66 = arith.constant 0 : i32
      %dma_wait3A_67 = arith.constant 0 : i32
      %dma_wait3A_68 = tpu.memref_slice %arg3[%arg0, %run_scoped3A_37, %arg1, %dma_wait3A_66, %dma_wait3A_67] : memref<2x2x16x79x128xi32, #tpu.memory_space<hbm>> -> memref<1x1x1x79x128xi32, #tpu.memory_space<hbm>>
      %dma_wait3A_69 = tpu.memref_squeeze %dma_wait3A_68 : memref<1x1x1x79x128xi32, #tpu.memory_space<hbm>> -> memref<79x128xi32, #tpu.memory_space<hbm>>
      tpu.wait_dma2 semaphore(%run_scoped3A_55 : memref<!tpu.dma_semaphore, #tpu.memory_space<semaphore_mem>>) src(%dma_wait3A_69 : memref<79x128xi32, #tpu.memory_space<hbm>>) dst(%arg6 : memref<79x128xi32, #tpu.memory_space<vmem>>)
      tpu.yield
    }) : () -> ()
    %barrier3A_38 = arith.constant 0 : index
    tpu.barrier barrier_id(%barrier3A_38)
    %scan3A_39 = arith.constant 0 : i32
    %scan3A_40 = arith.constant 0 : i32
    %scan3A_41 = arith.constant 79 : i32
    %scan3A_42 = arith.addi %scan3A_40, %scan3A_41 : i32
    %scan3A_43 = arith.constant 1 : i32
    %scan3A_44 = scf.for %scan3A_55 = %scan3A_40 to %scan3A_42 step %scan3A_43 iter_args(%scan3A_56 = %scan3A_39) -> (i32)  : i32 {
      %dma_start3A = arith.constant 0 : i32
      %dma_start3A_57 = tpu.memref_slice %arg6[%scan3A_55, %dma_start3A] : memref<79x128xi32, #tpu.memory_space<vmem>> -> memref<1x128xi32, #tpu.memory_space<vmem>>
      %dma_start3A_58 = tpu.memref_squeeze %dma_start3A_57 : memref<1x128xi32, #tpu.memory_space<vmem>> -> memref<128xi32, #tpu.memory_space<vmem>>
      %dma_start3A_59 = arith.constant 0 : i32
      %dma_start3A_60 = arith.constant 0 : i32
      %dma_start3A_61 = tpu.memref_slice %arg2[%dma_start3A_59, %dma_start3A_60] : memref<40000x128xf32, #tpu.memory_space<hbm>> -> memref<40000x128xf32, #tpu.memory_space<hbm>>
      tpu.enqueue_indirect_dma source(%dma_start3A_61 : memref<40000x128xf32, #tpu.memory_space<hbm>>) target(%arg8 : memref<128x128xf32, #tpu.memory_space<vmem>>) offsets(%dma_start3A_58 : memref<128xi32, #tpu.memory_space<vmem>>) semaphore(%arg11 : memref<!tpu.dma_semaphore, #tpu.memory_space<semaphore_mem>>)
      %dma_wait3A = arith.constant 0 : i32
      %dma_wait3A_62 = tpu.memref_slice %arg6[%scan3A_55, %dma_wait3A] : memref<79x128xi32, #tpu.memory_space<vmem>> -> memref<1x128xi32, #tpu.memory_space<vmem>>
      %dma_wait3A_63 = tpu.memref_squeeze %dma_wait3A_62 : memref<1x128xi32, #tpu.memory_space<vmem>> -> memref<128xi32, #tpu.memory_space<vmem>>
      %dma_wait3A_64 = arith.constant 0 : i32
      %dma_wait3A_65 = arith.constant 0 : i32
      %dma_wait3A_66 = tpu.memref_slice %arg2[%dma_wait3A_64, %dma_wait3A_65] : memref<40000x128xf32, #tpu.memory_space<hbm>> -> memref<40000x128xf32, #tpu.memory_space<hbm>>
      tpu.wait_indirect_dma semaphore(%arg11 : memref<!tpu.dma_semaphore, #tpu.memory_space<semaphore_mem>>) src(%dma_wait3A_66 : memref<40000x128xf32, #tpu.memory_space<hbm>>) dst(%arg8 : memref<128x128xf32, #tpu.memory_space<vmem>>)
      "tpu.region"() ({
        %run_scoped3A_68 = tpu.sem_alloc : memref<!tpu.dma_semaphore, #tpu.memory_space<semaphore_mem>>
        %dma_start3A_69 = arith.constant 0 : i32
        %dma_start3A_70 = tpu.memref_slice %arg7[%scan3A_55, %dma_start3A_69] : memref<79x128xi32, #tpu.memory_space<vmem>> -> memref<1x128xi32, #tpu.memory_space<vmem>>
        %dma_start3A_71 = tpu.memref_squeeze %dma_start3A_70 : memref<1x128xi32, #tpu.memory_space<vmem>> -> memref<128xi32, #tpu.memory_space<vmem>>
        %dma_start3A_72 = arith.constant 0 : i32
        %dma_start3A_73 = arith.constant 0 : i32
        %dma_start3A_74 = tpu.memref_slice %arg10[%dma_start3A_72, %dma_start3A_73] : memref<10112x128xf32, #tpu.memory_space<vmem_shared>> -> memref<10112x128xf32, #tpu.memory_space<vmem_shared>>
        tpu.enqueue_indirect_dma source(%arg8 : memref<128x128xf32, #tpu.memory_space<vmem>>) target(%dma_start3A_74 : memref<10112x128xf32, #tpu.memory_space<vmem_shared>>) offsets(%dma_start3A_71 : memref<128xi32, #tpu.memory_space<vmem>>) semaphore(%run_scoped3A_68 : memref<!tpu.dma_semaphore, #tpu.memory_space<semaphore_mem>>) {add = true}
        %dma_wait3A_75 = arith.constant 0 : i32
        %dma_wait3A_76 = tpu.memref_slice %arg7[%scan3A_55, %dma_wait3A_75] : memref<79x128xi32, #tpu.memory_space<vmem>> -> memref<1x128xi32, #tpu.memory_space<vmem>>
        %dma_wait3A_77 = tpu.memref_squeeze %dma_wait3A_76 : memref<1x128xi32, #tpu.memory_space<vmem>> -> memref<128xi32, #tpu.memory_space<vmem>>
        %dma_wait3A_78 = arith.constant 0 : i32
        %dma_wait3A_79 = arith.constant 0 : i32
        %dma_wait3A_80 = tpu.memref_slice %arg10[%dma_wait3A_78, %dma_wait3A_79] : memref<10112x128xf32, #tpu.memory_space<vmem_shared>> -> memref<10112x128xf32, #tpu.memory_space<vmem_shared>>
        tpu.wait_indirect_dma semaphore(%run_scoped3A_68 : memref<!tpu.dma_semaphore, #tpu.memory_space<semaphore_mem>>) src(%arg8 : memref<128x128xf32, #tpu.memory_space<vmem>>) dst(%dma_wait3A_80 : memref<10112x128xf32, #tpu.memory_space<vmem_shared>>)
        tpu.yield
      }) : () -> ()
      %scan3A_67 = arith.constant 0 : i32
      scf.yield %scan3A_67 : i32
    }
    %scan3A_45 = arith.constant 79 : i32
    %barrier3A_46 = arith.constant 0 : index
    tpu.barrier barrier_id(%barrier3A_46)
    %mul3A_47 = arith.constant 2 : i32
    %mul3A_48 = arith.muli %arg0, %mul3A_47 : i32
    %add3A_49 = arith.constant 1 : i32
    %add3A_50 = arith.addi %mul3A_48, %add3A_49 : i32
    %mul3A_51 = arith.constant 10000 : i32
    %mul3A_52 = arith.muli %add3A_50, %mul3A_51 : i32
    %add3A_53 = arith.addi %mul3A_52, %min3A_7 : i32
    "tpu.region"() ({
      %run_scoped3A_55 = tpu.sem_alloc : memref<!tpu.dma_semaphore, #tpu.memory_space<semaphore_mem>>
      %dma_start3A = arith.constant 0 : i32
      %dma_start3A_56 = tpu.memref_slice %arg5[%add3A_53, %dma_start3A] : memref<40000x128xf32, #tpu.memory_space<hbm>> -> memref<632x128xf32, #tpu.memory_space<hbm>>
      %dma_start3A_57 = arith.constant 0 : i32
      %dma_start3A_58 = tpu.memref_slice %arg10[%min3A_7, %dma_start3A_57] : memref<10112x128xf32, #tpu.memory_space<vmem_shared>> -> memref<632x128xf32, #tpu.memory_space<vmem_shared>>
      tpu.enqueue_dma source(%dma_start3A_58 : memref<632x128xf32, #tpu.memory_space<vmem_shared>>) target(%dma_start3A_56 : memref<632x128xf32, #tpu.memory_space<hbm>>) target_semaphore(%run_scoped3A_55 : memref<!tpu.dma_semaphore, #tpu.memory_space<semaphore_mem>>)
      %dma_wait3A = arith.constant 0 : i32
      %dma_wait3A_59 = tpu.memref_slice %arg5[%add3A_53, %dma_wait3A] : memref<40000x128xf32, #tpu.memory_space<hbm>> -> memref<632x128xf32, #tpu.memory_space<hbm>>
      %dma_wait3A_60 = arith.constant 0 : i32
      %dma_wait3A_61 = tpu.memref_slice %arg10[%min3A_7, %dma_wait3A_60] : memref<10112x128xf32, #tpu.memory_space<vmem_shared>> -> memref<632x128xf32, #tpu.memory_space<vmem_shared>>
      tpu.wait_dma2 semaphore(%run_scoped3A_55 : memref<!tpu.dma_semaphore, #tpu.memory_space<semaphore_mem>>) src(%dma_wait3A_61 : memref<632x128xf32, #tpu.memory_space<vmem_shared>>) dst(%dma_wait3A_59 : memref<632x128xf32, #tpu.memory_space<hbm>>)
      tpu.yield
    }) : () -> ()
    %barrier3A_54 = arith.constant 0 : index
    tpu.barrier barrier_id(%barrier3A_54)
    return
  }
}

#map = affine_map<(d0, d1) -> (0, 0, 0)>
#map1 = affine_map<(d0, d1) -> (0, 0)>
module attributes {stable_mosaic.version = 14 : i64} {
  func.func @_degree_body(%arg0: i32, %arg1: i32, %arg2: memref<16x79x128xi32, #tpu.memory_space<hbm>>, %arg3: memref<128x128xf32, #tpu.memory_space<hbm>>, %arg4: memref<10000x128xf32, #tpu.memory_space<hbm>>, %arg5: memref<79x128xi32, #tpu.memory_space<vmem>>, %arg6: memref<128x128xf32, #tpu.memory_space<vmem>>, %arg7: memref<8x128xf32, #tpu.memory_space<vmem>>, %arg8: memref<10112x128xf32, #tpu.memory_space<vmem_shared>>) attributes {dimension_semantics = [#tpu.dimension_semantics<core_parallel>, #tpu.dimension_semantics<subcore_parallel>], iteration_bounds = array<i64: 2, 16>, scalar_prefetch = 0 : i64, scratch_operands = 4 : i64, tpu.core_type = #tpu.core_type<sc_vector_subcore>, window_params = [{transform_indices = #map}, {transform_indices = #map1}, {transform_indices = #map1}]} {
    %scan3A = arith.constant 0 : i32
    %scan3A_0 = arith.constant 0 : i32
    %scan3A_1 = arith.constant 64 : i32
    %scan3A_2 = arith.addi %scan3A_0, %scan3A_1 : i32
    %scan3A_3 = arith.constant 1 : i32
    %scan3A_4 = scf.for %scan3A_23 = %scan3A_0 to %scan3A_2 step %scan3A_3 iter_args(%scan3A_24 = %scan3A) -> (i32)  : i32 {
      %broadcast_in_dim3A = arith.constant 0.000000e+00 : f32
      %broadcast_in_dim3A_25 = vector.broadcast %broadcast_in_dim3A : f32 to vector<16xf32>
      %jit3A = arith.constant 8 : i32
      %div3A = arith.divsi %scan3A_23, %jit3A : i32
      %sign3A = arith.constant 0 : i32
      %sign3A_26 = arith.cmpi sgt, %scan3A_23, %sign3A : i32
      %sign3A_27 = arith.extui %sign3A_26 : i1 to i32
      %sign3A_28 = arith.constant 0 : i32
      %sign3A_29 = arith.cmpi slt, %scan3A_23, %sign3A_28 : i32
      %sign3A_30 = arith.extui %sign3A_29 : i1 to i32
      %sign3A_31 = arith.subi %sign3A_27, %sign3A_30 : i32
      %sign3A_32 = arith.constant 0 : i32
      %sign3A_33 = arith.cmpi sgt, %jit3A, %sign3A_32 : i32
      %sign3A_34 = arith.extui %sign3A_33 : i1 to i32
      %sign3A_35 = arith.constant 0 : i32
      %sign3A_36 = arith.cmpi slt, %jit3A, %sign3A_35 : i32
      %sign3A_37 = arith.extui %sign3A_36 : i1 to i32
      %sign3A_38 = arith.subi %sign3A_34, %sign3A_37 : i32
      %ne3A = arith.cmpi ne, %sign3A_31, %sign3A_38 : i32
      %rem3A = arith.remsi %scan3A_23, %jit3A : i32
      %ne3A_39 = arith.constant 0 : i32
      %ne3A_40 = arith.cmpi ne, %rem3A, %ne3A_39 : i32
      %and3A = arith.andi %ne3A, %ne3A_40 : i1
      %sub3A = arith.constant 1 : i32
      %sub3A_41 = arith.subi %div3A, %sub3A : i32
      %select_n3A = arith.select %and3A, %sub3A_41, %div3A : i32
      %jit3A_42 = arith.constant 8 : i32
      %eq3A_43 = arith.constant 0 : i32
      %eq3A_44 = arith.cmpi eq, %jit3A_42, %eq3A_43 : i32
      %jit3A_45 = arith.constant 1 : i32
      %select_n3A_46 = arith.select %eq3A_44, %jit3A_45, %jit3A_42 : i32
      %rem3A_47 = arith.remsi %scan3A_23, %select_n3A_46 : i32
      %ne3A_48 = arith.constant 0 : i32
      %ne3A_49 = arith.cmpi ne, %rem3A_47, %ne3A_48 : i32
      %lt3A = arith.constant 0 : i32
      %lt3A_50 = arith.cmpi slt, %rem3A_47, %lt3A : i32
      %lt3A_51 = arith.constant 0 : i32
      %lt3A_52 = arith.cmpi slt, %select_n3A_46, %lt3A_51 : i32
      %ne3A_53 = arith.xori %lt3A_50, %lt3A_52 : i1
      %and3A_54 = arith.andi %ne3A_53, %ne3A_49 : i1
      %add3A = arith.addi %rem3A_47, %select_n3A_46 : i32
      %select_n3A_55 = arith.select %and3A_54, %add3A, %rem3A_47 : i32
      %mul3A_56 = arith.constant 16 : i32
      %mul3A_57 = arith.muli %select_n3A_55, %mul3A_56 : i32
      %swap3A = arith.index_cast %select_n3A : i32 to index
      %swap3A_58 = arith.index_cast %mul3A_57 : i32 to index
      %swap3A_59 = tpu.vector_load %arg7[%swap3A, %swap3A_58] {strides = array<i32>} : memref<8x128xf32, #tpu.memory_space<vmem>>, vector<1x16xf32>,
      %swap3A_60 = vector.shape_cast %swap3A_59 : vector<1x16xf32> to vector<16xf32>
      %swap3A_61 = vector.shape_cast %broadcast_in_dim3A_25 : vector<16xf32> to vector<1x16xf32>
      tpu.vector_store %arg7[%swap3A, %swap3A_58], %swap3A_61 {strides = array<i32>} : memref<8x128xf32, #tpu.memory_space<vmem>>, vector<1x16xf32>,
      %scan3A_62 = arith.constant 0 : i32
      scf.yield %scan3A_62 : i32
    }
    %scan3A_5 = arith.constant 64 : i32
    "tpu.region"() ({
      %run_scoped3A = tpu.sem_alloc : memref<!tpu.dma_semaphore, #tpu.memory_space<semaphore_mem>>
      tpu.enqueue_dma source(%arg3 : memref<128x128xf32, #tpu.memory_space<hbm>>) target(%arg6 : memref<128x128xf32, #tpu.memory_space<vmem>>) target_semaphore(%run_scoped3A : memref<!tpu.dma_semaphore, #tpu.memory_space<semaphore_mem>>)
      tpu.wait_dma2 semaphore(%run_scoped3A : memref<!tpu.dma_semaphore, #tpu.memory_space<semaphore_mem>>) src(%arg3 : memref<128x128xf32, #tpu.memory_space<hbm>>) dst(%arg6 : memref<128x128xf32, #tpu.memory_space<vmem>>)
      tpu.yield
    }) : () -> ()
    %scan3A_6 = arith.constant 0 : i32
    %scan3A_7 = arith.constant 0 : i32
    %scan3A_8 = arith.constant 79 : i32
    %scan3A_9 = arith.addi %scan3A_7, %scan3A_8 : i32
    %scan3A_10 = arith.constant 1 : i32
    %scan3A_11 = scf.for %scan3A_23 = %scan3A_7 to %scan3A_9 step %scan3A_10 iter_args(%scan3A_24 = %scan3A_6) -> (i32)  : i32 {
      %mul3A_25 = arith.constant 632 : i32
      %mul3A_26 = arith.muli %arg1, %mul3A_25 : i32
      %mul3A_27 = arith.constant 8 : i32
      %mul3A_28 = arith.muli %scan3A_23, %mul3A_27 : i32
      %add3A = arith.addi %mul3A_26, %mul3A_28 : i32
      "tpu.region"() ({
        %run_scoped3A = tpu.sem_alloc : memref<!tpu.dma_semaphore, #tpu.memory_space<semaphore_mem>>
        %dma_start3A = arith.constant 0 : i32
        %dma_start3A_30 = tpu.memref_slice %arg8[%add3A, %dma_start3A] : memref<10112x128xf32, #tpu.memory_space<vmem_shared>> -> memref<8x128xf32, #tpu.memory_space<vmem_shared>>
        %dma_start3A_31 = arith.constant 0 : i32
        %dma_start3A_32 = tpu.memref_slice %arg8[%add3A, %dma_start3A_31] : memref<10112x128xf32, #tpu.memory_space<vmem_shared>> -> memref<8x128xf32, #tpu.memory_space<vmem_shared>>
        tpu.enqueue_dma source(%arg7 : memref<8x128xf32, #tpu.memory_space<vmem>>) target(%dma_start3A_32 : memref<8x128xf32, #tpu.memory_space<vmem_shared>>) target_semaphore(%run_scoped3A : memref<!tpu.dma_semaphore, #tpu.memory_space<semaphore_mem>>)
        %dma_wait3A = arith.constant 0 : i32
        %dma_wait3A_33 = tpu.memref_slice %arg8[%add3A, %dma_wait3A] : memref<10112x128xf32, #tpu.memory_space<vmem_shared>> -> memref<8x128xf32, #tpu.memory_space<vmem_shared>>
        %dma_wait3A_34 = arith.constant 0 : i32
        %dma_wait3A_35 = tpu.memref_slice %arg8[%add3A, %dma_wait3A_34] : memref<10112x128xf32, #tpu.memory_space<vmem_shared>> -> memref<8x128xf32, #tpu.memory_space<vmem_shared>>
        tpu.wait_dma2 semaphore(%run_scoped3A : memref<!tpu.dma_semaphore, #tpu.memory_space<semaphore_mem>>) src(%arg7 : memref<8x128xf32, #tpu.memory_space<vmem>>) dst(%dma_wait3A_35 : memref<8x128xf32, #tpu.memory_space<vmem_shared>>)
        tpu.yield
      }) : () -> ()
      %scan3A_29 = arith.constant 0 : i32
      scf.yield %scan3A_29 : i32
    }
    %scan3A_12 = arith.constant 79 : i32
    "tpu.region"() ({
      %run_scoped3A = tpu.sem_alloc : memref<!tpu.dma_semaphore, #tpu.memory_space<semaphore_mem>>
      %dma_start3A = arith.constant 0 : i32
      %dma_start3A_23 = arith.constant 0 : i32
      %dma_start3A_24 = tpu.memref_slice %arg2[%arg1, %dma_start3A, %dma_start3A_23] : memref<16x79x128xi32, #tpu.memory_space<hbm>> -> memref<1x79x128xi32, #tpu.memory_space<hbm>>
      %dma_start3A_25 = tpu.memref_squeeze %dma_start3A_24 : memref<1x79x128xi32, #tpu.memory_space<hbm>> -> memref<79x128xi32, #tpu.memory_space<hbm>>
      %dma_start3A_26 = arith.constant 0 : i32
      %dma_start3A_27 = arith.constant 0 : i32
      %dma_start3A_28 = tpu.memref_slice %arg2[%arg1, %dma_start3A_26, %dma_start3A_27] : memref<16x79x128xi32, #tpu.memory_space<hbm>> -> memref<1x79x128xi32, #tpu.memory_space<hbm>>
      %dma_start3A_29 = tpu.memref_squeeze %dma_start3A_28 : memref<1x79x128xi32, #tpu.memory_space<hbm>> -> memref<79x128xi32, #tpu.memory_space<hbm>>
      tpu.enqueue_dma source(%dma_start3A_29 : memref<79x128xi32, #tpu.memory_space<hbm>>) target(%arg5 : memref<79x128xi32, #tpu.memory_space<vmem>>) target_semaphore(%run_scoped3A : memref<!tpu.dma_semaphore, #tpu.memory_space<semaphore_mem>>)
      %dma_wait3A = arith.constant 0 : i32
      %dma_wait3A_30 = arith.constant 0 : i32
      %dma_wait3A_31 = tpu.memref_slice %arg2[%arg1, %dma_wait3A, %dma_wait3A_30] : memref<16x79x128xi32, #tpu.memory_space<hbm>> -> memref<1x79x128xi32, #tpu.memory_space<hbm>>
      %dma_wait3A_32 = tpu.memref_squeeze %dma_wait3A_31 : memref<1x79x128xi32, #tpu.memory_space<hbm>> -> memref<79x128xi32, #tpu.memory_space<hbm>>
      %dma_wait3A_33 = arith.constant 0 : i32
      %dma_wait3A_34 = arith.constant 0 : i32
      %dma_wait3A_35 = tpu.memref_slice %arg2[%arg1, %dma_wait3A_33, %dma_wait3A_34] : memref<16x79x128xi32, #tpu.memory_space<hbm>> -> memref<1x79x128xi32, #tpu.memory_space<hbm>>
      %dma_wait3A_36 = tpu.memref_squeeze %dma_wait3A_35 : memref<1x79x128xi32, #tpu.memory_space<hbm>> -> memref<79x128xi32, #tpu.memory_space<hbm>>
      tpu.wait_dma2 semaphore(%run_scoped3A : memref<!tpu.dma_semaphore, #tpu.memory_space<semaphore_mem>>) src(%dma_wait3A_36 : memref<79x128xi32, #tpu.memory_space<hbm>>) dst(%arg5 : memref<79x128xi32, #tpu.memory_space<vmem>>)
      tpu.yield
    }) : () -> ()
    %barrier3A = arith.constant 0 : index
    tpu.barrier barrier_id(%barrier3A)
    %eq3A = arith.constant 0 : i32
    %eq3A_13 = arith.cmpi eq, %arg0, %eq3A : i32
    %convert_element_type3A = arith.extui %eq3A_13 : i1 to i32
    %cond3A = arith.constant 0 : i32
    %cond3A_14 = arith.cmpi ne, %convert_element_type3A, %cond3A : i32
    scf.if %cond3A_14 {
      %scan3A_23 = arith.constant 0 : i32
      %scan3A_24 = arith.constant 0 : i32
      %scan3A_25 = arith.constant 79 : i32
      %scan3A_26 = arith.addi %scan3A_24, %scan3A_25 : i32
      %scan3A_27 = arith.constant 1 : i32
      %scan3A_28 = scf.for %scan3A_30 = %scan3A_24 to %scan3A_26 step %scan3A_27 iter_args(%scan3A_31 = %scan3A_23) -> (i32)  : i32 {
        "tpu.region"() ({
          %run_scoped3A = tpu.sem_alloc : memref<!tpu.dma_semaphore, #tpu.memory_space<semaphore_mem>>
          %dma_start3A = arith.constant 0 : i32
          %dma_start3A_33 = tpu.memref_slice %arg5[%scan3A_30, %dma_start3A] : memref<79x128xi32, #tpu.memory_space<vmem>> -> memref<1x128xi32, #tpu.memory_space<vmem>>
          %dma_start3A_34 = tpu.memref_squeeze %dma_start3A_33 : memref<1x128xi32, #tpu.memory_space<vmem>> -> memref<128xi32, #tpu.memory_space<vmem>>
          %dma_start3A_35 = arith.constant 0 : i32
          %dma_start3A_36 = arith.constant 0 : i32
          %dma_start3A_37 = tpu.memref_slice %arg8[%dma_start3A_35, %dma_start3A_36] : memref<10112x128xf32, #tpu.memory_space<vmem_shared>> -> memref<10112x128xf32, #tpu.memory_space<vmem_shared>>
          tpu.enqueue_indirect_dma source(%arg6 : memref<128x128xf32, #tpu.memory_space<vmem>>) target(%dma_start3A_37 : memref<10112x128xf32, #tpu.memory_space<vmem_shared>>) offsets(%dma_start3A_34 : memref<128xi32, #tpu.memory_space<vmem>>) semaphore(%run_scoped3A : memref<!tpu.dma_semaphore, #tpu.memory_space<semaphore_mem>>) {add = true}
          %dma_wait3A = arith.constant 0 : i32
          %dma_wait3A_38 = tpu.memref_slice %arg5[%scan3A_30, %dma_wait3A] : memref<79x128xi32, #tpu.memory_space<vmem>> -> memref<1x128xi32, #tpu.memory_space<vmem>>
          %dma_wait3A_39 = tpu.memref_squeeze %dma_wait3A_38 : memref<1x128xi32, #tpu.memory_space<vmem>> -> memref<128xi32, #tpu.memory_space<vmem>>
          %dma_wait3A_40 = arith.constant 0 : i32
          %dma_wait3A_41 = arith.constant 0 : i32
          %dma_wait3A_42 = tpu.memref_slice %arg8[%dma_wait3A_40, %dma_wait3A_41] : memref<10112x128xf32, #tpu.memory_space<vmem_shared>> -> memref<10112x128xf32, #tpu.memory_space<vmem_shared>>
          tpu.wait_indirect_dma semaphore(%run_scoped3A : memref<!tpu.dma_semaphore, #tpu.memory_space<semaphore_mem>>) src(%arg6 : memref<128x128xf32, #tpu.memory_space<vmem>>) dst(%dma_wait3A_42 : memref<10112x128xf32, #tpu.memory_space<vmem_shared>>)
          tpu.yield
        }) : () -> ()
        %scan3A_32 = arith.constant 0 : i32
        scf.yield %scan3A_32 : i32
      }
      %scan3A_29 = arith.constant 79 : i32
    } else {
    }
    %barrier3A_15 = arith.constant 0 : index
    tpu.barrier barrier_id(%barrier3A_15)
    %mul3A = arith.constant 632 : i32
    %mul3A_16 = arith.muli %arg1, %mul3A : i32
    %min3A = arith.constant 9368 : i32
    %min3A_17 = arith.minsi %mul3A_16, %min3A : i32
    %eq3A_18 = arith.constant 0 : i32
    %eq3A_19 = arith.cmpi eq, %arg0, %eq3A_18 : i32
    %convert_element_type3A_20 = arith.extui %eq3A_19 : i1 to i32
    %cond3A_21 = arith.constant 0 : i32
    %cond3A_22 = arith.cmpi ne, %convert_element_type3A_20, %cond3A_21 : i32
    scf.if %cond3A_22 {
      "tpu.region"() ({
        %run_scoped3A = tpu.sem_alloc : memref<!tpu.dma_semaphore, #tpu.memory_space<semaphore_mem>>
        %dma_start3A = arith.constant 0 : i32
        %dma_start3A_23 = tpu.memref_slice %arg4[%min3A_17, %dma_start3A] : memref<10000x128xf32, #tpu.memory_space<hbm>> -> memref<632x128xf32, #tpu.memory_space<hbm>>
        %dma_start3A_24 = arith.constant 0 : i32
        %dma_start3A_25 = tpu.memref_slice %arg8[%min3A_17, %dma_start3A_24] : memref<10112x128xf32, #tpu.memory_space<vmem_shared>> -> memref<632x128xf32, #tpu.memory_space<vmem_shared>>
        tpu.enqueue_dma source(%dma_start3A_25 : memref<632x128xf32, #tpu.memory_space<vmem_shared>>) target(%dma_start3A_23 : memref<632x128xf32, #tpu.memory_space<hbm>>) target_semaphore(%run_scoped3A : memref<!tpu.dma_semaphore, #tpu.memory_space<semaphore_mem>>)
        %dma_wait3A = arith.constant 0 : i32
        %dma_wait3A_26 = tpu.memref_slice %arg4[%min3A_17, %dma_wait3A] : memref<10000x128xf32, #tpu.memory_space<hbm>> -> memref<632x128xf32, #tpu.memory_space<hbm>>
        %dma_wait3A_27 = arith.constant 0 : i32
        %dma_wait3A_28 = tpu.memref_slice %arg8[%min3A_17, %dma_wait3A_27] : memref<10112x128xf32, #tpu.memory_space<vmem_shared>> -> memref<632x128xf32, #tpu.memory_space<vmem_shared>>
        tpu.wait_dma2 semaphore(%run_scoped3A : memref<!tpu.dma_semaphore, #tpu.memory_space<semaphore_mem>>) src(%dma_wait3A_28 : memref<632x128xf32, #tpu.memory_space<vmem_shared>>) dst(%dma_wait3A_26 : memref<632x128xf32, #tpu.memory_space<hbm>>)
        tpu.yield
      }) : () -> ()
    } else {
    }
    return
  }
}

#map = affine_map<(d0, d1) -> (0, 0)>
#map1 = affine_map<(d0, d1) -> (0, 0, 0, 0, 0)>
#map2 = affine_map<(d0, d1) -> (0, 0, 0)>
module attributes {stable_mosaic.version = 14 : i64} {
  func.func @_segsum_body(%arg0: i32, %arg1: i32, %arg2: memref<40000x128xf32, #tpu.memory_space<hbm>>, %arg3: memref<2x2x16x79x128xi32, #tpu.memory_space<hbm>>, %arg4: memref<16x79x128xi32, #tpu.memory_space<hbm>>, %arg5: memref<40000x128xf32, #tpu.memory_space<hbm>>, %arg6: memref<79x128xi32, #tpu.memory_space<vmem>>, %arg7: memref<79x128xi32, #tpu.memory_space<vmem>>, %arg8: memref<128x128xf32, #tpu.memory_space<vmem>>, %arg9: memref<79x128xf32, #tpu.memory_space<vmem>>, %arg10: memref<10112x128xf32, #tpu.memory_space<vmem_shared>>, %arg11: memref<!tpu.dma_semaphore, #tpu.memory_space<semaphore_mem>>) attributes {dimension_semantics = [#tpu.dimension_semantics<core_parallel>, #tpu.dimension_semantics<subcore_parallel>], iteration_bounds = array<i64: 2, 16>, scalar_prefetch = 0 : i64, scratch_operands = 6 : i64, tpu.core_type = #tpu.core_type<sc_vector_subcore>, window_params = [{transform_indices = #map}, {transform_indices = #map1}, {transform_indices = #map2}, {transform_indices = #map}]} {
    %scan3A = arith.constant 0 : i32
    %scan3A_0 = arith.constant 0 : i32
    %scan3A_1 = arith.constant 632 : i32
    %scan3A_2 = arith.addi %scan3A_0, %scan3A_1 : i32
    %scan3A_3 = arith.constant 1 : i32
    %scan3A_4 = scf.for %scan3A_55 = %scan3A_0 to %scan3A_2 step %scan3A_3 iter_args(%scan3A_56 = %scan3A) -> (i32)  : i32 {
      %broadcast_in_dim3A = arith.constant 0.000000e+00 : f32
      %broadcast_in_dim3A_57 = vector.broadcast %broadcast_in_dim3A : f32 to vector<16xf32>
      %jit3A = arith.constant 8 : i32
      %div3A = arith.divsi %scan3A_55, %jit3A : i32
      %sign3A = arith.constant 0 : i32
      %sign3A_58 = arith.cmpi sgt, %scan3A_55, %sign3A : i32
      %sign3A_59 = arith.extui %sign3A_58 : i1 to i32
      %sign3A_60 = arith.constant 0 : i32
      %sign3A_61 = arith.cmpi slt, %scan3A_55, %sign3A_60 : i32
      %sign3A_62 = arith.extui %sign3A_61 : i1 to i32
      %sign3A_63 = arith.subi %sign3A_59, %sign3A_62 : i32
      %sign3A_64 = arith.constant 0 : i32
      %sign3A_65 = arith.cmpi sgt, %jit3A, %sign3A_64 : i32
      %sign3A_66 = arith.extui %sign3A_65 : i1 to i32
      %sign3A_67 = arith.constant 0 : i32
      %sign3A_68 = arith.cmpi slt, %jit3A, %sign3A_67 : i32
      %sign3A_69 = arith.extui %sign3A_68 : i1 to i32
      %sign3A_70 = arith.subi %sign3A_66, %sign3A_69 : i32
      %ne3A = arith.cmpi ne, %sign3A_63, %sign3A_70 : i32
      %rem3A = arith.remsi %scan3A_55, %jit3A : i32
      %ne3A_71 = arith.constant 0 : i32
      %ne3A_72 = arith.cmpi ne, %rem3A, %ne3A_71 : i32
      %and3A = arith.andi %ne3A, %ne3A_72 : i1
      %sub3A = arith.constant 1 : i32
      %sub3A_73 = arith.subi %div3A, %sub3A : i32
      %select_n3A = arith.select %and3A, %sub3A_73, %div3A : i32
      %jit3A_74 = arith.constant 8 : i32
      %eq3A = arith.constant 0 : i32
      %eq3A_75 = arith.cmpi eq, %jit3A_74, %eq3A : i32
      %jit3A_76 = arith.constant 1 : i32
      %select_n3A_77 = arith.select %eq3A_75, %jit3A_76, %jit3A_74 : i32
      %rem3A_78 = arith.remsi %scan3A_55, %select_n3A_77 : i32
      %ne3A_79 = arith.constant 0 : i32
      %ne3A_80 = arith.cmpi ne, %rem3A_78, %ne3A_79 : i32
      %lt3A = arith.constant 0 : i32
      %lt3A_81 = arith.cmpi slt, %rem3A_78, %lt3A : i32
      %lt3A_82 = arith.constant 0 : i32
      %lt3A_83 = arith.cmpi slt, %select_n3A_77, %lt3A_82 : i32
      %ne3A_84 = arith.xori %lt3A_81, %lt3A_83 : i1
      %and3A_85 = arith.andi %ne3A_84, %ne3A_80 : i1
      %add3A_86 = arith.addi %rem3A_78, %select_n3A_77 : i32
      %select_n3A_87 = arith.select %and3A_85, %add3A_86, %rem3A_78 : i32
      %mul3A_88 = arith.constant 16 : i32
      %mul3A_89 = arith.muli %select_n3A_87, %mul3A_88 : i32
      %swap3A = arith.index_cast %select_n3A : i32 to index
      %swap3A_90 = arith.index_cast %mul3A_89 : i32 to index
      %swap3A_91 = tpu.vector_load %arg9[%swap3A, %swap3A_90] {strides = array<i32>} : memref<79x128xf32, #tpu.memory_space<vmem>>, vector<1x16xf32>,
      %swap3A_92 = vector.shape_cast %swap3A_91 : vector<1x16xf32> to vector<16xf32>
      %swap3A_93 = vector.shape_cast %broadcast_in_dim3A_57 : vector<16xf32> to vector<1x16xf32>
      tpu.vector_store %arg9[%swap3A, %swap3A_90], %swap3A_93 {strides = array<i32>} : memref<79x128xf32, #tpu.memory_space<vmem>>, vector<1x16xf32>,
      %scan3A_94 = arith.constant 0 : i32
      scf.yield %scan3A_94 : i32
    }
    %scan3A_5 = arith.constant 632 : i32
    "tpu.region"() ({
      %run_scoped3A_55 = tpu.sem_alloc : memref<!tpu.dma_semaphore, #tpu.memory_space<semaphore_mem>>
      %dma_start3A = arith.constant 0 : i32
      %dma_start3A_56 = arith.constant 0 : i32
      %dma_start3A_57 = tpu.memref_slice %arg4[%arg1, %dma_start3A, %dma_start3A_56] : memref<16x79x128xi32, #tpu.memory_space<hbm>> -> memref<1x79x128xi32, #tpu.memory_space<hbm>>
      %dma_start3A_58 = tpu.memref_squeeze %dma_start3A_57 : memref<1x79x128xi32, #tpu.memory_space<hbm>> -> memref<79x128xi32, #tpu.memory_space<hbm>>
      %dma_start3A_59 = arith.constant 0 : i32
      %dma_start3A_60 = arith.constant 0 : i32
      %dma_start3A_61 = tpu.memref_slice %arg4[%arg1, %dma_start3A_59, %dma_start3A_60] : memref<16x79x128xi32, #tpu.memory_space<hbm>> -> memref<1x79x128xi32, #tpu.memory_space<hbm>>
      %dma_start3A_62 = tpu.memref_squeeze %dma_start3A_61 : memref<1x79x128xi32, #tpu.memory_space<hbm>> -> memref<79x128xi32, #tpu.memory_space<hbm>>
      tpu.enqueue_dma source(%dma_start3A_62 : memref<79x128xi32, #tpu.memory_space<hbm>>) target(%arg7 : memref<79x128xi32, #tpu.memory_space<vmem>>) target_semaphore(%run_scoped3A_55 : memref<!tpu.dma_semaphore, #tpu.memory_space<semaphore_mem>>)
      %dma_wait3A = arith.constant 0 : i32
      %dma_wait3A_63 = arith.constant 0 : i32
      %dma_wait3A_64 = tpu.memref_slice %arg4[%arg1, %dma_wait3A, %dma_wait3A_63] : memref<16x79x128xi32, #tpu.memory_space<hbm>> -> memref<1x79x128xi32, #tpu.memory_space<hbm>>
      %dma_wait3A_65 = tpu.memref_squeeze %dma_wait3A_64 : memref<1x79x128xi32, #tpu.memory_space<hbm>> -> memref<79x128xi32, #tpu.memory_space<hbm>>
      %dma_wait3A_66 = arith.constant 0 : i32
      %dma_wait3A_67 = arith.constant 0 : i32
      %dma_wait3A_68 = tpu.memref_slice %arg4[%arg1, %dma_wait3A_66, %dma_wait3A_67] : memref<16x79x128xi32, #tpu.memory_space<hbm>> -> memref<1x79x128xi32, #tpu.memory_space<hbm>>
      %dma_wait3A_69 = tpu.memref_squeeze %dma_wait3A_68 : memref<1x79x128xi32, #tpu.memory_space<hbm>> -> memref<79x128xi32, #tpu.memory_space<hbm>>
      tpu.wait_dma2 semaphore(%run_scoped3A_55 : memref<!tpu.dma_semaphore, #tpu.memory_space<semaphore_mem>>) src(%dma_wait3A_69 : memref<79x128xi32, #tpu.memory_space<hbm>>) dst(%arg7 : memref<79x128xi32, #tpu.memory_space<vmem>>)
      tpu.yield
    }) : () -> ()
    %mul3A = arith.constant 632 : i32
    %mul3A_6 = arith.muli %arg1, %mul3A : i32
    %min3A = arith.constant 9368 : i32
    %min3A_7 = arith.minsi %mul3A_6, %min3A : i32
    %scan3A_8 = arith.constant 0 : i32
    %scan3A_9 = arith.constant 0 : i32
    %scan3A_10 = arith.constant 8 : i32
    %scan3A_11 = arith.addi %scan3A_9, %scan3A_10 : i32
    %scan3A_12 = arith.constant 1 : i32
    %scan3A_13 = scf.for %scan3A_55 = %scan3A_9 to %scan3A_11 step %scan3A_12 iter_args(%scan3A_56 = %scan3A_8) -> (i32)  : i32 {
      %mul3A_57 = arith.constant 632 : i32
      %mul3A_58 = arith.muli %arg1, %mul3A_57 : i32
      %mul3A_59 = arith.constant 79 : i32
      %mul3A_60 = arith.muli %scan3A_55, %mul3A_59 : i32
      %add3A_61 = arith.addi %mul3A_58, %mul3A_60 : i32
      "tpu.region"() ({
        %run_scoped3A_63 = tpu.sem_alloc : memref<!tpu.dma_semaphore, #tpu.memory_space<semaphore_mem>>
        %dma_start3A = arith.constant 0 : i32
        %dma_start3A_64 = tpu.memref_slice %arg10[%add3A_61, %dma_start3A] : memref<10112x128xf32, #tpu.memory_space<vmem_shared>> -> memref<79x128xf32, #tpu.memory_space<vmem_shared>>
        %dma_start3A_65 = arith.constant 0 : i32
        %dma_start3A_66 = tpu.memref_slice %arg10[%add3A_61, %dma_start3A_65] : memref<10112x128xf32, #tpu.memory_space<vmem_shared>> -> memref<79x128xf32, #tpu.memory_space<vmem_shared>>
        tpu.enqueue_dma source(%arg9 : memref<79x128xf32, #tpu.memory_space<vmem>>) target(%dma_start3A_66 : memref<79x128xf32, #tpu.memory_space<vmem_shared>>) target_semaphore(%run_scoped3A_63 : memref<!tpu.dma_semaphore, #tpu.memory_space<semaphore_mem>>)
        %dma_wait3A = arith.constant 0 : i32
        %dma_wait3A_67 = tpu.memref_slice %arg10[%add3A_61, %dma_wait3A] : memref<10112x128xf32, #tpu.memory_space<vmem_shared>> -> memref<79x128xf32, #tpu.memory_space<vmem_shared>>
        %dma_wait3A_68 = arith.constant 0 : i32
        %dma_wait3A_69 = tpu.memref_slice %arg10[%add3A_61, %dma_wait3A_68] : memref<10112x128xf32, #tpu.memory_space<vmem_shared>> -> memref<79x128xf32, #tpu.memory_space<vmem_shared>>
        tpu.wait_dma2 semaphore(%run_scoped3A_63 : memref<!tpu.dma_semaphore, #tpu.memory_space<semaphore_mem>>) src(%arg9 : memref<79x128xf32, #tpu.memory_space<vmem>>) dst(%dma_wait3A_69 : memref<79x128xf32, #tpu.memory_space<vmem_shared>>)
        tpu.yield
      }) : () -> ()
      %scan3A_62 = arith.constant 0 : i32
      scf.yield %scan3A_62 : i32
    }
    %scan3A_14 = arith.constant 8 : i32
    %run_scoped3A = arith.constant 0 : i32
    "tpu.region"() ({
      %run_scoped3A_55 = tpu.sem_alloc : memref<!tpu.dma_semaphore, #tpu.memory_space<semaphore_mem>>
      %dma_start3A = arith.constant 0 : i32
      %dma_start3A_56 = arith.constant 0 : i32
      %dma_start3A_57 = tpu.memref_slice %arg3[%arg0, %run_scoped3A, %arg1, %dma_start3A, %dma_start3A_56] : memref<2x2x16x79x128xi32, #tpu.memory_space<hbm>> -> memref<1x1x1x79x128xi32, #tpu.memory_space<hbm>>
      %dma_start3A_58 = tpu.memref_squeeze %dma_start3A_57 : memref<1x1x1x79x128xi32, #tpu.memory_space<hbm>> -> memref<79x128xi32, #tpu.memory_space<hbm>>
      %dma_start3A_59 = arith.constant 0 : i32
      %dma_start3A_60 = arith.constant 0 : i32
      %dma_start3A_61 = tpu.memref_slice %arg3[%arg0, %run_scoped3A, %arg1, %dma_start3A_59, %dma_start3A_60] : memref<2x2x16x79x128xi32, #tpu.memory_space<hbm>> -> memref<1x1x1x79x128xi32, #tpu.memory_space<hbm>>
      %dma_start3A_62 = tpu.memref_squeeze %dma_start3A_61 : memref<1x1x1x79x128xi32, #tpu.memory_space<hbm>> -> memref<79x128xi32, #tpu.memory_space<hbm>>
      tpu.enqueue_dma source(%dma_start3A_62 : memref<79x128xi32, #tpu.memory_space<hbm>>) target(%arg6 : memref<79x128xi32, #tpu.memory_space<vmem>>) target_semaphore(%run_scoped3A_55 : memref<!tpu.dma_semaphore, #tpu.memory_space<semaphore_mem>>)
      %dma_wait3A = arith.constant 0 : i32
      %dma_wait3A_63 = arith.constant 0 : i32
      %dma_wait3A_64 = tpu.memref_slice %arg3[%arg0, %run_scoped3A, %arg1, %dma_wait3A, %dma_wait3A_63] : memref<2x2x16x79x128xi32, #tpu.memory_space<hbm>> -> memref<1x1x1x79x128xi32, #tpu.memory_space<hbm>>
      %dma_wait3A_65 = tpu.memref_squeeze %dma_wait3A_64 : memref<1x1x1x79x128xi32, #tpu.memory_space<hbm>> -> memref<79x128xi32, #tpu.memory_space<hbm>>
      %dma_wait3A_66 = arith.constant 0 : i32
      %dma_wait3A_67 = arith.constant 0 : i32
      %dma_wait3A_68 = tpu.memref_slice %arg3[%arg0, %run_scoped3A, %arg1, %dma_wait3A_66, %dma_wait3A_67] : memref<2x2x16x79x128xi32, #tpu.memory_space<hbm>> -> memref<1x1x1x79x128xi32, #tpu.memory_space<hbm>>
      %dma_wait3A_69 = tpu.memref_squeeze %dma_wait3A_68 : memref<1x1x1x79x128xi32, #tpu.memory_space<hbm>> -> memref<79x128xi32, #tpu.memory_space<hbm>>
      tpu.wait_dma2 semaphore(%run_scoped3A_55 : memref<!tpu.dma_semaphore, #tpu.memory_space<semaphore_mem>>) src(%dma_wait3A_69 : memref<79x128xi32, #tpu.memory_space<hbm>>) dst(%arg6 : memref<79x128xi32, #tpu.memory_space<vmem>>)
      tpu.yield
    }) : () -> ()
    %barrier3A = arith.constant 0 : index
    tpu.barrier barrier_id(%barrier3A)
    %scan3A_15 = arith.constant 0 : i32
    %scan3A_16 = arith.constant 0 : i32
    %scan3A_17 = arith.constant 79 : i32
    %scan3A_18 = arith.addi %scan3A_16, %scan3A_17 : i32
    %scan3A_19 = arith.constant 1 : i32
    %scan3A_20 = scf.for %scan3A_55 = %scan3A_16 to %scan3A_18 step %scan3A_19 iter_args(%scan3A_56 = %scan3A_15) -> (i32)  : i32 {
      %dma_start3A = arith.constant 0 : i32
      %dma_start3A_57 = tpu.memref_slice %arg6[%scan3A_55, %dma_start3A] : memref<79x128xi32, #tpu.memory_space<vmem>> -> memref<1x128xi32, #tpu.memory_space<vmem>>
      %dma_start3A_58 = tpu.memref_squeeze %dma_start3A_57 : memref<1x128xi32, #tpu.memory_space<vmem>> -> memref<128xi32, #tpu.memory_space<vmem>>
      %dma_start3A_59 = arith.constant 0 : i32
      %dma_start3A_60 = arith.constant 0 : i32
      %dma_start3A_61 = tpu.memref_slice %arg2[%dma_start3A_59, %dma_start3A_60] : memref<40000x128xf32, #tpu.memory_space<hbm>> -> memref<40000x128xf32, #tpu.memory_space<hbm>>
      tpu.enqueue_indirect_dma source(%dma_start3A_61 : memref<40000x128xf32, #tpu.memory_space<hbm>>) target(%arg8 : memref<128x128xf32, #tpu.memory_space<vmem>>) offsets(%dma_start3A_58 : memref<128xi32, #tpu.memory_space<vmem>>) semaphore(%arg11 : memref<!tpu.dma_semaphore, #tpu.memory_space<semaphore_mem>>)
      %dma_wait3A = arith.constant 0 : i32
      %dma_wait3A_62 = tpu.memref_slice %arg6[%scan3A_55, %dma_wait3A] : memref<79x128xi32, #tpu.memory_space<vmem>> -> memref<1x128xi32, #tpu.memory_space<vmem>>
      %dma_wait3A_63 = tpu.memref_squeeze %dma_wait3A_62 : memref<1x128xi32, #tpu.memory_space<vmem>> -> memref<128xi32, #tpu.memory_space<vmem>>
      %dma_wait3A_64 = arith.constant 0 : i32
      %dma_wait3A_65 = arith.constant 0 : i32
      %dma_wait3A_66 = tpu.memref_slice %arg2[%dma_wait3A_64, %dma_wait3A_65] : memref<40000x128xf32, #tpu.memory_space<hbm>> -> memref<40000x128xf32, #tpu.memory_space<hbm>>
      tpu.wait_indirect_dma semaphore(%arg11 : memref<!tpu.dma_semaphore, #tpu.memory_space<semaphore_mem>>) src(%dma_wait3A_66 : memref<40000x128xf32, #tpu.memory_space<hbm>>) dst(%arg8 : memref<128x128xf32, #tpu.memory_space<vmem>>)
      "tpu.region"() ({
        %run_scoped3A_68 = tpu.sem_alloc : memref<!tpu.dma_semaphore, #tpu.memory_space<semaphore_mem>>
        %dma_start3A_69 = arith.constant 0 : i32
        %dma_start3A_70 = tpu.memref_slice %arg7[%scan3A_55, %dma_start3A_69] : memref<79x128xi32, #tpu.memory_space<vmem>> -> memref<1x128xi32, #tpu.memory_space<vmem>>
        %dma_start3A_71 = tpu.memref_squeeze %dma_start3A_70 : memref<1x128xi32, #tpu.memory_space<vmem>> -> memref<128xi32, #tpu.memory_space<vmem>>
        %dma_start3A_72 = arith.constant 0 : i32
        %dma_start3A_73 = arith.constant 0 : i32
        %dma_start3A_74 = tpu.memref_slice %arg10[%dma_start3A_72, %dma_start3A_73] : memref<10112x128xf32, #tpu.memory_space<vmem_shared>> -> memref<10112x128xf32, #tpu.memory_space<vmem_shared>>
        tpu.enqueue_indirect_dma source(%arg8 : memref<128x128xf32, #tpu.memory_space<vmem>>) target(%dma_start3A_74 : memref<10112x128xf32, #tpu.memory_space<vmem_shared>>) offsets(%dma_start3A_71 : memref<128xi32, #tpu.memory_space<vmem>>) semaphore(%run_scoped3A_68 : memref<!tpu.dma_semaphore, #tpu.memory_space<semaphore_mem>>) {add = true}
        %dma_wait3A_75 = arith.constant 0 : i32
        %dma_wait3A_76 = tpu.memref_slice %arg7[%scan3A_55, %dma_wait3A_75] : memref<79x128xi32, #tpu.memory_space<vmem>> -> memref<1x128xi32, #tpu.memory_space<vmem>>
        %dma_wait3A_77 = tpu.memref_squeeze %dma_wait3A_76 : memref<1x128xi32, #tpu.memory_space<vmem>> -> memref<128xi32, #tpu.memory_space<vmem>>
        %dma_wait3A_78 = arith.constant 0 : i32
        %dma_wait3A_79 = arith.constant 0 : i32
        %dma_wait3A_80 = tpu.memref_slice %arg10[%dma_wait3A_78, %dma_wait3A_79] : memref<10112x128xf32, #tpu.memory_space<vmem_shared>> -> memref<10112x128xf32, #tpu.memory_space<vmem_shared>>
        tpu.wait_indirect_dma semaphore(%run_scoped3A_68 : memref<!tpu.dma_semaphore, #tpu.memory_space<semaphore_mem>>) src(%arg8 : memref<128x128xf32, #tpu.memory_space<vmem>>) dst(%dma_wait3A_80 : memref<10112x128xf32, #tpu.memory_space<vmem_shared>>)
        tpu.yield
      }) : () -> ()
      %scan3A_67 = arith.constant 0 : i32
      scf.yield %scan3A_67 : i32
    }
    %scan3A_21 = arith.constant 79 : i32
    %barrier3A_22 = arith.constant 0 : index
    tpu.barrier barrier_id(%barrier3A_22)
    %mul3A_23 = arith.constant 2 : i32
    %mul3A_24 = arith.muli %arg0, %mul3A_23 : i32
    %add3A = arith.constant 0 : i32
    %add3A_25 = arith.addi %mul3A_24, %add3A : i32
    %mul3A_26 = arith.constant 10000 : i32
    %mul3A_27 = arith.muli %add3A_25, %mul3A_26 : i32
    %add3A_28 = arith.addi %mul3A_27, %min3A_7 : i32
    "tpu.region"() ({
      %run_scoped3A_55 = tpu.sem_alloc : memref<!tpu.dma_semaphore, #tpu.memory_space<semaphore_mem>>
      %dma_start3A = arith.constant 0 : i32
      %dma_start3A_56 = tpu.memref_slice %arg5[%add3A_28, %dma_start3A] : memref<40000x128xf32, #tpu.memory_space<hbm>> -> memref<632x128xf32, #tpu.memory_space<hbm>>
      %dma_start3A_57 = arith.constant 0 : i32
      %dma_start3A_58 = tpu.memref_slice %arg10[%min3A_7, %dma_start3A_57] : memref<10112x128xf32, #tpu.memory_space<vmem_shared>> -> memref<632x128xf32, #tpu.memory_space<vmem_shared>>
      tpu.enqueue_dma source(%dma_start3A_58 : memref<632x128xf32, #tpu.memory_space<vmem_shared>>) target(%dma_start3A_56 : memref<632x128xf32, #tpu.memory_space<hbm>>) target_semaphore(%run_scoped3A_55 : memref<!tpu.dma_semaphore, #tpu.memory_space<semaphore_mem>>)
      %dma_wait3A = arith.constant 0 : i32
      %dma_wait3A_59 = tpu.memref_slice %arg5[%add3A_28, %dma_wait3A] : memref<40000x128xf32, #tpu.memory_space<hbm>> -> memref<632x128xf32, #tpu.memory_space<hbm>>
      %dma_wait3A_60 = arith.constant 0 : i32
      %dma_wait3A_61 = tpu.memref_slice %arg10[%min3A_7, %dma_wait3A_60] : memref<10112x128xf32, #tpu.memory_space<vmem_shared>> -> memref<632x128xf32, #tpu.memory_space<vmem_shared>>
      tpu.wait_dma2 semaphore(%run_scoped3A_55 : memref<!tpu.dma_semaphore, #tpu.memory_space<semaphore_mem>>) src(%dma_wait3A_61 : memref<632x128xf32, #tpu.memory_space<vmem_shared>>) dst(%dma_wait3A_59 : memref<632x128xf32, #tpu.memory_space<hbm>>)
      tpu.yield
    }) : () -> ()
    %barrier3A_29 = arith.constant 0 : index
    tpu.barrier barrier_id(%barrier3A_29)
    %scan3A_30 = arith.constant 0 : i32
    %scan3A_31 = arith.constant 0 : i32
    %scan3A_32 = arith.constant 8 : i32
    %scan3A_33 = arith.addi %scan3A_31, %scan3A_32 : i32
    %scan3A_34 = arith.constant 1 : i32
    %scan3A_35 = scf.for %scan3A_55 = %scan3A_31 to %scan3A_33 step %scan3A_34 iter_args(%scan3A_56 = %scan3A_30) -> (i32)  : i32 {
      %mul3A_57 = arith.constant 632 : i32
      %mul3A_58 = arith.muli %arg1, %mul3A_57 : i32
      %mul3A_59 = arith.constant 79 : i32
      %mul3A_60 = arith.muli %scan3A_55, %mul3A_59 : i32
      %add3A_61 = arith.addi %mul3A_58, %mul3A_60 : i32
      "tpu.region"() ({
        %run_scoped3A_63 = tpu.sem_alloc : memref<!tpu.dma_semaphore, #tpu.memory_space<semaphore_mem>>
        %dma_start3A = arith.constant 0 : i32
        %dma_start3A_64 = tpu.memref_slice %arg10[%add3A_61, %dma_start3A] : memref<10112x128xf32, #tpu.memory_space<vmem_shared>> -> memref<79x128xf32, #tpu.memory_space<vmem_shared>>
        %dma_start3A_65 = arith.constant 0 : i32
        %dma_start3A_66 = tpu.memref_slice %arg10[%add3A_61, %dma_start3A_65] : memref<10112x128xf32, #tpu.memory_space<vmem_shared>> -> memref<79x128xf32, #tpu.memory_space<vmem_shared>>
        tpu.enqueue_dma source(%arg9 : memref<79x128xf32, #tpu.memory_space<vmem>>) target(%dma_start3A_66 : memref<79x128xf32, #tpu.memory_space<vmem_shared>>) target_semaphore(%run_scoped3A_63 : memref<!tpu.dma_semaphore, #tpu.memory_space<semaphore_mem>>)
        %dma_wait3A = arith.constant 0 : i32
        %dma_wait3A_67 = tpu.memref_slice %arg10[%add3A_61, %dma_wait3A] : memref<10112x128xf32, #tpu.memory_space<vmem_shared>> -> memref<79x128xf32, #tpu.memory_space<vmem_shared>>
        %dma_wait3A_68 = arith.constant 0 : i32
        %dma_wait3A_69 = tpu.memref_slice %arg10[%add3A_61, %dma_wait3A_68] : memref<10112x128xf32, #tpu.memory_space<vmem_shared>> -> memref<79x128xf32, #tpu.memory_space<vmem_shared>>
        tpu.wait_dma2 semaphore(%run_scoped3A_63 : memref<!tpu.dma_semaphore, #tpu.memory_space<semaphore_mem>>) src(%arg9 : memref<79x128xf32, #tpu.memory_space<vmem>>) dst(%dma_wait3A_69 : memref<79x128xf32, #tpu.memory_space<vmem_shared>>)
        tpu.yield
      }) : () -> ()
      %scan3A_62 = arith.constant 0 : i32
      scf.yield %scan3A_62 : i32
    }
    %scan3A_36 = arith.constant 8 : i32
    %run_scoped3A_37 = arith.constant 1 : i32
    "tpu.region"() ({
      %run_scoped3A_55 = tpu.sem_alloc : memref<!tpu.dma_semaphore, #tpu.memory_space<semaphore_mem>>
      %dma_start3A = arith.constant 0 : i32
      %dma_start3A_56 = arith.constant 0 : i32
      %dma_start3A_57 = tpu.memref_slice %arg3[%arg0, %run_scoped3A_37, %arg1, %dma_start3A, %dma_start3A_56] : memref<2x2x16x79x128xi32, #tpu.memory_space<hbm>> -> memref<1x1x1x79x128xi32, #tpu.memory_space<hbm>>
      %dma_start3A_58 = tpu.memref_squeeze %dma_start3A_57 : memref<1x1x1x79x128xi32, #tpu.memory_space<hbm>> -> memref<79x128xi32, #tpu.memory_space<hbm>>
      %dma_start3A_59 = arith.constant 0 : i32
      %dma_start3A_60 = arith.constant 0 : i32
      %dma_start3A_61 = tpu.memref_slice %arg3[%arg0, %run_scoped3A_37, %arg1, %dma_start3A_59, %dma_start3A_60] : memref<2x2x16x79x128xi32, #tpu.memory_space<hbm>> -> memref<1x1x1x79x128xi32, #tpu.memory_space<hbm>>
      %dma_start3A_62 = tpu.memref_squeeze %dma_start3A_61 : memref<1x1x1x79x128xi32, #tpu.memory_space<hbm>> -> memref<79x128xi32, #tpu.memory_space<hbm>>
      tpu.enqueue_dma source(%dma_start3A_62 : memref<79x128xi32, #tpu.memory_space<hbm>>) target(%arg6 : memref<79x128xi32, #tpu.memory_space<vmem>>) target_semaphore(%run_scoped3A_55 : memref<!tpu.dma_semaphore, #tpu.memory_space<semaphore_mem>>)
      %dma_wait3A = arith.constant 0 : i32
      %dma_wait3A_63 = arith.constant 0 : i32
      %dma_wait3A_64 = tpu.memref_slice %arg3[%arg0, %run_scoped3A_37, %arg1, %dma_wait3A, %dma_wait3A_63] : memref<2x2x16x79x128xi32, #tpu.memory_space<hbm>> -> memref<1x1x1x79x128xi32, #tpu.memory_space<hbm>>
      %dma_wait3A_65 = tpu.memref_squeeze %dma_wait3A_64 : memref<1x1x1x79x128xi32, #tpu.memory_space<hbm>> -> memref<79x128xi32, #tpu.memory_space<hbm>>
      %dma_wait3A_66 = arith.constant 0 : i32
      %dma_wait3A_67 = arith.constant 0 : i32
      %dma_wait3A_68 = tpu.memref_slice %arg3[%arg0, %run_scoped3A_37, %arg1, %dma_wait3A_66, %dma_wait3A_67] : memref<2x2x16x79x128xi32, #tpu.memory_space<hbm>> -> memref<1x1x1x79x128xi32, #tpu.memory_space<hbm>>
      %dma_wait3A_69 = tpu.memref_squeeze %dma_wait3A_68 : memref<1x1x1x79x128xi32, #tpu.memory_space<hbm>> -> memref<79x128xi32, #tpu.memory_space<hbm>>
      tpu.wait_dma2 semaphore(%run_scoped3A_55 : memref<!tpu.dma_semaphore, #tpu.memory_space<semaphore_mem>>) src(%dma_wait3A_69 : memref<79x128xi32, #tpu.memory_space<hbm>>) dst(%arg6 : memref<79x128xi32, #tpu.memory_space<vmem>>)
      tpu.yield
    }) : () -> ()
    %barrier3A_38 = arith.constant 0 : index
    tpu.barrier barrier_id(%barrier3A_38)
    %scan3A_39 = arith.constant 0 : i32
    %scan3A_40 = arith.constant 0 : i32
    %scan3A_41 = arith.constant 79 : i32
    %scan3A_42 = arith.addi %scan3A_40, %scan3A_41 : i32
    %scan3A_43 = arith.constant 1 : i32
    %scan3A_44 = scf.for %scan3A_55 = %scan3A_40 to %scan3A_42 step %scan3A_43 iter_args(%scan3A_56 = %scan3A_39) -> (i32)  : i32 {
      %dma_start3A = arith.constant 0 : i32
      %dma_start3A_57 = tpu.memref_slice %arg6[%scan3A_55, %dma_start3A] : memref<79x128xi32, #tpu.memory_space<vmem>> -> memref<1x128xi32, #tpu.memory_space<vmem>>
      %dma_start3A_58 = tpu.memref_squeeze %dma_start3A_57 : memref<1x128xi32, #tpu.memory_space<vmem>> -> memref<128xi32, #tpu.memory_space<vmem>>
      %dma_start3A_59 = arith.constant 0 : i32
      %dma_start3A_60 = arith.constant 0 : i32
      %dma_start3A_61 = tpu.memref_slice %arg2[%dma_start3A_59, %dma_start3A_60] : memref<40000x128xf32, #tpu.memory_space<hbm>> -> memref<40000x128xf32, #tpu.memory_space<hbm>>
      tpu.enqueue_indirect_dma source(%dma_start3A_61 : memref<40000x128xf32, #tpu.memory_space<hbm>>) target(%arg8 : memref<128x128xf32, #tpu.memory_space<vmem>>) offsets(%dma_start3A_58 : memref<128xi32, #tpu.memory_space<vmem>>) semaphore(%arg11 : memref<!tpu.dma_semaphore, #tpu.memory_space<semaphore_mem>>)
      %dma_wait3A = arith.constant 0 : i32
      %dma_wait3A_62 = tpu.memref_slice %arg6[%scan3A_55, %dma_wait3A] : memref<79x128xi32, #tpu.memory_space<vmem>> -> memref<1x128xi32, #tpu.memory_space<vmem>>
      %dma_wait3A_63 = tpu.memref_squeeze %dma_wait3A_62 : memref<1x128xi32, #tpu.memory_space<vmem>> -> memref<128xi32, #tpu.memory_space<vmem>>
      %dma_wait3A_64 = arith.constant 0 : i32
      %dma_wait3A_65 = arith.constant 0 : i32
      %dma_wait3A_66 = tpu.memref_slice %arg2[%dma_wait3A_64, %dma_wait3A_65] : memref<40000x128xf32, #tpu.memory_space<hbm>> -> memref<40000x128xf32, #tpu.memory_space<hbm>>
      tpu.wait_indirect_dma semaphore(%arg11 : memref<!tpu.dma_semaphore, #tpu.memory_space<semaphore_mem>>) src(%dma_wait3A_66 : memref<40000x128xf32, #tpu.memory_space<hbm>>) dst(%arg8 : memref<128x128xf32, #tpu.memory_space<vmem>>)
      "tpu.region"() ({
        %run_scoped3A_68 = tpu.sem_alloc : memref<!tpu.dma_semaphore, #tpu.memory_space<semaphore_mem>>
        %dma_start3A_69 = arith.constant 0 : i32
        %dma_start3A_70 = tpu.memref_slice %arg7[%scan3A_55, %dma_start3A_69] : memref<79x128xi32, #tpu.memory_space<vmem>> -> memref<1x128xi32, #tpu.memory_space<vmem>>
        %dma_start3A_71 = tpu.memref_squeeze %dma_start3A_70 : memref<1x128xi32, #tpu.memory_space<vmem>> -> memref<128xi32, #tpu.memory_space<vmem>>
        %dma_start3A_72 = arith.constant 0 : i32
        %dma_start3A_73 = arith.constant 0 : i32
        %dma_start3A_74 = tpu.memref_slice %arg10[%dma_start3A_72, %dma_start3A_73] : memref<10112x128xf32, #tpu.memory_space<vmem_shared>> -> memref<10112x128xf32, #tpu.memory_space<vmem_shared>>
        tpu.enqueue_indirect_dma source(%arg8 : memref<128x128xf32, #tpu.memory_space<vmem>>) target(%dma_start3A_74 : memref<10112x128xf32, #tpu.memory_space<vmem_shared>>) offsets(%dma_start3A_71 : memref<128xi32, #tpu.memory_space<vmem>>) semaphore(%run_scoped3A_68 : memref<!tpu.dma_semaphore, #tpu.memory_space<semaphore_mem>>) {add = true}
        %dma_wait3A_75 = arith.constant 0 : i32
        %dma_wait3A_76 = tpu.memref_slice %arg7[%scan3A_55, %dma_wait3A_75] : memref<79x128xi32, #tpu.memory_space<vmem>> -> memref<1x128xi32, #tpu.memory_space<vmem>>
        %dma_wait3A_77 = tpu.memref_squeeze %dma_wait3A_76 : memref<1x128xi32, #tpu.memory_space<vmem>> -> memref<128xi32, #tpu.memory_space<vmem>>
        %dma_wait3A_78 = arith.constant 0 : i32
        %dma_wait3A_79 = arith.constant 0 : i32
        %dma_wait3A_80 = tpu.memref_slice %arg10[%dma_wait3A_78, %dma_wait3A_79] : memref<10112x128xf32, #tpu.memory_space<vmem_shared>> -> memref<10112x128xf32, #tpu.memory_space<vmem_shared>>
        tpu.wait_indirect_dma semaphore(%run_scoped3A_68 : memref<!tpu.dma_semaphore, #tpu.memory_space<semaphore_mem>>) src(%arg8 : memref<128x128xf32, #tpu.memory_space<vmem>>) dst(%dma_wait3A_80 : memref<10112x128xf32, #tpu.memory_space<vmem_shared>>)
        tpu.yield
      }) : () -> ()
      %scan3A_67 = arith.constant 0 : i32
      scf.yield %scan3A_67 : i32
    }
    %scan3A_45 = arith.constant 79 : i32
    %barrier3A_46 = arith.constant 0 : index
    tpu.barrier barrier_id(%barrier3A_46)
    %mul3A_47 = arith.constant 2 : i32
    %mul3A_48 = arith.muli %arg0, %mul3A_47 : i32
    %add3A_49 = arith.constant 1 : i32
    %add3A_50 = arith.addi %mul3A_48, %add3A_49 : i32
    %mul3A_51 = arith.constant 10000 : i32
    %mul3A_52 = arith.muli %add3A_50, %mul3A_51 : i32
    %add3A_53 = arith.addi %mul3A_52, %min3A_7 : i32
    "tpu.region"() ({
      %run_scoped3A_55 = tpu.sem_alloc : memref<!tpu.dma_semaphore, #tpu.memory_space<semaphore_mem>>
      %dma_start3A = arith.constant 0 : i32
      %dma_start3A_56 = tpu.memref_slice %arg5[%add3A_53, %dma_start3A] : memref<40000x128xf32, #tpu.memory_space<hbm>> -> memref<632x128xf32, #tpu.memory_space<hbm>>
      %dma_start3A_57 = arith.constant 0 : i32
      %dma_start3A_58 = tpu.memref_slice %arg10[%min3A_7, %dma_start3A_57] : memref<10112x128xf32, #tpu.memory_space<vmem_shared>> -> memref<632x128xf32, #tpu.memory_space<vmem_shared>>
      tpu.enqueue_dma source(%dma_start3A_58 : memref<632x128xf32, #tpu.memory_space<vmem_shared>>) target(%dma_start3A_56 : memref<632x128xf32, #tpu.memory_space<hbm>>) target_semaphore(%run_scoped3A_55 : memref<!tpu.dma_semaphore, #tpu.memory_space<semaphore_mem>>)
      %dma_wait3A = arith.constant 0 : i32
      %dma_wait3A_59 = tpu.memref_slice %arg5[%add3A_53, %dma_wait3A] : memref<40000x128xf32, #tpu.memory_space<hbm>> -> memref<632x128xf32, #tpu.memory_space<hbm>>
      %dma_wait3A_60 = arith.constant 0 : i32
      %dma_wait3A_61 = tpu.memref_slice %arg10[%min3A_7, %dma_wait3A_60] : memref<10112x128xf32, #tpu.memory_space<vmem_shared>> -> memref<632x128xf32, #tpu.memory_space<vmem_shared>>
      tpu.wait_dma2 semaphore(%run_scoped3A_55 : memref<!tpu.dma_semaphore, #tpu.memory_space<semaphore_mem>>) src(%dma_wait3A_61 : memref<632x128xf32, #tpu.memory_space<vmem_shared>>) dst(%dma_wait3A_59 : memref<632x128xf32, #tpu.memory_space<hbm>>)
      tpu.yield
    }) : () -> ()
    %barrier3A_54 = arith.constant 0 : index
    tpu.barrier barrier_id(%barrier3A_54)
    return
  }
}

module attributes {stable_mosaic.version = 14 : i64} {
  func.func @_prelude_body(%arg0: i32, %arg1: i32, %arg2: memref<400x256xf32, #tpu.memory_space<vmem>>, %arg3: memref<64x256xf32, #tpu.memory_space<vmem>>, %arg4: memref<256x128xf32, #tpu.memory_space<vmem>>, %arg5: memref<1x1x128xf32, #tpu.memory_space<vmem>>, %arg6: memref<1x400x128xf32, #tpu.memory_space<vmem>>) attributes {dimension_semantics = [#tpu.dimension_semantics<arbitrary>, #tpu.dimension_semantics<arbitrary>], iteration_bounds = array<i64: 25, 4>, scalar_prefetch = 0 : i64, scratch_operands = 0 : i64, tpu.core_type = #tpu.core_type<tc>, window_params = [{transform_indices = @transform_0, window_bounds = array<i64: 400, 256>}, {pipeline_mode = #tpu.pipeline_mode<synchronous>, transform_indices = @transform_1, window_bounds = array<i64: 64, 256>}, {transform_indices = @transform_2, window_bounds = array<i64: 256, 128>}, {transform_indices = @transform_3, window_bounds = array<i64: 1, 1, 128>}, {transform_indices = @transform_4, window_bounds = array<i64: 1, 400, 128>}]} {
    %get3A = arith.constant 0 : index
    %get3A_0 = arith.constant 0 : index
    %get3A_1 = vector.load %arg3[%get3A, %get3A_0] : memref<64x256xf32, #tpu.memory_space<vmem>>, vector<64x256xf32>
    %reduce_max3A = arith.constant dense<0xFF800000> : vector<64xf32>
    %reduce_max3A_2 = vector.multi_reduction <maximumf>, %get3A_1, %reduce_max3A [1] : vector<64x256xf32> to vector<64xf32>
    %broadcast_in_dim3A = vector.shape_cast %reduce_max3A_2 : vector<64xf32> to vector<64x1xf32>
    %iota3A = tpu.iota {dimensions = array<i32: 1>} : vector<64x256xi32>
    %eq3A = vector.broadcast %broadcast_in_dim3A : vector<64x1xf32> to vector<64x256xf32>
    %eq3A_3 = arith.cmpf oeq, %get3A_1, %eq3A : vector<64x256xf32>
    %jit3A = arith.constant 256 : i32
    %broadcast_in_dim3A_4 = vector.broadcast %jit3A : i32 to vector<64x256xi32>
    %select_n3A = arith.select %eq3A_3, %iota3A, %broadcast_in_dim3A_4 : vector<64x256xi1>, vector<64x256xi32>
    %reduce_min3A = arith.constant dense<2147483647> : vector<64xi32>
    %reduce_min3A_5 = vector.multi_reduction <minsi>, %select_n3A, %reduce_min3A [1] : vector<64x256xi32> to vector<64xi32>
    %broadcast_in_dim3A_6 = vector.shape_cast %reduce_min3A_5 : vector<64xi32> to vector<64x1xi32>
    %eq3A_7 = vector.broadcast %broadcast_in_dim3A_6 : vector<64x1xi32> to vector<64x256xi32>
    %eq3A_8 = arith.cmpi eq, %iota3A, %eq3A_7 : vector<64x256xi32>
    %jit3A_9 = arith.constant 1.000000e+00 : f32
    %jit3A_10 = arith.constant 0.000000e+00 : f32
    %broadcast_in_dim3A_11 = vector.broadcast %jit3A_9 : f32 to vector<64x256xf32>
    %broadcast_in_dim3A_12 = vector.broadcast %jit3A_10 : f32 to vector<64x256xf32>
    %select_n3A_13 = arith.select %eq3A_8, %broadcast_in_dim3A_11, %broadcast_in_dim3A_12 : vector<64x256xi1>, vector<64x256xf32>
    %reduce_max3A_14 = arith.constant dense<0xFF800000> : vector<256xf32>
    %reduce_max3A_15 = vector.multi_reduction <maximumf>, %select_n3A_13, %reduce_max3A_14 [0] : vector<64x256xf32> to vector<256xf32>
    %broadcast_in_dim3A_16 = vector.shape_cast %reduce_max3A_15 : vector<256xf32> to vector<1x256xf32>
    %get3A_17 = arith.constant 0 : index
    %get3A_18 = arith.constant 0 : index
    %get3A_19 = vector.load %arg2[%get3A_17, %get3A_18] : memref<400x256xf32, #tpu.memory_space<vmem>>, vector<400x256xf32>
    %mul3A = vector.broadcast %broadcast_in_dim3A_16 : vector<1x256xf32> to vector<400x256xf32>
    %mul3A_20 = arith.mulf %get3A_19, %mul3A : vector<400x256xf32>
    %get3A_21 = arith.constant 0 : index
    %get3A_22 = arith.constant 0 : index
    %get3A_23 = vector.load %arg4[%get3A_21, %get3A_22] : memref<256x128xf32, #tpu.memory_space<vmem>>, vector<256x128xf32>
    %dot_general3A = arith.constant dense<0.000000e+00> : vector<400x128xf32>
    %dot_general3A_24 = tpu.matmul %mul3A_20, %get3A_23, %dot_general3A {dimension_numbers = #tpu.dot_dimension_numbers<[1], [0], [0], [1], [0, 0, 1, 1], [], []>, transpose_lhs_hint = false} : vector<400x256xf32>, vector<256x128xf32>, vector<400x128xf32> -> vector<400x128xf32>
    %get3A_25 = arith.constant 0 : index
    %get3A_26 = arith.constant 0 : index
    %get3A_27 = arith.constant 0 : index
    %get3A_28 = vector.load %arg5[%get3A_25, %get3A_26, %get3A_27] : memref<1x1x128xf32, #tpu.memory_space<vmem>>, vector<1x1x128xf32>
    %get3A_29 = vector.shape_cast %get3A_28 : vector<1x1x128xf32> to vector<1x128xf32>
    %add3A = vector.broadcast %get3A_29 : vector<1x128xf32> to vector<400x128xf32>
    %add3A_30 = arith.addf %dot_general3A_24, %add3A : vector<400x128xf32>
    %swap3A = arith.constant 0 : index
    %swap3A_31 = arith.constant 0 : index
    %swap3A_32 = arith.constant 0 : index
    %swap3A_33 = vector.load %arg6[%swap3A, %swap3A_31, %swap3A_32] : memref<1x400x128xf32, #tpu.memory_space<vmem>>, vector<1x400x128xf32>
    %swap3A_34 = vector.shape_cast %swap3A_33 : vector<1x400x128xf32> to vector<400x128xf32>
    %swap3A_35 = vector.shape_cast %add3A_30 : vector<400x128xf32> to vector<1x400x128xf32>
    tpu.vector_store %arg6[%swap3A, %swap3A_31, %swap3A_32], %swap3A_35 {strides = array<i32>} : memref<1x400x128xf32, #tpu.memory_space<vmem>>, vector<1x400x128xf32>,
    return
  }
  func.func @transform_0(%arg0: i32, %arg1: i32) -> (i32, i32) {
    %c0_i32 = arith.constant 0 : i32
    %c0_i32_0 = arith.constant 0 : i32
    return %arg0, %c0_i32 : i32, i32
  }
  func.func @transform_1(%arg0: i32, %arg1: i32) -> (i32, i32) {
    %c0_i32 = arith.constant 0 : i32
    %c0_i32_0 = arith.constant 0 : i32
    %c0_i32_1 = arith.constant 0 : i32
    return %c0_i32, %c0_i32_0 : i32, i32
  }
  func.func @transform_2(%arg0: i32, %arg1: i32) -> (i32, i32) {
    %c0_i32 = arith.constant 0 : i32
    %c0_i32_0 = arith.constant 0 : i32
    return %c0_i32, %arg1 : i32, i32
  }
  func.func @transform_3(%arg0: i32, %arg1: i32) -> (i32, i32, i32) {
    %c0_i32 = arith.constant 0 : i32
    %c0_i32_0 = arith.constant 0 : i32
    %c0_i32_1 = arith.constant 0 : i32
    return %arg1, %c0_i32, %c0_i32_0 : i32, i32, i32
  }
  func.func @transform_4(%arg0: i32, %arg1: i32) -> (i32, i32, i32) {
    %c0_i32 = arith.constant 0 : i32
    %c0_i32_0 = arith.constant 0 : i32
    return %arg1, %arg0, %c0_i32 : i32, i32, i32
  }
}

module attributes {stable_mosaic.version = 14 : i64} {
  func.func @_layer_a_body(%arg0: i32, %arg1: memref<4x400x128xf32, #tpu.memory_space<vmem>>, %arg2: memref<512x512xf32, #tpu.memory_space<vmem>>, %arg3: memref<1x512xf32, #tpu.memory_space<vmem>>, %arg4: memref<400x512xf32, #tpu.memory_space<vmem>>) attributes {dimension_semantics = [#tpu.dimension_semantics<arbitrary>], iteration_bounds = array<i64: 25>, scalar_prefetch = 0 : i64, scratch_operands = 0 : i64, tpu.core_type = #tpu.core_type<tc>, window_params = [{transform_indices = @transform_0, window_bounds = array<i64: 4, 400, 128>}, {pipeline_mode = #tpu.pipeline_mode<synchronous>, transform_indices = @transform_1, window_bounds = array<i64: 512, 512>}, {pipeline_mode = #tpu.pipeline_mode<synchronous>, transform_indices = @transform_2, window_bounds = array<i64: 1, 512>}, {transform_indices = @transform_3, window_bounds = array<i64: 400, 512>}]} {
    %get3A = arith.constant 0 : index
    %get3A_0 = arith.constant 0 : index
    %get3A_1 = arith.constant 0 : index
    %get3A_2 = vector.load %arg1[%get3A, %get3A_0, %get3A_1] : memref<4x400x128xf32, #tpu.memory_space<vmem>>, vector<1x400x128xf32>
    %get3A_3 = vector.shape_cast %get3A_2 : vector<1x400x128xf32> to vector<400x128xf32>
    %get3A_4 = arith.constant 1 : index
    %get3A_5 = arith.constant 0 : index
    %get3A_6 = arith.constant 0 : index
    %get3A_7 = vector.load %arg1[%get3A_4, %get3A_5, %get3A_6] : memref<4x400x128xf32, #tpu.memory_space<vmem>>, vector<1x400x128xf32>
    %get3A_8 = vector.shape_cast %get3A_7 : vector<1x400x128xf32> to vector<400x128xf32>
    %get3A_9 = arith.constant 2 : index
    %get3A_10 = arith.constant 0 : index
    %get3A_11 = arith.constant 0 : index
    %get3A_12 = vector.load %arg1[%get3A_9, %get3A_10, %get3A_11] : memref<4x400x128xf32, #tpu.memory_space<vmem>>, vector<1x400x128xf32>
    %get3A_13 = vector.shape_cast %get3A_12 : vector<1x400x128xf32> to vector<400x128xf32>
    %get3A_14 = arith.constant 3 : index
    %get3A_15 = arith.constant 0 : index
    %get3A_16 = arith.constant 0 : index
    %get3A_17 = vector.load %arg1[%get3A_14, %get3A_15, %get3A_16] : memref<4x400x128xf32, #tpu.memory_space<vmem>>, vector<1x400x128xf32>
    %get3A_18 = vector.shape_cast %get3A_17 : vector<1x400x128xf32> to vector<400x128xf32>
    %concatenate3A = tpu.concatenate %get3A_3, %get3A_8, %get3A_13, %get3A_18 in 1 : vector<400x128xf32>, vector<400x128xf32>, vector<400x128xf32>, vector<400x128xf32> -> vector<400x512xf32>
    %get3A_19 = arith.constant 0 : index
    %get3A_20 = arith.constant 0 : index
    %get3A_21 = vector.load %arg2[%get3A_19, %get3A_20] : memref<512x512xf32, #tpu.memory_space<vmem>>, vector<512x512xf32>
    %dot_general3A = arith.constant dense<0.000000e+00> : vector<400x512xf32>
    %dot_general3A_22 = tpu.matmul %concatenate3A, %get3A_21, %dot_general3A {dimension_numbers = #tpu.dot_dimension_numbers<[1], [0], [0], [1], [0, 0, 1, 1], [], []>, transpose_lhs_hint = false} : vector<400x512xf32>, vector<512x512xf32>, vector<400x512xf32> -> vector<400x512xf32>
    %get3A_23 = arith.constant 0 : index
    %get3A_24 = arith.constant 0 : index
    %get3A_25 = vector.load %arg3[%get3A_23, %get3A_24] : memref<1x512xf32, #tpu.memory_space<vmem>>, vector<1x512xf32>
    %add3A = vector.broadcast %get3A_25 : vector<1x512xf32> to vector<400x512xf32>
    %add3A_26 = arith.addf %dot_general3A_22, %add3A : vector<400x512xf32>
    %swap3A = arith.constant 0 : index
    %swap3A_27 = arith.constant 0 : index
    %swap3A_28 = vector.load %arg4[%swap3A, %swap3A_27] : memref<400x512xf32, #tpu.memory_space<vmem>>, vector<400x512xf32>
    tpu.vector_store %arg4[%swap3A, %swap3A_27], %add3A_26 {strides = array<i32>} : memref<400x512xf32, #tpu.memory_space<vmem>>, vector<400x512xf32>,
    return
  }
  func.func @transform_0(%arg0: i32) -> (i32, i32, i32) {
    %c0_i32 = arith.constant 0 : i32
    %c0_i32_0 = arith.constant 0 : i32
    %c0_i32_1 = arith.constant 0 : i32
    return %c0_i32, %arg0, %c0_i32_0 : i32, i32, i32
  }
  func.func @transform_1(%arg0: i32) -> (i32, i32) {
    %c0_i32 = arith.constant 0 : i32
    %c0_i32_0 = arith.constant 0 : i32
    %c0_i32_1 = arith.constant 0 : i32
    return %c0_i32, %c0_i32_0 : i32, i32
  }
  func.func @transform_2(%arg0: i32) -> (i32, i32) {
    %c0_i32 = arith.constant 0 : i32
    %c0_i32_0 = arith.constant 0 : i32
    %c0_i32_1 = arith.constant 0 : i32
    return %c0_i32, %c0_i32_0 : i32, i32
  }
  func.func @transform_3(%arg0: i32) -> (i32, i32) {
    %c0_i32 = arith.constant 0 : i32
    %c0_i32_0 = arith.constant 0 : i32
    return %arg0, %c0_i32 : i32, i32
  }
}

module attributes {stable_mosaic.version = 14 : i64} {
  func.func @_layer_body(%arg0: i32, %arg1: memref<4x400x128xf32, #tpu.memory_space<vmem>>, %arg2: memref<400x512xf32, #tpu.memory_space<vmem>>, %arg3: memref<4x400x128xf32, #tpu.memory_space<vmem>>, %arg4: memref<400x128xf32, #tpu.memory_space<vmem>>, %arg5: memref<512x512xf32, #tpu.memory_space<vmem>>, %arg6: memref<1x512xf32, #tpu.memory_space<vmem>>, %arg7: memref<1x512xf32, #tpu.memory_space<vmem>>, %arg8: memref<4x400x128xf32, #tpu.memory_space<vmem>>, %arg9: memref<4x400x128xf32, #tpu.memory_space<vmem>>) attributes {dimension_semantics = [#tpu.dimension_semantics<arbitrary>], iteration_bounds = array<i64: 25>, scalar_prefetch = 0 : i64, scratch_operands = 0 : i64, tpu.core_type = #tpu.core_type<tc>, window_params = [{transform_indices = @transform_0, window_bounds = array<i64: 4, 400, 128>}, {transform_indices = @transform_1, window_bounds = array<i64: 400, 512>}, {transform_indices = @transform_2, window_bounds = array<i64: 4, 400, 128>}, {transform_indices = @transform_3, window_bounds = array<i64: 400, 128>}, {pipeline_mode = #tpu.pipeline_mode<synchronous>, transform_indices = @transform_4, window_bounds = array<i64: 512, 512>}, {pipeline_mode = #tpu.pipeline_mode<synchronous>, transform_indices = @transform_5, window_bounds = array<i64: 1, 512>}, {pipeline_mode = #tpu.pipeline_mode<synchronous>, transform_indices = @transform_6, window_bounds = array<i64: 1, 512>}, {transform_indices = @transform_7, window_bounds = array<i64: 4, 400, 128>}, {transform_indices = @transform_8, window_bounds = array<i64: 4, 400, 128>}]} {
    %get3A = arith.constant 0 : index
    %get3A_0 = arith.constant 0 : index
    %get3A_1 = vector.load %arg4[%get3A, %get3A_0] : memref<400x128xf32, #tpu.memory_space<vmem>>, vector<400x1xf32>
    %max3A = arith.constant 1.000000e+00 : f32
    %max3A_2 = vector.broadcast %max3A : f32 to vector<400x1xf32>
    %max3A_3 = arith.maximumf %get3A_1, %max3A_2 : vector<400x1xf32>
    %div3A = arith.constant 1.000000e+00 : f32
    %div3A_4 = vector.broadcast %div3A : f32 to vector<400x1xf32>
    %div3A_5 = arith.divf %div3A_4, %max3A_3 : vector<400x1xf32>
    %get3A_6 = arith.constant 0 : index
    %get3A_7 = arith.constant 0 : index
    %get3A_8 = arith.constant 0 : index
    %get3A_9 = vector.load %arg1[%get3A_6, %get3A_7, %get3A_8] : memref<4x400x128xf32, #tpu.memory_space<vmem>>, vector<1x400x128xf32>
    %get3A_10 = vector.shape_cast %get3A_9 : vector<1x400x128xf32> to vector<400x128xf32>
    %get3A_11 = arith.constant 1 : index
    %get3A_12 = arith.constant 0 : index
    %get3A_13 = arith.constant 0 : index
    %get3A_14 = vector.load %arg1[%get3A_11, %get3A_12, %get3A_13] : memref<4x400x128xf32, #tpu.memory_space<vmem>>, vector<1x400x128xf32>
    %get3A_15 = vector.shape_cast %get3A_14 : vector<1x400x128xf32> to vector<400x128xf32>
    %get3A_16 = arith.constant 2 : index
    %get3A_17 = arith.constant 0 : index
    %get3A_18 = arith.constant 0 : index
    %get3A_19 = vector.load %arg1[%get3A_16, %get3A_17, %get3A_18] : memref<4x400x128xf32, #tpu.memory_space<vmem>>, vector<1x400x128xf32>
    %get3A_20 = vector.shape_cast %get3A_19 : vector<1x400x128xf32> to vector<400x128xf32>
    %get3A_21 = arith.constant 3 : index
    %get3A_22 = arith.constant 0 : index
    %get3A_23 = arith.constant 0 : index
    %get3A_24 = vector.load %arg1[%get3A_21, %get3A_22, %get3A_23] : memref<4x400x128xf32, #tpu.memory_space<vmem>>, vector<1x400x128xf32>
    %get3A_25 = vector.shape_cast %get3A_24 : vector<1x400x128xf32> to vector<400x128xf32>
    %concatenate3A = tpu.concatenate %get3A_10, %get3A_15, %get3A_20, %get3A_25 in 1 : vector<400x128xf32>, vector<400x128xf32>, vector<400x128xf32>, vector<400x128xf32> -> vector<400x512xf32>
    %mul3A = vector.broadcast %div3A_5 : vector<400x1xf32> to vector<400x512xf32>
    %mul3A_26 = arith.mulf %concatenate3A, %mul3A : vector<400x512xf32>
    %get3A_27 = arith.constant 0 : index
    %get3A_28 = arith.constant 0 : index
    %get3A_29 = vector.load %arg5[%get3A_27, %get3A_28] : memref<512x512xf32, #tpu.memory_space<vmem>>, vector<512x512xf32>
    %dot_general3A = arith.constant dense<0.000000e+00> : vector<400x512xf32>
    %dot_general3A_30 = tpu.matmul %mul3A_26, %get3A_29, %dot_general3A {dimension_numbers = #tpu.dot_dimension_numbers<[1], [0], [0], [1], [0, 0, 1, 1], [], []>, transpose_lhs_hint = false} : vector<400x512xf32>, vector<512x512xf32>, vector<400x512xf32> -> vector<400x512xf32>
    %get3A_31 = arith.constant 0 : index
    %get3A_32 = arith.constant 0 : index
    %get3A_33 = vector.load %arg2[%get3A_31, %get3A_32] : memref<400x512xf32, #tpu.memory_space<vmem>>, vector<400x512xf32>
    %add3A = arith.addf %dot_general3A_30, %get3A_33 : vector<400x512xf32>
    %reduce_sum3A = arith.constant dense<0.000000e+00> : vector<400xf32>
    %reduce_sum3A_34 = vector.multi_reduction <add>, %add3A, %reduce_sum3A [1] : vector<400x512xf32> to vector<400xf32>
    %broadcast_in_dim3A = vector.shape_cast %reduce_sum3A_34 : vector<400xf32> to vector<400x1xf32>
    %div3A_35 = arith.constant 5.120000e+02 : f32
    %div3A_36 = vector.broadcast %div3A_35 : f32 to vector<400x1xf32>
    %div3A_37 = arith.divf %broadcast_in_dim3A, %div3A_36 : vector<400x1xf32>
    %sub3A = vector.broadcast %div3A_37 : vector<400x1xf32> to vector<400x512xf32>
    %sub3A_38 = arith.subf %add3A, %sub3A : vector<400x512xf32>
    %mul3A_39 = arith.mulf %sub3A_38, %sub3A_38 : vector<400x512xf32>
    %reduce_sum3A_40 = arith.constant dense<0.000000e+00> : vector<400xf32>
    %reduce_sum3A_41 = vector.multi_reduction <add>, %mul3A_39, %reduce_sum3A_40 [1] : vector<400x512xf32> to vector<400xf32>
    %broadcast_in_dim3A_42 = vector.shape_cast %reduce_sum3A_41 : vector<400xf32> to vector<400x1xf32>
    %div3A_43 = arith.constant 5.120000e+02 : f32
    %div3A_44 = vector.broadcast %div3A_43 : f32 to vector<400x1xf32>
    %div3A_45 = arith.divf %broadcast_in_dim3A_42, %div3A_44 : vector<400x1xf32>
    %add3A_46 = arith.constant 9.99999974E-6 : f32
    %add3A_47 = vector.broadcast %add3A_46 : f32 to vector<400x1xf32>
    %add3A_48 = arith.addf %div3A_45, %add3A_47 : vector<400x1xf32>
    %rsqrt3A = math.rsqrt %add3A_48 : vector<400x1xf32>
    %mul3A_49 = vector.broadcast %rsqrt3A : vector<400x1xf32> to vector<400x512xf32>
    %mul3A_50 = arith.mulf %sub3A_38, %mul3A_49 : vector<400x512xf32>
    %get3A_51 = arith.constant 0 : index
    %get3A_52 = arith.constant 0 : index
    %get3A_53 = vector.load %arg6[%get3A_51, %get3A_52] : memref<1x512xf32, #tpu.memory_space<vmem>>, vector<1x512xf32>
    %mul3A_54 = vector.broadcast %get3A_53 : vector<1x512xf32> to vector<400x512xf32>
    %mul3A_55 = arith.mulf %mul3A_50, %mul3A_54 : vector<400x512xf32>
    %get3A_56 = arith.constant 0 : index
    %get3A_57 = arith.constant 0 : index
    %get3A_58 = vector.load %arg7[%get3A_56, %get3A_57] : memref<1x512xf32, #tpu.memory_space<vmem>>, vector<1x512xf32>
    %add3A_59 = vector.broadcast %get3A_58 : vector<1x512xf32> to vector<400x512xf32>
    %add3A_60 = arith.addf %mul3A_55, %add3A_59 : vector<400x512xf32>
    %max3A_61 = arith.constant 0.000000e+00 : f32
    %max3A_62 = vector.broadcast %max3A_61 : f32 to vector<400x512xf32>
    %max3A_63 = arith.maximumf %add3A_60, %max3A_62 : vector<400x512xf32>
    %slice3A = vector.extract_strided_slice %max3A_63 {offsets = [0, 0], sizes = [400, 128], strides = [1, 1]} : vector<400x512xf32> to vector<400x128xf32>
    %swap3A = arith.constant 0 : index
    %swap3A_64 = arith.constant 0 : index
    %swap3A_65 = arith.constant 0 : index
    %swap3A_66 = vector.load %arg8[%swap3A, %swap3A_64, %swap3A_65] : memref<4x400x128xf32, #tpu.memory_space<vmem>>, vector<1x400x128xf32>
    %swap3A_67 = vector.shape_cast %swap3A_66 : vector<1x400x128xf32> to vector<400x128xf32>
    %swap3A_68 = vector.shape_cast %slice3A : vector<400x128xf32> to vector<1x400x128xf32>
    tpu.vector_store %arg8[%swap3A, %swap3A_64, %swap3A_65], %swap3A_68 {strides = array<i32>} : memref<4x400x128xf32, #tpu.memory_space<vmem>>, vector<1x400x128xf32>,
    %get3A_69 = arith.constant 0 : index
    %get3A_70 = arith.constant 0 : index
    %get3A_71 = arith.constant 0 : index
    %get3A_72 = vector.load %arg3[%get3A_69, %get3A_70, %get3A_71] : memref<4x400x128xf32, #tpu.memory_space<vmem>>, vector<1x400x128xf32>
    %get3A_73 = vector.shape_cast %get3A_72 : vector<1x400x128xf32> to vector<400x128xf32>
    %add3A_74 = arith.addf %get3A_73, %slice3A : vector<400x128xf32>
    %swap3A_75 = arith.constant 0 : index
    %swap3A_76 = arith.constant 0 : index
    %swap3A_77 = arith.constant 0 : index
    %swap3A_78 = vector.load %arg9[%swap3A_75, %swap3A_76, %swap3A_77] : memref<4x400x128xf32, #tpu.memory_space<vmem>>, vector<1x400x128xf32>
    %swap3A_79 = vector.shape_cast %swap3A_78 : vector<1x400x128xf32> to vector<400x128xf32>
    %swap3A_80 = vector.shape_cast %add3A_74 : vector<400x128xf32> to vector<1x400x128xf32>
    tpu.vector_store %arg9[%swap3A_75, %swap3A_76, %swap3A_77], %swap3A_80 {strides = array<i32>} : memref<4x400x128xf32, #tpu.memory_space<vmem>>, vector<1x400x128xf32>,
    %slice3A_81 = vector.extract_strided_slice %max3A_63 {offsets = [0, 128], sizes = [400, 128], strides = [1, 1]} : vector<400x512xf32> to vector<400x128xf32>
    %swap3A_82 = arith.constant 1 : index
    %swap3A_83 = arith.constant 0 : index
    %swap3A_84 = arith.constant 0 : index
    %swap3A_85 = vector.load %arg8[%swap3A_82, %swap3A_83, %swap3A_84] : memref<4x400x128xf32, #tpu.memory_space<vmem>>, vector<1x400x128xf32>
    %swap3A_86 = vector.shape_cast %swap3A_85 : vector<1x400x128xf32> to vector<400x128xf32>
    %swap3A_87 = vector.shape_cast %slice3A_81 : vector<400x128xf32> to vector<1x400x128xf32>
    tpu.vector_store %arg8[%swap3A_82, %swap3A_83, %swap3A_84], %swap3A_87 {strides = array<i32>} : memref<4x400x128xf32, #tpu.memory_space<vmem>>, vector<1x400x128xf32>,
    %get3A_88 = arith.constant 1 : index
    %get3A_89 = arith.constant 0 : index
    %get3A_90 = arith.constant 0 : index
    %get3A_91 = vector.load %arg3[%get3A_88, %get3A_89, %get3A_90] : memref<4x400x128xf32, #tpu.memory_space<vmem>>, vector<1x400x128xf32>
    %get3A_92 = vector.shape_cast %get3A_91 : vector<1x400x128xf32> to vector<400x128xf32>
    %add3A_93 = arith.addf %get3A_92, %slice3A_81 : vector<400x128xf32>
    %swap3A_94 = arith.constant 1 : index
    %swap3A_95 = arith.constant 0 : index
    %swap3A_96 = arith.constant 0 : index
    %swap3A_97 = vector.load %arg9[%swap3A_94, %swap3A_95, %swap3A_96] : memref<4x400x128xf32, #tpu.memory_space<vmem>>, vector<1x400x128xf32>
    %swap3A_98 = vector.shape_cast %swap3A_97 : vector<1x400x128xf32> to vector<400x128xf32>
    %swap3A_99 = vector.shape_cast %add3A_93 : vector<400x128xf32> to vector<1x400x128xf32>
    tpu.vector_store %arg9[%swap3A_94, %swap3A_95, %swap3A_96], %swap3A_99 {strides = array<i32>} : memref<4x400x128xf32, #tpu.memory_space<vmem>>, vector<1x400x128xf32>,
    %slice3A_100 = vector.extract_strided_slice %max3A_63 {offsets = [0, 256], sizes = [400, 128], strides = [1, 1]} : vector<400x512xf32> to vector<400x128xf32>
    %swap3A_101 = arith.constant 2 : index
    %swap3A_102 = arith.constant 0 : index
    %swap3A_103 = arith.constant 0 : index
    %swap3A_104 = vector.load %arg8[%swap3A_101, %swap3A_102, %swap3A_103] : memref<4x400x128xf32, #tpu.memory_space<vmem>>, vector<1x400x128xf32>
    %swap3A_105 = vector.shape_cast %swap3A_104 : vector<1x400x128xf32> to vector<400x128xf32>
    %swap3A_106 = vector.shape_cast %slice3A_100 : vector<400x128xf32> to vector<1x400x128xf32>
    tpu.vector_store %arg8[%swap3A_101, %swap3A_102, %swap3A_103], %swap3A_106 {strides = array<i32>} : memref<4x400x128xf32, #tpu.memory_space<vmem>>, vector<1x400x128xf32>,
    %get3A_107 = arith.constant 2 : index
    %get3A_108 = arith.constant 0 : index
    %get3A_109 = arith.constant 0 : index
    %get3A_110 = vector.load %arg3[%get3A_107, %get3A_108, %get3A_109] : memref<4x400x128xf32, #tpu.memory_space<vmem>>, vector<1x400x128xf32>
    %get3A_111 = vector.shape_cast %get3A_110 : vector<1x400x128xf32> to vector<400x128xf32>
    %add3A_112 = arith.addf %get3A_111, %slice3A_100 : vector<400x128xf32>
    %swap3A_113 = arith.constant 2 : index
    %swap3A_114 = arith.constant 0 : index
    %swap3A_115 = arith.constant 0 : index
    %swap3A_116 = vector.load %arg9[%swap3A_113, %swap3A_114, %swap3A_115] : memref<4x400x128xf32, #tpu.memory_space<vmem>>, vector<1x400x128xf32>
    %swap3A_117 = vector.shape_cast %swap3A_116 : vector<1x400x128xf32> to vector<400x128xf32>
    %swap3A_118 = vector.shape_cast %add3A_112 : vector<400x128xf32> to vector<1x400x128xf32>
    tpu.vector_store %arg9[%swap3A_113, %swap3A_114, %swap3A_115], %swap3A_118 {strides = array<i32>} : memref<4x400x128xf32, #tpu.memory_space<vmem>>, vector<1x400x128xf32>,
    %slice3A_119 = vector.extract_strided_slice %max3A_63 {offsets = [0, 384], sizes = [400, 128], strides = [1, 1]} : vector<400x512xf32> to vector<400x128xf32>
    %swap3A_120 = arith.constant 3 : index
    %swap3A_121 = arith.constant 0 : index
    %swap3A_122 = arith.constant 0 : index
    %swap3A_123 = vector.load %arg8[%swap3A_120, %swap3A_121, %swap3A_122] : memref<4x400x128xf32, #tpu.memory_space<vmem>>, vector<1x400x128xf32>
    %swap3A_124 = vector.shape_cast %swap3A_123 : vector<1x400x128xf32> to vector<400x128xf32>
    %swap3A_125 = vector.shape_cast %slice3A_119 : vector<400x128xf32> to vector<1x400x128xf32>
    tpu.vector_store %arg8[%swap3A_120, %swap3A_121, %swap3A_122], %swap3A_125 {strides = array<i32>} : memref<4x400x128xf32, #tpu.memory_space<vmem>>, vector<1x400x128xf32>,
    %get3A_126 = arith.constant 3 : index
    %get3A_127 = arith.constant 0 : index
    %get3A_128 = arith.constant 0 : index
    %get3A_129 = vector.load %arg3[%get3A_126, %get3A_127, %get3A_128] : memref<4x400x128xf32, #tpu.memory_space<vmem>>, vector<1x400x128xf32>
    %get3A_130 = vector.shape_cast %get3A_129 : vector<1x400x128xf32> to vector<400x128xf32>
    %add3A_131 = arith.addf %get3A_130, %slice3A_119 : vector<400x128xf32>
    %swap3A_132 = arith.constant 3 : index
    %swap3A_133 = arith.constant 0 : index
    %swap3A_134 = arith.constant 0 : index
    %swap3A_135 = vector.load %arg9[%swap3A_132, %swap3A_133, %swap3A_134] : memref<4x400x128xf32, #tpu.memory_space<vmem>>, vector<1x400x128xf32>
    %swap3A_136 = vector.shape_cast %swap3A_135 : vector<1x400x128xf32> to vector<400x128xf32>
    %swap3A_137 = vector.shape_cast %add3A_131 : vector<400x128xf32> to vector<1x400x128xf32>
    tpu.vector_store %arg9[%swap3A_132, %swap3A_133, %swap3A_134], %swap3A_137 {strides = array<i32>} : memref<4x400x128xf32, #tpu.memory_space<vmem>>, vector<1x400x128xf32>,
    return
  }
  func.func @transform_0(%arg0: i32) -> (i32, i32, i32) {
    %c0_i32 = arith.constant 0 : i32
    %c0_i32_0 = arith.constant 0 : i32
    %c0_i32_1 = arith.constant 0 : i32
    return %c0_i32, %arg0, %c0_i32_0 : i32, i32, i32
  }
  func.func @transform_1(%arg0: i32) -> (i32, i32) {
    %c0_i32 = arith.constant 0 : i32
    %c0_i32_0 = arith.constant 0 : i32
    return %arg0, %c0_i32 : i32, i32
  }
  func.func @transform_2(%arg0: i32) -> (i32, i32, i32) {
    %c0_i32 = arith.constant 0 : i32
    %c0_i32_0 = arith.constant 0 : i32
    %c0_i32_1 = arith.constant 0 : i32
    return %c0_i32, %arg0, %c0_i32_0 : i32, i32, i32
  }
  func.func @transform_3(%arg0: i32) -> (i32, i32) {
    %c0_i32 = arith.constant 0 : i32
    %c0_i32_0 = arith.constant 0 : i32
    return %arg0, %c0_i32 : i32, i32
  }
  func.func @transform_4(%arg0: i32) -> (i32, i32) {
    %c0_i32 = arith.constant 0 : i32
    %c0_i32_0 = arith.constant 0 : i32
    %c0_i32_1 = arith.constant 0 : i32
    return %c0_i32, %c0_i32_0 : i32, i32
  }
  func.func @transform_5(%arg0: i32) -> (i32, i32) {
    %c0_i32 = arith.constant 0 : i32
    %c0_i32_0 = arith.constant 0 : i32
    %c0_i32_1 = arith.constant 0 : i32
    return %c0_i32, %c0_i32_0 : i32, i32
  }
  func.func @transform_6(%arg0: i32) -> (i32, i32) {
    %c0_i32 = arith.constant 0 : i32
    %c0_i32_0 = arith.constant 0 : i32
    %c0_i32_1 = arith.constant 0 : i32
    return %c0_i32, %c0_i32_0 : i32, i32
  }
  func.func @transform_7(%arg0: i32) -> (i32, i32, i32) {
    %c0_i32 = arith.constant 0 : i32
    %c0_i32_0 = arith.constant 0 : i32
    %c0_i32_1 = arith.constant 0 : i32
    return %c0_i32, %arg0, %c0_i32_0 : i32, i32, i32
  }
  func.func @transform_8(%arg0: i32) -> (i32, i32, i32) {
    %c0_i32 = arith.constant 0 : i32
    %c0_i32_0 = arith.constant 0 : i32
    %c0_i32_1 = arith.constant 0 : i32
    return %c0_i32, %arg0, %c0_i32_0 : i32, i32, i32
  }
}

module attributes {stable_mosaic.version = 14 : i64} {
  func.func @_base_body(%arg0: i32, %arg1: memref<400x256xf32, #tpu.memory_space<vmem>>, %arg2: memref<64x256xf32, #tpu.memory_space<vmem>>, %arg3: memref<400x3xf32, #tpu.memory_space<vmem>>, %arg4: memref<256x128xf32, #tpu.memory_space<vmem>>, %arg5: memref<1x128xf32, #tpu.memory_space<vmem>>, %arg6: memref<128x128xf32, #tpu.memory_space<vmem>>, %arg7: memref<1x128xf32, #tpu.memory_space<vmem>>, %arg8: memref<128x32xf32, #tpu.memory_space<vmem>>, %arg9: memref<1x32xf32, #tpu.memory_space<vmem>>, %arg10: memref<3x32xf32, #tpu.memory_space<vmem>>, %arg11: memref<1x32xf32, #tpu.memory_space<vmem>>, %arg12: memref<400x32xf32, #tpu.memory_space<vmem>>) attributes {dimension_semantics = [#tpu.dimension_semantics<arbitrary>], iteration_bounds = array<i64: 25>, scalar_prefetch = 0 : i64, scratch_operands = 0 : i64, tpu.core_type = #tpu.core_type<tc>, window_params = [{transform_indices = @transform_0, window_bounds = array<i64: 400, 256>}, {pipeline_mode = #tpu.pipeline_mode<synchronous>, transform_indices = @transform_1, window_bounds = array<i64: 64, 256>}, {transform_indices = @transform_2, window_bounds = array<i64: 400, 3>}, {pipeline_mode = #tpu.pipeline_mode<synchronous>, transform_indices = @transform_3, window_bounds = array<i64: 256, 128>}, {pipeline_mode = #tpu.pipeline_mode<synchronous>, transform_indices = @transform_4, window_bounds = array<i64: 1, 128>}, {pipeline_mode = #tpu.pipeline_mode<synchronous>, transform_indices = @transform_5, window_bounds = array<i64: 128, 128>}, {pipeline_mode = #tpu.pipeline_mode<synchronous>, transform_indices = @transform_6, window_bounds = array<i64: 1, 128>}, {pipeline_mode = #tpu.pipeline_mode<synchronous>, transform_indices = @transform_7, window_bounds = array<i64: 128, 32>}, {pipeline_mode = #tpu.pipeline_mode<synchronous>, transform_indices = @transform_8, window_bounds = array<i64: 1, 32>}, {pipeline_mode = #tpu.pipeline_mode<synchronous>, transform_indices = @transform_9, window_bounds = array<i64: 3, 32>}, {pipeline_mode = #tpu.pipeline_mode<synchronous>, transform_indices = @transform_10, window_bounds = array<i64: 1, 32>}, {transform_indices = @transform_11, window_bounds = array<i64: 400, 32>}]} {
    %get3A = arith.constant 0 : index
    %get3A_0 = arith.constant 0 : index
    %get3A_1 = vector.load %arg2[%get3A, %get3A_0] : memref<64x256xf32, #tpu.memory_space<vmem>>, vector<64x256xf32>
    %reduce_max3A = arith.constant dense<0xFF800000> : vector<64xf32>
    %reduce_max3A_2 = vector.multi_reduction <maximumf>, %get3A_1, %reduce_max3A [1] : vector<64x256xf32> to vector<64xf32>
    %broadcast_in_dim3A = vector.shape_cast %reduce_max3A_2 : vector<64xf32> to vector<64x1xf32>
    %iota3A = tpu.iota {dimensions = array<i32: 1>} : vector<64x256xi32>
    %eq3A = vector.broadcast %broadcast_in_dim3A : vector<64x1xf32> to vector<64x256xf32>
    %eq3A_3 = arith.cmpf oeq, %get3A_1, %eq3A : vector<64x256xf32>
    %jit3A = arith.constant 256 : i32
    %broadcast_in_dim3A_4 = vector.broadcast %jit3A : i32 to vector<64x256xi32>
    %select_n3A = arith.select %eq3A_3, %iota3A, %broadcast_in_dim3A_4 : vector<64x256xi1>, vector<64x256xi32>
    %reduce_min3A = arith.constant dense<2147483647> : vector<64xi32>
    %reduce_min3A_5 = vector.multi_reduction <minsi>, %select_n3A, %reduce_min3A [1] : vector<64x256xi32> to vector<64xi32>
    %broadcast_in_dim3A_6 = vector.shape_cast %reduce_min3A_5 : vector<64xi32> to vector<64x1xi32>
    %eq3A_7 = vector.broadcast %broadcast_in_dim3A_6 : vector<64x1xi32> to vector<64x256xi32>
    %eq3A_8 = arith.cmpi eq, %iota3A, %eq3A_7 : vector<64x256xi32>
    %jit3A_9 = arith.constant 1.000000e+00 : f32
    %jit3A_10 = arith.constant 0.000000e+00 : f32
    %broadcast_in_dim3A_11 = vector.broadcast %jit3A_9 : f32 to vector<64x256xf32>
    %broadcast_in_dim3A_12 = vector.broadcast %jit3A_10 : f32 to vector<64x256xf32>
    %select_n3A_13 = arith.select %eq3A_8, %broadcast_in_dim3A_11, %broadcast_in_dim3A_12 : vector<64x256xi1>, vector<64x256xf32>
    %reduce_max3A_14 = arith.constant dense<0xFF800000> : vector<256xf32>
    %reduce_max3A_15 = vector.multi_reduction <maximumf>, %select_n3A_13, %reduce_max3A_14 [0] : vector<64x256xf32> to vector<256xf32>
    %broadcast_in_dim3A_16 = vector.shape_cast %reduce_max3A_15 : vector<256xf32> to vector<1x256xf32>
    %get3A_17 = arith.constant 0 : index
    %get3A_18 = arith.constant 0 : index
    %get3A_19 = vector.load %arg1[%get3A_17, %get3A_18] : memref<400x256xf32, #tpu.memory_space<vmem>>, vector<400x256xf32>
    %mul3A = vector.broadcast %broadcast_in_dim3A_16 : vector<1x256xf32> to vector<400x256xf32>
    %mul3A_20 = arith.mulf %get3A_19, %mul3A : vector<400x256xf32>
    %get3A_21 = arith.constant 0 : index
    %get3A_22 = arith.constant 0 : index
    %get3A_23 = vector.load %arg4[%get3A_21, %get3A_22] : memref<256x128xf32, #tpu.memory_space<vmem>>, vector<256x128xf32>
    %dot_general3A = arith.constant dense<0.000000e+00> : vector<400x128xf32>
    %dot_general3A_24 = tpu.matmul %mul3A_20, %get3A_23, %dot_general3A {dimension_numbers = #tpu.dot_dimension_numbers<[1], [0], [0], [1], [0, 0, 1, 1], [], []>, transpose_lhs_hint = false} : vector<400x256xf32>, vector<256x128xf32>, vector<400x128xf32> -> vector<400x128xf32>
    %get3A_25 = arith.constant 0 : index
    %get3A_26 = arith.constant 0 : index
    %get3A_27 = vector.load %arg5[%get3A_25, %get3A_26] : memref<1x128xf32, #tpu.memory_space<vmem>>, vector<1x128xf32>
    %add3A = vector.broadcast %get3A_27 : vector<1x128xf32> to vector<400x128xf32>
    %add3A_28 = arith.addf %dot_general3A_24, %add3A : vector<400x128xf32>
    %max3A = arith.constant 0.000000e+00 : f32
    %max3A_29 = vector.broadcast %max3A : f32 to vector<400x128xf32>
    %max3A_30 = arith.maximumf %add3A_28, %max3A_29 : vector<400x128xf32>
    %get3A_31 = arith.constant 0 : index
    %get3A_32 = arith.constant 0 : index
    %get3A_33 = vector.load %arg6[%get3A_31, %get3A_32] : memref<128x128xf32, #tpu.memory_space<vmem>>, vector<128x128xf32>
    %dot_general3A_34 = arith.constant dense<0.000000e+00> : vector<400x128xf32>
    %dot_general3A_35 = tpu.matmul %max3A_30, %get3A_33, %dot_general3A_34 {dimension_numbers = #tpu.dot_dimension_numbers<[1], [0], [0], [1], [0, 0, 1, 1], [], []>, transpose_lhs_hint = false} : vector<400x128xf32>, vector<128x128xf32>, vector<400x128xf32> -> vector<400x128xf32>
    %get3A_36 = arith.constant 0 : index
    %get3A_37 = arith.constant 0 : index
    %get3A_38 = vector.load %arg7[%get3A_36, %get3A_37] : memref<1x128xf32, #tpu.memory_space<vmem>>, vector<1x128xf32>
    %add3A_39 = vector.broadcast %get3A_38 : vector<1x128xf32> to vector<400x128xf32>
    %add3A_40 = arith.addf %dot_general3A_35, %add3A_39 : vector<400x128xf32>
    %max3A_41 = arith.constant 0.000000e+00 : f32
    %max3A_42 = vector.broadcast %max3A_41 : f32 to vector<400x128xf32>
    %max3A_43 = arith.maximumf %add3A_40, %max3A_42 : vector<400x128xf32>
    %get3A_44 = arith.constant 0 : index
    %get3A_45 = arith.constant 0 : index
    %get3A_46 = vector.load %arg8[%get3A_44, %get3A_45] : memref<128x32xf32, #tpu.memory_space<vmem>>, vector<128x32xf32>
    %dot_general3A_47 = arith.constant dense<0.000000e+00> : vector<400x32xf32>
    %dot_general3A_48 = tpu.matmul %max3A_43, %get3A_46, %dot_general3A_47 {dimension_numbers = #tpu.dot_dimension_numbers<[1], [0], [0], [1], [0, 0, 1, 1], [], []>, transpose_lhs_hint = false} : vector<400x128xf32>, vector<128x32xf32>, vector<400x32xf32> -> vector<400x32xf32>
    %get3A_49 = arith.constant 0 : index
    %get3A_50 = arith.constant 0 : index
    %get3A_51 = vector.load %arg9[%get3A_49, %get3A_50] : memref<1x32xf32, #tpu.memory_space<vmem>>, vector<1x32xf32>
    %add3A_52 = vector.broadcast %get3A_51 : vector<1x32xf32> to vector<400x32xf32>
    %add3A_53 = arith.addf %dot_general3A_48, %add3A_52 : vector<400x32xf32>
    %get3A_54 = arith.constant 0 : index
    %get3A_55 = arith.constant 0 : index
    %get3A_56 = vector.load %arg3[%get3A_54, %get3A_55] : memref<400x3xf32, #tpu.memory_space<vmem>>, vector<400x3xf32>
    %get3A_57 = arith.constant 0 : index
    %get3A_58 = arith.constant 0 : index
    %get3A_59 = vector.load %arg10[%get3A_57, %get3A_58] : memref<3x32xf32, #tpu.memory_space<vmem>>, vector<3x32xf32>
    %dot_general3A_60 = arith.constant dense<0.000000e+00> : vector<400x32xf32>
    %dot_general3A_61 = tpu.matmul %get3A_56, %get3A_59, %dot_general3A_60 {dimension_numbers = #tpu.dot_dimension_numbers<[1], [0], [0], [1], [0, 0, 1, 1], [], []>, transpose_lhs_hint = false} : vector<400x3xf32>, vector<3x32xf32>, vector<400x32xf32> -> vector<400x32xf32>
    %get3A_62 = arith.constant 0 : index
    %get3A_63 = arith.constant 0 : index
    %get3A_64 = vector.load %arg11[%get3A_62, %get3A_63] : memref<1x32xf32, #tpu.memory_space<vmem>>, vector<1x32xf32>
    %add3A_65 = vector.broadcast %get3A_64 : vector<1x32xf32> to vector<400x32xf32>
    %add3A_66 = arith.addf %dot_general3A_61, %add3A_65 : vector<400x32xf32>
    %add3A_67 = arith.addf %add3A_53, %add3A_66 : vector<400x32xf32>
    %swap3A = arith.constant 0 : index
    %swap3A_68 = arith.constant 0 : index
    %swap3A_69 = vector.load %arg12[%swap3A, %swap3A_68] : memref<400x32xf32, #tpu.memory_space<vmem>>, vector<400x32xf32>
    tpu.vector_store %arg12[%swap3A, %swap3A_68], %add3A_67 {strides = array<i32>} : memref<400x32xf32, #tpu.memory_space<vmem>>, vector<400x32xf32>,
    return
  }
  func.func @transform_0(%arg0: i32) -> (i32, i32) {
    %c0_i32 = arith.constant 0 : i32
    %c0_i32_0 = arith.constant 0 : i32
    return %arg0, %c0_i32 : i32, i32
  }
  func.func @transform_1(%arg0: i32) -> (i32, i32) {
    %c0_i32 = arith.constant 0 : i32
    %c0_i32_0 = arith.constant 0 : i32
    %c0_i32_1 = arith.constant 0 : i32
    return %c0_i32, %c0_i32_0 : i32, i32
  }
  func.func @transform_2(%arg0: i32) -> (i32, i32) {
    %c0_i32 = arith.constant 0 : i32
    %c0_i32_0 = arith.constant 0 : i32
    return %arg0, %c0_i32 : i32, i32
  }
  func.func @transform_3(%arg0: i32) -> (i32, i32) {
    %c0_i32 = arith.constant 0 : i32
    %c0_i32_0 = arith.constant 0 : i32
    %c0_i32_1 = arith.constant 0 : i32
    return %c0_i32, %c0_i32_0 : i32, i32
  }
  func.func @transform_4(%arg0: i32) -> (i32, i32) {
    %c0_i32 = arith.constant 0 : i32
    %c0_i32_0 = arith.constant 0 : i32
    %c0_i32_1 = arith.constant 0 : i32
    return %c0_i32, %c0_i32_0 : i32, i32
  }
  func.func @transform_5(%arg0: i32) -> (i32, i32) {
    %c0_i32 = arith.constant 0 : i32
    %c0_i32_0 = arith.constant 0 : i32
    %c0_i32_1 = arith.constant 0 : i32
    return %c0_i32, %c0_i32_0 : i32, i32
  }
  func.func @transform_6(%arg0: i32) -> (i32, i32) {
    %c0_i32 = arith.constant 0 : i32
    %c0_i32_0 = arith.constant 0 : i32
    %c0_i32_1 = arith.constant 0 : i32
    return %c0_i32, %c0_i32_0 : i32, i32
  }
  func.func @transform_7(%arg0: i32) -> (i32, i32) {
    %c0_i32 = arith.constant 0 : i32
    %c0_i32_0 = arith.constant 0 : i32
    %c0_i32_1 = arith.constant 0 : i32
    return %c0_i32, %c0_i32_0 : i32, i32
  }
  func.func @transform_8(%arg0: i32) -> (i32, i32) {
    %c0_i32 = arith.constant 0 : i32
    %c0_i32_0 = arith.constant 0 : i32
    %c0_i32_1 = arith.constant 0 : i32
    return %c0_i32, %c0_i32_0 : i32, i32
  }
  func.func @transform_9(%arg0: i32) -> (i32, i32) {
    %c0_i32 = arith.constant 0 : i32
    %c0_i32_0 = arith.constant 0 : i32
    %c0_i32_1 = arith.constant 0 : i32
    return %c0_i32, %c0_i32_0 : i32, i32
  }
  func.func @transform_10(%arg0: i32) -> (i32, i32) {
    %c0_i32 = arith.constant 0 : i32
    %c0_i32_0 = arith.constant 0 : i32
    %c0_i32_1 = arith.constant 0 : i32
    return %c0_i32, %c0_i32_0 : i32, i32
  }
  func.func @transform_11(%arg0: i32) -> (i32, i32) {
    %c0_i32 = arith.constant 0 : i32
    %c0_i32_0 = arith.constant 0 : i32
    return %arg0, %c0_i32 : i32, i32
  }
}

module attributes {stable_mosaic.version = 14 : i64} {
  func.func @_final_body(%arg0: i32, %arg1: memref<4x400x128xf32, #tpu.memory_space<vmem>>, %arg2: memref<400x32xf32, #tpu.memory_space<vmem>>, %arg3: memref<512x32xf32, #tpu.memory_space<vmem>>, %arg4: memref<1x32xf32, #tpu.memory_space<vmem>>, %arg5: memref<400x32xf32, #tpu.memory_space<vmem>>) attributes {dimension_semantics = [#tpu.dimension_semantics<arbitrary>], iteration_bounds = array<i64: 25>, scalar_prefetch = 0 : i64, scratch_operands = 0 : i64, tpu.core_type = #tpu.core_type<tc>, window_params = [{transform_indices = @transform_0, window_bounds = array<i64: 4, 400, 128>}, {transform_indices = @transform_1, window_bounds = array<i64: 400, 32>}, {pipeline_mode = #tpu.pipeline_mode<synchronous>, transform_indices = @transform_2, window_bounds = array<i64: 512, 32>}, {pipeline_mode = #tpu.pipeline_mode<synchronous>, transform_indices = @transform_3, window_bounds = array<i64: 1, 32>}, {transform_indices = @transform_4, window_bounds = array<i64: 400, 32>}]} {
    %get3A = arith.constant 0 : index
    %get3A_0 = arith.constant 0 : index
    %get3A_1 = vector.load %arg2[%get3A, %get3A_0] : memref<400x32xf32, #tpu.memory_space<vmem>>, vector<400x32xf32>
    %get3A_2 = arith.constant 0 : index
    %get3A_3 = arith.constant 0 : index
    %get3A_4 = vector.load %arg4[%get3A_2, %get3A_3] : memref<1x32xf32, #tpu.memory_space<vmem>>, vector<1x32xf32>
    %add3A = vector.broadcast %get3A_4 : vector<1x32xf32> to vector<400x32xf32>
    %add3A_5 = arith.addf %get3A_1, %add3A : vector<400x32xf32>
    %get3A_6 = arith.constant 0 : index
    %get3A_7 = arith.constant 0 : index
    %get3A_8 = arith.constant 0 : index
    %get3A_9 = vector.load %arg1[%get3A_6, %get3A_7, %get3A_8] : memref<4x400x128xf32, #tpu.memory_space<vmem>>, vector<1x400x128xf32>
    %get3A_10 = vector.shape_cast %get3A_9 : vector<1x400x128xf32> to vector<400x128xf32>
    %get3A_11 = arith.constant 0 : index
    %get3A_12 = arith.constant 0 : index
    %get3A_13 = vector.load %arg3[%get3A_11, %get3A_12] : memref<512x32xf32, #tpu.memory_space<vmem>>, vector<128x32xf32>
    %dot_general3A = arith.constant dense<0.000000e+00> : vector<400x32xf32>
    %dot_general3A_14 = tpu.matmul %get3A_10, %get3A_13, %dot_general3A {dimension_numbers = #tpu.dot_dimension_numbers<[1], [0], [0], [1], [0, 0, 1, 1], [], []>, transpose_lhs_hint = false} : vector<400x128xf32>, vector<128x32xf32>, vector<400x32xf32> -> vector<400x32xf32>
    %add3A_15 = arith.addf %add3A_5, %dot_general3A_14 : vector<400x32xf32>
    %get3A_16 = arith.constant 1 : index
    %get3A_17 = arith.constant 0 : index
    %get3A_18 = arith.constant 0 : index
    %get3A_19 = vector.load %arg1[%get3A_16, %get3A_17, %get3A_18] : memref<4x400x128xf32, #tpu.memory_space<vmem>>, vector<1x400x128xf32>
    %get3A_20 = vector.shape_cast %get3A_19 : vector<1x400x128xf32> to vector<400x128xf32>
    %get3A_21 = arith.constant 128 : index
    %get3A_22 = arith.constant 0 : index
    %get3A_23 = vector.load %arg3[%get3A_21, %get3A_22] : memref<512x32xf32, #tpu.memory_space<vmem>>, vector<128x32xf32>
    %dot_general3A_24 = arith.constant dense<0.000000e+00> : vector<400x32xf32>
    %dot_general3A_25 = tpu.matmul %get3A_20, %get3A_23, %dot_general3A_24 {dimension_numbers = #tpu.dot_dimension_numbers<[1], [0], [0], [1], [0, 0, 1, 1], [], []>, transpose_lhs_hint = false} : vector<400x128xf32>, vector<128x32xf32>, vector<400x32xf32> -> vector<400x32xf32>
    %add3A_26 = arith.addf %add3A_15, %dot_general3A_25 : vector<400x32xf32>
    %get3A_27 = arith.constant 2 : index
    %get3A_28 = arith.constant 0 : index
    %get3A_29 = arith.constant 0 : index
    %get3A_30 = vector.load %arg1[%get3A_27, %get3A_28, %get3A_29] : memref<4x400x128xf32, #tpu.memory_space<vmem>>, vector<1x400x128xf32>
    %get3A_31 = vector.shape_cast %get3A_30 : vector<1x400x128xf32> to vector<400x128xf32>
    %get3A_32 = arith.constant 256 : index
    %get3A_33 = arith.constant 0 : index
    %get3A_34 = vector.load %arg3[%get3A_32, %get3A_33] : memref<512x32xf32, #tpu.memory_space<vmem>>, vector<128x32xf32>
    %dot_general3A_35 = arith.constant dense<0.000000e+00> : vector<400x32xf32>
    %dot_general3A_36 = tpu.matmul %get3A_31, %get3A_34, %dot_general3A_35 {dimension_numbers = #tpu.dot_dimension_numbers<[1], [0], [0], [1], [0, 0, 1, 1], [], []>, transpose_lhs_hint = false} : vector<400x128xf32>, vector<128x32xf32>, vector<400x32xf32> -> vector<400x32xf32>
    %add3A_37 = arith.addf %add3A_26, %dot_general3A_36 : vector<400x32xf32>
    %get3A_38 = arith.constant 3 : index
    %get3A_39 = arith.constant 0 : index
    %get3A_40 = arith.constant 0 : index
    %get3A_41 = vector.load %arg1[%get3A_38, %get3A_39, %get3A_40] : memref<4x400x128xf32, #tpu.memory_space<vmem>>, vector<1x400x128xf32>
    %get3A_42 = vector.shape_cast %get3A_41 : vector<1x400x128xf32> to vector<400x128xf32>
    %get3A_43 = arith.constant 384 : index
    %get3A_44 = arith.constant 0 : index
    %get3A_45 = vector.load %arg3[%get3A_43, %get3A_44] : memref<512x32xf32, #tpu.memory_space<vmem>>, vector<128x32xf32>
    %dot_general3A_46 = arith.constant dense<0.000000e+00> : vector<400x32xf32>
    %dot_general3A_47 = tpu.matmul %get3A_42, %get3A_45, %dot_general3A_46 {dimension_numbers = #tpu.dot_dimension_numbers<[1], [0], [0], [1], [0, 0, 1, 1], [], []>, transpose_lhs_hint = false} : vector<400x128xf32>, vector<128x32xf32>, vector<400x32xf32> -> vector<400x32xf32>
    %add3A_48 = arith.addf %add3A_37, %dot_general3A_47 : vector<400x32xf32>
    %swap3A = arith.constant 0 : index
    %swap3A_49 = arith.constant 0 : index
    %swap3A_50 = vector.load %arg5[%swap3A, %swap3A_49] : memref<400x32xf32, #tpu.memory_space<vmem>>, vector<400x32xf32>
    tpu.vector_store %arg5[%swap3A, %swap3A_49], %add3A_48 {strides = array<i32>} : memref<400x32xf32, #tpu.memory_space<vmem>>, vector<400x32xf32>,
    return
  }
  func.func @transform_0(%arg0: i32) -> (i32, i32, i32) {
    %c0_i32 = arith.constant 0 : i32
    %c0_i32_0 = arith.constant 0 : i32
    %c0_i32_1 = arith.constant 0 : i32
    return %c0_i32, %arg0, %c0_i32_0 : i32, i32, i32
  }
  func.func @transform_1(%arg0: i32) -> (i32, i32) {
    %c0_i32 = arith.constant 0 : i32
    %c0_i32_0 = arith.constant 0 : i32
    return %arg0, %c0_i32 : i32, i32
  }
  func.func @transform_2(%arg0: i32) -> (i32, i32) {
    %c0_i32 = arith.constant 0 : i32
    %c0_i32_0 = arith.constant 0 : i32
    %c0_i32_1 = arith.constant 0 : i32
    return %c0_i32, %c0_i32_0 : i32, i32
  }
  func.func @transform_3(%arg0: i32) -> (i32, i32) {
    %c0_i32 = arith.constant 0 : i32
    %c0_i32_0 = arith.constant 0 : i32
    %c0_i32_1 = arith.constant 0 : i32
    return %c0_i32, %c0_i32_0 : i32, i32
  }
  func.func @transform_4(%arg0: i32) -> (i32, i32) {
    %c0_i32 = arith.constant 0 : i32
    %c0_i32_0 = arith.constant 0 : i32
    return %arg0, %c0_i32 : i32, i32
  }
}

</mosaic_0001>

<sc_bundles>
// kernel: kernel.18.cloned.1.call-start
scs
__scs_entry_jumppad:
0x0: {  	(pc) =	sbr.rel $0x88, $3  }
0x1: {  	(tag) =	ssettag $0x0;
	lr =	simm.s32 $0x1  }
0x2: {  	[smem:$0x3F8A] =	sst lr;
	_ =	strace $0xD0000000  }
0x3: {  	_ = 	snop  }
0x4: {  	_ = 	snop  }
0x5: {  	_ = 	snop  }
0x6: {  	_ = 	snop  }
0x7: {  	_ = 	snop  }
__scs_overlays_trampoline_lowered:
0x8: {  	[smem:$0x3F99] =	sst s0  }
0x9: {  	[smem:$0x3F9A] =	sst s1  }
0xa: {  	[smem:$0x3F9B] =	sst s2  }
0xb: {  	[smem:$0x3F9C] =	sst s3  }
0xc: {  	[smem:$0x3F9D] =	sst s4  }
0xd: {  	[smem:$0x3F9E] =	sst s5  }
0xe: {  	[smem:$0x3F9F] =	sst s6  }
0xf: {  	[smem:$0x3FA0] =	sst s7  }
0x10: {  	[smem:$0x3FA1] =	sst s8  }
0x11: {  	[smem:$0x3FA2] =	sst s9;
	s0 =	simm.s32 @!p0 $0x0  }
0x12: {  	s1 =	sld [smem:$0x3F88];
	s0 =	simm.s32 @p0 $0x1  }
0x13: {  	[smem:$0x3FA3] =	sst s0;
	s0 =	simm.s32 @!p1 $0x0  }
0x14: {  	s2 =	sld [smem:$0x3F87];
	s0 =	simm.s32 @p1 $0x1  }
0x15: {  	[smem:$0x3FA4] =	sst s0;
	s0 =	simm.s32 @!p2 $0x0  }
0x16: {  	s3 =	sld [smem:$0x3FDB];
	s0 =	simm.s32 @p2 $0x1  }
0x17: {  	s4 =	simm.s32 $0x1BF5;
	[smem:$0x3FA6] =	sst s0  }
0x18: {  	s0 =	sld [smem:$0x3F89];
	_ =	swait.ge [sflag:s4], $0x0  }
0x19: {  	s7 =	sld [smem:$0x3F8A]  }
0x1a: {  	s8 =	sadd.s32 $0xFFFFE003, lr  }
0x1b: {  	s9 =	sadd.s32 $0xFFFFFEF7, lr;
	s5 =	simm.s32 $0xFFFFFFFF;
	p2 =	slt.u32 s8, $0xFFFFF086  }
0x1c: {  	p1 =	slt.u32 s9, $0xF7A;
	s5 =	simm.s32 @!p2 $0x0  }
0x1d: {  	s5 =	simm.s32 @p1 $0x1;
	p0 =	seq.s32 s7, s2  }
0x1e: {  	s7 =	smul.u32 @!p0 $0xF7A, s2;
	p2 =	seq.s32 @!p0 s5, $0x0  }
0x1f: {  	s9 =	smul.u32 $0xF7A, s1;
	s8 =	simm.s32 @!p0 $0x1BF5;
	p2 =	por !p2, p0  }
0x20: {  	[sflag:s8] =	ssyncset.s32 @!p0 $0xFFFFF086;
	s6 =	sadd.s32 @!p0 s3, s7;
	s7 =	simm.s32 @!p0 $0x108  }
0x21: {  	s3 =	sadd.s32 s3, s9;
	s6 =	sadd.s32 @!p0 $0x88, s6;
	s7 =	simm.s32 @p2 $0x1082  }
0x22: {  	[simem:s7], [sflag:s8] =	dma.local @!p0 [hbm:s6], $0xF7A  }
0x23: {  	s9 =	sor.u32 $0xD0000000, s2;
	s6 =	simm.s32 $0x108;
	_ =	swait.ge @!p0 [sflag:s8], $0x0  }
0x24: {  	s3 =	sadd.s32 $0x88, s3;
	s6 =	simm.s32 @!p1 $0x1082;
	[sflag:s4] =	ssyncset.s32 $0xFFFFF086  }
0x25: {  	[simem:s6], [sflag:s4] =	dma.local [hbm:s3], $0xF7A  }
0x26: {  	[smem:$0x3F8A] =	sst s1;
	(tag) =	ssettag s2;
	_ =	strace s9  }
0x27: {  	s1 =	sld [smem:$0x3F9A]  }
0x28: {  	s2 =	sld [smem:$0x3F9B]  }
0x29: {  	s4 =	sld [smem:$0x3F9D]  }
0x2a: {  	p0 =	seq.s32 s5, $0x0;
	s5 =	sld [smem:$0x3F9E]  }
0x2b: {  	s6 =	sld [smem:$0x3F9F]  }
0x2c: {  	s7 =	sld [smem:$0x3FA0]  }
0x2d: {  	s3 =	simm.s32 $0x108;
	s8 =	sld [smem:$0x3FA1]  }
0x2e: {  	s3 =	simm.s32 @!p0 $0x1082;
	s9 =	sld [smem:$0x3FA2]  }
0x2f: {  	lr =	sadd.s32 s0, s3;
	s0 =	sld [smem:$0x3F99]  }
0x30: {  	s3 =	sld [smem:$0x3F9C]  }
0x31: {  	[smem:$0x3FA5] =	sst s10  }
0x32: {  	s10 =	sld [smem:$0x3FA3];
	_ =	sdelay $0x3  }
0x33: {  	p0 =	seq.s32 s10, $0x1;
	s10 =	sld [smem:$0x3FA5];
	_ =	sdelay $0x3  }
0x34: {  	[smem:$0x3FA5] =	sst s10  }
0x35: {  	s10 =	sld [smem:$0x3FA4];
	_ =	sdelay $0x3  }
0x36: {  	p1 =	seq.s32 s10, $0x1;
	s10 =	sld [smem:$0x3FA5];
	_ =	sdelay $0x3  }
0x37: {  	[smem:$0x3FA5] =	sst s10  }
0x38: {  	s10 =	sld [smem:$0x3FA6]  }
0x39: {  	_ = 	snop;
	(pc) =	sbr.ind lr, $3  }
0x3a: {  	_ = 	snop  }
0x3b: {  	_ = 	snop  }
0x3c: {  	p2 =	seq.s32 s10, $0x1;
	s10 =	sld [smem:$0x3FA5]  }
0x3d: {  	_ =	shalt  }
0x3e: {  	_ =	shalt  }
0x3f: {  	_ =	shalt  }
0x40: {  	_ =	shalt  }
0x41: {  	_ =	shalt  }
0x42: {  	_ =	shalt  }
0x43: {  	_ =	shalt  }
0x44: {  	_ =	shalt  }
0x45: {  	_ =	shalt  }
0x46: {  	_ =	shalt  }
0x47: {  	_ =	shalt  }
0x48: {  	_ =	shalt  }
0x49: {  	_ =	shalt  }
0x4a: {  	_ =	shalt  }
0x4b: {  	_ =	shalt  }
0x4c: {  	_ =	shalt  }
0x4d: {  	_ =	shalt  }
0x4e: {  	_ =	shalt  }
0x4f: {  	_ =	shalt  }
0x50: {  	_ =	shalt  }
0x51: {  	_ =	shalt  }
0x52: {  	_ =	shalt  }
0x53: {  	_ =	shalt  }
0x54: {  	_ =	shalt  }
0x55: {  	_ =	shalt  }
0x56: {  	_ =	shalt  }
0x57: {  	_ =	shalt  }
0x58: {  	_ =	shalt  }
0x59: {  	_ =	shalt  }
0x5a: {  	_ =	shalt  }
0x5b: {  	_ =	shalt  }
0x5c: {  	_ =	shalt  }
0x5d: {  	_ =	shalt  }
0x5e: {  	_ =	shalt  }
0x5f: {  	_ =	shalt  }
0x60: {  	_ =	shalt  }
0x61: {  	_ =	shalt  }
0x62: {  	_ =	shalt  }
0x63: {  	_ =	shalt  }
0x64: {  	_ =	shalt  }
0x65: {  	_ =	shalt  }
0x66: {  	_ =	shalt  }
0x67: {  	_ =	shalt  }
0x68: {  	_ =	shalt  }
0x69: {  	_ =	shalt  }
0x6a: {  	_ =	shalt  }
0x6b: {  	_ =	shalt  }
0x6c: {  	_ =	shalt  }
0x6d: {  	_ =	shalt  }
0x6e: {  	_ =	shalt  }
0x6f: {  	_ =	shalt  }
0x70: {  	_ =	shalt  }
0x71: {  	_ =	shalt  }
0x72: {  	_ =	shalt  }
0x73: {  	_ =	shalt  }
0x74: {  	_ =	shalt  }
0x75: {  	_ =	shalt  }
0x76: {  	_ =	shalt  }
0x77: {  	_ =	shalt  }
0x78: {  	_ =	shalt  }
0x79: {  	_ =	shalt  }
0x7a: {  	_ =	shalt  }
0x7b: {  	_ =	shalt  }
0x7c: {  	_ =	shalt  }
0x7d: {  	_ =	shalt  }
0x7e: {  	_ =	shalt  }
0x7f: {  	_ =	shalt  }
0x80: {  	_ =	shalt  }
0x81: {  	_ =	shalt  }
0x82: {  	_ =	shalt  }
0x83: {  	_ =	shalt  }
0x84: {  	_ =	shalt  }
0x85: {  	_ =	shalt  }
0x86: {  	_ =	shalt  }
0x87: {  	_ =	shalt  }
.Lfunc_end0:
.L_simem_size_0:
called_computation_lowered:
.L_overlay_start_0:
0x88: {  	s2 =	sld [smem:$0x3FD9]  }
0x89: {  	s3 =	sld [smem:$0x3FFE];
	_ =	sdelay $0x1  }
0x8a: {  	s1 =	srdreg.scid  }
0x8b: {  	s0 =	sand.u32 $0x1, s1  }
0x8c: {  	s17 =	sshll.u32 s0, $0xA;
	s2 =	sadd.s32 s3, s2  }
0x8d: {  	s2 =	sadd.s32 s2, s17  }
0x8e: {  	[smem:$0x3FB1] =	sst s2  }
0x8f: {  	_ = 	snop  }
0x90: {  	(tm) =	ssettm $0x1  }
0x91: {  	s18 =	sld [smem:$0x3FFB];
	_ =	sdelay $0x3  }
0x92: {  	_ =	strace s18  }
0x93: {  	s2 =	sld [smem:$0x3FFC];
	_ =	sdelay $0x3  }
0x94: {  	_ =	strace s2  }
0x95: {  	s2 =	sld [smem:$0x3FFD];
	_ =	sdelay $0x3  }
0x96: {  	_ =	strace s2  }
0x97: {  	_ =	strace $0x8FFFFFFF  }
0x98: {  	s19 =	sld [smem:$0x3FDB];
	_ =	sdelay $0x1  }
0x99: {  	s20 =	simm.s32 $_scs_section_size  }
0x9a: {  	s4 =	simm.s32 $_size__tile_overlayer_lowered;
	s5 =	simm.s32 $_tile_overlayer_lowered  }
0x9b: {  	s6 =	simm.s32 $0x1BFF;
	s21 =	sshll.u32 s5, $0x1;
	s3 =	sadd.s32 s20, s19  }
0x9c: {  	s22 =	simm.s32 $0x0;
	s4 =	sshll.u32 s4, $0x1;
	s5 =	sadd.s32 s21, s3  }
0x9d: {  	[timem:s22], [sflag:s6] =	dma.local [hbm:s5], s4  }
0x9e: {  	_ =	swait.ge [sflag:s6], s4  }
0x9f: {  	s4 =	ssub.s32 $0x0, s4;
	[sflag:s6] =	ssyncset.done $0x0  }
0xa0: {  	[sflag:s6] =	ssyncadd.s32 s4;
	_ =	sdelay $0x1  }
0xa1: {  	s23 =	simm.s32 $0x1B8B  }
0xa2: {  	_ =	swait.ge [sflag:s23], $0x1  }
0xa3: {  	[sflag:s23] =	ssyncset.done $0x0  }
0xa4: {  	[sflag:s23] =	ssyncadd.s32 $0xFFFFFFFF  }
0xa5: {  	s4 =	sld [smem:$0x0]  }
0xa6: {  	s5 =	sand.u32 $0xFFFFFFFE, s1  }
0xa7: {  	p0 =	sne.s32 s1, s5  }
0xa8: {  	s5 =	sshll.u32 @p0 s5, $0xE  }
0xa9: {  	s5 =	sadd.s32 @p0 $0x11B8D, s5;
	s6 =	sshll.u32 @p0 s4, $0x11  }
0xaa: {  	s5 =	sor.u32 @p0 s6, s5  }
0xab: {  	[sflag:s5] =	ssyncadd.remote.s32 @p0 $0x1;
	_ =	sdelay $0x1  }
0xac: {  	s5 =	simm.s32 @p0 $0x1B8D  }
0xad: {  	_ =	swait.eq @p0 [sflag:s5], $0x1  }
0xae: {  	[sflag:s5] =	ssyncadd.s32 @p0 $0xFFFFFFFF  }
0xaf: {  	s6 =	sshll.u32 @!p0 s1, $0xE  }
0xb0: {  	s6 =	sor.u32 @!p0 $0x4000, s6;
	s5 =	simm.s32 @!p0 $0x1B8D  }
0xb1: {  	s4 =	sshll.u32 @!p0 s4, $0x11;
	s6 =	sadd.s32 @!p0 $0x11B8D, s6;
	_ =	swait.eq @!p0 [sflag:s5], $0x1  }
0xb2: {  	s4 =	sor.u32 @!p0 s4, s6;
	[sflag:s5] =	ssyncadd.s32 @!p0 $0xFFFFFFFF  }
0xb3: {  	s25 =	simm.s32 $0x1B8E;
	s24 =	sld [smem:$0x3FFE];
	[sflag:s4] =	ssyncadd.remote.s32 @!p0 $0x1  }
0xb4: {  	s26 =	simm.s32 $execute0_lowered;
	[smem:$0x3FD2] =	sst s25  }
0xb5: {  	s5 =	sshll.u32 s26, $0x1;
	_ =	strace $0x80000049;
	[dreg:$0x1] =	wrdreg $0xFFFFFFFF  }
0xb6: {  	s28 =	simm.s32 $_size_execute0_lowered;
	s3 =	sadd.s32 s3, s5;
	[dreg:$0x0] =	wrdreg $0x0  }
0xb7: {  	s5 =	sshll.u32 s28, $0x1;
	[dreg:$0x2] =	wrdreg s3  }
0xb8: {  	[dreg:$0x3] =	wrdreg s5  }
0xb9: {  	[dreg:$0x4] =	wrdreg $0xC0  }
0xba: {  	_ =	task [dreg:s22], $0x5FFFF  }
0xbb: {  	[dreg:$0x1] =	wrdreg $0xFFFFFFFF  }
0xbc: {  	[dreg:$0x0] =	wrdreg $0x60  }
0xbd: {  	[dreg:$0x2] =	wrdreg s24  }
0xbe: {  	[dreg:$0x3] =	wrdreg $0x6C000  }
0xbf: {  	[dreg:$0x4] =	wrdreg $0x9  }
0xc0: {  	_ =	task.clear_ibuf [dreg:s22], $0x5FFFF;
	_ =	strace $0x90000049  }
0xc1: {  	s29 =	simm.s32 $0x9;
	_ =	strace $0x8000004B  }
0xc2: {  	_ =	swait.ge [sflag:s29], $0x1  }
0xc3: {  	[sflag:s29] =	ssyncadd.s32 $0xFFFFFFFF  }
0xc4: {  	_ =	strace $0x9000004B  }
0xc5: {  	_ =	sfence  }
0xc6: {  	s30 =	sld [smem:$0x0];
	_ =	sdelay $0x2  }
0xc7: {  	s31 =	sshll.u32 s1, $0xD;
	s1 =	sshrl.u32 s1, $0x2  }
0xc8: {  	s4 =	sand.u32 $0x4000, s31;
	s1 =	sadd.s32 s1, s30  }
0xc9: {  	s0 =	sor.u32 s4, s0;
	s1 =	sshll.u32 s1, $0x11  }
0xca: {  	s0 =	sor.u32 s1, s0  }
0xcb: {  	s0 =	sadd.s32 $0x8F2B, s0  }
0xcc: {  	[sflag:s0] =	ssyncadd.remote.s32 $0x1  }
0xcd: {  	_ =	sfence.sel $0xFFFF  }
0xce: {  	[dreg:$0x0] =	wrdreg $0xFFFFFFFF;
	(pc) =	sbr.abs _section_cstart, $3  }
0xcf: {  	[dreg:$0x1] =	wrdreg $0xFFFFFFFF  }
0xd0: {  	_ =	task.clear_ibuf [dreg:s22], $0x2FFFF;
	_ =	strace $0x9FFFFFFF  }
0xd1: {  	(tm) =	ssettm $0x7FFFFFFF  }
tec
execute0_lowered:
.L_overlay_start_1:
0x0: {  	(tag) =	ssettag $0x1  }
0x1: {  	s5 =	rddreg [dreg:$0x0]  }
0x2: {  	s2 =	rddreg [dreg:$0x1]  }
0x3: {  	s0 =	rddreg [dreg:$0x2];
	s1 =	stileid.u32  }
0x4: {  	s3 =	simm.s32 $0x0;
	s7 =	srdreg.scid;
	s4 =	smul.u32 $0x500, s1  }
0x5: {  	s15 =	simm.s32 $0x0;
	[smem:$0x7FF] =	sst s3;
	s6 =	smul.u32 $0x278, s1  }
0x6: {  	s12 =	sand.u32 $0x1, s7;
	s9 =	smul.u32 $0x4F000, s1;
	s13 =	sshll.u32 s1, $0x6  }
0x7: {  	_ =	strace $0x8000004A;
	s30 =	ssub.s32 $0x2, s12;
	p0 =	sne.s32 s12, $0x0  }
0x8: {  	s12 =	simm.s32 $0x80;
	s13 =	sor.u32 $0x1C01, s13;
	s8 =	sadd.s32 s4, s5  }
0x9: {  	s29 =	smin.u32 s6, $0x2498;
	s4 =	sadd.s32 $0x159200, s5;
	s11 =	sshrl.u32 s30, $0x1  }
.Ltmp0:
0xa: {  	s31 =	sshrl.u32 s9, $0x2;
	s9 =	simm.s32 $0x2800;
	(pc) =	sbr.rel .LBB2_1-.Ltmp0, $4  }
0xb: {  	s10 =	sshll.u32 s29, $0x4;
	s11 =	ssub.s32 s30, s11;
	s6 =	sadd.s32 $0x7A00, s8  }
0xc: {  	s7 =	sshll.u32 s29, $0x7;
	s10 =	sadd.s32 s10, s5;
	s5 =	sadd.s32 s31, s2  }
0xd: {  	s14 =	sadd.s32 s7, s2;
	s8 =	smax.u32 s11, $0x1;
	s11 =	simm.s32 $0x6800  }
0xe: {  	v0 =	vimm.f32 $0.0e+00;
	s7 =	sadd.s32 $0x159A00, s10;
	s10 =	simm.s32 $0x1;
	s14 =	sshrl.u32 s14, $0x3  }
.LBB2_9:
0xf: {  	[bflag:$0x0] =	sbarrier.arrive $0xFFFF  }
.LBB2_10:
0x10: {  	s15 =	sadd.s32 $0x1, s15  }
0x11: {  	p1 =	sne.s32 s15, s8  }
.Ltmp1:
0x12: {  	_ = 	snop;
	(pc) =	sbr.rel @!p1 .LBB2_11-.Ltmp1, $1  }
0x13: {  	_ =	sdelay $0x3  }
.LBB2_1:
0x14: {  	s16 =	sand.u32 $0xE00, s3  }
0x15: {  	s17 =	sand.u32 $0x70, s3;
	s18 =	sshrl.u32 s16, $0x2  }
0x16: {  	s16 =	simm.s32 $0x40;
	s18 =	sor.u32 s17, s18;
	s17 =	simm.s32 $0x0  }
.LBB2_2:
0x17: {  	p1 =	sne.s32 s16, $0xFC0  }
0x18: {  	[tilespmem:s18+$0x6800] =	vst v0;
	s17 =	sadd.s32 $0x10, s17;
	s18 =	smov.u32 s16;
	s16 =	sadd.s32 $0x40, s16  }
.Ltmp2:
0x19: {  	(pc) =	sbr.rel @p1 .LBB2_2-.Ltmp2, $4  }
0x1a: {  	_ = 	snop  }
0x1b: {  	s18 =	sand.u32 $0xE00, s18  }
0x1c: {  	s19 =	sand.u32 $0x70, s17;
	s18 =	sshrl.u32 s18, $0x2  }
0x1d: {  	s18 =	sor.u32 s19, s18  }
0x1e: {  	[tilespmem:s18+$0x6800] =	vst v0;
	s16 =	simm.s32 $0x0  }
0x1f: {  	[tilespmem:s9], [sflag:$0x1] =	stream.linear.gather [hbm4b:s4+s16], $0x4000, $0x38;
	[tilespmem:$0x1A800] =	vst v63  }
0x20: {  	_ =	swait.ge [sflag:s10], $0x4000  }
0x21: {  	[sflag:s10] =	ssyncset.done $0x0  }
0x22: {  	s31 =	sadd.s32 $0x0, s5;
	[sflag:s10] =	ssyncadd.s32 $0xFFFFC000  }
0x23: {  	[spmem:s31] =	stream.linear.scatter [tilespmem:s11], [sflag:$0x1], $0x400, $0x38;
	[tilespmem:$0x1A800] =	vst v63  }
0x24: {  	s16 =	simm.s32 $0x1000;
	_ =	swait.ge [sflag:s10], $0x400  }
.LBB2_4:
0x25: {  	s17 =	sshra.s32 s16, $0x2;
	[sflag:s10] =	ssyncset.done $0x0;
	p1 =	sne.s32 s16, $0x4E000  }
.Ltmp3:
0x26: {  	s17 =	sadd.s32 s17, s5;
	[sflag:s10] =	ssyncadd.s32 $0xFFFFFC00;
	(pc) =	sbr.rel @p1 .LBB2_4-.Ltmp3, $3  }
0x27: {  	[spmem:s17] =	stream.linear.scatter [tilespmem:s11], [sflag:$0x1], $0x400, $0x38;
	[tilespmem:$0x1A800] =	vst v63  }
0x28: {  	s16 =	sadd.s32 $0x1000, s16;
	_ =	sdelay $0x1  }
0x29: {  	_ =	swait.ge [sflag:s10], $0x400  }
0x2a: {  	[sflag:s10] =	ssyncset.done $0x0  }
0x2b: {  	s16 =	simm.s32 $0x0;
	[sflag:s10] =	ssyncadd.s32 $0xFFFFFC00  }
0x2c: {  	[tilespmem:s16], [sflag:$0x1] =	stream.linear.gather [hbm4b:s6+s16], $0x2780, $0x38;
	[tilespmem:$0x1A800] =	vst v63  }
.Ltmp4:
0x2d: {  	_ =	swait.ge [sflag:s10], $0x2780;
	(pc) =	sbr.rel @p0 .LBB2_9-.Ltmp4, $3  }
0x2e: {  	[sflag:s10] =	ssyncset.done $0x0  }
0x2f: {  	[sflag:s10] =	ssyncadd.s32 $0xFFFFD880  }
0x30: {  	[bflag:$0x0] =	sbarrier.arrive $0xFFFF;
	_ =	sdelay $0x1  }
0x31: {  	s17 =	sshra.s32 s16, $0x2  }
0x32: {  	[spmem:s2] =	stream.indirect.scatter.add.f32 [tilespmem:s9], [sflag:$0x1], $0x80, s17, s12, $0xb8;
	[tilespmem:$0x1A800] =	vst v63  }
0x33: {  	_ =	swait.ge [sflag:s10], $0x4000  }
0x34: {  	s16 =	sadd.s32 $0x200, s16;
	[sflag:s10] =	ssyncset.done $0x0  }
.LBB2_7:
0x35: {  	s17 =	sshra.s32 s16, $0x2;
	[sflag:s10] =	ssyncadd.s32 $0xFFFFC000;
	p1 =	sne.s32 s16, $0x9C00  }
0x36: {  	[spmem:s2] =	stream.indirect.scatter.add.f32 [tilespmem:s9], [sflag:$0x1], $0x80, s17, s12, $0xb8;
	[tilespmem:$0x1A800] =	vst v63  }
.Ltmp5:
0x37: {  	_ = 	snop;
	(pc) =	sbr.rel @p1 .LBB2_7-.Ltmp5, $4  }
0x38: {  	_ = 	snop  }
0x39: {  	s16 =	sadd.s32 $0x200, s16  }
0x3a: {  	_ =	swait.ge [sflag:s10], $0x4000  }
0x3b: {  	[sflag:s10] =	ssyncset.done $0x0  }
0x3c: {  	[sflag:s10] =	ssyncadd.s32 $0xFFFFC000  }
.Ltmp6:
0x3d: {  	[bflag:$0x0] =	sbarrier.arrive $0xFFFF;
	(pc) =	sbr.rel .LBB2_10-.Ltmp6, $4  }
0x3e: {  	[hbm:s7], [sflag:s13] =	dma.local [spmem:s14], $0x2780  }
0x3f: {  	_ =	swait.ge [sflag:s10], $0x2780  }
0x40: {  	[sflag:s10] =	ssyncset.done $0x0  }
0x41: {  	[sflag:s10] =	ssyncadd.s32 $0xFFFFD880  }
.LBB2_11:
0x42: {  	_ =	sfence.sel $0x180000  }
0x43: {  	[bflag:$0x0] =	sbarrier.arrive $0xFFFF  }
0x44: {  	p0 =	sne.s32 s1, $0x0;
	_ =	strace $0x9000004A  }
0x45: {  	s0 =	sadd.s32 @!p0 $0x100000, s0;
	[bflag:$0x2] =	sbarrier.arrive $0xFFFF  }
0x46: {  	[sflag:s0] =	ssyncadd.tile.s32 @!p0 $0x1;
	_ =	shalt  }
.Lfunc_end2:
_tile_overlayer_lowered:
.L_overlay_start_2:
0x47: {  	(tag) =	ssettag $0x2  }
0x48: {  	s0 =	rddreg [dreg:$0x0];
	s2 =	stileid.u32  }
0x49: {  	s1 =	rddreg [dreg:$0x1];
	p0 =	sne.s32 s2, $0x0  }
0x4a: {  	s3 =	rddreg [dreg:$0x2];
	[bflag:$0x3] =	sbarrier.arrive $0xFFFF;
	s2 =	simm.s32 @!p0 $0x1C01  }
0x4b: {  	[timem:s3], [sflag:s2] =	dma.local @!p0 [hbm:s0], s1  }
0x4c: {  	s0 =	simm.s32 @!p0 $0x1  }
0x4d: {  	_ =	swait.ge @!p0 [sflag:s0], s1  }
0x4e: {  	s1 =	ssub.s32 @!p0 $0x0, s1;
	[sflag:s0] =	ssyncset.done @!p0 $0x0  }
0x4f: {  	[sflag:s0] =	ssyncadd.s32 @!p0 s1  }
0x50: {  	[bflag:$0x3] =	sbarrier.arrive $0xFFFF  }
0x51: {  	_ =	shalt  }

// kernel: kernel.21.cloned.1.call-start
scs
__scs_entry_jumppad:
0x0: {  	(pc) =	sbr.rel $0x88, $3  }
0x1: {  	(tag) =	ssettag $0x0;
	lr =	simm.s32 $0x1  }
0x2: {  	[smem:$0x3F8A] =	sst lr;
	_ =	strace $0xD0000000  }
0x3: {  	_ = 	snop  }
0x4: {  	_ = 	snop  }
0x5: {  	_ = 	snop  }
0x6: {  	_ = 	snop  }
0x7: {  	_ = 	snop  }
__scs_overlays_trampoline_lowered:
0x8: {  	[smem:$0x3F99] =	sst s0  }
0x9: {  	[smem:$0x3F9A] =	sst s1  }
0xa: {  	[smem:$0x3F9B] =	sst s2  }
0xb: {  	[smem:$0x3F9C] =	sst s3  }
0xc: {  	[smem:$0x3F9D] =	sst s4  }
0xd: {  	[smem:$0x3F9E] =	sst s5  }
0xe: {  	[smem:$0x3F9F] =	sst s6  }
0xf: {  	[smem:$0x3FA0] =	sst s7  }
0x10: {  	[smem:$0x3FA1] =	sst s8  }
0x11: {  	[smem:$0x3FA2] =	sst s9;
	s0 =	simm.s32 @!p0 $0x0  }
0x12: {  	s1 =	sld [smem:$0x3F88];
	s0 =	simm.s32 @p0 $0x1  }
0x13: {  	[smem:$0x3FA3] =	sst s0;
	s0 =	simm.s32 @!p1 $0x0  }
0x14: {  	s2 =	sld [smem:$0x3F87];
	s0 =	simm.s32 @p1 $0x1  }
0x15: {  	[smem:$0x3FA4] =	sst s0;
	s0 =	simm.s32 @!p2 $0x0  }
0x16: {  	s3 =	sld [smem:$0x3FDB];
	s0 =	simm.s32 @p2 $0x1  }
0x17: {  	s4 =	simm.s32 $0x1BF5;
	[smem:$0x3FA6] =	sst s0  }
0x18: {  	s0 =	sld [smem:$0x3F89];
	_ =	swait.ge [sflag:s4], $0x0  }
0x19: {  	s7 =	sld [smem:$0x3F8A]  }
0x1a: {  	s8 =	sadd.s32 $0xFFFFE003, lr  }
0x1b: {  	s9 =	sadd.s32 $0xFFFFFEF7, lr;
	s5 =	simm.s32 $0xFFFFFFFF;
	p2 =	slt.u32 s8, $0xFFFFF086  }
0x1c: {  	p1 =	slt.u32 s9, $0xF7A;
	s5 =	simm.s32 @!p2 $0x0  }
0x1d: {  	s5 =	simm.s32 @p1 $0x1;
	p0 =	seq.s32 s7, s2  }
0x1e: {  	s7 =	smul.u32 @!p0 $0xF7A, s2;
	p2 =	seq.s32 @!p0 s5, $0x0  }
0x1f: {  	s9 =	smul.u32 $0xF7A, s1;
	s8 =	simm.s32 @!p0 $0x1BF5;
	p2 =	por !p2, p0  }
0x20: {  	[sflag:s8] =	ssyncset.s32 @!p0 $0xFFFFF086;
	s6 =	sadd.s32 @!p0 s3, s7;
	s7 =	simm.s32 @!p0 $0x108  }
0x21: {  	s3 =	sadd.s32 s3, s9;
	s6 =	sadd.s32 @!p0 $0x88, s6;
	s7 =	simm.s32 @p2 $0x1082  }
0x22: {  	[simem:s7], [sflag:s8] =	dma.local @!p0 [hbm:s6], $0xF7A  }
0x23: {  	s9 =	sor.u32 $0xD0000000, s2;
	s6 =	simm.s32 $0x108;
	_ =	swait.ge @!p0 [sflag:s8], $0x0  }
0x24: {  	s3 =	sadd.s32 $0x88, s3;
	s6 =	simm.s32 @!p1 $0x1082;
	[sflag:s4] =	ssyncset.s32 $0xFFFFF086  }
0x25: {  	[simem:s6], [sflag:s4] =	dma.local [hbm:s3], $0xF7A  }
0x26: {  	[smem:$0x3F8A] =	sst s1;
	(tag) =	ssettag s2;
	_ =	strace s9  }
0x27: {  	s1 =	sld [smem:$0x3F9A]  }
0x28: {  	s2 =	sld [smem:$0x3F9B]  }
0x29: {  	s4 =	sld [smem:$0x3F9D]  }
0x2a: {  	p0 =	seq.s32 s5, $0x0;
	s5 =	sld [smem:$0x3F9E]  }
0x2b: {  	s6 =	sld [smem:$0x3F9F]  }
0x2c: {  	s7 =	sld [smem:$0x3FA0]  }
0x2d: {  	s3 =	simm.s32 $0x108;
	s8 =	sld [smem:$0x3FA1]  }
0x2e: {  	s3 =	simm.s32 @!p0 $0x1082;
	s9 =	sld [smem:$0x3FA2]  }
0x2f: {  	lr =	sadd.s32 s0, s3;
	s0 =	sld [smem:$0x3F99]  }
0x30: {  	s3 =	sld [smem:$0x3F9C]  }
0x31: {  	[smem:$0x3FA5] =	sst s10  }
0x32: {  	s10 =	sld [smem:$0x3FA3];
	_ =	sdelay $0x3  }
0x33: {  	p0 =	seq.s32 s10, $0x1;
	s10 =	sld [smem:$0x3FA5];
	_ =	sdelay $0x3  }
0x34: {  	[smem:$0x3FA5] =	sst s10  }
0x35: {  	s10 =	sld [smem:$0x3FA4];
	_ =	sdelay $0x3  }
0x36: {  	p1 =	seq.s32 s10, $0x1;
	s10 =	sld [smem:$0x3FA5];
	_ =	sdelay $0x3  }
0x37: {  	[smem:$0x3FA5] =	sst s10  }
0x38: {  	s10 =	sld [smem:$0x3FA6]  }
0x39: {  	_ = 	snop;
	(pc) =	sbr.ind lr, $3  }
0x3a: {  	_ = 	snop  }
0x3b: {  	_ = 	snop  }
0x3c: {  	p2 =	seq.s32 s10, $0x1;
	s10 =	sld [smem:$0x3FA5]  }
0x3d: {  	_ =	shalt  }
0x3e: {  	_ =	shalt  }
0x3f: {  	_ =	shalt  }
0x40: {  	_ =	shalt  }
0x41: {  	_ =	shalt  }
0x42: {  	_ =	shalt  }
0x43: {  	_ =	shalt  }
0x44: {  	_ =	shalt  }
0x45: {  	_ =	shalt  }
0x46: {  	_ =	shalt  }
0x47: {  	_ =	shalt  }
0x48: {  	_ =	shalt  }
0x49: {  	_ =	shalt  }
0x4a: {  	_ =	shalt  }
0x4b: {  	_ =	shalt  }
0x4c: {  	_ =	shalt  }
0x4d: {  	_ =	shalt  }
0x4e: {  	_ =	shalt  }
0x4f: {  	_ =	shalt  }
0x50: {  	_ =	shalt  }
0x51: {  	_ =	shalt  }
0x52: {  	_ =	shalt  }
0x53: {  	_ =	shalt  }
0x54: {  	_ =	shalt  }
0x55: {  	_ =	shalt  }
0x56: {  	_ =	shalt  }
0x57: {  	_ =	shalt  }
0x58: {  	_ =	shalt  }
0x59: {  	_ =	shalt  }
0x5a: {  	_ =	shalt  }
0x5b: {  	_ =	shalt  }
0x5c: {  	_ =	shalt  }
0x5d: {  	_ =	shalt  }
0x5e: {  	_ =	shalt  }
0x5f: {  	_ =	shalt  }
0x60: {  	_ =	shalt  }
0x61: {  	_ =	shalt  }
0x62: {  	_ =	shalt  }
0x63: {  	_ =	shalt  }
0x64: {  	_ =	shalt  }
0x65: {  	_ =	shalt  }
0x66: {  	_ =	shalt  }
0x67: {  	_ =	shalt  }
0x68: {  	_ =	shalt  }
0x69: {  	_ =	shalt  }
0x6a: {  	_ =	shalt  }
0x6b: {  	_ =	shalt  }
0x6c: {  	_ =	shalt  }
0x6d: {  	_ =	shalt  }
0x6e: {  	_ =	shalt  }
0x6f: {  	_ =	shalt  }
0x70: {  	_ =	shalt  }
0x71: {  	_ =	shalt  }
0x72: {  	_ =	shalt  }
0x73: {  	_ =	shalt  }
0x74: {  	_ =	shalt  }
0x75: {  	_ =	shalt  }
0x76: {  	_ =	shalt  }
0x77: {  	_ =	shalt  }
0x78: {  	_ =	shalt  }
0x79: {  	_ =	shalt  }
0x7a: {  	_ =	shalt  }
0x7b: {  	_ =	shalt  }
0x7c: {  	_ =	shalt  }
0x7d: {  	_ =	shalt  }
0x7e: {  	_ =	shalt  }
0x7f: {  	_ =	shalt  }
0x80: {  	_ =	shalt  }
0x81: {  	_ =	shalt  }
0x82: {  	_ =	shalt  }
0x83: {  	_ =	shalt  }
0x84: {  	_ =	shalt  }
0x85: {  	_ =	shalt  }
0x86: {  	_ =	shalt  }
0x87: {  	_ =	shalt  }
.Lfunc_end0:
.L_simem_size_0:
called_computation.1_lowered:
.L_overlay_start_0:
0x88: {  	s2 =	sld [smem:$0x3FD9]  }
0x89: {  	s3 =	sld [smem:$0x3FFE];
	_ =	sdelay $0x1  }
0x8a: {  	s1 =	srdreg.scid  }
0x8b: {  	s0 =	sand.u32 $0x1, s1  }
0x8c: {  	s16 =	sshll.u32 s0, $0xA;
	s2 =	sadd.s32 s3, s2  }
0x8d: {  	s2 =	sadd.s32 s2, s16  }
0x8e: {  	[smem:$0x3FB1] =	sst s2  }
0x8f: {  	_ = 	snop  }
0x90: {  	(tm) =	ssettm $0x1  }
0x91: {  	s17 =	sld [smem:$0x3FFB];
	_ =	sdelay $0x3  }
0x92: {  	_ =	strace s17  }
0x93: {  	s2 =	sld [smem:$0x3FFC];
	_ =	sdelay $0x3  }
0x94: {  	_ =	strace s2  }
0x95: {  	s2 =	sld [smem:$0x3FFD];
	_ =	sdelay $0x3  }
0x96: {  	_ =	strace s2  }
0x97: {  	_ =	strace $0x8FFFFFFF  }
0x98: {  	s18 =	sld [smem:$0x3FDB];
	_ =	sdelay $0x1  }
0x99: {  	s19 =	simm.s32 $_scs_section_size  }
0x9a: {  	s4 =	simm.s32 $_size__tile_overlayer_lowered;
	s5 =	simm.s32 $_tile_overlayer_lowered  }
0x9b: {  	s22 =	simm.s32 $0x1BFF;
	s21 =	sshll.u32 s5, $0x1;
	s2 =	sadd.s32 s19, s18  }
0x9c: {  	s6 =	simm.s32 $0x0;
	s20 =	sshll.u32 s4, $0x1;
	s4 =	sadd.s32 s21, s2  }
0x9d: {  	[timem:s6], [sflag:s22] =	dma.local [hbm:s4], s20  }
0x9e: {  	_ =	swait.ge [sflag:s22], s20  }
0x9f: {  	s3 =	ssub.s32 $0x0, s20;
	[sflag:s22] =	ssyncset.done $0x0  }
0xa0: {  	[sflag:s22] =	ssyncadd.s32 s3;
	_ =	sdelay $0x1  }
0xa1: {  	s23 =	simm.s32 $0x1B8B  }
0xa2: {  	_ =	swait.ge [sflag:s23], $0x1  }
0xa3: {  	[sflag:s23] =	ssyncset.done $0x0  }
0xa4: {  	s25 =	simm.s32 $0x1B8E;
	s24 =	sld [smem:$0x3FFE];
	[sflag:s23] =	ssyncadd.s32 $0xFFFFFFFF  }
0xa5: {  	s26 =	simm.s32 $execute0_lowered;
	[smem:$0x3FD2] =	sst s25  }
0xa6: {  	s4 =	sshll.u32 s26, $0x1;
	_ =	strace $0x80000046;
	[dreg:$0x1] =	wrdreg $0xFFFFFFFF  }
0xa7: {  	s28 =	simm.s32 $_size_execute0_lowered;
	s2 =	sadd.s32 s2, s4;
	[dreg:$0x0] =	wrdreg $0x0  }
0xa8: {  	s4 =	sshll.u32 s28, $0x1;
	[dreg:$0x2] =	wrdreg s2  }
0xa9: {  	[dreg:$0x3] =	wrdreg s4  }
0xaa: {  	[dreg:$0x4] =	wrdreg $0xC0  }
0xab: {  	_ =	task [dreg:s6], $0x5FFFF  }
0xac: {  	[dreg:$0x1] =	wrdreg $0xFFFFFFFF  }
0xad: {  	[dreg:$0x0] =	wrdreg $0x60  }
0xae: {  	[dreg:$0x2] =	wrdreg s24  }
0xaf: {  	[dreg:$0x3] =	wrdreg $0xB8000  }
0xb0: {  	[dreg:$0x4] =	wrdreg $0xA  }
0xb1: {  	_ =	task.clear_ibuf [dreg:s6], $0x5FFFF;
	_ =	strace $0x90000046  }
0xb2: {  	s29 =	simm.s32 $0xA;
	_ =	strace $0x80000048  }
0xb3: {  	_ =	swait.ge [sflag:s29], $0x1  }
0xb4: {  	[sflag:s29] =	ssyncadd.s32 $0xFFFFFFFF  }
0xb5: {  	_ =	strace $0x90000048  }
0xb6: {  	_ =	sfence  }
0xb7: {  	s30 =	sld [smem:$0x0];
	_ =	sdelay $0x2  }
0xb8: {  	s31 =	sshll.u32 s1, $0xD;
	s1 =	sshrl.u32 s1, $0x2  }
0xb9: {  	s3 =	sand.u32 $0x4000, s31;
	s1 =	sadd.s32 s1, s30  }
0xba: {  	s0 =	sor.u32 s3, s0;
	s1 =	sshll.u32 s1, $0x11  }
0xbb: {  	s0 =	sor.u32 s1, s0  }
0xbc: {  	s0 =	sadd.s32 $0x8F2B, s0  }
0xbd: {  	[sflag:s0] =	ssyncadd.remote.s32 $0x1  }
0xbe: {  	_ =	sfence.sel $0xFFFF  }
0xbf: {  	[dreg:$0x0] =	wrdreg $0xFFFFFFFF;
	(pc) =	sbr.abs _section_cstart, $3  }
0xc0: {  	[dreg:$0x1] =	wrdreg $0xFFFFFFFF  }
0xc1: {  	_ =	task.clear_ibuf [dreg:s6], $0x2FFFF;
	_ =	strace $0x9FFFFFFF  }
0xc2: {  	(tm) =	ssettm $0x7FFFFFFF  }
0xc3: {  	_ =	shalt  }
tec
execute0_lowered:
.L_overlay_start_1:
0x0: {  	(tag) =	ssettag $0x1  }
0x1: {  	s1 =	srdreg.scid;
	s5 =	rddreg [dreg:$0x0]  }
0x2: {  	s0 =	stileid.u32;
	s2 =	rddreg [dreg:$0x1];
	s3 =	simm.s32 $0x0  }
0x3: {  	s20 =	simm.s32 $0x2800;
	s21 =	simm.s32 $0x2;
	s7 =	smul.u32 $0x2800, s0  }
0x4: {  	s22 =	simm.s32 $0x9000;
	s23 =	simm.s32 $0x80;
	s8 =	smul.u32 $0x278, s0  }
0x5: {  	s24 =	simm.s32 $0x5000;
	s6 =	sand.u32 $0x1, s1;
	s30 =	smul.u32 $0x4F000, s0  }
0x6: {  	s25 =	simm.s32 $0x1;
	s26 =	simm.s32 $0x0;
	s4 =	smul.u32 $0x50000, s6  }
0x7: {  	[smem:$0x7FF] =	sst s3;
	s10 =	smul.u32 $0x4E20, s6;
	s6 =	ssub.s32 $0x2, s6  }
0x8: {  	_ =	strace $0x80000047;
	s8 =	smin.u32 s8, $0x2498;
	s11 =	sshrl.u32 s6, $0x1  }
0x9: {  	s4 =	sadd.s32 s7, s4;
	s7 =	sshrl.u32 s7, $0x3;
	s10 =	sadd.s32 s10, s8  }
0xa: {  	s12 =	ssub.s32 s6, s11;
	s31 =	sshll.u32 s8, $0x7;
	s11 =	sshrl.u32 s30, $0x2  }
0xb: {  	s9 =	sshrl.u32 s4, $0x3;
	s4 =	sadd.s32 $0x20A00, s5;
	s7 =	sadd.s32 s7, s5  }
0xc: {  	s10 =	sshll.u32 s10, $0x4;
	s11 =	sadd.s32 s11, s2;
	s12 =	smax.u32 s12, $0x1  }
0xd: {  	s9 =	sadd.s32 s9, s5;
	s10 =	sadd.s32 s10, s5;
	s5 =	sadd.s32 $0x7A00, s7  }
0xe: {  	s7 =	sadd.s32 s31, s2;
	s13 =	sadd.s32 $0x2780, s11;
	s14 =	sadd.s32 $0x4F00, s11  }
0xf: {  	s15 =	sadd.s32 $0x7680, s11;
	s16 =	sadd.s32 $0x9E00, s11;
	s17 =	sadd.s32 $0xC580, s11  }
0x10: {  	s18 =	sadd.s32 $0xED00, s11;
	s19 =	sadd.s32 $0x11480, s11;
	s6 =	sadd.s32 $0xCA00, s9  }
0x11: {  	v0 =	vimm.f32 $0.0e+00;
	s8 =	sadd.s32 $0xBCE00, s10;
	s9 =	sadd.s32 $0x11A00, s9;
	s10 =	sadd.s32 $0xE3F00, s10  }
.LBB2_1:
0x12: {  	s28 =	sand.u32 $0xFE00, s3  }
0x13: {  	s29 =	sand.u32 $0x70, s3;
	s30 =	sshrl.u32 s28, $0x2  }
0x14: {  	s28 =	simm.s32 $0x40;
	s30 =	sor.u32 s29, s30;
	s29 =	simm.s32 $0x0  }
.LBB2_2:
0x15: {  	p0 =	sne.s32 s28, $0x9DC0  }
0x16: {  	[tilespmem:s30+$0x9000] =	vst v0;
	s29 =	sadd.s32 $0x10, s29;
	s30 =	smov.u32 s28;
	s28 =	sadd.s32 $0x40, s28  }
.Ltmp0:
0x17: {  	(pc) =	sbr.rel @p0 .LBB2_2-.Ltmp0, $4  }
0x18: {  	_ = 	snop  }
0x19: {  	s30 =	sand.u32 $0xFE00, s30  }
0x1a: {  	s31 =	sand.u32 $0x70, s29;
	s30 =	sshrl.u32 s30, $0x2  }
0x1b: {  	s30 =	sor.u32 s31, s30  }
0x1c: {  	[tilespmem:s30+$0x9000] =	vst v0;
	s28 =	simm.s32 $0x0  }
0x1d: {  	[tilespmem:s20], [sflag:$0x2] =	stream.linear.gather [hbm4b:s5+s28], $0x2780, $0x38;
	[tilespmem:$0x1F400] =	vst v63  }
0x1e: {  	_ =	swait.ge [sflag:s21], $0x2780  }
0x1f: {  	[sflag:s21] =	ssyncset.done $0x0  }
0x20: {  	[sflag:s21] =	ssyncadd.s32 $0xFFFFD880  }
0x21: {  	[spmem:s11] =	stream.linear.scatter [tilespmem:s22], [sflag:$0x2], $0x2780, $0x38;
	[tilespmem:$0x1F400] =	vst v63  }
0x22: {  	_ =	swait.ge [sflag:s21], $0x2780  }
0x23: {  	[sflag:s21] =	ssyncset.done $0x0  }
0x24: {  	[sflag:s21] =	ssyncadd.s32 $0xFFFFD880  }
0x25: {  	[spmem:s13] =	stream.linear.scatter [tilespmem:s22], [sflag:$0x2], $0x2780, $0x38;
	[tilespmem:$0x1F400] =	vst v63  }
0x26: {  	_ =	swait.ge [sflag:s21], $0x2780  }
0x27: {  	[sflag:s21] =	ssyncset.done $0x0  }
0x28: {  	[sflag:s21] =	ssyncadd.s32 $0xFFFFD880  }
0x29: {  	[spmem:s14] =	stream.linear.scatter [tilespmem:s22], [sflag:$0x2], $0x2780, $0x38;
	[tilespmem:$0x1F400] =	vst v63  }
0x2a: {  	_ =	swait.ge [sflag:s21], $0x2780  }
0x2b: {  	[sflag:s21] =	ssyncset.done $0x0  }
0x2c: {  	[sflag:s21] =	ssyncadd.s32 $0xFFFFD880  }
0x2d: {  	[spmem:s15] =	stream.linear.scatter [tilespmem:s22], [sflag:$0x2], $0x2780, $0x38;
	[tilespmem:$0x1F400] =	vst v63  }
0x2e: {  	_ =	swait.ge [sflag:s21], $0x2780  }
0x2f: {  	[sflag:s21] =	ssyncset.done $0x0  }
0x30: {  	[sflag:s21] =	ssyncadd.s32 $0xFFFFD880  }
0x31: {  	[spmem:s16] =	stream.linear.scatter [tilespmem:s22], [sflag:$0x2], $0x2780, $0x38;
	[tilespmem:$0x1F400] =	vst v63  }
0x32: {  	_ =	swait.ge [sflag:s21], $0x2780  }
0x33: {  	[sflag:s21] =	ssyncset.done $0x0  }
0x34: {  	[sflag:s21] =	ssyncadd.s32 $0xFFFFD880  }
0x35: {  	[spmem:s17] =	stream.linear.scatter [tilespmem:s22], [sflag:$0x2], $0x2780, $0x38;
	[tilespmem:$0x1F400] =	vst v63  }
0x36: {  	_ =	swait.ge [sflag:s21], $0x2780  }
0x37: {  	[sflag:s21] =	ssyncset.done $0x0  }
0x38: {  	[sflag:s21] =	ssyncadd.s32 $0xFFFFD880  }
0x39: {  	[spmem:s18] =	stream.linear.scatter [tilespmem:s22], [sflag:$0x2], $0x2780, $0x38;
	[tilespmem:$0x1F400] =	vst v63  }
0x3a: {  	_ =	swait.ge [sflag:s21], $0x2780  }
0x3b: {  	[sflag:s21] =	ssyncset.done $0x0  }
0x3c: {  	[sflag:s21] =	ssyncadd.s32 $0xFFFFD880  }
0x3d: {  	[spmem:s19] =	stream.linear.scatter [tilespmem:s22], [sflag:$0x2], $0x2780, $0x38;
	[tilespmem:$0x1F400] =	vst v63  }
0x3e: {  	_ =	swait.ge [sflag:s21], $0x2780  }
0x3f: {  	[sflag:s21] =	ssyncset.done $0x0  }
0x40: {  	[sflag:s21] =	ssyncadd.s32 $0xFFFFD880  }
0x41: {  	[tilespmem:s28], [sflag:$0x2] =	stream.linear.gather [hbm4b:s6+s28], $0x2780, $0x38;
	[tilespmem:$0x1F400] =	vst v63  }
0x42: {  	_ =	swait.ge [sflag:s21], $0x2780  }
0x43: {  	[sflag:s21] =	ssyncset.done $0x0  }
0x44: {  	[sflag:s21] =	ssyncadd.s32 $0xFFFFD880  }
0x45: {  	s28 =	simm.s32 $0x0;
	[bflag:$0x0] =	sbarrier.arrive $0xFFFF  }
0x46: {  	[tilespmem:s24], [sflag:$0x1] =	stream.indirect.gather [hbm4b:s4+s23], $0x80, s28, s23, $0xb8;
	[tilespmem:$0x1F400] =	vst v63  }
0x47: {  	_ =	swait.ge [sflag:s25], $0x4000  }
0x48: {  	[sflag:s25] =	ssyncset.done $0x0  }
0x49: {  	s28 =	simm.s32 $0x2800;
	[sflag:s25] =	ssyncadd.s32 $0xFFFFC000  }
0x4a: {  	[spmem:s2] =	stream.indirect.scatter.add.f32 [tilespmem:s24], [sflag:$0x2], $0x80, s28, s23, $0xb8;
	[tilespmem:$0x1F400] =	vst v63  }
0x4b: {  	_ =	swait.ge [sflag:s21], $0x4000  }
0x4c: {  	s29 =	simm.s32 $0x400;
	s28 =	simm.s32 $0x200;
	[sflag:s21] =	ssyncset.done $0x0  }
.LBB2_4:
0x4d: {  	s30 =	sshra.s32 s28, $0x2  }
0x4e: {  	[sflag:s21] =	ssyncadd.s32 $0xFFFFC000;
	s28 =	smov.u32 s29;
	s31 =	sadd.s32 $0x200, s29  }
0x4f: {  	[tilespmem:s24], [sflag:$0x1] =	stream.indirect.gather [hbm4b:s4+s23], $0x80, s30, s23, $0xb8;
	[tilespmem:$0x1F400] =	vst v63  }
0x50: {  	p0 =	sne.s32 s29, $0x9C00;
	_ =	swait.ge [sflag:s25], $0x4000  }
.Ltmp1:
0x51: {  	[sflag:s25] =	ssyncset.done $0x0;
	(pc) =	sbr.rel @p0 .LBB2_4-.Ltmp1, $4  }
0x52: {  	s29 =	sadd.s32 $0x2800, s30;
	[sflag:s25] =	ssyncadd.s32 $0xFFFFC000  }
0x53: {  	[spmem:s2] =	stream.indirect.scatter.add.f32 [tilespmem:s24], [sflag:$0x2], $0x80, s29, s23, $0xb8;
	[tilespmem:$0x1F400] =	vst v63  }
0x54: {  	_ =	swait.ge [sflag:s21], $0x4000  }
0x55: {  	s29 =	smov.u32 s31;
	[sflag:s21] =	ssyncset.done $0x0  }
0x56: {  	s28 =	sshra.s32 s28, $0x2;
	[sflag:s21] =	ssyncadd.s32 $0xFFFFC000  }
0x57: {  	[tilespmem:s24], [sflag:$0x1] =	stream.indirect.gather [hbm4b:s4+s23], $0x80, s28, s23, $0xb8;
	[tilespmem:$0x1F400] =	vst v63  }
0x58: {  	_ =	swait.ge [sflag:s25], $0x4000  }
0x59: {  	[sflag:s25] =	ssyncset.done $0x0  }
0x5a: {  	s28 =	sadd.s32 $0x2800, s28;
	[sflag:s25] =	ssyncadd.s32 $0xFFFFC000  }
0x5b: {  	[spmem:s2] =	stream.indirect.scatter.add.f32 [tilespmem:s24], [sflag:$0x2], $0x80, s28, s23, $0xb8;
	[tilespmem:$0x1F400] =	vst v63  }
0x5c: {  	_ =	swait.ge [sflag:s21], $0x4000  }
0x5d: {  	s0 =	stileid.u32;
	[sflag:s21] =	ssyncset.done $0x0  }
0x5e: {  	s28 =	sshll.u32 s0, $0x6;
	[sflag:s21] =	ssyncadd.s32 $0xFFFFC000  }
0x5f: {  	s29 =	sshrl.u32 s7, $0x3;
	s28 =	sor.u32 $0x1C02, s28;
	[bflag:$0x0] =	sbarrier.arrive $0xFFFF  }
0x60: {  	[hbm:s8], [sflag:s28] =	dma.local [spmem:s29], $0x2780  }
0x61: {  	_ =	swait.ge [sflag:s21], $0x2780  }
0x62: {  	[sflag:s21] =	ssyncset.done $0x0  }
0x63: {  	[sflag:s21] =	ssyncadd.s32 $0xFFFFD880  }
0x64: {  	[bflag:$0x0] =	sbarrier.arrive $0xFFFF  }
0x65: {  	[spmem:s11] =	stream.linear.scatter [tilespmem:s22], [sflag:$0x2], $0x2780, $0x38;
	[tilespmem:$0x1F400] =	vst v63  }
0x66: {  	_ =	swait.ge [sflag:s21], $0x2780  }
0x67: {  	[sflag:s21] =	ssyncset.done $0x0  }
0x68: {  	[sflag:s21] =	ssyncadd.s32 $0xFFFFD880  }
0x69: {  	[spmem:s13] =	stream.linear.scatter [tilespmem:s22], [sflag:$0x2], $0x2780, $0x38;
	[tilespmem:$0x1F400] =	vst v63  }
0x6a: {  	_ =	swait.ge [sflag:s21], $0x2780  }
0x6b: {  	[sflag:s21] =	ssyncset.done $0x0  }
0x6c: {  	[sflag:s21] =	ssyncadd.s32 $0xFFFFD880  }
0x6d: {  	[spmem:s14] =	stream.linear.scatter [tilespmem:s22], [sflag:$0x2], $0x2780, $0x38;
	[tilespmem:$0x1F400] =	vst v63  }
0x6e: {  	_ =	swait.ge [sflag:s21], $0x2780  }
0x6f: {  	[sflag:s21] =	ssyncset.done $0x0  }
0x70: {  	[sflag:s21] =	ssyncadd.s32 $0xFFFFD880  }
0x71: {  	[spmem:s15] =	stream.linear.scatter [tilespmem:s22], [sflag:$0x2], $0x2780, $0x38;
	[tilespmem:$0x1F400] =	vst v63  }
0x72: {  	_ =	swait.ge [sflag:s21], $0x2780  }
0x73: {  	[sflag:s21] =	ssyncset.done $0x0  }
0x74: {  	[sflag:s21] =	ssyncadd.s32 $0xFFFFD880  }
0x75: {  	[spmem:s16] =	stream.linear.scatter [tilespmem:s22], [sflag:$0x2], $0x2780, $0x38;
	[tilespmem:$0x1F400] =	vst v63  }
0x76: {  	_ =	swait.ge [sflag:s21], $0x2780  }
0x77: {  	[sflag:s21] =	ssyncset.done $0x0  }
0x78: {  	[sflag:s21] =	ssyncadd.s32 $0xFFFFD880  }
0x79: {  	[spmem:s17] =	stream.linear.scatter [tilespmem:s22], [sflag:$0x2], $0x2780, $0x38;
	[tilespmem:$0x1F400] =	vst v63  }
0x7a: {  	_ =	swait.ge [sflag:s21], $0x2780  }
0x7b: {  	[sflag:s21] =	ssyncset.done $0x0  }
0x7c: {  	[sflag:s21] =	ssyncadd.s32 $0xFFFFD880  }
0x7d: {  	[spmem:s18] =	stream.linear.scatter [tilespmem:s22], [sflag:$0x2], $0x2780, $0x38;
	[tilespmem:$0x1F400] =	vst v63  }
0x7e: {  	_ =	swait.ge [sflag:s21], $0x2780  }
0x7f: {  	[sflag:s21] =	ssyncset.done $0x0  }
0x80: {  	[sflag:s21] =	ssyncadd.s32 $0xFFFFD880  }
0x81: {  	[spmem:s19] =	stream.linear.scatter [tilespmem:s22], [sflag:$0x2], $0x2780, $0x38;
	[tilespmem:$0x1F400] =	vst v63  }
0x82: {  	_ =	swait.ge [sflag:s21], $0x2780  }
0x83: {  	[sflag:s21] =	ssyncset.done $0x0  }
0x84: {  	s30 =	simm.s32 $0x0;
	[sflag:s21] =	ssyncadd.s32 $0xFFFFD880  }
0x85: {  	[tilespmem:s30], [sflag:$0x2] =	stream.linear.gather [hbm4b:s9+s30], $0x2780, $0x38;
	[tilespmem:$0x1F400] =	vst v63  }
0x86: {  	_ =	swait.ge [sflag:s21], $0x2780  }
0x87: {  	[sflag:s21] =	ssyncset.done $0x0  }
0x88: {  	[sflag:s21] =	ssyncadd.s32 $0xFFFFD880  }
0x89: {  	s30 =	simm.s32 $0x0;
	[bflag:$0x0] =	sbarrier.arrive $0xFFFF  }
0x8a: {  	[tilespmem:s24], [sflag:$0x1] =	stream.indirect.gather [hbm4b:s4+s23], $0x80, s30, s23, $0xb8;
	[tilespmem:$0x1F400] =	vst v63  }
0x8b: {  	_ =	swait.ge [sflag:s25], $0x4000  }
0x8c: {  	[sflag:s25] =	ssyncset.done $0x0  }
0x8d: {  	s30 =	simm.s32 $0x2800;
	[sflag:s25] =	ssyncadd.s32 $0xFFFFC000  }
0x8e: {  	[spmem:s2] =	stream.indirect.scatter.add.f32 [tilespmem:s24], [sflag:$0x2], $0x80, s30, s23, $0xb8;
	[tilespmem:$0x1F400] =	vst v63  }
0x8f: {  	_ =	swait.ge [sflag:s21], $0x4000  }
0x90: {  	s31 =	simm.s32 $0x400;
	s30 =	simm.s32 $0x200;
	[sflag:s21] =	ssyncset.done $0x0  }
.LBB2_6:
0x91: {  	s1 =	sshra.s32 s30, $0x2  }
0x92: {  	[sflag:s21] =	ssyncadd.s32 $0xFFFFC000;
	s30 =	smov.u32 s31;
	s0 =	sadd.s32 $0x200, s31  }
0x93: {  	[tilespmem:s24], [sflag:$0x1] =	stream.indirect.gather [hbm4b:s4+s23], $0x80, s1, s23, $0xb8;
	[tilespmem:$0x1F400] =	vst v63  }
0x94: {  	p0 =	sne.s32 s31, $0x9C00;
	_ =	swait.ge [sflag:s25], $0x4000  }
.Ltmp2:
0x95: {  	[sflag:s25] =	ssyncset.done $0x0;
	(pc) =	sbr.rel @p0 .LBB2_6-.Ltmp2, $4  }
0x96: {  	s1 =	sadd.s32 $0x2800, s1;
	[sflag:s25] =	ssyncadd.s32 $0xFFFFC000  }
0x97: {  	[spmem:s2] =	stream.indirect.scatter.add.f32 [tilespmem:s24], [sflag:$0x2], $0x80, s1, s23, $0xb8;
	[tilespmem:$0x1F400] =	vst v63  }
0x98: {  	_ =	swait.ge [sflag:s21], $0x4000  }
0x99: {  	s31 =	smov.u32 s0;
	[sflag:s21] =	ssyncset.done $0x0  }
0x9a: {  	s0 =	sshra.s32 s30, $0x2;
	[sflag:s21] =	ssyncadd.s32 $0xFFFFC000  }
0x9b: {  	[tilespmem:s24], [sflag:$0x1] =	stream.indirect.gather [hbm4b:s4+s23], $0x80, s0, s23, $0xb8;
	[tilespmem:$0x1F400] =	vst v63  }
0x9c: {  	_ =	swait.ge [sflag:s25], $0x4000  }
0x9d: {  	[sflag:s25] =	ssyncset.done $0x0  }
0x9e: {  	s0 =	sadd.s32 $0x2800, s0;
	[sflag:s25] =	ssyncadd.s32 $0xFFFFC000  }
0x9f: {  	[spmem:s2] =	stream.indirect.scatter.add.f32 [tilespmem:s24], [sflag:$0x2], $0x80, s0, s23, $0xb8;
	[tilespmem:$0x1F400] =	vst v63  }
0xa0: {  	_ =	swait.ge [sflag:s21], $0x4000  }
0xa1: {  	[sflag:s21] =	ssyncset.done $0x0  }
0xa2: {  	s26 =	sadd.s32 $0x1, s26;
	[sflag:s21] =	ssyncadd.s32 $0xFFFFC000  }
0xa3: {  	p0 =	sne.s32 s26, s12;
	[bflag:$0x0] =	sbarrier.arrive $0xFFFF  }
0xa4: {  	[hbm:s10], [sflag:s28] =	dma.local [spmem:s29], $0x2780  }
.Ltmp3:
0xa5: {  	_ =	swait.ge [sflag:s21], $0x2780;
	(pc) =	sbr.rel @p0 .LBB2_1-.Ltmp3, $3  }
0xa6: {  	[sflag:s21] =	ssyncset.done $0x0  }
0xa7: {  	[sflag:s21] =	ssyncadd.s32 $0xFFFFD880  }
0xa8: {  	[bflag:$0x0] =	sbarrier.arrive $0xFFFF;
	_ =	sdelay $0x1  }
0xa9: {  	_ =	sfence.sel $0x180000  }
0xaa: {  	[bflag:$0x0] =	sbarrier.arrive $0xFFFF  }
0xab: {  	_ =	strace $0x90000047  }
0xac: {  	s0 =	stileid.u32;
	[bflag:$0x2] =	sbarrier.arrive $0xFFFF  }
0xad: {  	p0 =	sne.s32 s0, $0x0;
	s0 =	rddreg [dreg:$0x2]  }
0xae: {  	s0 =	sadd.s32 @!p0 $0x100000, s0  }
0xaf: {  	[sflag:s0] =	ssyncadd.tile.s32 @!p0 $0x1;
	_ =	shalt  }
.Lfunc_end2:
_tile_overlayer_lowered:
.L_overlay_start_2:
0xb0: {  	(tag) =	ssettag $0x2  }
0xb1: {  	s0 =	rddreg [dreg:$0x0];
	s2 =	stileid.u32  }
0xb2: {  	s1 =	rddreg [dreg:$0x1];
	p0 =	sne.s32 s2, $0x0  }
0xb3: {  	s3 =	rddreg [dreg:$0x2];
	[bflag:$0x3] =	sbarrier.arrive $0xFFFF;
	s2 =	simm.s32 @!p0 $0x1C02  }
0xb4: {  	[timem:s3], [sflag:s2] =	dma.local @!p0 [hbm:s0], s1  }
0xb5: {  	s0 =	simm.s32 @!p0 $0x2  }
0xb6: {  	_ =	swait.ge @!p0 [sflag:s0], s1  }
0xb7: {  	s1 =	ssub.s32 @!p0 $0x0, s1;
	[sflag:s0] =	ssyncset.done @!p0 $0x0  }
0xb8: {  	[sflag:s0] =	ssyncadd.s32 @!p0 s1  }
0xb9: {  	[bflag:$0x3] =	sbarrier.arrive $0xFFFF  }
0xba: {  	_ =	shalt  }

// kernel: kernel.24.cloned.1.call-start
scs
__scs_entry_jumppad:
0x0: {  	(pc) =	sbr.rel $0x88, $3  }
0x1: {  	(tag) =	ssettag $0x0;
	lr =	simm.s32 $0x1  }
0x2: {  	[smem:$0x3F8A] =	sst lr;
	_ =	strace $0xD0000000  }
0x3: {  	_ = 	snop  }
0x4: {  	_ = 	snop  }
0x5: {  	_ = 	snop  }
0x6: {  	_ = 	snop  }
0x7: {  	_ = 	snop  }
__scs_overlays_trampoline_lowered:
0x8: {  	[smem:$0x3F99] =	sst s0  }
0x9: {  	[smem:$0x3F9A] =	sst s1  }
0xa: {  	[smem:$0x3F9B] =	sst s2  }
0xb: {  	[smem:$0x3F9C] =	sst s3  }
0xc: {  	[smem:$0x3F9D] =	sst s4  }
0xd: {  	[smem:$0x3F9E] =	sst s5  }
0xe: {  	[smem:$0x3F9F] =	sst s6  }
0xf: {  	[smem:$0x3FA0] =	sst s7  }
0x10: {  	[smem:$0x3FA1] =	sst s8  }
0x11: {  	[smem:$0x3FA2] =	sst s9;
	s0 =	simm.s32 @!p0 $0x0  }
0x12: {  	s1 =	sld [smem:$0x3F88];
	s0 =	simm.s32 @p0 $0x1  }
0x13: {  	[smem:$0x3FA3] =	sst s0;
	s0 =	simm.s32 @!p1 $0x0  }
0x14: {  	s2 =	sld [smem:$0x3F87];
	s0 =	simm.s32 @p1 $0x1  }
0x15: {  	[smem:$0x3FA4] =	sst s0;
	s0 =	simm.s32 @!p2 $0x0  }
0x16: {  	s3 =	sld [smem:$0x3FDB];
	s0 =	simm.s32 @p2 $0x1  }
0x17: {  	s4 =	simm.s32 $0x1BF5;
	[smem:$0x3FA6] =	sst s0  }
0x18: {  	s0 =	sld [smem:$0x3F89];
	_ =	swait.ge [sflag:s4], $0x0  }
0x19: {  	s7 =	sld [smem:$0x3F8A]  }
0x1a: {  	s8 =	sadd.s32 $0xFFFFE003, lr  }
0x1b: {  	s9 =	sadd.s32 $0xFFFFFEF7, lr;
	s5 =	simm.s32 $0xFFFFFFFF;
	p2 =	slt.u32 s8, $0xFFFFF086  }
0x1c: {  	p1 =	slt.u32 s9, $0xF7A;
	s5 =	simm.s32 @!p2 $0x0  }
0x1d: {  	s5 =	simm.s32 @p1 $0x1;
	p0 =	seq.s32 s7, s2  }
0x1e: {  	s7 =	smul.u32 @!p0 $0xF7A, s2;
	p2 =	seq.s32 @!p0 s5, $0x0  }
0x1f: {  	s9 =	smul.u32 $0xF7A, s1;
	s8 =	simm.s32 @!p0 $0x1BF5;
	p2 =	por !p2, p0  }
0x20: {  	[sflag:s8] =	ssyncset.s32 @!p0 $0xFFFFF086;
	s6 =	sadd.s32 @!p0 s3, s7;
	s7 =	simm.s32 @!p0 $0x108  }
0x21: {  	s3 =	sadd.s32 s3, s9;
	s6 =	sadd.s32 @!p0 $0x88, s6;
	s7 =	simm.s32 @p2 $0x1082  }
0x22: {  	[simem:s7], [sflag:s8] =	dma.local @!p0 [hbm:s6], $0xF7A  }
0x23: {  	s9 =	sor.u32 $0xD0000000, s2;
	s6 =	simm.s32 $0x108;
	_ =	swait.ge @!p0 [sflag:s8], $0x0  }
0x24: {  	s3 =	sadd.s32 $0x88, s3;
	s6 =	simm.s32 @!p1 $0x1082;
	[sflag:s4] =	ssyncset.s32 $0xFFFFF086  }
0x25: {  	[simem:s6], [sflag:s4] =	dma.local [hbm:s3], $0xF7A  }
0x26: {  	[smem:$0x3F8A] =	sst s1;
	(tag) =	ssettag s2;
	_ =	strace s9  }
0x27: {  	s1 =	sld [smem:$0x3F9A]  }
0x28: {  	s2 =	sld [smem:$0x3F9B]  }
0x29: {  	s4 =	sld [smem:$0x3F9D]  }
0x2a: {  	p0 =	seq.s32 s5, $0x0;
	s5 =	sld [smem:$0x3F9E]  }
0x2b: {  	s6 =	sld [smem:$0x3F9F]  }
0x2c: {  	s7 =	sld [smem:$0x3FA0]  }
0x2d: {  	s3 =	simm.s32 $0x108;
	s8 =	sld [smem:$0x3FA1]  }
0x2e: {  	s3 =	simm.s32 @!p0 $0x1082;
	s9 =	sld [smem:$0x3FA2]  }
0x2f: {  	lr =	sadd.s32 s0, s3;
	s0 =	sld [smem:$0x3F99]  }
0x30: {  	s3 =	sld [smem:$0x3F9C]  }
0x31: {  	[smem:$0x3FA5] =	sst s10  }
0x32: {  	s10 =	sld [smem:$0x3FA3];
	_ =	sdelay $0x3  }
0x33: {  	p0 =	seq.s32 s10, $0x1;
	s10 =	sld [smem:$0x3FA5];
	_ =	sdelay $0x3  }
0x34: {  	[smem:$0x3FA5] =	sst s10  }
0x35: {  	s10 =	sld [smem:$0x3FA4];
	_ =	sdelay $0x3  }
0x36: {  	p1 =	seq.s32 s10, $0x1;
	s10 =	sld [smem:$0x3FA5];
	_ =	sdelay $0x3  }
0x37: {  	[smem:$0x3FA5] =	sst s10  }
0x38: {  	s10 =	sld [smem:$0x3FA6]  }
0x39: {  	_ = 	snop;
	(pc) =	sbr.ind lr, $3  }
0x3a: {  	_ = 	snop  }
0x3b: {  	_ = 	snop  }
0x3c: {  	p2 =	seq.s32 s10, $0x1;
	s10 =	sld [smem:$0x3FA5]  }
0x3d: {  	_ =	shalt  }
0x3e: {  	_ =	shalt  }
0x3f: {  	_ =	shalt  }
0x40: {  	_ =	shalt  }
0x41: {  	_ =	shalt  }
0x42: {  	_ =	shalt  }
0x43: {  	_ =	shalt  }
0x44: {  	_ =	shalt  }
0x45: {  	_ =	shalt  }
0x46: {  	_ =	shalt  }
0x47: {  	_ =	shalt  }
0x48: {  	_ =	shalt  }
0x49: {  	_ =	shalt  }
0x4a: {  	_ =	shalt  }
0x4b: {  	_ =	shalt  }
0x4c: {  	_ =	shalt  }
0x4d: {  	_ =	shalt  }
0x4e: {  	_ =	shalt  }
0x4f: {  	_ =	shalt  }
0x50: {  	_ =	shalt  }
0x51: {  	_ =	shalt  }
0x52: {  	_ =	shalt  }
0x53: {  	_ =	shalt  }
0x54: {  	_ =	shalt  }
0x55: {  	_ =	shalt  }
0x56: {  	_ =	shalt  }
0x57: {  	_ =	shalt  }
0x58: {  	_ =	shalt  }
0x59: {  	_ =	shalt  }
0x5a: {  	_ =	shalt  }
0x5b: {  	_ =	shalt  }
0x5c: {  	_ =	shalt  }
0x5d: {  	_ =	shalt  }
0x5e: {  	_ =	shalt  }
0x5f: {  	_ =	shalt  }
0x60: {  	_ =	shalt  }
0x61: {  	_ =	shalt  }
0x62: {  	_ =	shalt  }
0x63: {  	_ =	shalt  }
0x64: {  	_ =	shalt  }
0x65: {  	_ =	shalt  }
0x66: {  	_ =	shalt  }
0x67: {  	_ =	shalt  }
0x68: {  	_ =	shalt  }
0x69: {  	_ =	shalt  }
0x6a: {  	_ =	shalt  }
0x6b: {  	_ =	shalt  }
0x6c: {  	_ =	shalt  }
0x6d: {  	_ =	shalt  }
0x6e: {  	_ =	shalt  }
0x6f: {  	_ =	shalt  }
0x70: {  	_ =	shalt  }
0x71: {  	_ =	shalt  }
0x72: {  	_ =	shalt  }
0x73: {  	_ =	shalt  }
0x74: {  	_ =	shalt  }
0x75: {  	_ =	shalt  }
0x76: {  	_ =	shalt  }
0x77: {  	_ =	shalt  }
0x78: {  	_ =	shalt  }
0x79: {  	_ =	shalt  }
0x7a: {  	_ =	shalt  }
0x7b: {  	_ =	shalt  }
0x7c: {  	_ =	shalt  }
0x7d: {  	_ =	shalt  }
0x7e: {  	_ =	shalt  }
0x7f: {  	_ =	shalt  }
0x80: {  	_ =	shalt  }
0x81: {  	_ =	shalt  }
0x82: {  	_ =	shalt  }
0x83: {  	_ =	shalt  }
0x84: {  	_ =	shalt  }
0x85: {  	_ =	shalt  }
0x86: {  	_ =	shalt  }
0x87: {  	_ =	shalt  }
.Lfunc_end0:
.L_simem_size_0:
called_computation.2_lowered:
.L_overlay_start_0:
0x88: {  	s2 =	sld [smem:$0x3FD9]  }
0x89: {  	s3 =	sld [smem:$0x3FFE];
	_ =	sdelay $0x1  }
0x8a: {  	s1 =	srdreg.scid  }
0x8b: {  	s0 =	sand.u32 $0x1, s1  }
0x8c: {  	s16 =	sshll.u32 s0, $0xA;
	s2 =	sadd.s32 s3, s2  }
0x8d: {  	s2 =	sadd.s32 s2, s16  }
0x8e: {  	[smem:$0x3FB1] =	sst s2  }
0x8f: {  	_ = 	snop  }
0x90: {  	(tm) =	ssettm $0x1  }
0x91: {  	s17 =	sld [smem:$0x3FFB];
	_ =	sdelay $0x3  }
0x92: {  	_ =	strace s17  }
0x93: {  	s2 =	sld [smem:$0x3FFC];
	_ =	sdelay $0x3  }
0x94: {  	_ =	strace s2  }
0x95: {  	s2 =	sld [smem:$0x3FFD];
	_ =	sdelay $0x3  }
0x96: {  	_ =	strace s2  }
0x97: {  	_ =	strace $0x8FFFFFFF  }
0x98: {  	s18 =	sld [smem:$0x3FDB];
	_ =	sdelay $0x1  }
0x99: {  	s19 =	simm.s32 $_scs_section_size  }
0x9a: {  	s4 =	simm.s32 $_size__tile_overlayer_lowered;
	s5 =	simm.s32 $_tile_overlayer_lowered  }
0x9b: {  	s22 =	simm.s32 $0x1BFF;
	s21 =	sshll.u32 s5, $0x1;
	s2 =	sadd.s32 s19, s18  }
0x9c: {  	s6 =	simm.s32 $0x0;
	s20 =	sshll.u32 s4, $0x1;
	s4 =	sadd.s32 s21, s2  }
0x9d: {  	[timem:s6], [sflag:s22] =	dma.local [hbm:s4], s20  }
0x9e: {  	_ =	swait.ge [sflag:s22], s20  }
0x9f: {  	s3 =	ssub.s32 $0x0, s20;
	[sflag:s22] =	ssyncset.done $0x0  }
0xa0: {  	[sflag:s22] =	ssyncadd.s32 s3;
	_ =	sdelay $0x1  }
0xa1: {  	s23 =	simm.s32 $0x1B8B  }
0xa2: {  	_ =	swait.ge [sflag:s23], $0x1  }
0xa3: {  	[sflag:s23] =	ssyncset.done $0x0  }
0xa4: {  	s25 =	simm.s32 $0x1B8E;
	s24 =	sld [smem:$0x3FFE];
	[sflag:s23] =	ssyncadd.s32 $0xFFFFFFFF  }
0xa5: {  	s26 =	simm.s32 $execute0_lowered;
	[smem:$0x3FD2] =	sst s25  }
0xa6: {  	s4 =	sshll.u32 s26, $0x1;
	_ =	strace $0x8000004C;
	[dreg:$0x1] =	wrdreg $0xFFFFFFFF  }
0xa7: {  	s28 =	simm.s32 $_size_execute0_lowered;
	s2 =	sadd.s32 s2, s4;
	[dreg:$0x0] =	wrdreg $0x0  }
0xa8: {  	s4 =	sshll.u32 s28, $0x1;
	[dreg:$0x2] =	wrdreg s2  }
0xa9: {  	[dreg:$0x3] =	wrdreg s4  }
0xaa: {  	[dreg:$0x4] =	wrdreg $0xC0  }
0xab: {  	_ =	task [dreg:s6], $0x5FFFF  }
0xac: {  	[dreg:$0x1] =	wrdreg $0xFFFFFFFF  }
0xad: {  	[dreg:$0x0] =	wrdreg $0x60  }
0xae: {  	[dreg:$0x2] =	wrdreg s24  }
0xaf: {  	[dreg:$0x3] =	wrdreg $0xB8000  }
0xb0: {  	[dreg:$0x4] =	wrdreg $0x9  }
0xb1: {  	_ =	task.clear_ibuf [dreg:s6], $0x5FFFF;
	_ =	strace $0x9000004C  }
0xb2: {  	s29 =	simm.s32 $0x9;
	_ =	strace $0x8000004E  }
0xb3: {  	_ =	swait.ge [sflag:s29], $0x1  }
0xb4: {  	[sflag:s29] =	ssyncadd.s32 $0xFFFFFFFF  }
0xb5: {  	_ =	strace $0x9000004E  }
0xb6: {  	_ =	sfence  }
0xb7: {  	s30 =	sld [smem:$0x0];
	_ =	sdelay $0x2  }
0xb8: {  	s31 =	sshll.u32 s1, $0xD;
	s1 =	sshrl.u32 s1, $0x2  }
0xb9: {  	s3 =	sand.u32 $0x4000, s31;
	s1 =	sadd.s32 s1, s30  }
0xba: {  	s0 =	sor.u32 s3, s0;
	s1 =	sshll.u32 s1, $0x11  }
0xbb: {  	s0 =	sor.u32 s1, s0  }
0xbc: {  	s0 =	sadd.s32 $0x8F2B, s0  }
0xbd: {  	[sflag:s0] =	ssyncadd.remote.s32 $0x1  }
0xbe: {  	_ =	sfence.sel $0xFFFF  }
0xbf: {  	[dreg:$0x0] =	wrdreg $0xFFFFFFFF;
	(pc) =	sbr.abs _section_cstart, $3  }
0xc0: {  	[dreg:$0x1] =	wrdreg $0xFFFFFFFF  }
0xc1: {  	_ =	task.clear_ibuf [dreg:s6], $0x2FFFF;
	_ =	strace $0x9FFFFFFF  }
0xc2: {  	(tm) =	ssettm $0x7FFFFFFF  }
0xc3: {  	_ =	shalt  }
tec
execute0_lowered:
.L_overlay_start_1:
0x0: {  	(tag) =	ssettag $0x1  }
0x1: {  	s1 =	srdreg.scid;
	s5 =	rddreg [dreg:$0x0]  }
0x2: {  	s0 =	stileid.u32;
	s2 =	rddreg [dreg:$0x1];
	s3 =	simm.s32 $0x0  }
0x3: {  	s20 =	simm.s32 $0x2800;
	s21 =	simm.s32 $0x2;
	s7 =	smul.u32 $0x2800, s0  }
0x4: {  	s22 =	simm.s32 $0x9000;
	s23 =	simm.s32 $0x80;
	s8 =	smul.u32 $0x278, s0  }
0x5: {  	s24 =	simm.s32 $0x5000;
	s6 =	sand.u32 $0x1, s1;
	s30 =	smul.u32 $0x4F000, s0  }
0x6: {  	s25 =	simm.s32 $0x1;
	s26 =	simm.s32 $0x0;
	s4 =	smul.u32 $0x50000, s6  }
0x7: {  	[smem:$0x7FF] =	sst s3;
	s10 =	smul.u32 $0x4E20, s6;
	s6 =	ssub.s32 $0x2, s6  }
0x8: {  	_ =	strace $0x8000004D;
	s8 =	smin.u32 s8, $0x2498;
	s11 =	sshrl.u32 s6, $0x1  }
0x9: {  	s4 =	sadd.s32 s7, s4;
	s7 =	sshrl.u32 s7, $0x3;
	s10 =	sadd.s32 s10, s8  }
0xa: {  	s12 =	ssub.s32 s6, s11;
	s31 =	sshll.u32 s8, $0x7;
	s11 =	sshrl.u32 s30, $0x2  }
0xb: {  	s9 =	sshrl.u32 s4, $0x3;
	s4 =	sadd.s32 $0x235C00, s5;
	s7 =	sadd.s32 s7, s5  }
0xc: {  	s10 =	sshll.u32 s10, $0x4;
	s11 =	sadd.s32 s11, s2;
	s12 =	smax.u32 s12, $0x1  }
0xd: {  	s9 =	sadd.s32 s9, s5;
	s10 =	sadd.s32 s10, s5;
	s5 =	sadd.s32 $0x7A00, s7  }
0xe: {  	s7 =	sadd.s32 s31, s2;
	s13 =	sadd.s32 $0x2780, s11;
	s14 =	sadd.s32 $0x4F00, s11  }
0xf: {  	s15 =	sadd.s32 $0x7680, s11;
	s16 =	sadd.s32 $0x9E00, s11;
	s17 =	sadd.s32 $0xC580, s11  }
0x10: {  	s18 =	sadd.s32 $0xED00, s11;
	s19 =	sadd.s32 $0x11480, s11;
	s6 =	sadd.s32 $0xCA00, s9  }
0x11: {  	v0 =	vimm.f32 $0.0e+00;
	s8 =	sadd.s32 $0x189000, s10;
	s9 =	sadd.s32 $0x11A00, s9;
	s10 =	sadd.s32 $0x1B0100, s10  }
.LBB2_1:
0x12: {  	s28 =	sand.u32 $0xFE00, s3  }
0x13: {  	s29 =	sand.u32 $0x70, s3;
	s30 =	sshrl.u32 s28, $0x2  }
0x14: {  	s28 =	simm.s32 $0x40;
	s30 =	sor.u32 s29, s30;
	s29 =	simm.s32 $0x0  }
.LBB2_2:
0x15: {  	p0 =	sne.s32 s28, $0x9DC0  }
0x16: {  	[tilespmem:s30+$0x9000] =	vst v0;
	s29 =	sadd.s32 $0x10, s29;
	s30 =	smov.u32 s28;
	s28 =	sadd.s32 $0x40, s28  }
.Ltmp0:
0x17: {  	(pc) =	sbr.rel @p0 .LBB2_2-.Ltmp0, $4  }
0x18: {  	_ = 	snop  }
0x19: {  	s30 =	sand.u32 $0xFE00, s30  }
0x1a: {  	s31 =	sand.u32 $0x70, s29;
	s30 =	sshrl.u32 s30, $0x2  }
0x1b: {  	s30 =	sor.u32 s31, s30  }
0x1c: {  	[tilespmem:s30+$0x9000] =	vst v0;
	s28 =	simm.s32 $0x0  }
0x1d: {  	[tilespmem:s20], [sflag:$0x2] =	stream.linear.gather [hbm4b:s5+s28], $0x2780, $0x38;
	[tilespmem:$0x1F400] =	vst v63  }
0x1e: {  	_ =	swait.ge [sflag:s21], $0x2780  }
0x1f: {  	[sflag:s21] =	ssyncset.done $0x0  }
0x20: {  	[sflag:s21] =	ssyncadd.s32 $0xFFFFD880  }
0x21: {  	[spmem:s11] =	stream.linear.scatter [tilespmem:s22], [sflag:$0x2], $0x2780, $0x38;
	[tilespmem:$0x1F400] =	vst v63  }
0x22: {  	_ =	swait.ge [sflag:s21], $0x2780  }
0x23: {  	[sflag:s21] =	ssyncset.done $0x0  }
0x24: {  	[sflag:s21] =	ssyncadd.s32 $0xFFFFD880  }
0x25: {  	[spmem:s13] =	stream.linear.scatter [tilespmem:s22], [sflag:$0x2], $0x2780, $0x38;
	[tilespmem:$0x1F400] =	vst v63  }
0x26: {  	_ =	swait.ge [sflag:s21], $0x2780  }
0x27: {  	[sflag:s21] =	ssyncset.done $0x0  }
0x28: {  	[sflag:s21] =	ssyncadd.s32 $0xFFFFD880  }
0x29: {  	[spmem:s14] =	stream.linear.scatter [tilespmem:s22], [sflag:$0x2], $0x2780, $0x38;
	[tilespmem:$0x1F400] =	vst v63  }
0x2a: {  	_ =	swait.ge [sflag:s21], $0x2780  }
0x2b: {  	[sflag:s21] =	ssyncset.done $0x0  }
0x2c: {  	[sflag:s21] =	ssyncadd.s32 $0xFFFFD880  }
0x2d: {  	[spmem:s15] =	stream.linear.scatter [tilespmem:s22], [sflag:$0x2], $0x2780, $0x38;
	[tilespmem:$0x1F400] =	vst v63  }
0x2e: {  	_ =	swait.ge [sflag:s21], $0x2780  }
0x2f: {  	[sflag:s21] =	ssyncset.done $0x0  }
0x30: {  	[sflag:s21] =	ssyncadd.s32 $0xFFFFD880  }
0x31: {  	[spmem:s16] =	stream.linear.scatter [tilespmem:s22], [sflag:$0x2], $0x2780, $0x38;
	[tilespmem:$0x1F400] =	vst v63  }
0x32: {  	_ =	swait.ge [sflag:s21], $0x2780  }
0x33: {  	[sflag:s21] =	ssyncset.done $0x0  }
0x34: {  	[sflag:s21] =	ssyncadd.s32 $0xFFFFD880  }
0x35: {  	[spmem:s17] =	stream.linear.scatter [tilespmem:s22], [sflag:$0x2], $0x2780, $0x38;
	[tilespmem:$0x1F400] =	vst v63  }
0x36: {  	_ =	swait.ge [sflag:s21], $0x2780  }
0x37: {  	[sflag:s21] =	ssyncset.done $0x0  }
0x38: {  	[sflag:s21] =	ssyncadd.s32 $0xFFFFD880  }
0x39: {  	[spmem:s18] =	stream.linear.scatter [tilespmem:s22], [sflag:$0x2], $0x2780, $0x38;
	[tilespmem:$0x1F400] =	vst v63  }
0x3a: {  	_ =	swait.ge [sflag:s21], $0x2780  }
0x3b: {  	[sflag:s21] =	ssyncset.done $0x0  }
0x3c: {  	[sflag:s21] =	ssyncadd.s32 $0xFFFFD880  }
0x3d: {  	[spmem:s19] =	stream.linear.scatter [tilespmem:s22], [sflag:$0x2], $0x2780, $0x38;
	[tilespmem:$0x1F400] =	vst v63  }
0x3e: {  	_ =	swait.ge [sflag:s21], $0x2780  }
0x3f: {  	[sflag:s21] =	ssyncset.done $0x0  }
0x40: {  	[sflag:s21] =	ssyncadd.s32 $0xFFFFD880  }
0x41: {  	[tilespmem:s28], [sflag:$0x2] =	stream.linear.gather [hbm4b:s6+s28], $0x2780, $0x38;
	[tilespmem:$0x1F400] =	vst v63  }
0x42: {  	_ =	swait.ge [sflag:s21], $0x2780  }
0x43: {  	[sflag:s21] =	ssyncset.done $0x0  }
0x44: {  	[sflag:s21] =	ssyncadd.s32 $0xFFFFD880  }
0x45: {  	s28 =	simm.s32 $0x0;
	[bflag:$0x0] =	sbarrier.arrive $0xFFFF  }
0x46: {  	[tilespmem:s24], [sflag:$0x1] =	stream.indirect.gather [hbm4b:s4+s23], $0x80, s28, s23, $0xb8;
	[tilespmem:$0x1F400] =	vst v63  }
0x47: {  	_ =	swait.ge [sflag:s25], $0x4000  }
0x48: {  	[sflag:s25] =	ssyncset.done $0x0  }
0x49: {  	s28 =	simm.s32 $0x2800;
	[sflag:s25] =	ssyncadd.s32 $0xFFFFC000  }
0x4a: {  	[spmem:s2] =	stream.indirect.scatter.add.f32 [tilespmem:s24], [sflag:$0x2], $0x80, s28, s23, $0xb8;
	[tilespmem:$0x1F400] =	vst v63  }
0x4b: {  	_ =	swait.ge [sflag:s21], $0x4000  }
0x4c: {  	s29 =	simm.s32 $0x400;
	s28 =	simm.s32 $0x200;
	[sflag:s21] =	ssyncset.done $0x0  }
.LBB2_4:
0x4d: {  	s30 =	sshra.s32 s28, $0x2  }
0x4e: {  	[sflag:s21] =	ssyncadd.s32 $0xFFFFC000;
	s28 =	smov.u32 s29;
	s31 =	sadd.s32 $0x200, s29  }
0x4f: {  	[tilespmem:s24], [sflag:$0x1] =	stream.indirect.gather [hbm4b:s4+s23], $0x80, s30, s23, $0xb8;
	[tilespmem:$0x1F400] =	vst v63  }
0x50: {  	p0 =	sne.s32 s29, $0x9C00;
	_ =	swait.ge [sflag:s25], $0x4000  }
.Ltmp1:
0x51: {  	[sflag:s25] =	ssyncset.done $0x0;
	(pc) =	sbr.rel @p0 .LBB2_4-.Ltmp1, $4  }
0x52: {  	s29 =	sadd.s32 $0x2800, s30;
	[sflag:s25] =	ssyncadd.s32 $0xFFFFC000  }
0x53: {  	[spmem:s2] =	stream.indirect.scatter.add.f32 [tilespmem:s24], [sflag:$0x2], $0x80, s29, s23, $0xb8;
	[tilespmem:$0x1F400] =	vst v63  }
0x54: {  	_ =	swait.ge [sflag:s21], $0x4000  }
0x55: {  	s29 =	smov.u32 s31;
	[sflag:s21] =	ssyncset.done $0x0  }
0x56: {  	s28 =	sshra.s32 s28, $0x2;
	[sflag:s21] =	ssyncadd.s32 $0xFFFFC000  }
0x57: {  	[tilespmem:s24], [sflag:$0x1] =	stream.indirect.gather [hbm4b:s4+s23], $0x80, s28, s23, $0xb8;
	[tilespmem:$0x1F400] =	vst v63  }
0x58: {  	_ =	swait.ge [sflag:s25], $0x4000  }
0x59: {  	[sflag:s25] =	ssyncset.done $0x0  }
0x5a: {  	s28 =	sadd.s32 $0x2800, s28;
	[sflag:s25] =	ssyncadd.s32 $0xFFFFC000  }
0x5b: {  	[spmem:s2] =	stream.indirect.scatter.add.f32 [tilespmem:s24], [sflag:$0x2], $0x80, s28, s23, $0xb8;
	[tilespmem:$0x1F400] =	vst v63  }
0x5c: {  	_ =	swait.ge [sflag:s21], $0x4000  }
0x5d: {  	s0 =	stileid.u32;
	[sflag:s21] =	ssyncset.done $0x0  }
0x5e: {  	s28 =	sshll.u32 s0, $0x6;
	[sflag:s21] =	ssyncadd.s32 $0xFFFFC000  }
0x5f: {  	s29 =	sshrl.u32 s7, $0x3;
	s28 =	sor.u32 $0x1C02, s28;
	[bflag:$0x0] =	sbarrier.arrive $0xFFFF  }
0x60: {  	[hbm:s8], [sflag:s28] =	dma.local [spmem:s29], $0x2780  }
0x61: {  	_ =	swait.ge [sflag:s21], $0x2780  }
0x62: {  	[sflag:s21] =	ssyncset.done $0x0  }
0x63: {  	[sflag:s21] =	ssyncadd.s32 $0xFFFFD880  }
0x64: {  	[bflag:$0x0] =	sbarrier.arrive $0xFFFF  }
0x65: {  	[spmem:s11] =	stream.linear.scatter [tilespmem:s22], [sflag:$0x2], $0x2780, $0x38;
	[tilespmem:$0x1F400] =	vst v63  }
0x66: {  	_ =	swait.ge [sflag:s21], $0x2780  }
0x67: {  	[sflag:s21] =	ssyncset.done $0x0  }
0x68: {  	[sflag:s21] =	ssyncadd.s32 $0xFFFFD880  }
0x69: {  	[spmem:s13] =	stream.linear.scatter [tilespmem:s22], [sflag:$0x2], $0x2780, $0x38;
	[tilespmem:$0x1F400] =	vst v63  }
0x6a: {  	_ =	swait.ge [sflag:s21], $0x2780  }
0x6b: {  	[sflag:s21] =	ssyncset.done $0x0  }
0x6c: {  	[sflag:s21] =	ssyncadd.s32 $0xFFFFD880  }
0x6d: {  	[spmem:s14] =	stream.linear.scatter [tilespmem:s22], [sflag:$0x2], $0x2780, $0x38;
	[tilespmem:$0x1F400] =	vst v63  }
0x6e: {  	_ =	swait.ge [sflag:s21], $0x2780  }
0x6f: {  	[sflag:s21] =	ssyncset.done $0x0  }
0x70: {  	[sflag:s21] =	ssyncadd.s32 $0xFFFFD880  }
0x71: {  	[spmem:s15] =	stream.linear.scatter [tilespmem:s22], [sflag:$0x2], $0x2780, $0x38;
	[tilespmem:$0x1F400] =	vst v63  }
0x72: {  	_ =	swait.ge [sflag:s21], $0x2780  }
0x73: {  	[sflag:s21] =	ssyncset.done $0x0  }
0x74: {  	[sflag:s21] =	ssyncadd.s32 $0xFFFFD880  }
0x75: {  	[spmem:s16] =	stream.linear.scatter [tilespmem:s22], [sflag:$0x2], $0x2780, $0x38;
	[tilespmem:$0x1F400] =	vst v63  }
0x76: {  	_ =	swait.ge [sflag:s21], $0x2780  }
0x77: {  	[sflag:s21] =	ssyncset.done $0x0  }
0x78: {  	[sflag:s21] =	ssyncadd.s32 $0xFFFFD880  }
0x79: {  	[spmem:s17] =	stream.linear.scatter [tilespmem:s22], [sflag:$0x2], $0x2780, $0x38;
	[tilespmem:$0x1F400] =	vst v63  }
0x7a: {  	_ =	swait.ge [sflag:s21], $0x2780  }
0x7b: {  	[sflag:s21] =	ssyncset.done $0x0  }
0x7c: {  	[sflag:s21] =	ssyncadd.s32 $0xFFFFD880  }
0x7d: {  	[spmem:s18] =	stream.linear.scatter [tilespmem:s22], [sflag:$0x2], $0x2780, $0x38;
	[tilespmem:$0x1F400] =	vst v63  }
0x7e: {  	_ =	swait.ge [sflag:s21], $0x2780  }
0x7f: {  	[sflag:s21] =	ssyncset.done $0x0  }
0x80: {  	[sflag:s21] =	ssyncadd.s32 $0xFFFFD880  }
0x81: {  	[spmem:s19] =	stream.linear.scatter [tilespmem:s22], [sflag:$0x2], $0x2780, $0x38;
	[tilespmem:$0x1F400] =	vst v63  }
0x82: {  	_ =	swait.ge [sflag:s21], $0x2780  }
0x83: {  	[sflag:s21] =	ssyncset.done $0x0  }
0x84: {  	s30 =	simm.s32 $0x0;
	[sflag:s21] =	ssyncadd.s32 $0xFFFFD880  }
0x85: {  	[tilespmem:s30], [sflag:$0x2] =	stream.linear.gather [hbm4b:s9+s30], $0x2780, $0x38;
	[tilespmem:$0x1F400] =	vst v63  }
0x86: {  	_ =	swait.ge [sflag:s21], $0x2780  }
0x87: {  	[sflag:s21] =	ssyncset.done $0x0  }
0x88: {  	[sflag:s21] =	ssyncadd.s32 $0xFFFFD880  }
0x89: {  	s30 =	simm.s32 $0x0;
	[bflag:$0x0] =	sbarrier.arrive $0xFFFF  }
0x8a: {  	[tilespmem:s24], [sflag:$0x1] =	stream.indirect.gather [hbm4b:s4+s23], $0x80, s30, s23, $0xb8;
	[tilespmem:$0x1F400] =	vst v63  }
0x8b: {  	_ =	swait.ge [sflag:s25], $0x4000  }
0x8c: {  	[sflag:s25] =	ssyncset.done $0x0  }
0x8d: {  	s30 =	simm.s32 $0x2800;
	[sflag:s25] =	ssyncadd.s32 $0xFFFFC000  }
0x8e: {  	[spmem:s2] =	stream.indirect.scatter.add.f32 [tilespmem:s24], [sflag:$0x2], $0x80, s30, s23, $0xb8;
	[tilespmem:$0x1F400] =	vst v63  }
0x8f: {  	_ =	swait.ge [sflag:s21], $0x4000  }
0x90: {  	s31 =	simm.s32 $0x400;
	s30 =	simm.s32 $0x200;
	[sflag:s21] =	ssyncset.done $0x0  }
.LBB2_6:
0x91: {  	s1 =	sshra.s32 s30, $0x2  }
0x92: {  	[sflag:s21] =	ssyncadd.s32 $0xFFFFC000;
	s30 =	smov.u32 s31;
	s0 =	sadd.s32 $0x200, s31  }
0x93: {  	[tilespmem:s24], [sflag:$0x1] =	stream.indirect.gather [hbm4b:s4+s23], $0x80, s1, s23, $0xb8;
	[tilespmem:$0x1F400] =	vst v63  }
0x94: {  	p0 =	sne.s32 s31, $0x9C00;
	_ =	swait.ge [sflag:s25], $0x4000  }
.Ltmp2:
0x95: {  	[sflag:s25] =	ssyncset.done $0x0;
	(pc) =	sbr.rel @p0 .LBB2_6-.Ltmp2, $4  }
0x96: {  	s1 =	sadd.s32 $0x2800, s1;
	[sflag:s25] =	ssyncadd.s32 $0xFFFFC000  }
0x97: {  	[spmem:s2] =	stream.indirect.scatter.add.f32 [tilespmem:s24], [sflag:$0x2], $0x80, s1, s23, $0xb8;
	[tilespmem:$0x1F400] =	vst v63  }
0x98: {  	_ =	swait.ge [sflag:s21], $0x4000  }
0x99: {  	s31 =	smov.u32 s0;
	[sflag:s21] =	ssyncset.done $0x0  }
0x9a: {  	s0 =	sshra.s32 s30, $0x2;
	[sflag:s21] =	ssyncadd.s32 $0xFFFFC000  }
0x9b: {  	[tilespmem:s24], [sflag:$0x1] =	stream.indirect.gather [hbm4b:s4+s23], $0x80, s0, s23, $0xb8;
	[tilespmem:$0x1F400] =	vst v63  }
0x9c: {  	_ =	swait.ge [sflag:s25], $0x4000  }
0x9d: {  	[sflag:s25] =	ssyncset.done $0x0  }
0x9e: {  	s0 =	sadd.s32 $0x2800, s0;
	[sflag:s25] =	ssyncadd.s32 $0xFFFFC000  }
0x9f: {  	[spmem:s2] =	stream.indirect.scatter.add.f32 [tilespmem:s24], [sflag:$0x2], $0x80, s0, s23, $0xb8;
	[tilespmem:$0x1F400] =	vst v63  }
0xa0: {  	_ =	swait.ge [sflag:s21], $0x4000  }
0xa1: {  	[sflag:s21] =	ssyncset.done $0x0  }
0xa2: {  	s26 =	sadd.s32 $0x1, s26;
	[sflag:s21] =	ssyncadd.s32 $0xFFFFC000  }
0xa3: {  	p0 =	sne.s32 s26, s12;
	[bflag:$0x0] =	sbarrier.arrive $0xFFFF  }
0xa4: {  	[hbm:s10], [sflag:s28] =	dma.local [spmem:s29], $0x2780  }
.Ltmp3:
0xa5: {  	_ =	swait.ge [sflag:s21], $0x2780;
	(pc) =	sbr.rel @p0 .LBB2_1-.Ltmp3, $3  }
0xa6: {  	[sflag:s21] =	ssyncset.done $0x0  }
0xa7: {  	[sflag:s21] =	ssyncadd.s32 $0xFFFFD880  }
0xa8: {  	[bflag:$0x0] =	sbarrier.arrive $0xFFFF;
	_ =	sdelay $0x1  }
0xa9: {  	_ =	sfence.sel $0x180000  }
0xaa: {  	[bflag:$0x0] =	sbarrier.arrive $0xFFFF  }
0xab: {  	_ =	strace $0x9000004D  }
0xac: {  	s0 =	stileid.u32;
	[bflag:$0x2] =	sbarrier.arrive $0xFFFF  }
0xad: {  	p0 =	sne.s32 s0, $0x0;
	s0 =	rddreg [dreg:$0x2]  }
0xae: {  	s0 =	sadd.s32 @!p0 $0x100000, s0  }
0xaf: {  	[sflag:s0] =	ssyncadd.tile.s32 @!p0 $0x1;
	_ =	shalt  }
.Lfunc_end2:
_tile_overlayer_lowered:
.L_overlay_start_2:
0xb0: {  	(tag) =	ssettag $0x2  }
0xb1: {  	s0 =	rddreg [dreg:$0x0];
	s2 =	stileid.u32  }
0xb2: {  	s1 =	rddreg [dreg:$0x1];
	p0 =	sne.s32 s2, $0x0  }
0xb3: {  	s3 =	rddreg [dreg:$0x2];
	[bflag:$0x3] =	sbarrier.arrive $0xFFFF;
	s2 =	simm.s32 @!p0 $0x1C02  }
0xb4: {  	[timem:s3], [sflag:s2] =	dma.local @!p0 [hbm:s0], s1  }
0xb5: {  	s0 =	simm.s32 @!p0 $0x2  }
0xb6: {  	_ =	swait.ge @!p0 [sflag:s0], s1  }
0xb7: {  	s1 =	ssub.s32 @!p0 $0x0, s1;
	[sflag:s0] =	ssyncset.done @!p0 $0x0  }
0xb8: {  	[sflag:s0] =	ssyncadd.s32 @!p0 s1  }
0xb9: {  	[bflag:$0x3] =	sbarrier.arrive $0xFFFF  }
0xba: {  	_ =	shalt  }

// kernel: kernel.27.cloned.1.call-start
scs
__scs_entry_jumppad:
0x0: {  	(pc) =	sbr.rel $0x88, $3  }
0x1: {  	(tag) =	ssettag $0x0;
	lr =	simm.s32 $0x1  }
0x2: {  	[smem:$0x3F8A] =	sst lr;
	_ =	strace $0xD0000000  }
0x3: {  	_ = 	snop  }
0x4: {  	_ = 	snop  }
0x5: {  	_ = 	snop  }
0x6: {  	_ = 	snop  }
0x7: {  	_ = 	snop  }
__scs_overlays_trampoline_lowered:
0x8: {  	[smem:$0x3F99] =	sst s0  }
0x9: {  	[smem:$0x3F9A] =	sst s1  }
0xa: {  	[smem:$0x3F9B] =	sst s2  }
0xb: {  	[smem:$0x3F9C] =	sst s3  }
0xc: {  	[smem:$0x3F9D] =	sst s4  }
0xd: {  	[smem:$0x3F9E] =	sst s5  }
0xe: {  	[smem:$0x3F9F] =	sst s6  }
0xf: {  	[smem:$0x3FA0] =	sst s7  }
0x10: {  	[smem:$0x3FA1] =	sst s8  }
0x11: {  	[smem:$0x3FA2] =	sst s9;
	s0 =	simm.s32 @!p0 $0x0  }
0x12: {  	s1 =	sld [smem:$0x3F88];
	s0 =	simm.s32 @p0 $0x1  }
0x13: {  	[smem:$0x3FA3] =	sst s0;
	s0 =	simm.s32 @!p1 $0x0  }
0x14: {  	s2 =	sld [smem:$0x3F87];
	s0 =	simm.s32 @p1 $0x1  }
0x15: {  	[smem:$0x3FA4] =	sst s0;
	s0 =	simm.s32 @!p2 $0x0  }
0x16: {  	s3 =	sld [smem:$0x3FDB];
	s0 =	simm.s32 @p2 $0x1  }
0x17: {  	s4 =	simm.s32 $0x1BF5;
	[smem:$0x3FA6] =	sst s0  }
0x18: {  	s0 =	sld [smem:$0x3F89];
	_ =	swait.ge [sflag:s4], $0x0  }
0x19: {  	s7 =	sld [smem:$0x3F8A]  }
0x1a: {  	s8 =	sadd.s32 $0xFFFFE003, lr  }
0x1b: {  	s9 =	sadd.s32 $0xFFFFFEF7, lr;
	s5 =	simm.s32 $0xFFFFFFFF;
	p2 =	slt.u32 s8, $0xFFFFF086  }
0x1c: {  	p1 =	slt.u32 s9, $0xF7A;
	s5 =	simm.s32 @!p2 $0x0  }
0x1d: {  	s5 =	simm.s32 @p1 $0x1;
	p0 =	seq.s32 s7, s2  }
0x1e: {  	s7 =	smul.u32 @!p0 $0xF7A, s2;
	p2 =	seq.s32 @!p0 s5, $0x0  }
0x1f: {  	s9 =	smul.u32 $0xF7A, s1;
	s8 =	simm.s32 @!p0 $0x1BF5;
	p2 =	por !p2, p0  }
0x20: {  	[sflag:s8] =	ssyncset.s32 @!p0 $0xFFFFF086;
	s6 =	sadd.s32 @!p0 s3, s7;
	s7 =	simm.s32 @!p0 $0x108  }
0x21: {  	s3 =	sadd.s32 s3, s9;
	s6 =	sadd.s32 @!p0 $0x88, s6;
	s7 =	simm.s32 @p2 $0x1082  }
0x22: {  	[simem:s7], [sflag:s8] =	dma.local @!p0 [hbm:s6], $0xF7A  }
0x23: {  	s9 =	sor.u32 $0xD0000000, s2;
	s6 =	simm.s32 $0x108;
	_ =	swait.ge @!p0 [sflag:s8], $0x0  }
0x24: {  	s3 =	sadd.s32 $0x88, s3;
	s6 =	simm.s32 @!p1 $0x1082;
	[sflag:s4] =	ssyncset.s32 $0xFFFFF086  }
0x25: {  	[simem:s6], [sflag:s4] =	dma.local [hbm:s3], $0xF7A  }
0x26: {  	[smem:$0x3F8A] =	sst s1;
	(tag) =	ssettag s2;
	_ =	strace s9  }
0x27: {  	s1 =	sld [smem:$0x3F9A]  }
0x28: {  	s2 =	sld [smem:$0x3F9B]  }
0x29: {  	s4 =	sld [smem:$0x3F9D]  }
0x2a: {  	p0 =	seq.s32 s5, $0x0;
	s5 =	sld [smem:$0x3F9E]  }
0x2b: {  	s6 =	sld [smem:$0x3F9F]  }
0x2c: {  	s7 =	sld [smem:$0x3FA0]  }
0x2d: {  	s3 =	simm.s32 $0x108;
	s8 =	sld [smem:$0x3FA1]  }
0x2e: {  	s3 =	simm.s32 @!p0 $0x1082;
	s9 =	sld [smem:$0x3FA2]  }
0x2f: {  	lr =	sadd.s32 s0, s3;
	s0 =	sld [smem:$0x3F99]  }
0x30: {  	s3 =	sld [smem:$0x3F9C]  }
0x31: {  	[smem:$0x3FA5] =	sst s10  }
0x32: {  	s10 =	sld [smem:$0x3FA3];
	_ =	sdelay $0x3  }
0x33: {  	p0 =	seq.s32 s10, $0x1;
	s10 =	sld [smem:$0x3FA5];
	_ =	sdelay $0x3  }
0x34: {  	[smem:$0x3FA5] =	sst s10  }
0x35: {  	s10 =	sld [smem:$0x3FA4];
	_ =	sdelay $0x3  }
0x36: {  	p1 =	seq.s32 s10, $0x1;
	s10 =	sld [smem:$0x3FA5];
	_ =	sdelay $0x3  }
0x37: {  	[smem:$0x3FA5] =	sst s10  }
0x38: {  	s10 =	sld [smem:$0x3FA6]  }
0x39: {  	_ = 	snop;
	(pc) =	sbr.ind lr, $3  }
0x3a: {  	_ = 	snop  }
0x3b: {  	_ = 	snop  }
0x3c: {  	p2 =	seq.s32 s10, $0x1;
	s10 =	sld [smem:$0x3FA5]  }
0x3d: {  	_ =	shalt  }
0x3e: {  	_ =	shalt  }
0x3f: {  	_ =	shalt  }
0x40: {  	_ =	shalt  }
0x41: {  	_ =	shalt  }
0x42: {  	_ =	shalt  }
0x43: {  	_ =	shalt  }
0x44: {  	_ =	shalt  }
0x45: {  	_ =	shalt  }
0x46: {  	_ =	shalt  }
0x47: {  	_ =	shalt  }
0x48: {  	_ =	shalt  }
0x49: {  	_ =	shalt  }
0x4a: {  	_ =	shalt  }
0x4b: {  	_ =	shalt  }
0x4c: {  	_ =	shalt  }
0x4d: {  	_ =	shalt  }
0x4e: {  	_ =	shalt  }
0x4f: {  	_ =	shalt  }
0x50: {  	_ =	shalt  }
0x51: {  	_ =	shalt  }
0x52: {  	_ =	shalt  }
0x53: {  	_ =	shalt  }
0x54: {  	_ =	shalt  }
0x55: {  	_ =	shalt  }
0x56: {  	_ =	shalt  }
0x57: {  	_ =	shalt  }
0x58: {  	_ =	shalt  }
0x59: {  	_ =	shalt  }
0x5a: {  	_ =	shalt  }
0x5b: {  	_ =	shalt  }
0x5c: {  	_ =	shalt  }
0x5d: {  	_ =	shalt  }
0x5e: {  	_ =	shalt  }
0x5f: {  	_ =	shalt  }
0x60: {  	_ =	shalt  }
0x61: {  	_ =	shalt  }
0x62: {  	_ =	shalt  }
0x63: {  	_ =	shalt  }
0x64: {  	_ =	shalt  }
0x65: {  	_ =	shalt  }
0x66: {  	_ =	shalt  }
0x67: {  	_ =	shalt  }
0x68: {  	_ =	shalt  }
0x69: {  	_ =	shalt  }
0x6a: {  	_ =	shalt  }
0x6b: {  	_ =	shalt  }
0x6c: {  	_ =	shalt  }
0x6d: {  	_ =	shalt  }
0x6e: {  	_ =	shalt  }
0x6f: {  	_ =	shalt  }
0x70: {  	_ =	shalt  }
0x71: {  	_ =	shalt  }
0x72: {  	_ =	shalt  }
0x73: {  	_ =	shalt  }
0x74: {  	_ =	shalt  }
0x75: {  	_ =	shalt  }
0x76: {  	_ =	shalt  }
0x77: {  	_ =	shalt  }
0x78: {  	_ =	shalt  }
0x79: {  	_ =	shalt  }
0x7a: {  	_ =	shalt  }
0x7b: {  	_ =	shalt  }
0x7c: {  	_ =	shalt  }
0x7d: {  	_ =	shalt  }
0x7e: {  	_ =	shalt  }
0x7f: {  	_ =	shalt  }
0x80: {  	_ =	shalt  }
0x81: {  	_ =	shalt  }
0x82: {  	_ =	shalt  }
0x83: {  	_ =	shalt  }
0x84: {  	_ =	shalt  }
0x85: {  	_ =	shalt  }
0x86: {  	_ =	shalt  }
0x87: {  	_ =	shalt  }
.Lfunc_end0:
.L_simem_size_0:
called_computation.3_lowered:
.L_overlay_start_0:
0x88: {  	s2 =	sld [smem:$0x3FD9]  }
0x89: {  	s3 =	sld [smem:$0x3FFE];
	_ =	sdelay $0x1  }
0x8a: {  	s1 =	srdreg.scid  }
0x8b: {  	s0 =	sand.u32 $0x1, s1  }
0x8c: {  	s16 =	sshll.u32 s0, $0xA;
	s2 =	sadd.s32 s3, s2  }
0x8d: {  	s2 =	sadd.s32 s2, s16  }
0x8e: {  	[smem:$0x3FB1] =	sst s2  }
0x8f: {  	_ = 	snop  }
0x90: {  	(tm) =	ssettm $0x1  }
0x91: {  	s17 =	sld [smem:$0x3FFB];
	_ =	sdelay $0x3  }
0x92: {  	_ =	strace s17  }
0x93: {  	s2 =	sld [smem:$0x3FFC];
	_ =	sdelay $0x3  }
0x94: {  	_ =	strace s2  }
0x95: {  	s2 =	sld [smem:$0x3FFD];
	_ =	sdelay $0x3  }
0x96: {  	_ =	strace s2  }
0x97: {  	_ =	strace $0x8FFFFFFF  }
0x98: {  	s18 =	sld [smem:$0x3FDB];
	_ =	sdelay $0x1  }
0x99: {  	s19 =	simm.s32 $_scs_section_size  }
0x9a: {  	s4 =	simm.s32 $_size__tile_overlayer_lowered;
	s5 =	simm.s32 $_tile_overlayer_lowered  }
0x9b: {  	s22 =	simm.s32 $0x1BFF;
	s21 =	sshll.u32 s5, $0x1;
	s2 =	sadd.s32 s19, s18  }
0x9c: {  	s6 =	simm.s32 $0x0;
	s20 =	sshll.u32 s4, $0x1;
	s4 =	sadd.s32 s21, s2  }
0x9d: {  	[timem:s6], [sflag:s22] =	dma.local [hbm:s4], s20  }
0x9e: {  	_ =	swait.ge [sflag:s22], s20  }
0x9f: {  	s3 =	ssub.s32 $0x0, s20;
	[sflag:s22] =	ssyncset.done $0x0  }
0xa0: {  	[sflag:s22] =	ssyncadd.s32 s3;
	_ =	sdelay $0x1  }
0xa1: {  	s23 =	simm.s32 $0x1B8B  }
0xa2: {  	_ =	swait.ge [sflag:s23], $0x1  }
0xa3: {  	[sflag:s23] =	ssyncset.done $0x0  }
0xa4: {  	s25 =	simm.s32 $0x1B8E;
	s24 =	sld [smem:$0x3FFE];
	[sflag:s23] =	ssyncadd.s32 $0xFFFFFFFF  }
0xa5: {  	s26 =	simm.s32 $execute0_lowered;
	[smem:$0x3FD2] =	sst s25  }
0xa6: {  	s4 =	sshll.u32 s26, $0x1;
	_ =	strace $0x8000004F;
	[dreg:$0x1] =	wrdreg $0xFFFFFFFF  }
0xa7: {  	s28 =	simm.s32 $_size_execute0_lowered;
	s2 =	sadd.s32 s2, s4;
	[dreg:$0x0] =	wrdreg $0x0  }
0xa8: {  	s4 =	sshll.u32 s28, $0x1;
	[dreg:$0x2] =	wrdreg s2  }
0xa9: {  	[dreg:$0x3] =	wrdreg s4  }
0xaa: {  	[dreg:$0x4] =	wrdreg $0xC0  }
0xab: {  	_ =	task [dreg:s6], $0x5FFFF  }
0xac: {  	[dreg:$0x1] =	wrdreg $0xFFFFFFFF  }
0xad: {  	[dreg:$0x0] =	wrdreg $0x60  }
0xae: {  	[dreg:$0x2] =	wrdreg s24  }
0xaf: {  	[dreg:$0x3] =	wrdreg $0xB8000  }
0xb0: {  	[dreg:$0x4] =	wrdreg $0x9  }
0xb1: {  	_ =	task.clear_ibuf [dreg:s6], $0x5FFFF;
	_ =	strace $0x9000004F  }
0xb2: {  	s29 =	simm.s32 $0x9;
	_ =	strace $0x80000051  }
0xb3: {  	_ =	swait.ge [sflag:s29], $0x1  }
0xb4: {  	[sflag:s29] =	ssyncadd.s32 $0xFFFFFFFF  }
0xb5: {  	_ =	strace $0x90000051  }
0xb6: {  	_ =	sfence  }
0xb7: {  	s30 =	sld [smem:$0x0];
	_ =	sdelay $0x2  }
0xb8: {  	s31 =	sshll.u32 s1, $0xD;
	s1 =	sshrl.u32 s1, $0x2  }
0xb9: {  	s3 =	sand.u32 $0x4000, s31;
	s1 =	sadd.s32 s1, s30  }
0xba: {  	s0 =	sor.u32 s3, s0;
	s1 =	sshll.u32 s1, $0x11  }
0xbb: {  	s0 =	sor.u32 s1, s0  }
0xbc: {  	s0 =	sadd.s32 $0x8F2B, s0  }
0xbd: {  	[sflag:s0] =	ssyncadd.remote.s32 $0x1  }
0xbe: {  	_ =	sfence.sel $0xFFFF  }
0xbf: {  	[dreg:$0x0] =	wrdreg $0xFFFFFFFF;
	(pc) =	sbr.abs _section_cstart, $3  }
0xc0: {  	[dreg:$0x1] =	wrdreg $0xFFFFFFFF  }
0xc1: {  	_ =	task.clear_ibuf [dreg:s6], $0x2FFFF;
	_ =	strace $0x9FFFFFFF  }
0xc2: {  	(tm) =	ssettm $0x7FFFFFFF  }
0xc3: {  	_ =	shalt  }
tec
execute0_lowered:
.L_overlay_start_1:
0x0: {  	(tag) =	ssettag $0x1  }
0x1: {  	s1 =	srdreg.scid;
	s5 =	rddreg [dreg:$0x0]  }
0x2: {  	s0 =	stileid.u32;
	s2 =	rddreg [dreg:$0x1];
	s3 =	simm.s32 $0x0  }
0x3: {  	s20 =	simm.s32 $0x2800;
	s21 =	simm.s32 $0x2;
	s7 =	smul.u32 $0x2800, s0  }
0x4: {  	s22 =	simm.s32 $0x9000;
	s23 =	simm.s32 $0x80;
	s8 =	smul.u32 $0x278, s0  }
0x5: {  	s24 =	simm.s32 $0x5000;
	s6 =	sand.u32 $0x1, s1;
	s30 =	smul.u32 $0x4F000, s0  }
0x6: {  	s25 =	simm.s32 $0x1;
	s26 =	simm.s32 $0x0;
	s4 =	smul.u32 $0x50000, s6  }
0x7: {  	[smem:$0x7FF] =	sst s3;
	s10 =	smul.u32 $0x4E20, s6;
	s6 =	ssub.s32 $0x2, s6  }
0x8: {  	_ =	strace $0x80000050;
	s8 =	smin.u32 s8, $0x2498;
	s11 =	sshrl.u32 s6, $0x1  }
0x9: {  	s4 =	sadd.s32 s7, s4;
	s7 =	sshrl.u32 s7, $0x3;
	s10 =	sadd.s32 s10, s8  }
0xa: {  	s12 =	ssub.s32 s6, s11;
	s31 =	sshll.u32 s8, $0x7;
	s11 =	sshrl.u32 s30, $0x2  }
0xb: {  	s9 =	sshrl.u32 s4, $0x3;
	s4 =	sadd.s32 $0x235C00, s5;
	s7 =	sadd.s32 s7, s5  }
0xc: {  	s10 =	sshll.u32 s10, $0x4;
	s11 =	sadd.s32 s11, s2;
	s12 =	smax.u32 s12, $0x1  }
0xd: {  	s9 =	sadd.s32 s9, s5;
	s10 =	sadd.s32 s10, s5;
	s5 =	sadd.s32 $0x7A00, s7  }
0xe: {  	s7 =	sadd.s32 s31, s2;
	s13 =	sadd.s32 $0x2780, s11;
	s14 =	sadd.s32 $0x4F00, s11  }
0xf: {  	s15 =	sadd.s32 $0x7680, s11;
	s16 =	sadd.s32 $0x9E00, s11;
	s17 =	sadd.s32 $0xC580, s11  }
0x10: {  	s18 =	sadd.s32 $0xED00, s11;
	s19 =	sadd.s32 $0x11480, s11;
	s6 =	sadd.s32 $0xCA00, s9  }
0x11: {  	v0 =	vimm.f32 $0.0e+00;
	s8 =	sadd.s32 $0x20A00, s10;
	s9 =	sadd.s32 $0x11A00, s9;
	s10 =	sadd.s32 $0x47B00, s10  }
.LBB2_1:
0x12: {  	s28 =	sand.u32 $0xFE00, s3  }
0x13: {  	s29 =	sand.u32 $0x70, s3;
	s30 =	sshrl.u32 s28, $0x2  }
0x14: {  	s28 =	simm.s32 $0x40;
	s30 =	sor.u32 s29, s30;
	s29 =	simm.s32 $0x0  }
.LBB2_2:
0x15: {  	p0 =	sne.s32 s28, $0x9DC0  }
0x16: {  	[tilespmem:s30+$0x9000] =	vst v0;
	s29 =	sadd.s32 $0x10, s29;
	s30 =	smov.u32 s28;
	s28 =	sadd.s32 $0x40, s28  }
.Ltmp0:
0x17: {  	(pc) =	sbr.rel @p0 .LBB2_2-.Ltmp0, $4  }
0x18: {  	_ = 	snop  }
0x19: {  	s30 =	sand.u32 $0xFE00, s30  }
0x1a: {  	s31 =	sand.u32 $0x70, s29;
	s30 =	sshrl.u32 s30, $0x2  }
0x1b: {  	s30 =	sor.u32 s31, s30  }
0x1c: {  	[tilespmem:s30+$0x9000] =	vst v0;
	s28 =	simm.s32 $0x0  }
0x1d: {  	[tilespmem:s20], [sflag:$0x2] =	stream.linear.gather [hbm4b:s5+s28], $0x2780, $0x38;
	[tilespmem:$0x1F400] =	vst v63  }
0x1e: {  	_ =	swait.ge [sflag:s21], $0x2780  }
0x1f: {  	[sflag:s21] =	ssyncset.done $0x0  }
0x20: {  	[sflag:s21] =	ssyncadd.s32 $0xFFFFD880  }
0x21: {  	[spmem:s11] =	stream.linear.scatter [tilespmem:s22], [sflag:$0x2], $0x2780, $0x38;
	[tilespmem:$0x1F400] =	vst v63  }
0x22: {  	_ =	swait.ge [sflag:s21], $0x2780  }
0x23: {  	[sflag:s21] =	ssyncset.done $0x0  }
0x24: {  	[sflag:s21] =	ssyncadd.s32 $0xFFFFD880  }
0x25: {  	[spmem:s13] =	stream.linear.scatter [tilespmem:s22], [sflag:$0x2], $0x2780, $0x38;
	[tilespmem:$0x1F400] =	vst v63  }
0x26: {  	_ =	swait.ge [sflag:s21], $0x2780  }
0x27: {  	[sflag:s21] =	ssyncset.done $0x0  }
0x28: {  	[sflag:s21] =	ssyncadd.s32 $0xFFFFD880  }
0x29: {  	[spmem:s14] =	stream.linear.scatter [tilespmem:s22], [sflag:$0x2], $0x2780, $0x38;
	[tilespmem:$0x1F400] =	vst v63  }
0x2a: {  	_ =	swait.ge [sflag:s21], $0x2780  }
0x2b: {  	[sflag:s21] =	ssyncset.done $0x0  }
0x2c: {  	[sflag:s21] =	ssyncadd.s32 $0xFFFFD880  }
0x2d: {  	[spmem:s15] =	stream.linear.scatter [tilespmem:s22], [sflag:$0x2], $0x2780, $0x38;
	[tilespmem:$0x1F400] =	vst v63  }
0x2e: {  	_ =	swait.ge [sflag:s21], $0x2780  }
0x2f: {  	[sflag:s21] =	ssyncset.done $0x0  }
0x30: {  	[sflag:s21] =	ssyncadd.s32 $0xFFFFD880  }
0x31: {  	[spmem:s16] =	stream.linear.scatter [tilespmem:s22], [sflag:$0x2], $0x2780, $0x38;
	[tilespmem:$0x1F400] =	vst v63  }
0x32: {  	_ =	swait.ge [sflag:s21], $0x2780  }
0x33: {  	[sflag:s21] =	ssyncset.done $0x0  }
0x34: {  	[sflag:s21] =	ssyncadd.s32 $0xFFFFD880  }
0x35: {  	[spmem:s17] =	stream.linear.scatter [tilespmem:s22], [sflag:$0x2], $0x2780, $0x38;
	[tilespmem:$0x1F400] =	vst v63  }
0x36: {  	_ =	swait.ge [sflag:s21], $0x2780  }
0x37: {  	[sflag:s21] =	ssyncset.done $0x0  }
0x38: {  	[sflag:s21] =	ssyncadd.s32 $0xFFFFD880  }
0x39: {  	[spmem:s18] =	stream.linear.scatter [tilespmem:s22], [sflag:$0x2], $0x2780, $0x38;
	[tilespmem:$0x1F400] =	vst v63  }
0x3a: {  	_ =	swait.ge [sflag:s21], $0x2780  }
0x3b: {  	[sflag:s21] =	ssyncset.done $0x0  }
0x3c: {  	[sflag:s21] =	ssyncadd.s32 $0xFFFFD880  }
0x3d: {  	[spmem:s19] =	stream.linear.scatter [tilespmem:s22], [sflag:$0x2], $0x2780, $0x38;
	[tilespmem:$0x1F400] =	vst v63  }
0x3e: {  	_ =	swait.ge [sflag:s21], $0x2780  }
0x3f: {  	[sflag:s21] =	ssyncset.done $0x0  }
0x40: {  	[sflag:s21] =	ssyncadd.s32 $0xFFFFD880  }
0x41: {  	[tilespmem:s28], [sflag:$0x2] =	stream.linear.gather [hbm4b:s6+s28], $0x2780, $0x38;
	[tilespmem:$0x1F400] =	vst v63  }
0x42: {  	_ =	swait.ge [sflag:s21], $0x2780  }
0x43: {  	[sflag:s21] =	ssyncset.done $0x0  }
0x44: {  	[sflag:s21] =	ssyncadd.s32 $0xFFFFD880  }
0x45: {  	s28 =	simm.s32 $0x0;
	[bflag:$0x0] =	sbarrier.arrive $0xFFFF  }
0x46: {  	[tilespmem:s24], [sflag:$0x1] =	stream.indirect.gather [hbm4b:s4+s23], $0x80, s28, s23, $0xb8;
	[tilespmem:$0x1F400] =	vst v63  }
0x47: {  	_ =	swait.ge [sflag:s25], $0x4000  }
0x48: {  	[sflag:s25] =	ssyncset.done $0x0  }
0x49: {  	s28 =	simm.s32 $0x2800;
	[sflag:s25] =	ssyncadd.s32 $0xFFFFC000  }
0x4a: {  	[spmem:s2] =	stream.indirect.scatter.add.f32 [tilespmem:s24], [sflag:$0x2], $0x80, s28, s23, $0xb8;
	[tilespmem:$0x1F400] =	vst v63  }
0x4b: {  	_ =	swait.ge [sflag:s21], $0x4000  }
0x4c: {  	s29 =	simm.s32 $0x400;
	s28 =	simm.s32 $0x200;
	[sflag:s21] =	ssyncset.done $0x0  }
.LBB2_4:
0x4d: {  	s30 =	sshra.s32 s28, $0x2  }
0x4e: {  	[sflag:s21] =	ssyncadd.s32 $0xFFFFC000;
	s28 =	smov.u32 s29;
	s31 =	sadd.s32 $0x200, s29  }
0x4f: {  	[tilespmem:s24], [sflag:$0x1] =	stream.indirect.gather [hbm4b:s4+s23], $0x80, s30, s23, $0xb8;
	[tilespmem:$0x1F400] =	vst v63  }
0x50: {  	p0 =	sne.s32 s29, $0x9C00;
	_ =	swait.ge [sflag:s25], $0x4000  }
.Ltmp1:
0x51: {  	[sflag:s25] =	ssyncset.done $0x0;
	(pc) =	sbr.rel @p0 .LBB2_4-.Ltmp1, $4  }
0x52: {  	s29 =	sadd.s32 $0x2800, s30;
	[sflag:s25] =	ssyncadd.s32 $0xFFFFC000  }
0x53: {  	[spmem:s2] =	stream.indirect.scatter.add.f32 [tilespmem:s24], [sflag:$0x2], $0x80, s29, s23, $0xb8;
	[tilespmem:$0x1F400] =	vst v63  }
0x54: {  	_ =	swait.ge [sflag:s21], $0x4000  }
0x55: {  	s29 =	smov.u32 s31;
	[sflag:s21] =	ssyncset.done $0x0  }
0x56: {  	s28 =	sshra.s32 s28, $0x2;
	[sflag:s21] =	ssyncadd.s32 $0xFFFFC000  }
0x57: {  	[tilespmem:s24], [sflag:$0x1] =	stream.indirect.gather [hbm4b:s4+s23], $0x80, s28, s23, $0xb8;
	[tilespmem:$0x1F400] =	vst v63  }
0x58: {  	_ =	swait.ge [sflag:s25], $0x4000  }
0x59: {  	[sflag:s25] =	ssyncset.done $0x0  }
0x5a: {  	s28 =	sadd.s32 $0x2800, s28;
	[sflag:s25] =	ssyncadd.s32 $0xFFFFC000  }
0x5b: {  	[spmem:s2] =	stream.indirect.scatter.add.f32 [tilespmem:s24], [sflag:$0x2], $0x80, s28, s23, $0xb8;
	[tilespmem:$0x1F400] =	vst v63  }
0x5c: {  	_ =	swait.ge [sflag:s21], $0x4000  }
0x5d: {  	s0 =	stileid.u32;
	[sflag:s21] =	ssyncset.done $0x0  }
0x5e: {  	s28 =	sshll.u32 s0, $0x6;
	[sflag:s21] =	ssyncadd.s32 $0xFFFFC000  }
0x5f: {  	s29 =	sshrl.u32 s7, $0x3;
	s28 =	sor.u32 $0x1C02, s28;
	[bflag:$0x0] =	sbarrier.arrive $0xFFFF  }
0x60: {  	[hbm:s8], [sflag:s28] =	dma.local [spmem:s29], $0x2780  }
0x61: {  	_ =	swait.ge [sflag:s21], $0x2780  }
0x62: {  	[sflag:s21] =	ssyncset.done $0x0  }
0x63: {  	[sflag:s21] =	ssyncadd.s32 $0xFFFFD880  }
0x64: {  	[bflag:$0x0] =	sbarrier.arrive $0xFFFF  }
0x65: {  	[spmem:s11] =	stream.linear.scatter [tilespmem:s22], [sflag:$0x2], $0x2780, $0x38;
	[tilespmem:$0x1F400] =	vst v63  }
0x66: {  	_ =	swait.ge [sflag:s21], $0x2780  }
0x67: {  	[sflag:s21] =	ssyncset.done $0x0  }
0x68: {  	[sflag:s21] =	ssyncadd.s32 $0xFFFFD880  }
0x69: {  	[spmem:s13] =	stream.linear.scatter [tilespmem:s22], [sflag:$0x2], $0x2780, $0x38;
	[tilespmem:$0x1F400] =	vst v63  }
0x6a: {  	_ =	swait.ge [sflag:s21], $0x2780  }
0x6b: {  	[sflag:s21] =	ssyncset.done $0x0  }
0x6c: {  	[sflag:s21] =	ssyncadd.s32 $0xFFFFD880  }
0x6d: {  	[spmem:s14] =	stream.linear.scatter [tilespmem:s22], [sflag:$0x2], $0x2780, $0x38;
	[tilespmem:$0x1F400] =	vst v63  }
0x6e: {  	_ =	swait.ge [sflag:s21], $0x2780  }
0x6f: {  	[sflag:s21] =	ssyncset.done $0x0  }
0x70: {  	[sflag:s21] =	ssyncadd.s32 $0xFFFFD880  }
0x71: {  	[spmem:s15] =	stream.linear.scatter [tilespmem:s22], [sflag:$0x2], $0x2780, $0x38;
	[tilespmem:$0x1F400] =	vst v63  }
0x72: {  	_ =	swait.ge [sflag:s21], $0x2780  }
0x73: {  	[sflag:s21] =	ssyncset.done $0x0  }
0x74: {  	[sflag:s21] =	ssyncadd.s32 $0xFFFFD880  }
0x75: {  	[spmem:s16] =	stream.linear.scatter [tilespmem:s22], [sflag:$0x2], $0x2780, $0x38;
	[tilespmem:$0x1F400] =	vst v63  }
0x76: {  	_ =	swait.ge [sflag:s21], $0x2780  }
0x77: {  	[sflag:s21] =	ssyncset.done $0x0  }
0x78: {  	[sflag:s21] =	ssyncadd.s32 $0xFFFFD880  }
0x79: {  	[spmem:s17] =	stream.linear.scatter [tilespmem:s22], [sflag:$0x2], $0x2780, $0x38;
	[tilespmem:$0x1F400] =	vst v63  }
0x7a: {  	_ =	swait.ge [sflag:s21], $0x2780  }
0x7b: {  	[sflag:s21] =	ssyncset.done $0x0  }
0x7c: {  	[sflag:s21] =	ssyncadd.s32 $0xFFFFD880  }
0x7d: {  	[spmem:s18] =	stream.linear.scatter [tilespmem:s22], [sflag:$0x2], $0x2780, $0x38;
	[tilespmem:$0x1F400] =	vst v63  }
0x7e: {  	_ =	swait.ge [sflag:s21], $0x2780  }
0x7f: {  	[sflag:s21] =	ssyncset.done $0x0  }
0x80: {  	[sflag:s21] =	ssyncadd.s32 $0xFFFFD880  }
0x81: {  	[spmem:s19] =	stream.linear.scatter [tilespmem:s22], [sflag:$0x2], $0x2780, $0x38;
	[tilespmem:$0x1F400] =	vst v63  }
0x82: {  	_ =	swait.ge [sflag:s21], $0x2780  }
0x83: {  	[sflag:s21] =	ssyncset.done $0x0  }
0x84: {  	s30 =	simm.s32 $0x0;
	[sflag:s21] =	ssyncadd.s32 $0xFFFFD880  }
0x85: {  	[tilespmem:s30], [sflag:$0x2] =	stream.linear.gather [hbm4b:s9+s30], $0x2780, $0x38;
	[tilespmem:$0x1F400] =	vst v63  }
0x86: {  	_ =	swait.ge [sflag:s21], $0x2780  }
0x87: {  	[sflag:s21] =	ssyncset.done $0x0  }
0x88: {  	[sflag:s21] =	ssyncadd.s32 $0xFFFFD880  }
0x89: {  	s30 =	simm.s32 $0x0;
	[bflag:$0x0] =	sbarrier.arrive $0xFFFF  }
0x8a: {  	[tilespmem:s24], [sflag:$0x1] =	stream.indirect.gather [hbm4b:s4+s23], $0x80, s30, s23, $0xb8;
	[tilespmem:$0x1F400] =	vst v63  }
0x8b: {  	_ =	swait.ge [sflag:s25], $0x4000  }
0x8c: {  	[sflag:s25] =	ssyncset.done $0x0  }
0x8d: {  	s30 =	simm.s32 $0x2800;
	[sflag:s25] =	ssyncadd.s32 $0xFFFFC000  }
0x8e: {  	[spmem:s2] =	stream.indirect.scatter.add.f32 [tilespmem:s24], [sflag:$0x2], $0x80, s30, s23, $0xb8;
	[tilespmem:$0x1F400] =	vst v63  }
0x8f: {  	_ =	swait.ge [sflag:s21], $0x4000  }
0x90: {  	s31 =	simm.s32 $0x400;
	s30 =	simm.s32 $0x200;
	[sflag:s21] =	ssyncset.done $0x0  }
.LBB2_6:
0x91: {  	s1 =	sshra.s32 s30, $0x2  }
0x92: {  	[sflag:s21] =	ssyncadd.s32 $0xFFFFC000;
	s30 =	smov.u32 s31;
	s0 =	sadd.s32 $0x200, s31  }
0x93: {  	[tilespmem:s24], [sflag:$0x1] =	stream.indirect.gather [hbm4b:s4+s23], $0x80, s1, s23, $0xb8;
	[tilespmem:$0x1F400] =	vst v63  }
0x94: {  	p0 =	sne.s32 s31, $0x9C00;
	_ =	swait.ge [sflag:s25], $0x4000  }
.Ltmp2:
0x95: {  	[sflag:s25] =	ssyncset.done $0x0;
	(pc) =	sbr.rel @p0 .LBB2_6-.Ltmp2, $4  }
0x96: {  	s1 =	sadd.s32 $0x2800, s1;
	[sflag:s25] =	ssyncadd.s32 $0xFFFFC000  }
0x97: {  	[spmem:s2] =	stream.indirect.scatter.add.f32 [tilespmem:s24], [sflag:$0x2], $0x80, s1, s23, $0xb8;
	[tilespmem:$0x1F400] =	vst v63  }
0x98: {  	_ =	swait.ge [sflag:s21], $0x4000  }
0x99: {  	s31 =	smov.u32 s0;
	[sflag:s21] =	ssyncset.done $0x0  }
0x9a: {  	s0 =	sshra.s32 s30, $0x2;
	[sflag:s21] =	ssyncadd.s32 $0xFFFFC000  }
0x9b: {  	[tilespmem:s24], [sflag:$0x1] =	stream.indirect.gather [hbm4b:s4+s23], $0x80, s0, s23, $0xb8;
	[tilespmem:$0x1F400] =	vst v63  }
0x9c: {  	_ =	swait.ge [sflag:s25], $0x4000  }
0x9d: {  	[sflag:s25] =	ssyncset.done $0x0  }
0x9e: {  	s0 =	sadd.s32 $0x2800, s0;
	[sflag:s25] =	ssyncadd.s32 $0xFFFFC000  }
0x9f: {  	[spmem:s2] =	stream.indirect.scatter.add.f32 [tilespmem:s24], [sflag:$0x2], $0x80, s0, s23, $0xb8;
	[tilespmem:$0x1F400] =	vst v63  }
0xa0: {  	_ =	swait.ge [sflag:s21], $0x4000  }
0xa1: {  	[sflag:s21] =	ssyncset.done $0x0  }
0xa2: {  	s26 =	sadd.s32 $0x1, s26;
	[sflag:s21] =	ssyncadd.s32 $0xFFFFC000  }
0xa3: {  	p0 =	sne.s32 s26, s12;
	[bflag:$0x0] =	sbarrier.arrive $0xFFFF  }
0xa4: {  	[hbm:s10], [sflag:s28] =	dma.local [spmem:s29], $0x2780  }
.Ltmp3:
0xa5: {  	_ =	swait.ge [sflag:s21], $0x2780;
	(pc) =	sbr.rel @p0 .LBB2_1-.Ltmp3, $3  }
0xa6: {  	[sflag:s21] =	ssyncset.done $0x0  }
0xa7: {  	[sflag:s21] =	ssyncadd.s32 $0xFFFFD880  }
0xa8: {  	[bflag:$0x0] =	sbarrier.arrive $0xFFFF;
	_ =	sdelay $0x1  }
0xa9: {  	_ =	sfence.sel $0x180000  }
0xaa: {  	[bflag:$0x0] =	sbarrier.arrive $0xFFFF  }
0xab: {  	_ =	strace $0x90000050  }
0xac: {  	s0 =	stileid.u32;
	[bflag:$0x2] =	sbarrier.arrive $0xFFFF  }
0xad: {  	p0 =	sne.s32 s0, $0x0;
	s0 =	rddreg [dreg:$0x2]  }
0xae: {  	s0 =	sadd.s32 @!p0 $0x100000, s0  }
0xaf: {  	[sflag:s0] =	ssyncadd.tile.s32 @!p0 $0x1;
	_ =	shalt  }
.Lfunc_end2:
_tile_overlayer_lowered:
.L_overlay_start_2:
0xb0: {  	(tag) =	ssettag $0x2  }
0xb1: {  	s0 =	rddreg [dreg:$0x0];
	s2 =	stileid.u32  }
0xb2: {  	s1 =	rddreg [dreg:$0x1];
	p0 =	sne.s32 s2, $0x0  }
0xb3: {  	s3 =	rddreg [dreg:$0x2];
	[bflag:$0x3] =	sbarrier.arrive $0xFFFF;
	s2 =	simm.s32 @!p0 $0x1C02  }
0xb4: {  	[timem:s3], [sflag:s2] =	dma.local @!p0 [hbm:s0], s1  }
0xb5: {  	s0 =	simm.s32 @!p0 $0x2  }
0xb6: {  	_ =	swait.ge @!p0 [sflag:s0], s1  }
0xb7: {  	s1 =	ssub.s32 @!p0 $0x0, s1;
	[sflag:s0] =	ssyncset.done @!p0 $0x0  }
0xb8: {  	[sflag:s0] =	ssyncadd.s32 @!p0 s1  }
0xb9: {  	[bflag:$0x3] =	sbarrier.arrive $0xFFFF  }
0xba: {  	_ =	shalt  }

// kernel: kernel.30.cloned.1.call-start
scs
__scs_entry_jumppad:
0x0: {  	(pc) =	sbr.rel $0x88, $3  }
0x1: {  	(tag) =	ssettag $0x0;
	lr =	simm.s32 $0x1  }
0x2: {  	[smem:$0x3F8A] =	sst lr;
	_ =	strace $0xD0000000  }
0x3: {  	_ = 	snop  }
0x4: {  	_ = 	snop  }
0x5: {  	_ = 	snop  }
0x6: {  	_ = 	snop  }
0x7: {  	_ = 	snop  }
__scs_overlays_trampoline_lowered:
0x8: {  	[smem:$0x3F99] =	sst s0  }
0x9: {  	[smem:$0x3F9A] =	sst s1  }
0xa: {  	[smem:$0x3F9B] =	sst s2  }
0xb: {  	[smem:$0x3F9C] =	sst s3  }
0xc: {  	[smem:$0x3F9D] =	sst s4  }
0xd: {  	[smem:$0x3F9E] =	sst s5  }
0xe: {  	[smem:$0x3F9F] =	sst s6  }
0xf: {  	[smem:$0x3FA0] =	sst s7  }
0x10: {  	[smem:$0x3FA1] =	sst s8  }
0x11: {  	[smem:$0x3FA2] =	sst s9;
	s0 =	simm.s32 @!p0 $0x0  }
0x12: {  	s1 =	sld [smem:$0x3F88];
	s0 =	simm.s32 @p0 $0x1  }
0x13: {  	[smem:$0x3FA3] =	sst s0;
	s0 =	simm.s32 @!p1 $0x0  }
0x14: {  	s2 =	sld [smem:$0x3F87];
	s0 =	simm.s32 @p1 $0x1  }
0x15: {  	[smem:$0x3FA4] =	sst s0;
	s0 =	simm.s32 @!p2 $0x0  }
0x16: {  	s3 =	sld [smem:$0x3FDB];
	s0 =	simm.s32 @p2 $0x1  }
0x17: {  	s4 =	simm.s32 $0x1BF5;
	[smem:$0x3FA6] =	sst s0  }
0x18: {  	s0 =	sld [smem:$0x3F89];
	_ =	swait.ge [sflag:s4], $0x0  }
0x19: {  	s7 =	sld [smem:$0x3F8A]  }
0x1a: {  	s8 =	sadd.s32 $0xFFFFE003, lr  }
0x1b: {  	s9 =	sadd.s32 $0xFFFFFEF7, lr;
	s5 =	simm.s32 $0xFFFFFFFF;
	p2 =	slt.u32 s8, $0xFFFFF086  }
0x1c: {  	p1 =	slt.u32 s9, $0xF7A;
	s5 =	simm.s32 @!p2 $0x0  }
0x1d: {  	s5 =	simm.s32 @p1 $0x1;
	p0 =	seq.s32 s7, s2  }
0x1e: {  	s7 =	smul.u32 @!p0 $0xF7A, s2;
	p2 =	seq.s32 @!p0 s5, $0x0  }
0x1f: {  	s9 =	smul.u32 $0xF7A, s1;
	s8 =	simm.s32 @!p0 $0x1BF5;
	p2 =	por !p2, p0  }
0x20: {  	[sflag:s8] =	ssyncset.s32 @!p0 $0xFFFFF086;
	s6 =	sadd.s32 @!p0 s3, s7;
	s7 =	simm.s32 @!p0 $0x108  }
0x21: {  	s3 =	sadd.s32 s3, s9;
	s6 =	sadd.s32 @!p0 $0x88, s6;
	s7 =	simm.s32 @p2 $0x1082  }
0x22: {  	[simem:s7], [sflag:s8] =	dma.local @!p0 [hbm:s6], $0xF7A  }
0x23: {  	s9 =	sor.u32 $0xD0000000, s2;
	s6 =	simm.s32 $0x108;
	_ =	swait.ge @!p0 [sflag:s8], $0x0  }
0x24: {  	s3 =	sadd.s32 $0x88, s3;
	s6 =	simm.s32 @!p1 $0x1082;
	[sflag:s4] =	ssyncset.s32 $0xFFFFF086  }
0x25: {  	[simem:s6], [sflag:s4] =	dma.local [hbm:s3], $0xF7A  }
0x26: {  	[smem:$0x3F8A] =	sst s1;
	(tag) =	ssettag s2;
	_ =	strace s9  }
0x27: {  	s1 =	sld [smem:$0x3F9A]  }
0x28: {  	s2 =	sld [smem:$0x3F9B]  }
0x29: {  	s4 =	sld [smem:$0x3F9D]  }
0x2a: {  	p0 =	seq.s32 s5, $0x0;
	s5 =	sld [smem:$0x3F9E]  }
0x2b: {  	s6 =	sld [smem:$0x3F9F]  }
0x2c: {  	s7 =	sld [smem:$0x3FA0]  }
0x2d: {  	s3 =	simm.s32 $0x108;
	s8 =	sld [smem:$0x3FA1]  }
0x2e: {  	s3 =	simm.s32 @!p0 $0x1082;
	s9 =	sld [smem:$0x3FA2]  }
0x2f: {  	lr =	sadd.s32 s0, s3;
	s0 =	sld [smem:$0x3F99]  }
0x30: {  	s3 =	sld [smem:$0x3F9C]  }
0x31: {  	[smem:$0x3FA5] =	sst s10  }
0x32: {  	s10 =	sld [smem:$0x3FA3];
	_ =	sdelay $0x3  }
0x33: {  	p0 =	seq.s32 s10, $0x1;
	s10 =	sld [smem:$0x3FA5];
	_ =	sdelay $0x3  }
0x34: {  	[smem:$0x3FA5] =	sst s10  }
0x35: {  	s10 =	sld [smem:$0x3FA4];
	_ =	sdelay $0x3  }
0x36: {  	p1 =	seq.s32 s10, $0x1;
	s10 =	sld [smem:$0x3FA5];
	_ =	sdelay $0x3  }
0x37: {  	[smem:$0x3FA5] =	sst s10  }
0x38: {  	s10 =	sld [smem:$0x3FA6]  }
0x39: {  	_ = 	snop;
	(pc) =	sbr.ind lr, $3  }
0x3a: {  	_ = 	snop  }
0x3b: {  	_ = 	snop  }
0x3c: {  	p2 =	seq.s32 s10, $0x1;
	s10 =	sld [smem:$0x3FA5]  }
0x3d: {  	_ =	shalt  }
0x3e: {  	_ =	shalt  }
0x3f: {  	_ =	shalt  }
0x40: {  	_ =	shalt  }
0x41: {  	_ =	shalt  }
0x42: {  	_ =	shalt  }
0x43: {  	_ =	shalt  }
0x44: {  	_ =	shalt  }
0x45: {  	_ =	shalt  }
0x46: {  	_ =	shalt  }
0x47: {  	_ =	shalt  }
0x48: {  	_ =	shalt  }
0x49: {  	_ =	shalt  }
0x4a: {  	_ =	shalt  }
0x4b: {  	_ =	shalt  }
0x4c: {  	_ =	shalt  }
0x4d: {  	_ =	shalt  }
0x4e: {  	_ =	shalt  }
0x4f: {  	_ =	shalt  }
0x50: {  	_ =	shalt  }
0x51: {  	_ =	shalt  }
0x52: {  	_ =	shalt  }
0x53: {  	_ =	shalt  }
0x54: {  	_ =	shalt  }
0x55: {  	_ =	shalt  }
0x56: {  	_ =	shalt  }
0x57: {  	_ =	shalt  }
0x58: {  	_ =	shalt  }
0x59: {  	_ =	shalt  }
0x5a: {  	_ =	shalt  }
0x5b: {  	_ =	shalt  }
0x5c: {  	_ =	shalt  }
0x5d: {  	_ =	shalt  }
0x5e: {  	_ =	shalt  }
0x5f: {  	_ =	shalt  }
0x60: {  	_ =	shalt  }
0x61: {  	_ =	shalt  }
0x62: {  	_ =	shalt  }
0x63: {  	_ =	shalt  }
0x64: {  	_ =	shalt  }
0x65: {  	_ =	shalt  }
0x66: {  	_ =	shalt  }
0x67: {  	_ =	shalt  }
0x68: {  	_ =	shalt  }
0x69: {  	_ =	shalt  }
0x6a: {  	_ =	shalt  }
0x6b: {  	_ =	shalt  }
0x6c: {  	_ =	shalt  }
0x6d: {  	_ =	shalt  }
0x6e: {  	_ =	shalt  }
0x6f: {  	_ =	shalt  }
0x70: {  	_ =	shalt  }
0x71: {  	_ =	shalt  }
0x72: {  	_ =	shalt  }
0x73: {  	_ =	shalt  }
0x74: {  	_ =	shalt  }
0x75: {  	_ =	shalt  }
0x76: {  	_ =	shalt  }
0x77: {  	_ =	shalt  }
0x78: {  	_ =	shalt  }
0x79: {  	_ =	shalt  }
0x7a: {  	_ =	shalt  }
0x7b: {  	_ =	shalt  }
0x7c: {  	_ =	shalt  }
0x7d: {  	_ =	shalt  }
0x7e: {  	_ =	shalt  }
0x7f: {  	_ =	shalt  }
0x80: {  	_ =	shalt  }
0x81: {  	_ =	shalt  }
0x82: {  	_ =	shalt  }
0x83: {  	_ =	shalt  }
0x84: {  	_ =	shalt  }
0x85: {  	_ =	shalt  }
0x86: {  	_ =	shalt  }
0x87: {  	_ =	shalt  }
.Lfunc_end0:
.L_simem_size_0:
called_computation.4_lowered:
.L_overlay_start_0:
0x88: {  	s2 =	sld [smem:$0x3FD9]  }
0x89: {  	s3 =	sld [smem:$0x3FFE];
	_ =	sdelay $0x1  }
0x8a: {  	s1 =	srdreg.scid  }
0x8b: {  	s0 =	sand.u32 $0x1, s1  }
0x8c: {  	s16 =	sshll.u32 s0, $0xA;
	s2 =	sadd.s32 s3, s2  }
0x8d: {  	s2 =	sadd.s32 s2, s16  }
0x8e: {  	[smem:$0x3FB1] =	sst s2  }
0x8f: {  	_ = 	snop  }
0x90: {  	(tm) =	ssettm $0x1  }
0x91: {  	s17 =	sld [smem:$0x3FFB];
	_ =	sdelay $0x3  }
0x92: {  	_ =	strace s17  }
0x93: {  	s2 =	sld [smem:$0x3FFC];
	_ =	sdelay $0x3  }
0x94: {  	_ =	strace s2  }
0x95: {  	s2 =	sld [smem:$0x3FFD];
	_ =	sdelay $0x3  }
0x96: {  	_ =	strace s2  }
0x97: {  	_ =	strace $0x8FFFFFFF  }
0x98: {  	s18 =	sld [smem:$0x3FDB];
	_ =	sdelay $0x1  }
0x99: {  	s19 =	simm.s32 $_scs_section_size  }
0x9a: {  	s4 =	simm.s32 $_size__tile_overlayer_lowered;
	s5 =	simm.s32 $_tile_overlayer_lowered  }
0x9b: {  	s22 =	simm.s32 $0x1BFF;
	s21 =	sshll.u32 s5, $0x1;
	s2 =	sadd.s32 s19, s18  }
0x9c: {  	s6 =	simm.s32 $0x0;
	s20 =	sshll.u32 s4, $0x1;
	s4 =	sadd.s32 s21, s2  }
0x9d: {  	[timem:s6], [sflag:s22] =	dma.local [hbm:s4], s20  }
0x9e: {  	_ =	swait.ge [sflag:s22], s20  }
0x9f: {  	s3 =	ssub.s32 $0x0, s20;
	[sflag:s22] =	ssyncset.done $0x0  }
0xa0: {  	[sflag:s22] =	ssyncadd.s32 s3;
	_ =	sdelay $0x1  }
0xa1: {  	s23 =	simm.s32 $0x1B8B  }
0xa2: {  	_ =	swait.ge [sflag:s23], $0x1  }
0xa3: {  	[sflag:s23] =	ssyncset.done $0x0  }
0xa4: {  	s25 =	simm.s32 $0x1B8E;
	s24 =	sld [smem:$0x3FFE];
	[sflag:s23] =	ssyncadd.s32 $0xFFFFFFFF  }
0xa5: {  	s26 =	simm.s32 $execute0_lowered;
	[smem:$0x3FD2] =	sst s25  }
0xa6: {  	s4 =	sshll.u32 s26, $0x1;
	_ =	strace $0x80000052;
	[dreg:$0x1] =	wrdreg $0xFFFFFFFF  }
0xa7: {  	s28 =	simm.s32 $_size_execute0_lowered;
	s2 =	sadd.s32 s2, s4;
	[dreg:$0x0] =	wrdreg $0x0  }
0xa8: {  	s4 =	sshll.u32 s28, $0x1;
	[dreg:$0x2] =	wrdreg s2  }
0xa9: {  	[dreg:$0x3] =	wrdreg s4  }
0xaa: {  	[dreg:$0x4] =	wrdreg $0xC0  }
0xab: {  	_ =	task [dreg:s6], $0x5FFFF  }
0xac: {  	[dreg:$0x1] =	wrdreg $0xFFFFFFFF  }
0xad: {  	[dreg:$0x0] =	wrdreg $0x60  }
0xae: {  	[dreg:$0x2] =	wrdreg s24  }
0xaf: {  	[dreg:$0x3] =	wrdreg $0xB8000  }
0xb0: {  	[dreg:$0x4] =	wrdreg $0x9  }
0xb1: {  	_ =	task.clear_ibuf [dreg:s6], $0x5FFFF;
	_ =	strace $0x90000052  }
0xb2: {  	s29 =	simm.s32 $0x9;
	_ =	strace $0x80000054  }
0xb3: {  	_ =	swait.ge [sflag:s29], $0x1  }
0xb4: {  	[sflag:s29] =	ssyncadd.s32 $0xFFFFFFFF  }
0xb5: {  	_ =	strace $0x90000054  }
0xb6: {  	_ =	sfence  }
0xb7: {  	s30 =	sld [smem:$0x0];
	_ =	sdelay $0x2  }
0xb8: {  	s31 =	sshll.u32 s1, $0xD;
	s1 =	sshrl.u32 s1, $0x2  }
0xb9: {  	s3 =	sand.u32 $0x4000, s31;
	s1 =	sadd.s32 s1, s30  }
0xba: {  	s0 =	sor.u32 s3, s0;
	s1 =	sshll.u32 s1, $0x11  }
0xbb: {  	s0 =	sor.u32 s1, s0  }
0xbc: {  	s0 =	sadd.s32 $0x8F2B, s0  }
0xbd: {  	[sflag:s0] =	ssyncadd.remote.s32 $0x1  }
0xbe: {  	_ =	sfence.sel $0xFFFF  }
0xbf: {  	[dreg:$0x0] =	wrdreg $0xFFFFFFFF;
	(pc) =	sbr.abs _section_cstart, $3  }
0xc0: {  	[dreg:$0x1] =	wrdreg $0xFFFFFFFF  }
0xc1: {  	_ =	task.clear_ibuf [dreg:s6], $0x2FFFF;
	_ =	strace $0x9FFFFFFF  }
0xc2: {  	(tm) =	ssettm $0x7FFFFFFF  }
0xc3: {  	_ =	shalt  }
tec
execute0_lowered:
.L_overlay_start_1:
0x0: {  	(tag) =	ssettag $0x1  }
0x1: {  	s1 =	srdreg.scid;
	s5 =	rddreg [dreg:$0x0]  }
0x2: {  	s0 =	stileid.u32;
	s2 =	rddreg [dreg:$0x1];
	s3 =	simm.s32 $0x0  }
0x3: {  	s20 =	simm.s32 $0x2800;
	s21 =	simm.s32 $0x2;
	s7 =	smul.u32 $0x2800, s0  }
0x4: {  	s22 =	simm.s32 $0x9000;
	s23 =	simm.s32 $0x80;
	s8 =	smul.u32 $0x278, s0  }
0x5: {  	s24 =	simm.s32 $0x5000;
	s6 =	sand.u32 $0x1, s1;
	s30 =	smul.u32 $0x4F000, s0  }
0x6: {  	s25 =	simm.s32 $0x1;
	s26 =	simm.s32 $0x0;
	s4 =	smul.u32 $0x50000, s6  }
0x7: {  	[smem:$0x7FF] =	sst s3;
	s10 =	smul.u32 $0x4E20, s6;
	s6 =	ssub.s32 $0x2, s6  }
0x8: {  	_ =	strace $0x80000053;
	s8 =	smin.u32 s8, $0x2498;
	s11 =	sshrl.u32 s6, $0x1  }
0x9: {  	s4 =	sadd.s32 s7, s4;
	s7 =	sshrl.u32 s7, $0x3;
	s10 =	sadd.s32 s10, s8  }
0xa: {  	s12 =	ssub.s32 s6, s11;
	s31 =	sshll.u32 s8, $0x7;
	s11 =	sshrl.u32 s30, $0x2  }
0xb: {  	s9 =	sshrl.u32 s4, $0x3;
	s4 =	sadd.s32 $0x235C00, s5;
	s7 =	sadd.s32 s7, s5  }
0xc: {  	s10 =	sshll.u32 s10, $0x4;
	s11 =	sadd.s32 s11, s2;
	s12 =	smax.u32 s12, $0x1  }
0xd: {  	s9 =	sadd.s32 s9, s5;
	s10 =	sadd.s32 s10, s5;
	s5 =	sadd.s32 $0x7A00, s7  }
0xe: {  	s7 =	sadd.s32 s31, s2;
	s13 =	sadd.s32 $0x2780, s11;
	s14 =	sadd.s32 $0x4F00, s11  }
0xf: {  	s15 =	sadd.s32 $0x7680, s11;
	s16 =	sadd.s32 $0x9E00, s11;
	s17 =	sadd.s32 $0xC580, s11  }
0x10: {  	s18 =	sadd.s32 $0xED00, s11;
	s19 =	sadd.s32 $0x11480, s11;
	s6 =	sadd.s32 $0xCA00, s9  }
0x11: {  	v0 =	vimm.f32 $0.0e+00;
	s8 =	sadd.s32 $0x181000, s10;
	s9 =	sadd.s32 $0x11A00, s9;
	s10 =	sadd.s32 $0x1A8100, s10  }
.LBB2_1:
0x12: {  	s28 =	sand.u32 $0xFE00, s3  }
0x13: {  	s29 =	sand.u32 $0x70, s3;
	s30 =	sshrl.u32 s28, $0x2  }
0x14: {  	s28 =	simm.s32 $0x40;
	s30 =	sor.u32 s29, s30;
	s29 =	simm.s32 $0x0  }
.LBB2_2:
0x15: {  	p0 =	sne.s32 s28, $0x9DC0  }
0x16: {  	[tilespmem:s30+$0x9000] =	vst v0;
	s29 =	sadd.s32 $0x10, s29;
	s30 =	smov.u32 s28;
	s28 =	sadd.s32 $0x40, s28  }
.Ltmp0:
0x17: {  	(pc) =	sbr.rel @p0 .LBB2_2-.Ltmp0, $4  }
0x18: {  	_ = 	snop  }
0x19: {  	s30 =	sand.u32 $0xFE00, s30  }
0x1a: {  	s31 =	sand.u32 $0x70, s29;
	s30 =	sshrl.u32 s30, $0x2  }
0x1b: {  	s30 =	sor.u32 s31, s30  }
0x1c: {  	[tilespmem:s30+$0x9000] =	vst v0;
	s28 =	simm.s32 $0x0  }
0x1d: {  	[tilespmem:s20], [sflag:$0x2] =	stream.linear.gather [hbm4b:s5+s28], $0x2780, $0x38;
	[tilespmem:$0x1F400] =	vst v63  }
0x1e: {  	_ =	swait.ge [sflag:s21], $0x2780  }
0x1f: {  	[sflag:s21] =	ssyncset.done $0x0  }
0x20: {  	[sflag:s21] =	ssyncadd.s32 $0xFFFFD880  }
0x21: {  	[spmem:s11] =	stream.linear.scatter [tilespmem:s22], [sflag:$0x2], $0x2780, $0x38;
	[tilespmem:$0x1F400] =	vst v63  }
0x22: {  	_ =	swait.ge [sflag:s21], $0x2780  }
0x23: {  	[sflag:s21] =	ssyncset.done $0x0  }
0x24: {  	[sflag:s21] =	ssyncadd.s32 $0xFFFFD880  }
0x25: {  	[spmem:s13] =	stream.linear.scatter [tilespmem:s22], [sflag:$0x2], $0x2780, $0x38;
	[tilespmem:$0x1F400] =	vst v63  }
0x26: {  	_ =	swait.ge [sflag:s21], $0x2780  }
0x27: {  	[sflag:s21] =	ssyncset.done $0x0  }
0x28: {  	[sflag:s21] =	ssyncadd.s32 $0xFFFFD880  }
0x29: {  	[spmem:s14] =	stream.linear.scatter [tilespmem:s22], [sflag:$0x2], $0x2780, $0x38;
	[tilespmem:$0x1F400] =	vst v63  }
0x2a: {  	_ =	swait.ge [sflag:s21], $0x2780  }
0x2b: {  	[sflag:s21] =	ssyncset.done $0x0  }
0x2c: {  	[sflag:s21] =	ssyncadd.s32 $0xFFFFD880  }
0x2d: {  	[spmem:s15] =	stream.linear.scatter [tilespmem:s22], [sflag:$0x2], $0x2780, $0x38;
	[tilespmem:$0x1F400] =	vst v63  }
0x2e: {  	_ =	swait.ge [sflag:s21], $0x2780  }
0x2f: {  	[sflag:s21] =	ssyncset.done $0x0  }
0x30: {  	[sflag:s21] =	ssyncadd.s32 $0xFFFFD880  }
0x31: {  	[spmem:s16] =	stream.linear.scatter [tilespmem:s22], [sflag:$0x2], $0x2780, $0x38;
	[tilespmem:$0x1F400] =	vst v63  }
0x32: {  	_ =	swait.ge [sflag:s21], $0x2780  }
0x33: {  	[sflag:s21] =	ssyncset.done $0x0  }
0x34: {  	[sflag:s21] =	ssyncadd.s32 $0xFFFFD880  }
0x35: {  	[spmem:s17] =	stream.linear.scatter [tilespmem:s22], [sflag:$0x2], $0x2780, $0x38;
	[tilespmem:$0x1F400] =	vst v63  }
0x36: {  	_ =	swait.ge [sflag:s21], $0x2780  }
0x37: {  	[sflag:s21] =	ssyncset.done $0x0  }
0x38: {  	[sflag:s21] =	ssyncadd.s32 $0xFFFFD880  }
0x39: {  	[spmem:s18] =	stream.linear.scatter [tilespmem:s22], [sflag:$0x2], $0x2780, $0x38;
	[tilespmem:$0x1F400] =	vst v63  }
0x3a: {  	_ =	swait.ge [sflag:s21], $0x2780  }
0x3b: {  	[sflag:s21] =	ssyncset.done $0x0  }
0x3c: {  	[sflag:s21] =	ssyncadd.s32 $0xFFFFD880  }
0x3d: {  	[spmem:s19] =	stream.linear.scatter [tilespmem:s22], [sflag:$0x2], $0x2780, $0x38;
	[tilespmem:$0x1F400] =	vst v63  }
0x3e: {  	_ =	swait.ge [sflag:s21], $0x2780  }
0x3f: {  	[sflag:s21] =	ssyncset.done $0x0  }
0x40: {  	[sflag:s21] =	ssyncadd.s32 $0xFFFFD880  }
0x41: {  	[tilespmem:s28], [sflag:$0x2] =	stream.linear.gather [hbm4b:s6+s28], $0x2780, $0x38;
	[tilespmem:$0x1F400] =	vst v63  }
0x42: {  	_ =	swait.ge [sflag:s21], $0x2780  }
0x43: {  	[sflag:s21] =	ssyncset.done $0x0  }
0x44: {  	[sflag:s21] =	ssyncadd.s32 $0xFFFFD880  }
0x45: {  	s28 =	simm.s32 $0x0;
	[bflag:$0x0] =	sbarrier.arrive $0xFFFF  }
0x46: {  	[tilespmem:s24], [sflag:$0x1] =	stream.indirect.gather [hbm4b:s4+s23], $0x80, s28, s23, $0xb8;
	[tilespmem:$0x1F400] =	vst v63  }
0x47: {  	_ =	swait.ge [sflag:s25], $0x4000  }
0x48: {  	[sflag:s25] =	ssyncset.done $0x0  }
0x49: {  	s28 =	simm.s32 $0x2800;
	[sflag:s25] =	ssyncadd.s32 $0xFFFFC000  }
0x4a: {  	[spmem:s2] =	stream.indirect.scatter.add.f32 [tilespmem:s24], [sflag:$0x2], $0x80, s28, s23, $0xb8;
	[tilespmem:$0x1F400] =	vst v63  }
0x4b: {  	_ =	swait.ge [sflag:s21], $0x4000  }
0x4c: {  	s29 =	simm.s32 $0x400;
	s28 =	simm.s32 $0x200;
	[sflag:s21] =	ssyncset.done $0x0  }
.LBB2_4:
0x4d: {  	s30 =	sshra.s32 s28, $0x2  }
0x4e: {  	[sflag:s21] =	ssyncadd.s32 $0xFFFFC000;
	s28 =	smov.u32 s29;
	s31 =	sadd.s32 $0x200, s29  }
0x4f: {  	[tilespmem:s24], [sflag:$0x1] =	stream.indirect.gather [hbm4b:s4+s23], $0x80, s30, s23, $0xb8;
	[tilespmem:$0x1F400] =	vst v63  }
0x50: {  	p0 =	sne.s32 s29, $0x9C00;
	_ =	swait.ge [sflag:s25], $0x4000  }
.Ltmp1:
0x51: {  	[sflag:s25] =	ssyncset.done $0x0;
	(pc) =	sbr.rel @p0 .LBB2_4-.Ltmp1, $4  }
0x52: {  	s29 =	sadd.s32 $0x2800, s30;
	[sflag:s25] =	ssyncadd.s32 $0xFFFFC000  }
0x53: {  	[spmem:s2] =	stream.indirect.scatter.add.f32 [tilespmem:s24], [sflag:$0x2], $0x80, s29, s23, $0xb8;
	[tilespmem:$0x1F400] =	vst v63  }
0x54: {  	_ =	swait.ge [sflag:s21], $0x4000  }
0x55: {  	s29 =	smov.u32 s31;
	[sflag:s21] =	ssyncset.done $0x0  }
0x56: {  	s28 =	sshra.s32 s28, $0x2;
	[sflag:s21] =	ssyncadd.s32 $0xFFFFC000  }
0x57: {  	[tilespmem:s24], [sflag:$0x1] =	stream.indirect.gather [hbm4b:s4+s23], $0x80, s28, s23, $0xb8;
	[tilespmem:$0x1F400] =	vst v63  }
0x58: {  	_ =	swait.ge [sflag:s25], $0x4000  }
0x59: {  	[sflag:s25] =	ssyncset.done $0x0  }
0x5a: {  	s28 =	sadd.s32 $0x2800, s28;
	[sflag:s25] =	ssyncadd.s32 $0xFFFFC000  }
0x5b: {  	[spmem:s2] =	stream.indirect.scatter.add.f32 [tilespmem:s24], [sflag:$0x2], $0x80, s28, s23, $0xb8;
	[tilespmem:$0x1F400] =	vst v63  }
0x5c: {  	_ =	swait.ge [sflag:s21], $0x4000  }
0x5d: {  	s0 =	stileid.u32;
	[sflag:s21] =	ssyncset.done $0x0  }
0x5e: {  	s28 =	sshll.u32 s0, $0x6;
	[sflag:s21] =	ssyncadd.s32 $0xFFFFC000  }
0x5f: {  	s29 =	sshrl.u32 s7, $0x3;
	s28 =	sor.u32 $0x1C02, s28;
	[bflag:$0x0] =	sbarrier.arrive $0xFFFF  }
0x60: {  	[hbm:s8], [sflag:s28] =	dma.local [spmem:s29], $0x2780  }
0x61: {  	_ =	swait.ge [sflag:s21], $0x2780  }
0x62: {  	[sflag:s21] =	ssyncset.done $0x0  }
0x63: {  	[sflag:s21] =	ssyncadd.s32 $0xFFFFD880  }
0x64: {  	[bflag:$0x0] =	sbarrier.arrive $0xFFFF  }
0x65: {  	[spmem:s11] =	stream.linear.scatter [tilespmem:s22], [sflag:$0x2], $0x2780, $0x38;
	[tilespmem:$0x1F400] =	vst v63  }
0x66: {  	_ =	swait.ge [sflag:s21], $0x2780  }
0x67: {  	[sflag:s21] =	ssyncset.done $0x0  }
0x68: {  	[sflag:s21] =	ssyncadd.s32 $0xFFFFD880  }
0x69: {  	[spmem:s13] =	stream.linear.scatter [tilespmem:s22], [sflag:$0x2], $0x2780, $0x38;
	[tilespmem:$0x1F400] =	vst v63  }
0x6a: {  	_ =	swait.ge [sflag:s21], $0x2780  }
0x6b: {  	[sflag:s21] =	ssyncset.done $0x0  }
0x6c: {  	[sflag:s21] =	ssyncadd.s32 $0xFFFFD880  }
0x6d: {  	[spmem:s14] =	stream.linear.scatter [tilespmem:s22], [sflag:$0x2], $0x2780, $0x38;
	[tilespmem:$0x1F400] =	vst v63  }
0x6e: {  	_ =	swait.ge [sflag:s21], $0x2780  }
0x6f: {  	[sflag:s21] =	ssyncset.done $0x0  }
0x70: {  	[sflag:s21] =	ssyncadd.s32 $0xFFFFD880  }
0x71: {  	[spmem:s15] =	stream.linear.scatter [tilespmem:s22], [sflag:$0x2], $0x2780, $0x38;
	[tilespmem:$0x1F400] =	vst v63  }
0x72: {  	_ =	swait.ge [sflag:s21], $0x2780  }
0x73: {  	[sflag:s21] =	ssyncset.done $0x0  }
0x74: {  	[sflag:s21] =	ssyncadd.s32 $0xFFFFD880  }
0x75: {  	[spmem:s16] =	stream.linear.scatter [tilespmem:s22], [sflag:$0x2], $0x2780, $0x38;
	[tilespmem:$0x1F400] =	vst v63  }
0x76: {  	_ =	swait.ge [sflag:s21], $0x2780  }
0x77: {  	[sflag:s21] =	ssyncset.done $0x0  }
0x78: {  	[sflag:s21] =	ssyncadd.s32 $0xFFFFD880  }
0x79: {  	[spmem:s17] =	stream.linear.scatter [tilespmem:s22], [sflag:$0x2], $0x2780, $0x38;
	[tilespmem:$0x1F400] =	vst v63  }
0x7a: {  	_ =	swait.ge [sflag:s21], $0x2780  }
0x7b: {  	[sflag:s21] =	ssyncset.done $0x0  }
0x7c: {  	[sflag:s21] =	ssyncadd.s32 $0xFFFFD880  }
0x7d: {  	[spmem:s18] =	stream.linear.scatter [tilespmem:s22], [sflag:$0x2], $0x2780, $0x38;
	[tilespmem:$0x1F400] =	vst v63  }
0x7e: {  	_ =	swait.ge [sflag:s21], $0x2780  }
0x7f: {  	[sflag:s21] =	ssyncset.done $0x0  }
0x80: {  	[sflag:s21] =	ssyncadd.s32 $0xFFFFD880  }
0x81: {  	[spmem:s19] =	stream.linear.scatter [tilespmem:s22], [sflag:$0x2], $0x2780, $0x38;
	[tilespmem:$0x1F400] =	vst v63  }
0x82: {  	_ =	swait.ge [sflag:s21], $0x2780  }
0x83: {  	[sflag:s21] =	ssyncset.done $0x0  }
0x84: {  	s30 =	simm.s32 $0x0;
	[sflag:s21] =	ssyncadd.s32 $0xFFFFD880  }
0x85: {  	[tilespmem:s30], [sflag:$0x2] =	stream.linear.gather [hbm4b:s9+s30], $0x2780, $0x38;
	[tilespmem:$0x1F400] =	vst v63  }
0x86: {  	_ =	swait.ge [sflag:s21], $0x2780  }
0x87: {  	[sflag:s21] =	ssyncset.done $0x0  }
0x88: {  	[sflag:s21] =	ssyncadd.s32 $0xFFFFD880  }
0x89: {  	s30 =	simm.s32 $0x0;
	[bflag:$0x0] =	sbarrier.arrive $0xFFFF  }
0x8a: {  	[tilespmem:s24], [sflag:$0x1] =	stream.indirect.gather [hbm4b:s4+s23], $0x80, s30, s23, $0xb8;
	[tilespmem:$0x1F400] =	vst v63  }
0x8b: {  	_ =	swait.ge [sflag:s25], $0x4000  }
0x8c: {  	[sflag:s25] =	ssyncset.done $0x0  }
0x8d: {  	s30 =	simm.s32 $0x2800;
	[sflag:s25] =	ssyncadd.s32 $0xFFFFC000  }
0x8e: {  	[spmem:s2] =	stream.indirect.scatter.add.f32 [tilespmem:s24], [sflag:$0x2], $0x80, s30, s23, $0xb8;
	[tilespmem:$0x1F400] =	vst v63  }
0x8f: {  	_ =	swait.ge [sflag:s21], $0x4000  }
0x90: {  	s31 =	simm.s32 $0x400;
	s30 =	simm.s32 $0x200;
	[sflag:s21] =	ssyncset.done $0x0  }
.LBB2_6:
0x91: {  	s1 =	sshra.s32 s30, $0x2  }
0x92: {  	[sflag:s21] =	ssyncadd.s32 $0xFFFFC000;
	s30 =	smov.u32 s31;
	s0 =	sadd.s32 $0x200, s31  }
0x93: {  	[tilespmem:s24], [sflag:$0x1] =	stream.indirect.gather [hbm4b:s4+s23], $0x80, s1, s23, $0xb8;
	[tilespmem:$0x1F400] =	vst v63  }
0x94: {  	p0 =	sne.s32 s31, $0x9C00;
	_ =	swait.ge [sflag:s25], $0x4000  }
.Ltmp2:
0x95: {  	[sflag:s25] =	ssyncset.done $0x0;
	(pc) =	sbr.rel @p0 .LBB2_6-.Ltmp2, $4  }
0x96: {  	s1 =	sadd.s32 $0x2800, s1;
	[sflag:s25] =	ssyncadd.s32 $0xFFFFC000  }
0x97: {  	[spmem:s2] =	stream.indirect.scatter.add.f32 [tilespmem:s24], [sflag:$0x2], $0x80, s1, s23, $0xb8;
	[tilespmem:$0x1F400] =	vst v63  }
0x98: {  	_ =	swait.ge [sflag:s21], $0x4000  }
0x99: {  	s31 =	smov.u32 s0;
	[sflag:s21] =	ssyncset.done $0x0  }
0x9a: {  	s0 =	sshra.s32 s30, $0x2;
	[sflag:s21] =	ssyncadd.s32 $0xFFFFC000  }
0x9b: {  	[tilespmem:s24], [sflag:$0x1] =	stream.indirect.gather [hbm4b:s4+s23], $0x80, s0, s23, $0xb8;
	[tilespmem:$0x1F400] =	vst v63  }
0x9c: {  	_ =	swait.ge [sflag:s25], $0x4000  }
0x9d: {  	[sflag:s25] =	ssyncset.done $0x0  }
0x9e: {  	s0 =	sadd.s32 $0x2800, s0;
	[sflag:s25] =	ssyncadd.s32 $0xFFFFC000  }
0x9f: {  	[spmem:s2] =	stream.indirect.scatter.add.f32 [tilespmem:s24], [sflag:$0x2], $0x80, s0, s23, $0xb8;
	[tilespmem:$0x1F400] =	vst v63  }
0xa0: {  	_ =	swait.ge [sflag:s21], $0x4000  }
0xa1: {  	[sflag:s21] =	ssyncset.done $0x0  }
0xa2: {  	s26 =	sadd.s32 $0x1, s26;
	[sflag:s21] =	ssyncadd.s32 $0xFFFFC000  }
0xa3: {  	p0 =	sne.s32 s26, s12;
	[bflag:$0x0] =	sbarrier.arrive $0xFFFF  }
0xa4: {  	[hbm:s10], [sflag:s28] =	dma.local [spmem:s29], $0x2780  }
.Ltmp3:
0xa5: {  	_ =	swait.ge [sflag:s21], $0x2780;
	(pc) =	sbr.rel @p0 .LBB2_1-.Ltmp3, $3  }
0xa6: {  	[sflag:s21] =	ssyncset.done $0x0  }
0xa7: {  	[sflag:s21] =	ssyncadd.s32 $0xFFFFD880  }
0xa8: {  	[bflag:$0x0] =	sbarrier.arrive $0xFFFF;
	_ =	sdelay $0x1  }
0xa9: {  	_ =	sfence.sel $0x180000  }
0xaa: {  	[bflag:$0x0] =	sbarrier.arrive $0xFFFF  }
0xab: {  	_ =	strace $0x90000053  }
0xac: {  	s0 =	stileid.u32;
	[bflag:$0x2] =	sbarrier.arrive $0xFFFF  }
0xad: {  	p0 =	sne.s32 s0, $0x0;
	s0 =	rddreg [dreg:$0x2]  }
0xae: {  	s0 =	sadd.s32 @!p0 $0x100000, s0  }
0xaf: {  	[sflag:s0] =	ssyncadd.tile.s32 @!p0 $0x1;
	_ =	shalt  }
.Lfunc_end2:
_tile_overlayer_lowered:
.L_overlay_start_2:
0xb0: {  	(tag) =	ssettag $0x2  }
0xb1: {  	s0 =	rddreg [dreg:$0x0];
	s2 =	stileid.u32  }
0xb2: {  	s1 =	rddreg [dreg:$0x1];
	p0 =	sne.s32 s2, $0x0  }
0xb3: {  	s3 =	rddreg [dreg:$0x2];
	[bflag:$0x3] =	sbarrier.arrive $0xFFFF;
	s2 =	simm.s32 @!p0 $0x1C02  }
0xb4: {  	[timem:s3], [sflag:s2] =	dma.local @!p0 [hbm:s0], s1  }
0xb5: {  	s0 =	simm.s32 @!p0 $0x2  }
0xb6: {  	_ =	swait.ge @!p0 [sflag:s0], s1  }
0xb7: {  	s1 =	ssub.s32 @!p0 $0x0, s1;
	[sflag:s0] =	ssyncset.done @!p0 $0x0  }
0xb8: {  	[sflag:s0] =	ssyncadd.s32 @!p0 s1  }
0xb9: {  	[bflag:$0x3] =	sbarrier.arrive $0xFFFF  }
0xba: {  	_ =	shalt  }

</sc_bundles>
